<compile_context>
chip_gen: v7x
topology: tpu7x:2x2x1
jax: 0.10.2.dev20260603
libtpu: 0.0.44.dev20260713+nightly
codegen_flags: <defaults>
</compile_context>

<pallas_src>
import functools

import jax
import jax.numpy as jnp
from jax import lax
from jax.experimental import pallas as pl
from jax.experimental.pallas import tpu as pltpu
from jax.experimental.pallas import tpu_sc as plsc

_B, _S, _H = 64, 512, 768
_NL = 4
_K, _D = 1024, 256
_EPS = 1e-12
_N = _B * _S


def _make_sc_gather(n_rows, chunk=128):
    info = plsc.get_sparse_core_info()
    nw = info.num_cores * info.num_subcores
    per_w = n_rows // nw
    n_ch = per_w // chunk
    mesh = plsc.VectorSubcoreMesh(core_axis_name="c", subcore_axis_name="s")

    @functools.partial(
        pl.kernel,
        mesh=mesh,
        out_type=jax.ShapeDtypeStruct((n_rows, _H), jnp.float32),
        scratch_types=[
            pltpu.VMEM((per_w,), jnp.int32),
            pltpu.VMEM((chunk, _H), jnp.float32),
            pltpu.SemaphoreType.DMA,
        ],
    )
    def gather_k(table_hbm, idx_hbm, out_hbm, idx_v, rows_v, gsem):
        wid = lax.axis_index("s") * info.num_cores + lax.axis_index("c")
        base = wid * per_w
        pltpu.sync_copy(idx_hbm.at[pl.ds(pl.multiple_of(base, 8), per_w)],
                        idx_v)
        for c in range(n_ch):
            pltpu.async_copy(table_hbm.at[idx_v.at[pl.ds(c * chunk, chunk)]],
                             rows_v, gsem).wait()
            off = pl.multiple_of(base + c * chunk, 8)
            pltpu.sync_copy(rows_v, out_hbm.at[pl.ds(off, chunk)])

    return gather_k


def _vq_body(ang_ref, encw_ref, encb_ref, cb_ref, projw_ref, projb_ref,
             g_ref, b_ref, out_ref):
    hi = lax.Precision.HIGHEST
    de = lax.Precision.DEFAULT
    z = lax.dot_general(ang_ref[...], encw_ref[...], (((1,), (0,)), ((), ())),
                        precision=de) + encb_ref[...]
    cb = cb_ref[...]
    zc = lax.dot_general(z, cb, (((1,), (1,)), ((), ())), precision=de)
    ones_row = jnp.ones((1, _D), jnp.float32)
    c2 = lax.dot_general(ones_row, cb * cb, (((1,), (1,)), ((), ())),
                         precision=hi)
    z2 = jnp.sum(z * z, axis=1, keepdims=True)
    d2 = (z2 - 2.0 * zc) + c2
    minv = jnp.min(d2, axis=1, keepdims=True)
    kiota = lax.broadcasted_iota(jnp.int32, d2.shape, 1)
    code = jnp.min(jnp.where(d2 == minv, kiota, _K), axis=1, keepdims=True)
    onehot = (kiota == code).astype(jnp.float32)
    zq = lax.dot_general(onehot, cb, (((1,), (0,)), ((), ())), precision=hi)
    lemb = z + (zq - z)
    h = lax.dot_general(lemb, projw_ref[...], (((1,), (0,)), ((), ())),
                        precision=de) + projb_ref[...]
    mu = jnp.mean(h, axis=1, keepdims=True)
    var = jnp.mean((h - mu) ** 2, axis=1, keepdims=True)
    out_ref[...] = (h - mu) / jnp.sqrt(var + _EPS) * g_ref[...] + b_ref[...]


def _vq_loop_rows(angles2d, enc_W, enc_b, codebook, proj_W, proj_b, g, b):
    return pl.pallas_call(
        _vq_body,
        out_shape=jax.ShapeDtypeStruct((_B * _NL, _H), jnp.float32),
    )(angles2d, enc_W, enc_b, codebook, proj_W, proj_b, g, b)


_BBLK = 2


def _main_body(b0, idx_ref, gath_ref, pos_ref, type0_ref, lnlb_ref, lrows_ref,
               g_ref, b_ref, out_ref):
    ib = b0 + pl.program_id(0) * _BBLK
    rows = _BBLK * _S
    x = (gath_ref[...].reshape(_BBLK, _S, _H) + pos_ref[...][None]
         ).reshape(rows, _H) + type0_ref[...]
    comb = jnp.broadcast_to(lnlb_ref[...], (rows, _H))
    siota = lax.broadcasted_iota(jnp.int32, (rows, 1), 0)
    for bl in range(_BBLK):
        for l in range(_NL):
            p = idx_ref[ib + bl, l] + bl * _S
            row = lrows_ref[bl, l]
            comb = jnp.where(siota == p, row[None, :], comb)
    x = x + comb
    mu = jnp.mean(x, axis=1, keepdims=True)
    var = jnp.mean((x - mu) ** 2, axis=1, keepdims=True)
    out_ref[...] = (x - mu) / jnp.sqrt(var + _EPS) * g_ref[...] + b_ref[...]


def _main_part(b0, bp, buf, idx, gath_part, pos, type0, lnlb, lrows, g, b):
    rows = _BBLK * _S
    common_in_specs = [
        pl.BlockSpec(memory_space=pltpu.SMEM),
        pl.BlockSpec((rows, _H), lambda i: (i, 0)),
        pl.BlockSpec((_S, _H), lambda i: (0, 0)),
        pl.BlockSpec((1, _H), lambda i: (0, 0)),
        pl.BlockSpec((1, _H), lambda i: (0, 0)),
        pl.BlockSpec((_BBLK, _NL, _H), lambda i: (b0 // _BBLK + i, 0, 0)),
        pl.BlockSpec((1, _H), lambda i: (0, 0)),
        pl.BlockSpec((1, _H), lambda i: (0, 0)),
    ]
    out_spec = pl.BlockSpec((rows, _H), lambda i: (b0 // _BBLK + i, 0))
    out_shape = jax.ShapeDtypeStruct((_N, _H), jnp.float32)
    body = functools.partial(_main_body, b0)
    if buf is None:
        return pl.pallas_call(
            body, grid=(bp // _BBLK,), in_specs=common_in_specs,
            out_specs=out_spec,
            out_shape=out_shape,
        )(idx, gath_part, pos, type0, lnlb, lrows, g, b)

    def body_al(buf_ref, *refs):
        body(*refs)

    return pl.pallas_call(
        body_al, grid=(bp // _BBLK,),
        in_specs=[pl.BlockSpec(memory_space=pl.ANY)] + common_in_specs,
        out_specs=out_spec, out_shape=out_shape,
        input_output_aliases={0: 0},
    )(buf, idx, gath_part, pos, type0, lnlb, lrows, g, b)


def kernel(input_ids, angles, start_loop_indexes, word_emb, pos_emb, type_emb,
           enc_W, enc_b, codebook, proj_W, proj_b,
           ln_loops_g, ln_loops_b, ln_g, ln_b):
    part_batches = [8, 16, 16, 16, 8]
    ids_flat = input_ids.reshape(_N).astype(jnp.int32)
    parts, offs, r0 = [], [], 0
    for bs in part_batches:
        rows = bs * _S
        parts.append(_make_sc_gather(rows)(word_emb, ids_flat[r0:r0 + rows]))
        offs.append(r0 // _S)
        r0 += rows

    lrows = _vq_loop_rows(
        angles.reshape(_B * _NL, -1), enc_W, enc_b.reshape(1, _D), codebook,
        proj_W, proj_b.reshape(1, _H),
        ln_loops_g.reshape(1, _H), ln_loops_b.reshape(1, _H),
    ).reshape(_B, _NL, _H)

    idx = start_loop_indexes.astype(jnp.int32)
    pos = pos_emb[:_S]
    type0 = type_emb[0].reshape(1, _H)
    lnlb = ln_loops_b.reshape(1, _H)
    g = ln_g.reshape(1, _H)
    b = ln_b.reshape(1, _H)

    buf = None
    for p, bs in enumerate(part_batches):
        buf = _main_part(offs[p], bs, buf, idx, parts[p], pos, type0, lnlb,
                         lrows, g, b)
    return buf.reshape(_B, _S, _H)

# --- scband reference (transcript-rebuilt; emitter-appended) ---
"""Pipeline reference for scband-loop-tok-bert-embeddings-84146999263396 (READ-ONLY COPY).

The authoritative reference and input builder live on the scoring server;
editing this copy changes nothing except your own understanding.
"""

import jax, jax.numpy as jnp
import numpy as np

B, S, H = 64, 512, 768
VOCAB, MAXPOS, TYPES = 30522, 512, 2
NL, LL, NA = 4, 34, 6
K, D = 1024, 256
EPS = 1e-12


def layer_norm(x, g, b):
    mu = jnp.mean(x, axis=-1, keepdims=True)
    var = jnp.mean((x - mu) ** 2, axis=-1, keepdims=True)
    return (x - mu) / jnp.sqrt(var + EPS) * g + b


def setup_inputs(seed: int = 0) -> dict:
    key = jax.random.key(seed)
    ks = jax.random.split(key, 12)
    return {
        "input_ids": jax.random.randint(ks[0], (B, S), 0, VOCAB),
        "angles": jax.random.normal(ks[1], (B, NL, LL, NA), dtype=jnp.float32),
        "start_loop_indexes": jnp.sort(jax.random.randint(ks[2], (B, NL), 0, S), axis=-1),
        "word_emb": 0.02 * jax.random.normal(ks[3], (VOCAB, H), dtype=jnp.float32),
        "pos_emb": 0.02 * jax.random.normal(ks[4], (MAXPOS, H), dtype=jnp.float32),
        "type_emb": 0.02 * jax.random.normal(ks[5], (TYPES, H), dtype=jnp.float32),
        "enc_W": 0.05 * jax.random.normal(ks[6], (LL * NA, D), dtype=jnp.float32),
        "enc_b": jnp.zeros((D,), dtype=jnp.float32),
        "codebook": jax.random.normal(ks[7], (K, D), dtype=jnp.float32),
        "proj_W": 0.05 * jax.random.normal(ks[8], (D, H), dtype=jnp.float32),
        "proj_b": jnp.zeros((H,), dtype=jnp.float32),
        "ln_loops_g": jnp.ones((H,), dtype=jnp.float32),
        "ln_loops_b": jnp.zeros((H,), dtype=jnp.float32),
        "ln_g": jnp.ones((H,), dtype=jnp.float32),
        "ln_b": jnp.zeros((H,), dtype=jnp.float32),
    }


def reference(input_ids, angles, start_loop_indexes, word_emb, pos_emb, type_emb,
              enc_W, enc_b, codebook, proj_W, proj_b,
              ln_loops_g, ln_loops_b, ln_g, ln_b):
    # word embeddings (inputs_embeds)
    inputs_embeds = jnp.take(word_emb, input_ids, axis=0)  # [B,S,H]
    # token_type_ids buffer is all zeros -> token type embedding row 0
    token_type_embeddings = jnp.broadcast_to(type_emb[0][None, None, :], (B, S, H))
    # --- get_loop_embeddings: VQ-VAE encode of per-loop angles ---
    z = angles.reshape(B * NL, LL * NA) @ enc_W + enc_b  # [B*NL, D] encoder
    # nearest-codebook quantization
    d2 = (jnp.sum(z ** 2, axis=-1, keepdims=True)
          - 2.0 * z @ codebook.T
          + jnp.sum(codebook ** 2, axis=-1)[None, :])  # [B*NL, K]
    code_idx = jnp.argmin(d2, axis=-1)  # [B*NL]
    z_q = jnp.take(codebook, code_idx, axis=0)  # [B*NL, D]
    # straight-through estimator; use_quantized_loop_embeddings=True -> quantized path
    loop_emb = z + jax.lax.stop_gradient(z_q - z)
    # projection to hidden size (loop_embeddings_projection)
    loop_emb = loop_emb @ proj_W + proj_b  # [B*NL, H]
    loop_emb = loop_emb.reshape(B, NL, H)
    # scatter loop embeddings into the [CDRs] start positions
    batch_idx = jnp.broadcast_to(jnp.arange(B)[:, None], (B, NL))
    loop_all = jnp.zeros((B, S, H), dtype=jnp.float32).at[batch_idx, start_loop_indexes].set(loop_emb)
    # LayerNorm_loops over full sequence (as in forward)
    loop_all = layer_norm(loop_all, ln_loops_g, ln_loops_b)
    embeddings = inputs_embeds + token_type_embeddings + loop_all
    # absolute position embeddings
    position_embeddings = pos_emb[:S][None, :, :]
    embeddings = embeddings + position_embeddings
    embeddings = layer_norm(embeddings, ln_g, ln_b)
    # dropout is identity in eval
    return embeddings

if __name__ == "__main__":
    import jax
    _d = setup_inputs()
    print(jax.jit(kernel)(*tuple(_d.values())))

</pallas_src>

<mosaic_0001>
#map = affine_map<(d0, d1) -> (0, 0)>
#map1 = affine_map<(d0, d1) -> (0)>
module attributes {stable_mosaic.version = 14 : i64} {
  func.func @gather_k(%arg0: i32, %arg1: i32, %arg2: memref<30522x768xf32, #tpu.memory_space<hbm>>, %arg3: memref<8192xi32, #tpu.memory_space<hbm>>, %arg4: memref<8192x768xf32, #tpu.memory_space<hbm>>, %arg5: memref<256xi32, #tpu.memory_space<vmem>>, %arg6: memref<128x768xf32, #tpu.memory_space<vmem>>, %arg7: memref<!tpu.dma_semaphore, #tpu.memory_space<semaphore_mem>>) attributes {dimension_semantics = [#tpu.dimension_semantics<core_parallel>, #tpu.dimension_semantics<subcore_parallel>], iteration_bounds = array<i64: 2, 16>, scalar_prefetch = 0 : i64, scratch_operands = 3 : i64, tpu.core_type = #tpu.core_type<sc_vector_subcore>, window_params = [{transform_indices = #map}, {transform_indices = #map1}, {transform_indices = #map}]} {
    %mul3A = arith.constant 2 : i32
    %mul3A_0 = arith.muli %arg1, %mul3A : i32
    %add3A = arith.addi %mul3A_0, %arg0 : i32
    %mul3A_1 = arith.constant 256 : i32
    %mul3A_2 = arith.muli %add3A, %mul3A_1 : i32
    %multiple_of3A = tpu.assume_multiple %mul3A_2, 8 : i32
    "tpu.region"() ({
      %run_scoped3A = tpu.sem_alloc : memref<!tpu.dma_semaphore, #tpu.memory_space<semaphore_mem>>
      %dma_start3A_27 = tpu.memref_slice %arg3[%multiple_of3A] : memref<8192xi32, #tpu.memory_space<hbm>> -> memref<256xi32, #tpu.memory_space<hbm>>
      %dma_start3A_28 = tpu.memref_slice %arg3[%multiple_of3A] : memref<8192xi32, #tpu.memory_space<hbm>> -> memref<256xi32, #tpu.memory_space<hbm>>
      tpu.enqueue_dma source(%dma_start3A_28 : memref<256xi32, #tpu.memory_space<hbm>>) target(%arg5 : memref<256xi32, #tpu.memory_space<vmem>>) target_semaphore(%run_scoped3A : memref<!tpu.dma_semaphore, #tpu.memory_space<semaphore_mem>>)
      %dma_wait3A_29 = tpu.memref_slice %arg3[%multiple_of3A] : memref<8192xi32, #tpu.memory_space<hbm>> -> memref<256xi32, #tpu.memory_space<hbm>>
      %dma_wait3A_30 = tpu.memref_slice %arg3[%multiple_of3A] : memref<8192xi32, #tpu.memory_space<hbm>> -> memref<256xi32, #tpu.memory_space<hbm>>
      tpu.wait_dma2 semaphore(%run_scoped3A : memref<!tpu.dma_semaphore, #tpu.memory_space<semaphore_mem>>) src(%dma_wait3A_30 : memref<256xi32, #tpu.memory_space<hbm>>) dst(%arg5 : memref<256xi32, #tpu.memory_space<vmem>>)
      tpu.yield
    }) : () -> ()
    %dma_start3A = arith.constant 0 : i32
    %dma_start3A_3 = tpu.memref_slice %arg5[%dma_start3A] : memref<256xi32, #tpu.memory_space<vmem>> -> memref<128xi32, #tpu.memory_space<vmem>>
    %dma_start3A_4 = arith.constant 0 : i32
    %dma_start3A_5 = arith.constant 0 : i32
    %dma_start3A_6 = tpu.memref_slice %arg2[%dma_start3A_4, %dma_start3A_5] : memref<30522x768xf32, #tpu.memory_space<hbm>> -> memref<30522x768xf32, #tpu.memory_space<hbm>>
    tpu.enqueue_indirect_dma source(%dma_start3A_6 : memref<30522x768xf32, #tpu.memory_space<hbm>>) target(%arg6 : memref<128x768xf32, #tpu.memory_space<vmem>>) offsets(%dma_start3A_3 : memref<128xi32, #tpu.memory_space<vmem>>) semaphore(%arg7 : memref<!tpu.dma_semaphore, #tpu.memory_space<semaphore_mem>>)
    %dma_wait3A = arith.constant 0 : i32
    %dma_wait3A_7 = tpu.memref_slice %arg5[%dma_wait3A] : memref<256xi32, #tpu.memory_space<vmem>> -> memref<128xi32, #tpu.memory_space<vmem>>
    %dma_wait3A_8 = arith.constant 0 : i32
    %dma_wait3A_9 = arith.constant 0 : i32
    %dma_wait3A_10 = tpu.memref_slice %arg2[%dma_wait3A_8, %dma_wait3A_9] : memref<30522x768xf32, #tpu.memory_space<hbm>> -> memref<30522x768xf32, #tpu.memory_space<hbm>>
    tpu.wait_indirect_dma semaphore(%arg7 : memref<!tpu.dma_semaphore, #tpu.memory_space<semaphore_mem>>) src(%dma_wait3A_10 : memref<30522x768xf32, #tpu.memory_space<hbm>>) dst(%arg6 : memref<128x768xf32, #tpu.memory_space<vmem>>)
    %add3A_11 = arith.constant 0 : i32
    %add3A_12 = arith.addi %mul3A_2, %add3A_11 : i32
    %multiple_of3A_13 = tpu.assume_multiple %add3A_12, 8 : i32
    "tpu.region"() ({
      %run_scoped3A = tpu.sem_alloc : memref<!tpu.dma_semaphore, #tpu.memory_space<semaphore_mem>>
      %dma_start3A_27 = arith.constant 0 : i32
      %dma_start3A_28 = tpu.memref_slice %arg4[%multiple_of3A_13, %dma_start3A_27] : memref<8192x768xf32, #tpu.memory_space<hbm>> -> memref<128x768xf32, #tpu.memory_space<hbm>>
      %dma_start3A_29 = arith.constant 0 : i32
      %dma_start3A_30 = tpu.memref_slice %arg4[%multiple_of3A_13, %dma_start3A_29] : memref<8192x768xf32, #tpu.memory_space<hbm>> -> memref<128x768xf32, #tpu.memory_space<hbm>>
      tpu.enqueue_dma source(%arg6 : memref<128x768xf32, #tpu.memory_space<vmem>>) target(%dma_start3A_30 : memref<128x768xf32, #tpu.memory_space<hbm>>) target_semaphore(%run_scoped3A : memref<!tpu.dma_semaphore, #tpu.memory_space<semaphore_mem>>)
      %dma_wait3A_31 = arith.constant 0 : i32
      %dma_wait3A_32 = tpu.memref_slice %arg4[%multiple_of3A_13, %dma_wait3A_31] : memref<8192x768xf32, #tpu.memory_space<hbm>> -> memref<128x768xf32, #tpu.memory_space<hbm>>
      %dma_wait3A_33 = arith.constant 0 : i32
      %dma_wait3A_34 = tpu.memref_slice %arg4[%multiple_of3A_13, %dma_wait3A_33] : memref<8192x768xf32, #tpu.memory_space<hbm>> -> memref<128x768xf32, #tpu.memory_space<hbm>>
      tpu.wait_dma2 semaphore(%run_scoped3A : memref<!tpu.dma_semaphore, #tpu.memory_space<semaphore_mem>>) src(%arg6 : memref<128x768xf32, #tpu.memory_space<vmem>>) dst(%dma_wait3A_34 : memref<128x768xf32, #tpu.memory_space<hbm>>)
      tpu.yield
    }) : () -> ()
    %dma_start3A_14 = arith.constant 128 : i32
    %dma_start3A_15 = tpu.memref_slice %arg5[%dma_start3A_14] : memref<256xi32, #tpu.memory_space<vmem>> -> memref<128xi32, #tpu.memory_space<vmem>>
    %dma_start3A_16 = arith.constant 0 : i32
    %dma_start3A_17 = arith.constant 0 : i32
    %dma_start3A_18 = tpu.memref_slice %arg2[%dma_start3A_16, %dma_start3A_17] : memref<30522x768xf32, #tpu.memory_space<hbm>> -> memref<30522x768xf32, #tpu.memory_space<hbm>>
    tpu.enqueue_indirect_dma source(%dma_start3A_18 : memref<30522x768xf32, #tpu.memory_space<hbm>>) target(%arg6 : memref<128x768xf32, #tpu.memory_space<vmem>>) offsets(%dma_start3A_15 : memref<128xi32, #tpu.memory_space<vmem>>) semaphore(%arg7 : memref<!tpu.dma_semaphore, #tpu.memory_space<semaphore_mem>>)
    %dma_wait3A_19 = arith.constant 128 : i32
    %dma_wait3A_20 = tpu.memref_slice %arg5[%dma_wait3A_19] : memref<256xi32, #tpu.memory_space<vmem>> -> memref<128xi32, #tpu.memory_space<vmem>>
    %dma_wait3A_21 = arith.constant 0 : i32
    %dma_wait3A_22 = arith.constant 0 : i32
    %dma_wait3A_23 = tpu.memref_slice %arg2[%dma_wait3A_21, %dma_wait3A_22] : memref<30522x768xf32, #tpu.memory_space<hbm>> -> memref<30522x768xf32, #tpu.memory_space<hbm>>
    tpu.wait_indirect_dma semaphore(%arg7 : memref<!tpu.dma_semaphore, #tpu.memory_space<semaphore_mem>>) src(%dma_wait3A_23 : memref<30522x768xf32, #tpu.memory_space<hbm>>) dst(%arg6 : memref<128x768xf32, #tpu.memory_space<vmem>>)
    %add3A_24 = arith.constant 128 : i32
    %add3A_25 = arith.addi %mul3A_2, %add3A_24 : i32
    %multiple_of3A_26 = tpu.assume_multiple %add3A_25, 8 : i32
    "tpu.region"() ({
      %run_scoped3A = tpu.sem_alloc : memref<!tpu.dma_semaphore, #tpu.memory_space<semaphore_mem>>
      %dma_start3A_27 = arith.constant 0 : i32
      %dma_start3A_28 = tpu.memref_slice %arg4[%multiple_of3A_26, %dma_start3A_27] : memref<8192x768xf32, #tpu.memory_space<hbm>> -> memref<128x768xf32, #tpu.memory_space<hbm>>
      %dma_start3A_29 = arith.constant 0 : i32
      %dma_start3A_30 = tpu.memref_slice %arg4[%multiple_of3A_26, %dma_start3A_29] : memref<8192x768xf32, #tpu.memory_space<hbm>> -> memref<128x768xf32, #tpu.memory_space<hbm>>
      tpu.enqueue_dma source(%arg6 : memref<128x768xf32, #tpu.memory_space<vmem>>) target(%dma_start3A_30 : memref<128x768xf32, #tpu.memory_space<hbm>>) target_semaphore(%run_scoped3A : memref<!tpu.dma_semaphore, #tpu.memory_space<semaphore_mem>>)
      %dma_wait3A_31 = arith.constant 0 : i32
      %dma_wait3A_32 = tpu.memref_slice %arg4[%multiple_of3A_26, %dma_wait3A_31] : memref<8192x768xf32, #tpu.memory_space<hbm>> -> memref<128x768xf32, #tpu.memory_space<hbm>>
      %dma_wait3A_33 = arith.constant 0 : i32
      %dma_wait3A_34 = tpu.memref_slice %arg4[%multiple_of3A_26, %dma_wait3A_33] : memref<8192x768xf32, #tpu.memory_space<hbm>> -> memref<128x768xf32, #tpu.memory_space<hbm>>
      tpu.wait_dma2 semaphore(%run_scoped3A : memref<!tpu.dma_semaphore, #tpu.memory_space<semaphore_mem>>) src(%arg6 : memref<128x768xf32, #tpu.memory_space<vmem>>) dst(%dma_wait3A_34 : memref<128x768xf32, #tpu.memory_space<hbm>>)
      tpu.yield
    }) : () -> ()
    return
  }
}

#map = affine_map<(d0, d1) -> (0, 0)>
#map1 = affine_map<(d0, d1) -> (0)>
module attributes {stable_mosaic.version = 14 : i64} {
  func.func @gather_k(%arg0: i32, %arg1: i32, %arg2: memref<30522x768xf32, #tpu.memory_space<hbm>>, %arg3: memref<8192xi32, #tpu.memory_space<hbm>>, %arg4: memref<8192x768xf32, #tpu.memory_space<hbm>>, %arg5: memref<256xi32, #tpu.memory_space<vmem>>, %arg6: memref<128x768xf32, #tpu.memory_space<vmem>>, %arg7: memref<!tpu.dma_semaphore, #tpu.memory_space<semaphore_mem>>) attributes {dimension_semantics = [#tpu.dimension_semantics<core_parallel>, #tpu.dimension_semantics<subcore_parallel>], iteration_bounds = array<i64: 2, 16>, scalar_prefetch = 0 : i64, scratch_operands = 3 : i64, tpu.core_type = #tpu.core_type<sc_vector_subcore>, window_params = [{transform_indices = #map}, {transform_indices = #map1}, {transform_indices = #map}]} {
    %mul3A = arith.constant 2 : i32
    %mul3A_0 = arith.muli %arg1, %mul3A : i32
    %add3A = arith.addi %mul3A_0, %arg0 : i32
    %mul3A_1 = arith.constant 256 : i32
    %mul3A_2 = arith.muli %add3A, %mul3A_1 : i32
    %multiple_of3A = tpu.assume_multiple %mul3A_2, 8 : i32
    "tpu.region"() ({
      %run_scoped3A = tpu.sem_alloc : memref<!tpu.dma_semaphore, #tpu.memory_space<semaphore_mem>>
      %dma_start3A_27 = tpu.memref_slice %arg3[%multiple_of3A] : memref<8192xi32, #tpu.memory_space<hbm>> -> memref<256xi32, #tpu.memory_space<hbm>>
      %dma_start3A_28 = tpu.memref_slice %arg3[%multiple_of3A] : memref<8192xi32, #tpu.memory_space<hbm>> -> memref<256xi32, #tpu.memory_space<hbm>>
      tpu.enqueue_dma source(%dma_start3A_28 : memref<256xi32, #tpu.memory_space<hbm>>) target(%arg5 : memref<256xi32, #tpu.memory_space<vmem>>) target_semaphore(%run_scoped3A : memref<!tpu.dma_semaphore, #tpu.memory_space<semaphore_mem>>)
      %dma_wait3A_29 = tpu.memref_slice %arg3[%multiple_of3A] : memref<8192xi32, #tpu.memory_space<hbm>> -> memref<256xi32, #tpu.memory_space<hbm>>
      %dma_wait3A_30 = tpu.memref_slice %arg3[%multiple_of3A] : memref<8192xi32, #tpu.memory_space<hbm>> -> memref<256xi32, #tpu.memory_space<hbm>>
      tpu.wait_dma2 semaphore(%run_scoped3A : memref<!tpu.dma_semaphore, #tpu.memory_space<semaphore_mem>>) src(%dma_wait3A_30 : memref<256xi32, #tpu.memory_space<hbm>>) dst(%arg5 : memref<256xi32, #tpu.memory_space<vmem>>)
      tpu.yield
    }) : () -> ()
    %dma_start3A = arith.constant 0 : i32
    %dma_start3A_3 = tpu.memref_slice %arg5[%dma_start3A] : memref<256xi32, #tpu.memory_space<vmem>> -> memref<128xi32, #tpu.memory_space<vmem>>
    %dma_start3A_4 = arith.constant 0 : i32
    %dma_start3A_5 = arith.constant 0 : i32
    %dma_start3A_6 = tpu.memref_slice %arg2[%dma_start3A_4, %dma_start3A_5] : memref<30522x768xf32, #tpu.memory_space<hbm>> -> memref<30522x768xf32, #tpu.memory_space<hbm>>
    tpu.enqueue_indirect_dma source(%dma_start3A_6 : memref<30522x768xf32, #tpu.memory_space<hbm>>) target(%arg6 : memref<128x768xf32, #tpu.memory_space<vmem>>) offsets(%dma_start3A_3 : memref<128xi32, #tpu.memory_space<vmem>>) semaphore(%arg7 : memref<!tpu.dma_semaphore, #tpu.memory_space<semaphore_mem>>)
    %dma_wait3A = arith.constant 0 : i32
    %dma_wait3A_7 = tpu.memref_slice %arg5[%dma_wait3A] : memref<256xi32, #tpu.memory_space<vmem>> -> memref<128xi32, #tpu.memory_space<vmem>>
    %dma_wait3A_8 = arith.constant 0 : i32
    %dma_wait3A_9 = arith.constant 0 : i32
    %dma_wait3A_10 = tpu.memref_slice %arg2[%dma_wait3A_8, %dma_wait3A_9] : memref<30522x768xf32, #tpu.memory_space<hbm>> -> memref<30522x768xf32, #tpu.memory_space<hbm>>
    tpu.wait_indirect_dma semaphore(%arg7 : memref<!tpu.dma_semaphore, #tpu.memory_space<semaphore_mem>>) src(%dma_wait3A_10 : memref<30522x768xf32, #tpu.memory_space<hbm>>) dst(%arg6 : memref<128x768xf32, #tpu.memory_space<vmem>>)
    %add3A_11 = arith.constant 0 : i32
    %add3A_12 = arith.addi %mul3A_2, %add3A_11 : i32
    %multiple_of3A_13 = tpu.assume_multiple %add3A_12, 8 : i32
    "tpu.region"() ({
      %run_scoped3A = tpu.sem_alloc : memref<!tpu.dma_semaphore, #tpu.memory_space<semaphore_mem>>
      %dma_start3A_27 = arith.constant 0 : i32
      %dma_start3A_28 = tpu.memref_slice %arg4[%multiple_of3A_13, %dma_start3A_27] : memref<8192x768xf32, #tpu.memory_space<hbm>> -> memref<128x768xf32, #tpu.memory_space<hbm>>
      %dma_start3A_29 = arith.constant 0 : i32
      %dma_start3A_30 = tpu.memref_slice %arg4[%multiple_of3A_13, %dma_start3A_29] : memref<8192x768xf32, #tpu.memory_space<hbm>> -> memref<128x768xf32, #tpu.memory_space<hbm>>
      tpu.enqueue_dma source(%arg6 : memref<128x768xf32, #tpu.memory_space<vmem>>) target(%dma_start3A_30 : memref<128x768xf32, #tpu.memory_space<hbm>>) target_semaphore(%run_scoped3A : memref<!tpu.dma_semaphore, #tpu.memory_space<semaphore_mem>>)
      %dma_wait3A_31 = arith.constant 0 : i32
      %dma_wait3A_32 = tpu.memref_slice %arg4[%multiple_of3A_13, %dma_wait3A_31] : memref<8192x768xf32, #tpu.memory_space<hbm>> -> memref<128x768xf32, #tpu.memory_space<hbm>>
      %dma_wait3A_33 = arith.constant 0 : i32
      %dma_wait3A_34 = tpu.memref_slice %arg4[%multiple_of3A_13, %dma_wait3A_33] : memref<8192x768xf32, #tpu.memory_space<hbm>> -> memref<128x768xf32, #tpu.memory_space<hbm>>
      tpu.wait_dma2 semaphore(%run_scoped3A : memref<!tpu.dma_semaphore, #tpu.memory_space<semaphore_mem>>) src(%arg6 : memref<128x768xf32, #tpu.memory_space<vmem>>) dst(%dma_wait3A_34 : memref<128x768xf32, #tpu.memory_space<hbm>>)
      tpu.yield
    }) : () -> ()
    %dma_start3A_14 = arith.constant 128 : i32
    %dma_start3A_15 = tpu.memref_slice %arg5[%dma_start3A_14] : memref<256xi32, #tpu.memory_space<vmem>> -> memref<128xi32, #tpu.memory_space<vmem>>
    %dma_start3A_16 = arith.constant 0 : i32
    %dma_start3A_17 = arith.constant 0 : i32
    %dma_start3A_18 = tpu.memref_slice %arg2[%dma_start3A_16, %dma_start3A_17] : memref<30522x768xf32, #tpu.memory_space<hbm>> -> memref<30522x768xf32, #tpu.memory_space<hbm>>
    tpu.enqueue_indirect_dma source(%dma_start3A_18 : memref<30522x768xf32, #tpu.memory_space<hbm>>) target(%arg6 : memref<128x768xf32, #tpu.memory_space<vmem>>) offsets(%dma_start3A_15 : memref<128xi32, #tpu.memory_space<vmem>>) semaphore(%arg7 : memref<!tpu.dma_semaphore, #tpu.memory_space<semaphore_mem>>)
    %dma_wait3A_19 = arith.constant 128 : i32
    %dma_wait3A_20 = tpu.memref_slice %arg5[%dma_wait3A_19] : memref<256xi32, #tpu.memory_space<vmem>> -> memref<128xi32, #tpu.memory_space<vmem>>
    %dma_wait3A_21 = arith.constant 0 : i32
    %dma_wait3A_22 = arith.constant 0 : i32
    %dma_wait3A_23 = tpu.memref_slice %arg2[%dma_wait3A_21, %dma_wait3A_22] : memref<30522x768xf32, #tpu.memory_space<hbm>> -> memref<30522x768xf32, #tpu.memory_space<hbm>>
    tpu.wait_indirect_dma semaphore(%arg7 : memref<!tpu.dma_semaphore, #tpu.memory_space<semaphore_mem>>) src(%dma_wait3A_23 : memref<30522x768xf32, #tpu.memory_space<hbm>>) dst(%arg6 : memref<128x768xf32, #tpu.memory_space<vmem>>)
    %add3A_24 = arith.constant 128 : i32
    %add3A_25 = arith.addi %mul3A_2, %add3A_24 : i32
    %multiple_of3A_26 = tpu.assume_multiple %add3A_25, 8 : i32
    "tpu.region"() ({
      %run_scoped3A = tpu.sem_alloc : memref<!tpu.dma_semaphore, #tpu.memory_space<semaphore_mem>>
      %dma_start3A_27 = arith.constant 0 : i32
      %dma_start3A_28 = tpu.memref_slice %arg4[%multiple_of3A_26, %dma_start3A_27] : memref<8192x768xf32, #tpu.memory_space<hbm>> -> memref<128x768xf32, #tpu.memory_space<hbm>>
      %dma_start3A_29 = arith.constant 0 : i32
      %dma_start3A_30 = tpu.memref_slice %arg4[%multiple_of3A_26, %dma_start3A_29] : memref<8192x768xf32, #tpu.memory_space<hbm>> -> memref<128x768xf32, #tpu.memory_space<hbm>>
      tpu.enqueue_dma source(%arg6 : memref<128x768xf32, #tpu.memory_space<vmem>>) target(%dma_start3A_30 : memref<128x768xf32, #tpu.memory_space<hbm>>) target_semaphore(%run_scoped3A : memref<!tpu.dma_semaphore, #tpu.memory_space<semaphore_mem>>)
      %dma_wait3A_31 = arith.constant 0 : i32
      %dma_wait3A_32 = tpu.memref_slice %arg4[%multiple_of3A_26, %dma_wait3A_31] : memref<8192x768xf32, #tpu.memory_space<hbm>> -> memref<128x768xf32, #tpu.memory_space<hbm>>
      %dma_wait3A_33 = arith.constant 0 : i32
      %dma_wait3A_34 = tpu.memref_slice %arg4[%multiple_of3A_26, %dma_wait3A_33] : memref<8192x768xf32, #tpu.memory_space<hbm>> -> memref<128x768xf32, #tpu.memory_space<hbm>>
      tpu.wait_dma2 semaphore(%run_scoped3A : memref<!tpu.dma_semaphore, #tpu.memory_space<semaphore_mem>>) src(%arg6 : memref<128x768xf32, #tpu.memory_space<vmem>>) dst(%dma_wait3A_34 : memref<128x768xf32, #tpu.memory_space<hbm>>)
      tpu.yield
    }) : () -> ()
    return
  }
}

#map = affine_map<(d0, d1) -> (0, 0)>
#map1 = affine_map<(d0, d1) -> (0)>
module attributes {stable_mosaic.version = 14 : i64} {
  func.func @gather_k(%arg0: i32, %arg1: i32, %arg2: memref<30522x768xf32, #tpu.memory_space<hbm>>, %arg3: memref<4096xi32, #tpu.memory_space<hbm>>, %arg4: memref<4096x768xf32, #tpu.memory_space<hbm>>, %arg5: memref<128xi32, #tpu.memory_space<vmem>>, %arg6: memref<128x768xf32, #tpu.memory_space<vmem>>, %arg7: memref<!tpu.dma_semaphore, #tpu.memory_space<semaphore_mem>>) attributes {dimension_semantics = [#tpu.dimension_semantics<core_parallel>, #tpu.dimension_semantics<subcore_parallel>], iteration_bounds = array<i64: 2, 16>, scalar_prefetch = 0 : i64, scratch_operands = 3 : i64, tpu.core_type = #tpu.core_type<sc_vector_subcore>, window_params = [{transform_indices = #map}, {transform_indices = #map1}, {transform_indices = #map}]} {
    %mul3A = arith.constant 2 : i32
    %mul3A_0 = arith.muli %arg1, %mul3A : i32
    %add3A = arith.addi %mul3A_0, %arg0 : i32
    %mul3A_1 = arith.constant 128 : i32
    %mul3A_2 = arith.muli %add3A, %mul3A_1 : i32
    %multiple_of3A = tpu.assume_multiple %mul3A_2, 8 : i32
    "tpu.region"() ({
      %run_scoped3A = tpu.sem_alloc : memref<!tpu.dma_semaphore, #tpu.memory_space<semaphore_mem>>
      %dma_start3A_14 = tpu.memref_slice %arg3[%multiple_of3A] : memref<4096xi32, #tpu.memory_space<hbm>> -> memref<128xi32, #tpu.memory_space<hbm>>
      %dma_start3A_15 = tpu.memref_slice %arg3[%multiple_of3A] : memref<4096xi32, #tpu.memory_space<hbm>> -> memref<128xi32, #tpu.memory_space<hbm>>
      tpu.enqueue_dma source(%dma_start3A_15 : memref<128xi32, #tpu.memory_space<hbm>>) target(%arg5 : memref<128xi32, #tpu.memory_space<vmem>>) target_semaphore(%run_scoped3A : memref<!tpu.dma_semaphore, #tpu.memory_space<semaphore_mem>>)
      %dma_wait3A_16 = tpu.memref_slice %arg3[%multiple_of3A] : memref<4096xi32, #tpu.memory_space<hbm>> -> memref<128xi32, #tpu.memory_space<hbm>>
      %dma_wait3A_17 = tpu.memref_slice %arg3[%multiple_of3A] : memref<4096xi32, #tpu.memory_space<hbm>> -> memref<128xi32, #tpu.memory_space<hbm>>
      tpu.wait_dma2 semaphore(%run_scoped3A : memref<!tpu.dma_semaphore, #tpu.memory_space<semaphore_mem>>) src(%dma_wait3A_17 : memref<128xi32, #tpu.memory_space<hbm>>) dst(%arg5 : memref<128xi32, #tpu.memory_space<vmem>>)
      tpu.yield
    }) : () -> ()
    %dma_start3A = arith.constant 0 : i32
    %dma_start3A_3 = tpu.memref_slice %arg5[%dma_start3A] : memref<128xi32, #tpu.memory_space<vmem>> -> memref<128xi32, #tpu.memory_space<vmem>>
    %dma_start3A_4 = arith.constant 0 : i32
    %dma_start3A_5 = arith.constant 0 : i32
    %dma_start3A_6 = tpu.memref_slice %arg2[%dma_start3A_4, %dma_start3A_5] : memref<30522x768xf32, #tpu.memory_space<hbm>> -> memref<30522x768xf32, #tpu.memory_space<hbm>>
    tpu.enqueue_indirect_dma source(%dma_start3A_6 : memref<30522x768xf32, #tpu.memory_space<hbm>>) target(%arg6 : memref<128x768xf32, #tpu.memory_space<vmem>>) offsets(%dma_start3A_3 : memref<128xi32, #tpu.memory_space<vmem>>) semaphore(%arg7 : memref<!tpu.dma_semaphore, #tpu.memory_space<semaphore_mem>>)
    %dma_wait3A = arith.constant 0 : i32
    %dma_wait3A_7 = tpu.memref_slice %arg5[%dma_wait3A] : memref<128xi32, #tpu.memory_space<vmem>> -> memref<128xi32, #tpu.memory_space<vmem>>
    %dma_wait3A_8 = arith.constant 0 : i32
    %dma_wait3A_9 = arith.constant 0 : i32
    %dma_wait3A_10 = tpu.memref_slice %arg2[%dma_wait3A_8, %dma_wait3A_9] : memref<30522x768xf32, #tpu.memory_space<hbm>> -> memref<30522x768xf32, #tpu.memory_space<hbm>>
    tpu.wait_indirect_dma semaphore(%arg7 : memref<!tpu.dma_semaphore, #tpu.memory_space<semaphore_mem>>) src(%dma_wait3A_10 : memref<30522x768xf32, #tpu.memory_space<hbm>>) dst(%arg6 : memref<128x768xf32, #tpu.memory_space<vmem>>)
    %add3A_11 = arith.constant 0 : i32
    %add3A_12 = arith.addi %mul3A_2, %add3A_11 : i32
    %multiple_of3A_13 = tpu.assume_multiple %add3A_12, 8 : i32
    "tpu.region"() ({
      %run_scoped3A = tpu.sem_alloc : memref<!tpu.dma_semaphore, #tpu.memory_space<semaphore_mem>>
      %dma_start3A_14 = arith.constant 0 : i32
      %dma_start3A_15 = tpu.memref_slice %arg4[%multiple_of3A_13, %dma_start3A_14] : memref<4096x768xf32, #tpu.memory_space<hbm>> -> memref<128x768xf32, #tpu.memory_space<hbm>>
      %dma_start3A_16 = arith.constant 0 : i32
      %dma_start3A_17 = tpu.memref_slice %arg4[%multiple_of3A_13, %dma_start3A_16] : memref<4096x768xf32, #tpu.memory_space<hbm>> -> memref<128x768xf32, #tpu.memory_space<hbm>>
      tpu.enqueue_dma source(%arg6 : memref<128x768xf32, #tpu.memory_space<vmem>>) target(%dma_start3A_17 : memref<128x768xf32, #tpu.memory_space<hbm>>) target_semaphore(%run_scoped3A : memref<!tpu.dma_semaphore, #tpu.memory_space<semaphore_mem>>)
      %dma_wait3A_18 = arith.constant 0 : i32
      %dma_wait3A_19 = tpu.memref_slice %arg4[%multiple_of3A_13, %dma_wait3A_18] : memref<4096x768xf32, #tpu.memory_space<hbm>> -> memref<128x768xf32, #tpu.memory_space<hbm>>
      %dma_wait3A_20 = arith.constant 0 : i32
      %dma_wait3A_21 = tpu.memref_slice %arg4[%multiple_of3A_13, %dma_wait3A_20] : memref<4096x768xf32, #tpu.memory_space<hbm>> -> memref<128x768xf32, #tpu.memory_space<hbm>>
      tpu.wait_dma2 semaphore(%run_scoped3A : memref<!tpu.dma_semaphore, #tpu.memory_space<semaphore_mem>>) src(%arg6 : memref<128x768xf32, #tpu.memory_space<vmem>>) dst(%dma_wait3A_21 : memref<128x768xf32, #tpu.memory_space<hbm>>)
      tpu.yield
    }) : () -> ()
    return
  }
}

#map = affine_map<(d0, d1) -> (0, 0)>
#map1 = affine_map<(d0, d1) -> (0)>
module attributes {stable_mosaic.version = 14 : i64} {
  func.func @gather_k(%arg0: i32, %arg1: i32, %arg2: memref<30522x768xf32, #tpu.memory_space<hbm>>, %arg3: memref<8192xi32, #tpu.memory_space<hbm>>, %arg4: memref<8192x768xf32, #tpu.memory_space<hbm>>, %arg5: memref<256xi32, #tpu.memory_space<vmem>>, %arg6: memref<128x768xf32, #tpu.memory_space<vmem>>, %arg7: memref<!tpu.dma_semaphore, #tpu.memory_space<semaphore_mem>>) attributes {dimension_semantics = [#tpu.dimension_semantics<core_parallel>, #tpu.dimension_semantics<subcore_parallel>], iteration_bounds = array<i64: 2, 16>, scalar_prefetch = 0 : i64, scratch_operands = 3 : i64, tpu.core_type = #tpu.core_type<sc_vector_subcore>, window_params = [{transform_indices = #map}, {transform_indices = #map1}, {transform_indices = #map}]} {
    %mul3A = arith.constant 2 : i32
    %mul3A_0 = arith.muli %arg1, %mul3A : i32
    %add3A = arith.addi %mul3A_0, %arg0 : i32
    %mul3A_1 = arith.constant 256 : i32
    %mul3A_2 = arith.muli %add3A, %mul3A_1 : i32
    %multiple_of3A = tpu.assume_multiple %mul3A_2, 8 : i32
    "tpu.region"() ({
      %run_scoped3A = tpu.sem_alloc : memref<!tpu.dma_semaphore, #tpu.memory_space<semaphore_mem>>
      %dma_start3A_27 = tpu.memref_slice %arg3[%multiple_of3A] : memref<8192xi32, #tpu.memory_space<hbm>> -> memref<256xi32, #tpu.memory_space<hbm>>
      %dma_start3A_28 = tpu.memref_slice %arg3[%multiple_of3A] : memref<8192xi32, #tpu.memory_space<hbm>> -> memref<256xi32, #tpu.memory_space<hbm>>
      tpu.enqueue_dma source(%dma_start3A_28 : memref<256xi32, #tpu.memory_space<hbm>>) target(%arg5 : memref<256xi32, #tpu.memory_space<vmem>>) target_semaphore(%run_scoped3A : memref<!tpu.dma_semaphore, #tpu.memory_space<semaphore_mem>>)
      %dma_wait3A_29 = tpu.memref_slice %arg3[%multiple_of3A] : memref<8192xi32, #tpu.memory_space<hbm>> -> memref<256xi32, #tpu.memory_space<hbm>>
      %dma_wait3A_30 = tpu.memref_slice %arg3[%multiple_of3A] : memref<8192xi32, #tpu.memory_space<hbm>> -> memref<256xi32, #tpu.memory_space<hbm>>
      tpu.wait_dma2 semaphore(%run_scoped3A : memref<!tpu.dma_semaphore, #tpu.memory_space<semaphore_mem>>) src(%dma_wait3A_30 : memref<256xi32, #tpu.memory_space<hbm>>) dst(%arg5 : memref<256xi32, #tpu.memory_space<vmem>>)
      tpu.yield
    }) : () -> ()
    %dma_start3A = arith.constant 0 : i32
    %dma_start3A_3 = tpu.memref_slice %arg5[%dma_start3A] : memref<256xi32, #tpu.memory_space<vmem>> -> memref<128xi32, #tpu.memory_space<vmem>>
    %dma_start3A_4 = arith.constant 0 : i32
    %dma_start3A_5 = arith.constant 0 : i32
    %dma_start3A_6 = tpu.memref_slice %arg2[%dma_start3A_4, %dma_start3A_5] : memref<30522x768xf32, #tpu.memory_space<hbm>> -> memref<30522x768xf32, #tpu.memory_space<hbm>>
    tpu.enqueue_indirect_dma source(%dma_start3A_6 : memref<30522x768xf32, #tpu.memory_space<hbm>>) target(%arg6 : memref<128x768xf32, #tpu.memory_space<vmem>>) offsets(%dma_start3A_3 : memref<128xi32, #tpu.memory_space<vmem>>) semaphore(%arg7 : memref<!tpu.dma_semaphore, #tpu.memory_space<semaphore_mem>>)
    %dma_wait3A = arith.constant 0 : i32
    %dma_wait3A_7 = tpu.memref_slice %arg5[%dma_wait3A] : memref<256xi32, #tpu.memory_space<vmem>> -> memref<128xi32, #tpu.memory_space<vmem>>
    %dma_wait3A_8 = arith.constant 0 : i32
    %dma_wait3A_9 = arith.constant 0 : i32
    %dma_wait3A_10 = tpu.memref_slice %arg2[%dma_wait3A_8, %dma_wait3A_9] : memref<30522x768xf32, #tpu.memory_space<hbm>> -> memref<30522x768xf32, #tpu.memory_space<hbm>>
    tpu.wait_indirect_dma semaphore(%arg7 : memref<!tpu.dma_semaphore, #tpu.memory_space<semaphore_mem>>) src(%dma_wait3A_10 : memref<30522x768xf32, #tpu.memory_space<hbm>>) dst(%arg6 : memref<128x768xf32, #tpu.memory_space<vmem>>)
    %add3A_11 = arith.constant 0 : i32
    %add3A_12 = arith.addi %mul3A_2, %add3A_11 : i32
    %multiple_of3A_13 = tpu.assume_multiple %add3A_12, 8 : i32
    "tpu.region"() ({
      %run_scoped3A = tpu.sem_alloc : memref<!tpu.dma_semaphore, #tpu.memory_space<semaphore_mem>>
      %dma_start3A_27 = arith.constant 0 : i32
      %dma_start3A_28 = tpu.memref_slice %arg4[%multiple_of3A_13, %dma_start3A_27] : memref<8192x768xf32, #tpu.memory_space<hbm>> -> memref<128x768xf32, #tpu.memory_space<hbm>>
      %dma_start3A_29 = arith.constant 0 : i32
      %dma_start3A_30 = tpu.memref_slice %arg4[%multiple_of3A_13, %dma_start3A_29] : memref<8192x768xf32, #tpu.memory_space<hbm>> -> memref<128x768xf32, #tpu.memory_space<hbm>>
      tpu.enqueue_dma source(%arg6 : memref<128x768xf32, #tpu.memory_space<vmem>>) target(%dma_start3A_30 : memref<128x768xf32, #tpu.memory_space<hbm>>) target_semaphore(%run_scoped3A : memref<!tpu.dma_semaphore, #tpu.memory_space<semaphore_mem>>)
      %dma_wait3A_31 = arith.constant 0 : i32
      %dma_wait3A_32 = tpu.memref_slice %arg4[%multiple_of3A_13, %dma_wait3A_31] : memref<8192x768xf32, #tpu.memory_space<hbm>> -> memref<128x768xf32, #tpu.memory_space<hbm>>
      %dma_wait3A_33 = arith.constant 0 : i32
      %dma_wait3A_34 = tpu.memref_slice %arg4[%multiple_of3A_13, %dma_wait3A_33] : memref<8192x768xf32, #tpu.memory_space<hbm>> -> memref<128x768xf32, #tpu.memory_space<hbm>>
      tpu.wait_dma2 semaphore(%run_scoped3A : memref<!tpu.dma_semaphore, #tpu.memory_space<semaphore_mem>>) src(%arg6 : memref<128x768xf32, #tpu.memory_space<vmem>>) dst(%dma_wait3A_34 : memref<128x768xf32, #tpu.memory_space<hbm>>)
      tpu.yield
    }) : () -> ()
    %dma_start3A_14 = arith.constant 128 : i32
    %dma_start3A_15 = tpu.memref_slice %arg5[%dma_start3A_14] : memref<256xi32, #tpu.memory_space<vmem>> -> memref<128xi32, #tpu.memory_space<vmem>>
    %dma_start3A_16 = arith.constant 0 : i32
    %dma_start3A_17 = arith.constant 0 : i32
    %dma_start3A_18 = tpu.memref_slice %arg2[%dma_start3A_16, %dma_start3A_17] : memref<30522x768xf32, #tpu.memory_space<hbm>> -> memref<30522x768xf32, #tpu.memory_space<hbm>>
    tpu.enqueue_indirect_dma source(%dma_start3A_18 : memref<30522x768xf32, #tpu.memory_space<hbm>>) target(%arg6 : memref<128x768xf32, #tpu.memory_space<vmem>>) offsets(%dma_start3A_15 : memref<128xi32, #tpu.memory_space<vmem>>) semaphore(%arg7 : memref<!tpu.dma_semaphore, #tpu.memory_space<semaphore_mem>>)
    %dma_wait3A_19 = arith.constant 128 : i32
    %dma_wait3A_20 = tpu.memref_slice %arg5[%dma_wait3A_19] : memref<256xi32, #tpu.memory_space<vmem>> -> memref<128xi32, #tpu.memory_space<vmem>>
    %dma_wait3A_21 = arith.constant 0 : i32
    %dma_wait3A_22 = arith.constant 0 : i32
    %dma_wait3A_23 = tpu.memref_slice %arg2[%dma_wait3A_21, %dma_wait3A_22] : memref<30522x768xf32, #tpu.memory_space<hbm>> -> memref<30522x768xf32, #tpu.memory_space<hbm>>
    tpu.wait_indirect_dma semaphore(%arg7 : memref<!tpu.dma_semaphore, #tpu.memory_space<semaphore_mem>>) src(%dma_wait3A_23 : memref<30522x768xf32, #tpu.memory_space<hbm>>) dst(%arg6 : memref<128x768xf32, #tpu.memory_space<vmem>>)
    %add3A_24 = arith.constant 128 : i32
    %add3A_25 = arith.addi %mul3A_2, %add3A_24 : i32
    %multiple_of3A_26 = tpu.assume_multiple %add3A_25, 8 : i32
    "tpu.region"() ({
      %run_scoped3A = tpu.sem_alloc : memref<!tpu.dma_semaphore, #tpu.memory_space<semaphore_mem>>
      %dma_start3A_27 = arith.constant 0 : i32
      %dma_start3A_28 = tpu.memref_slice %arg4[%multiple_of3A_26, %dma_start3A_27] : memref<8192x768xf32, #tpu.memory_space<hbm>> -> memref<128x768xf32, #tpu.memory_space<hbm>>
      %dma_start3A_29 = arith.constant 0 : i32
      %dma_start3A_30 = tpu.memref_slice %arg4[%multiple_of3A_26, %dma_start3A_29] : memref<8192x768xf32, #tpu.memory_space<hbm>> -> memref<128x768xf32, #tpu.memory_space<hbm>>
      tpu.enqueue_dma source(%arg6 : memref<128x768xf32, #tpu.memory_space<vmem>>) target(%dma_start3A_30 : memref<128x768xf32, #tpu.memory_space<hbm>>) target_semaphore(%run_scoped3A : memref<!tpu.dma_semaphore, #tpu.memory_space<semaphore_mem>>)
      %dma_wait3A_31 = arith.constant 0 : i32
      %dma_wait3A_32 = tpu.memref_slice %arg4[%multiple_of3A_26, %dma_wait3A_31] : memref<8192x768xf32, #tpu.memory_space<hbm>> -> memref<128x768xf32, #tpu.memory_space<hbm>>
      %dma_wait3A_33 = arith.constant 0 : i32
      %dma_wait3A_34 = tpu.memref_slice %arg4[%multiple_of3A_26, %dma_wait3A_33] : memref<8192x768xf32, #tpu.memory_space<hbm>> -> memref<128x768xf32, #tpu.memory_space<hbm>>
      tpu.wait_dma2 semaphore(%run_scoped3A : memref<!tpu.dma_semaphore, #tpu.memory_space<semaphore_mem>>) src(%arg6 : memref<128x768xf32, #tpu.memory_space<vmem>>) dst(%dma_wait3A_34 : memref<128x768xf32, #tpu.memory_space<hbm>>)
      tpu.yield
    }) : () -> ()
    return
  }
}

#map = affine_map<(d0, d1) -> (0, 0)>
#map1 = affine_map<(d0, d1) -> (0)>
module attributes {stable_mosaic.version = 14 : i64} {
  func.func @gather_k(%arg0: i32, %arg1: i32, %arg2: memref<30522x768xf32, #tpu.memory_space<hbm>>, %arg3: memref<4096xi32, #tpu.memory_space<hbm>>, %arg4: memref<4096x768xf32, #tpu.memory_space<hbm>>, %arg5: memref<128xi32, #tpu.memory_space<vmem>>, %arg6: memref<128x768xf32, #tpu.memory_space<vmem>>, %arg7: memref<!tpu.dma_semaphore, #tpu.memory_space<semaphore_mem>>) attributes {dimension_semantics = [#tpu.dimension_semantics<core_parallel>, #tpu.dimension_semantics<subcore_parallel>], iteration_bounds = array<i64: 2, 16>, scalar_prefetch = 0 : i64, scratch_operands = 3 : i64, tpu.core_type = #tpu.core_type<sc_vector_subcore>, window_params = [{transform_indices = #map}, {transform_indices = #map1}, {transform_indices = #map}]} {
    %mul3A = arith.constant 2 : i32
    %mul3A_0 = arith.muli %arg1, %mul3A : i32
    %add3A = arith.addi %mul3A_0, %arg0 : i32
    %mul3A_1 = arith.constant 128 : i32
    %mul3A_2 = arith.muli %add3A, %mul3A_1 : i32
    %multiple_of3A = tpu.assume_multiple %mul3A_2, 8 : i32
    "tpu.region"() ({
      %run_scoped3A = tpu.sem_alloc : memref<!tpu.dma_semaphore, #tpu.memory_space<semaphore_mem>>
      %dma_start3A_14 = tpu.memref_slice %arg3[%multiple_of3A] : memref<4096xi32, #tpu.memory_space<hbm>> -> memref<128xi32, #tpu.memory_space<hbm>>
      %dma_start3A_15 = tpu.memref_slice %arg3[%multiple_of3A] : memref<4096xi32, #tpu.memory_space<hbm>> -> memref<128xi32, #tpu.memory_space<hbm>>
      tpu.enqueue_dma source(%dma_start3A_15 : memref<128xi32, #tpu.memory_space<hbm>>) target(%arg5 : memref<128xi32, #tpu.memory_space<vmem>>) target_semaphore(%run_scoped3A : memref<!tpu.dma_semaphore, #tpu.memory_space<semaphore_mem>>)
      %dma_wait3A_16 = tpu.memref_slice %arg3[%multiple_of3A] : memref<4096xi32, #tpu.memory_space<hbm>> -> memref<128xi32, #tpu.memory_space<hbm>>
      %dma_wait3A_17 = tpu.memref_slice %arg3[%multiple_of3A] : memref<4096xi32, #tpu.memory_space<hbm>> -> memref<128xi32, #tpu.memory_space<hbm>>
      tpu.wait_dma2 semaphore(%run_scoped3A : memref<!tpu.dma_semaphore, #tpu.memory_space<semaphore_mem>>) src(%dma_wait3A_17 : memref<128xi32, #tpu.memory_space<hbm>>) dst(%arg5 : memref<128xi32, #tpu.memory_space<vmem>>)
      tpu.yield
    }) : () -> ()
    %dma_start3A = arith.constant 0 : i32
    %dma_start3A_3 = tpu.memref_slice %arg5[%dma_start3A] : memref<128xi32, #tpu.memory_space<vmem>> -> memref<128xi32, #tpu.memory_space<vmem>>
    %dma_start3A_4 = arith.constant 0 : i32
    %dma_start3A_5 = arith.constant 0 : i32
    %dma_start3A_6 = tpu.memref_slice %arg2[%dma_start3A_4, %dma_start3A_5] : memref<30522x768xf32, #tpu.memory_space<hbm>> -> memref<30522x768xf32, #tpu.memory_space<hbm>>
    tpu.enqueue_indirect_dma source(%dma_start3A_6 : memref<30522x768xf32, #tpu.memory_space<hbm>>) target(%arg6 : memref<128x768xf32, #tpu.memory_space<vmem>>) offsets(%dma_start3A_3 : memref<128xi32, #tpu.memory_space<vmem>>) semaphore(%arg7 : memref<!tpu.dma_semaphore, #tpu.memory_space<semaphore_mem>>)
    %dma_wait3A = arith.constant 0 : i32
    %dma_wait3A_7 = tpu.memref_slice %arg5[%dma_wait3A] : memref<128xi32, #tpu.memory_space<vmem>> -> memref<128xi32, #tpu.memory_space<vmem>>
    %dma_wait3A_8 = arith.constant 0 : i32
    %dma_wait3A_9 = arith.constant 0 : i32
    %dma_wait3A_10 = tpu.memref_slice %arg2[%dma_wait3A_8, %dma_wait3A_9] : memref<30522x768xf32, #tpu.memory_space<hbm>> -> memref<30522x768xf32, #tpu.memory_space<hbm>>
    tpu.wait_indirect_dma semaphore(%arg7 : memref<!tpu.dma_semaphore, #tpu.memory_space<semaphore_mem>>) src(%dma_wait3A_10 : memref<30522x768xf32, #tpu.memory_space<hbm>>) dst(%arg6 : memref<128x768xf32, #tpu.memory_space<vmem>>)
    %add3A_11 = arith.constant 0 : i32
    %add3A_12 = arith.addi %mul3A_2, %add3A_11 : i32
    %multiple_of3A_13 = tpu.assume_multiple %add3A_12, 8 : i32
    "tpu.region"() ({
      %run_scoped3A = tpu.sem_alloc : memref<!tpu.dma_semaphore, #tpu.memory_space<semaphore_mem>>
      %dma_start3A_14 = arith.constant 0 : i32
      %dma_start3A_15 = tpu.memref_slice %arg4[%multiple_of3A_13, %dma_start3A_14] : memref<4096x768xf32, #tpu.memory_space<hbm>> -> memref<128x768xf32, #tpu.memory_space<hbm>>
      %dma_start3A_16 = arith.constant 0 : i32
      %dma_start3A_17 = tpu.memref_slice %arg4[%multiple_of3A_13, %dma_start3A_16] : memref<4096x768xf32, #tpu.memory_space<hbm>> -> memref<128x768xf32, #tpu.memory_space<hbm>>
      tpu.enqueue_dma source(%arg6 : memref<128x768xf32, #tpu.memory_space<vmem>>) target(%dma_start3A_17 : memref<128x768xf32, #tpu.memory_space<hbm>>) target_semaphore(%run_scoped3A : memref<!tpu.dma_semaphore, #tpu.memory_space<semaphore_mem>>)
      %dma_wait3A_18 = arith.constant 0 : i32
      %dma_wait3A_19 = tpu.memref_slice %arg4[%multiple_of3A_13, %dma_wait3A_18] : memref<4096x768xf32, #tpu.memory_space<hbm>> -> memref<128x768xf32, #tpu.memory_space<hbm>>
      %dma_wait3A_20 = arith.constant 0 : i32
      %dma_wait3A_21 = tpu.memref_slice %arg4[%multiple_of3A_13, %dma_wait3A_20] : memref<4096x768xf32, #tpu.memory_space<hbm>> -> memref<128x768xf32, #tpu.memory_space<hbm>>
      tpu.wait_dma2 semaphore(%run_scoped3A : memref<!tpu.dma_semaphore, #tpu.memory_space<semaphore_mem>>) src(%arg6 : memref<128x768xf32, #tpu.memory_space<vmem>>) dst(%dma_wait3A_21 : memref<128x768xf32, #tpu.memory_space<hbm>>)
      tpu.yield
    }) : () -> ()
    return
  }
}

module attributes {stable_mosaic.version = 14 : i64} {
  func.func @_vq_body(%arg0: memref<256x204xf32, #tpu.memory_space<vmem>>, %arg1: memref<204x256xf32, #tpu.memory_space<vmem>>, %arg2: memref<1x256xf32, #tpu.memory_space<vmem>>, %arg3: memref<1024x256xf32, #tpu.memory_space<vmem>>, %arg4: memref<256x768xf32, #tpu.memory_space<vmem>>, %arg5: memref<1x768xf32, #tpu.memory_space<vmem>>, %arg6: memref<1x768xf32, #tpu.memory_space<vmem>>, %arg7: memref<1x768xf32, #tpu.memory_space<vmem>>, %arg8: memref<256x768xf32, #tpu.memory_space<vmem>>) attributes {dimension_semantics = [], scalar_prefetch = 0 : i64, scratch_operands = 0 : i64, tpu.core_type = #tpu.core_type<tc>} {
    %get3A = arith.constant 0 : index
    %get3A_0 = arith.constant 0 : index
    %get3A_1 = vector.load %arg0[%get3A, %get3A_0] : memref<256x204xf32, #tpu.memory_space<vmem>>, vector<256x204xf32>
    %get3A_2 = arith.constant 0 : index
    %get3A_3 = arith.constant 0 : index
    %get3A_4 = vector.load %arg1[%get3A_2, %get3A_3] : memref<204x256xf32, #tpu.memory_space<vmem>>, vector<204x256xf32>
    %dot_general3A = arith.constant dense<0.000000e+00> : vector<256x256xf32>
    %dot_general3A_5 = tpu.matmul %get3A_1, %get3A_4, %dot_general3A {dimension_numbers = #tpu.dot_dimension_numbers<[1], [0], [0], [1], [0, 0, 1, 1], [], []>, transpose_lhs_hint = false} : vector<256x204xf32>, vector<204x256xf32>, vector<256x256xf32> -> vector<256x256xf32>
    %get3A_6 = arith.constant 0 : index
    %get3A_7 = arith.constant 0 : index
    %get3A_8 = vector.load %arg2[%get3A_6, %get3A_7] : memref<1x256xf32, #tpu.memory_space<vmem>>, vector<1x256xf32>
    %add3A = vector.broadcast %get3A_8 : vector<1x256xf32> to vector<256x256xf32>
    %add3A_9 = arith.addf %dot_general3A_5, %add3A : vector<256x256xf32>
    %get3A_10 = arith.constant 0 : index
    %get3A_11 = arith.constant 0 : index
    %get3A_12 = vector.load %arg3[%get3A_10, %get3A_11] : memref<1024x256xf32, #tpu.memory_space<vmem>>, vector<1024x256xf32>
    %dot_general3A_13 = arith.constant dense<0.000000e+00> : vector<256x1024xf32>
    %dot_general3A_14 = tpu.matmul %add3A_9, %get3A_12, %dot_general3A_13 {dimension_numbers = #tpu.dot_dimension_numbers<[1], [1], [0], [0], [0, 0, 1, 0], [], []>, transpose_lhs_hint = false} : vector<256x256xf32>, vector<1024x256xf32>, vector<256x1024xf32> -> vector<256x1024xf32>
    %broadcast_in_dim3A = arith.constant 1.000000e+00 : f32
    %broadcast_in_dim3A_15 = vector.broadcast %broadcast_in_dim3A : f32 to vector<1x256xf32>
    %mul3A = arith.mulf %get3A_12, %get3A_12 : vector<1024x256xf32>
    %dot_general3A_16 = arith.constant dense<0.000000e+00> : vector<1x1024xf32>
    %dot_general3A_17 = tpu.matmul %broadcast_in_dim3A_15, %mul3A, %dot_general3A_16 {dimension_numbers = #tpu.dot_dimension_numbers<[1], [1], [0], [0], [0, 0, 1, 0], [], []>, precision = #tpu.contract_precision<fp32>, transpose_lhs_hint = false} : vector<1x256xf32>, vector<1024x256xf32>, vector<1x1024xf32> -> vector<1x1024xf32>
    %mul3A_18 = arith.mulf %add3A_9, %add3A_9 : vector<256x256xf32>
    %reduce_sum3A = arith.constant dense<0.000000e+00> : vector<256xf32>
    %reduce_sum3A_19 = vector.multi_reduction <add>, %mul3A_18, %reduce_sum3A [1] : vector<256x256xf32> to vector<256xf32>
    %broadcast_in_dim3A_20 = vector.shape_cast %reduce_sum3A_19 : vector<256xf32> to vector<256x1xf32>
    %mul3A_21 = arith.constant 2.000000e+00 : f32
    %mul3A_22 = vector.broadcast %mul3A_21 : f32 to vector<256x1024xf32>
    %mul3A_23 = arith.mulf %mul3A_22, %dot_general3A_14 : vector<256x1024xf32>
    %sub3A = vector.broadcast %broadcast_in_dim3A_20 : vector<256x1xf32> to vector<256x1024xf32>
    %sub3A_24 = arith.subf %sub3A, %mul3A_23 : vector<256x1024xf32>
    %add3A_25 = vector.broadcast %dot_general3A_17 : vector<1x1024xf32> to vector<256x1024xf32>
    %add3A_26 = arith.addf %sub3A_24, %add3A_25 : vector<256x1024xf32>
    %reduce_min3A = arith.constant dense<0x7F800000> : vector<256xf32>
    %reduce_min3A_27 = vector.multi_reduction <minimumf>, %add3A_26, %reduce_min3A [1] : vector<256x1024xf32> to vector<256xf32>
    %broadcast_in_dim3A_28 = vector.shape_cast %reduce_min3A_27 : vector<256xf32> to vector<256x1xf32>
    %iota3A = tpu.iota {dimensions = array<i32: 1>} : vector<256x1024xi32>
    %eq3A = vector.broadcast %broadcast_in_dim3A_28 : vector<256x1xf32> to vector<256x1024xf32>
    %eq3A_29 = arith.cmpf oeq, %add3A_26, %eq3A : vector<256x1024xf32>
    %jit3A = arith.constant 1024 : i32
    %broadcast_in_dim3A_30 = vector.broadcast %jit3A : i32 to vector<256x1024xi32>
    %select_n3A = arith.select %eq3A_29, %iota3A, %broadcast_in_dim3A_30 : vector<256x1024xi1>, vector<256x1024xi32>
    %reduce_min3A_31 = arith.constant dense<2147483647> : vector<256xi32>
    %reduce_min3A_32 = vector.multi_reduction <minsi>, %select_n3A, %reduce_min3A_31 [1] : vector<256x1024xi32> to vector<256xi32>
    %broadcast_in_dim3A_33 = vector.shape_cast %reduce_min3A_32 : vector<256xi32> to vector<256x1xi32>
    %eq3A_34 = vector.broadcast %broadcast_in_dim3A_33 : vector<256x1xi32> to vector<256x1024xi32>
    %eq3A_35 = arith.cmpi eq, %iota3A, %eq3A_34 : vector<256x1024xi32>
    %convert_element_type3A = arith.extui %eq3A_35 : vector<256x1024xi1> to vector<256x1024xi32>
    %convert_element_type3A_36 = arith.sitofp %convert_element_type3A : vector<256x1024xi32> to vector<256x1024xf32>
    %dot_general3A_37 = arith.constant dense<0.000000e+00> : vector<256x256xf32>
    %dot_general3A_38 = tpu.matmul %convert_element_type3A_36, %get3A_12, %dot_general3A_37 {dimension_numbers = #tpu.dot_dimension_numbers<[1], [0], [0], [1], [0, 0, 1, 1], [], []>, precision = #tpu.contract_precision<fp32>, transpose_lhs_hint = false} : vector<256x1024xf32>, vector<1024x256xf32>, vector<256x256xf32> -> vector<256x256xf32>
    %sub3A_39 = arith.subf %dot_general3A_38, %add3A_9 : vector<256x256xf32>
    %add3A_40 = arith.addf %add3A_9, %sub3A_39 : vector<256x256xf32>
    %get3A_41 = arith.constant 0 : index
    %get3A_42 = arith.constant 0 : index
    %get3A_43 = vector.load %arg4[%get3A_41, %get3A_42] : memref<256x768xf32, #tpu.memory_space<vmem>>, vector<256x768xf32>
    %dot_general3A_44 = arith.constant dense<0.000000e+00> : vector<256x768xf32>
    %dot_general3A_45 = tpu.matmul %add3A_40, %get3A_43, %dot_general3A_44 {dimension_numbers = #tpu.dot_dimension_numbers<[1], [0], [0], [1], [0, 0, 1, 1], [], []>, transpose_lhs_hint = false} : vector<256x256xf32>, vector<256x768xf32>, vector<256x768xf32> -> vector<256x768xf32>
    %get3A_46 = arith.constant 0 : index
    %get3A_47 = arith.constant 0 : index
    %get3A_48 = vector.load %arg5[%get3A_46, %get3A_47] : memref<1x768xf32, #tpu.memory_space<vmem>>, vector<1x768xf32>
    %add3A_49 = vector.broadcast %get3A_48 : vector<1x768xf32> to vector<256x768xf32>
    %add3A_50 = arith.addf %dot_general3A_45, %add3A_49 : vector<256x768xf32>
    %reduce_sum3A_51 = arith.constant dense<0.000000e+00> : vector<256xf32>
    %reduce_sum3A_52 = vector.multi_reduction <add>, %add3A_50, %reduce_sum3A_51 [1] : vector<256x768xf32> to vector<256xf32>
    %broadcast_in_dim3A_53 = vector.shape_cast %reduce_sum3A_52 : vector<256xf32> to vector<256x1xf32>
    %div3A = arith.constant 7.680000e+02 : f32
    %div3A_54 = vector.broadcast %div3A : f32 to vector<256x1xf32>
    %div3A_55 = arith.divf %broadcast_in_dim3A_53, %div3A_54 : vector<256x1xf32>
    %sub3A_56 = vector.broadcast %div3A_55 : vector<256x1xf32> to vector<256x768xf32>
    %sub3A_57 = arith.subf %add3A_50, %sub3A_56 : vector<256x768xf32>
    %integer_pow3A = arith.mulf %sub3A_57, %sub3A_57 : vector<256x768xf32>
    %reduce_sum3A_58 = arith.constant dense<0.000000e+00> : vector<256xf32>
    %reduce_sum3A_59 = vector.multi_reduction <add>, %integer_pow3A, %reduce_sum3A_58 [1] : vector<256x768xf32> to vector<256xf32>
    %broadcast_in_dim3A_60 = vector.shape_cast %reduce_sum3A_59 : vector<256xf32> to vector<256x1xf32>
    %div3A_61 = arith.constant 7.680000e+02 : f32
    %div3A_62 = vector.broadcast %div3A_61 : f32 to vector<256x1xf32>
    %div3A_63 = arith.divf %broadcast_in_dim3A_60, %div3A_62 : vector<256x1xf32>
    %sub3A_64 = vector.broadcast %div3A_55 : vector<256x1xf32> to vector<256x768xf32>
    %sub3A_65 = arith.subf %add3A_50, %sub3A_64 : vector<256x768xf32>
    %add3A_66 = arith.constant 9.99999996E-13 : f32
    %add3A_67 = vector.broadcast %add3A_66 : f32 to vector<256x1xf32>
    %add3A_68 = arith.addf %div3A_63, %add3A_67 : vector<256x1xf32>
    %sqrt3A = math.sqrt %add3A_68 : vector<256x1xf32>
    %div3A_69 = vector.broadcast %sqrt3A : vector<256x1xf32> to vector<256x768xf32>
    %div3A_70 = arith.divf %sub3A_65, %div3A_69 : vector<256x768xf32>
    %get3A_71 = arith.constant 0 : index
    %get3A_72 = arith.constant 0 : index
    %get3A_73 = vector.load %arg6[%get3A_71, %get3A_72] : memref<1x768xf32, #tpu.memory_space<vmem>>, vector<1x768xf32>
    %mul3A_74 = vector.broadcast %get3A_73 : vector<1x768xf32> to vector<256x768xf32>
    %mul3A_75 = arith.mulf %div3A_70, %mul3A_74 : vector<256x768xf32>
    %get3A_76 = arith.constant 0 : index
    %get3A_77 = arith.constant 0 : index
    %get3A_78 = vector.load %arg7[%get3A_76, %get3A_77] : memref<1x768xf32, #tpu.memory_space<vmem>>, vector<1x768xf32>
    %add3A_79 = vector.broadcast %get3A_78 : vector<1x768xf32> to vector<256x768xf32>
    %add3A_80 = arith.addf %mul3A_75, %add3A_79 : vector<256x768xf32>
    %swap3A = arith.constant 0 : index
    %swap3A_81 = arith.constant 0 : index
    %swap3A_82 = vector.load %arg8[%swap3A, %swap3A_81] : memref<256x768xf32, #tpu.memory_space<vmem>>, vector<256x768xf32>
    tpu.vector_store %arg8[%swap3A, %swap3A_81], %add3A_80 {strides = array<i32>} : memref<256x768xf32, #tpu.memory_space<vmem>>, vector<256x768xf32>,
    return
  }
}

module attributes {stable_mosaic.version = 14 : i64} {
  func.func @_main_body(%arg0: i32, %arg1: memref<64x4xi32, #tpu.memory_space<smem>>, %arg2: memref<1024x768xf32, #tpu.memory_space<vmem>>, %arg3: memref<512x768xf32, #tpu.memory_space<vmem>>, %arg4: memref<1x768xf32, #tpu.memory_space<vmem>>, %arg5: memref<1x768xf32, #tpu.memory_space<vmem>>, %arg6: memref<2x4x768xf32, #tpu.memory_space<vmem>>, %arg7: memref<1x768xf32, #tpu.memory_space<vmem>>, %arg8: memref<1x768xf32, #tpu.memory_space<vmem>>, %arg9: memref<1024x768xf32, #tpu.memory_space<vmem>>) attributes {dimension_semantics = [#tpu.dimension_semantics<arbitrary>], iteration_bounds = array<i64: 4>, scalar_prefetch = 0 : i64, scratch_operands = 0 : i64, tpu.core_type = #tpu.core_type<tc>, window_params = [{transform_indices = @transform_0, window_bounds = array<i64: 64, 4>}, {transform_indices = @transform_1, window_bounds = array<i64: 1024, 768>}, {pipeline_mode = #tpu.pipeline_mode<synchronous>, transform_indices = @transform_2, window_bounds = array<i64: 512, 768>}, {pipeline_mode = #tpu.pipeline_mode<synchronous>, transform_indices = @transform_3, window_bounds = array<i64: 1, 768>}, {pipeline_mode = #tpu.pipeline_mode<synchronous>, transform_indices = @transform_4, window_bounds = array<i64: 1, 768>}, {transform_indices = @transform_5, window_bounds = array<i64: 2, 4, 768>}, {pipeline_mode = #tpu.pipeline_mode<synchronous>, transform_indices = @transform_6, window_bounds = array<i64: 1, 768>}, {pipeline_mode = #tpu.pipeline_mode<synchronous>, transform_indices = @transform_7, window_bounds = array<i64: 1, 768>}, {transform_indices = @transform_8, window_bounds = array<i64: 1024, 768>}]} {
    %mul3A = arith.constant 2 : i32
    %mul3A_0 = arith.muli %arg0, %mul3A : i32
    %add3A = arith.constant 0 : i32
    %add3A_1 = arith.addi %add3A, %mul3A_0 : i32
    %get3A = arith.constant 0 : index
    %get3A_2 = arith.constant 0 : index
    %get3A_3 = vector.load %arg2[%get3A, %get3A_2] : memref<1024x768xf32, #tpu.memory_space<vmem>>, vector<1024x768xf32>
    %reshape3A = vector.shape_cast %get3A_3 : vector<1024x768xf32> to vector<2x512x768xf32>
    %get3A_4 = arith.constant 0 : index
    %get3A_5 = arith.constant 0 : index
    %get3A_6 = vector.load %arg3[%get3A_4, %get3A_5] : memref<512x768xf32, #tpu.memory_space<vmem>>, vector<512x768xf32>
    %broadcast_in_dim3A = vector.shape_cast %get3A_6 : vector<512x768xf32> to vector<1x512x768xf32>
    %add3A_7 = vector.broadcast %broadcast_in_dim3A : vector<1x512x768xf32> to vector<2x512x768xf32>
    %add3A_8 = arith.addf %reshape3A, %add3A_7 : vector<2x512x768xf32>
    %reshape3A_9 = vector.shape_cast %add3A_8 : vector<2x512x768xf32> to vector<1024x768xf32>
    %get3A_10 = arith.constant 0 : index
    %get3A_11 = arith.constant 0 : index
    %get3A_12 = vector.load %arg4[%get3A_10, %get3A_11] : memref<1x768xf32, #tpu.memory_space<vmem>>, vector<1x768xf32>
    %add3A_13 = vector.broadcast %get3A_12 : vector<1x768xf32> to vector<1024x768xf32>
    %add3A_14 = arith.addf %reshape3A_9, %add3A_13 : vector<1024x768xf32>
    %get3A_15 = arith.constant 0 : index
    %get3A_16 = arith.constant 0 : index
    %get3A_17 = vector.load %arg5[%get3A_15, %get3A_16] : memref<1x768xf32, #tpu.memory_space<vmem>>, vector<1x768xf32>
    %broadcast_in_dim3A_18 = vector.shape_cast %get3A_17 : vector<1x768xf32> to vector<1x768xf32>
    %broadcast_in_dim3A_19 = vector.broadcast %broadcast_in_dim3A_18 : vector<1x768xf32> to vector<1024x768xf32>
    %iota3A = tpu.iota {dimensions = array<i32: 0>} : vector<1024x1xi32>
    %add3A_20 = arith.constant 0 : i32
    %add3A_21 = arith.addi %add3A_1, %add3A_20 : i32
    %get3A_22 = arith.index_cast %add3A_21 : i32 to index
    %get3A_23 = arith.constant 0 : index
    %get3A_24 = memref.load %arg1[%get3A_22, %get3A_23] : memref<64x4xi32, #tpu.memory_space<smem>>
    %add3A_25 = arith.constant 0 : i32
    %add3A_26 = arith.addi %get3A_24, %add3A_25 : i32
    %get3A_27 = arith.constant 0 : index
    %get3A_28 = arith.constant 0 : index
    %get3A_29 = arith.constant 0 : index
    %get3A_30 = vector.load %arg6[%get3A_27, %get3A_28, %get3A_29] : memref<2x4x768xf32, #tpu.memory_space<vmem>>, vector<1x1x768xf32>
    %get3A_31 = vector.shape_cast %get3A_30 : vector<1x1x768xf32> to vector<768xf32>
    %eq3A = vector.broadcast %add3A_26 : i32 to vector<1024x1xi32>
    %eq3A_32 = arith.cmpi eq, %iota3A, %eq3A : vector<1024x1xi32>
    %broadcast_in_dim3A_33 = vector.shape_cast %get3A_31 : vector<768xf32> to vector<1x768xf32>
    %broadcast_in_dim3A_34 = vector.shape_cast %eq3A_32 : vector<1024x1xi1> to vector<1024x1xi1>
    %broadcast_in_dim3A_35 = vector.broadcast %broadcast_in_dim3A_34 : vector<1024x1xi1> to vector<1024x768xi1>
    %broadcast_in_dim3A_36 = vector.shape_cast %broadcast_in_dim3A_33 : vector<1x768xf32> to vector<1x768xf32>
    %broadcast_in_dim3A_37 = vector.broadcast %broadcast_in_dim3A_36 : vector<1x768xf32> to vector<1024x768xf32>
    %select_n3A = arith.select %broadcast_in_dim3A_35, %broadcast_in_dim3A_37, %broadcast_in_dim3A_19 : vector<1024x768xi1>, vector<1024x768xf32>
    %add3A_38 = arith.constant 0 : i32
    %add3A_39 = arith.addi %add3A_1, %add3A_38 : i32
    %get3A_40 = arith.index_cast %add3A_39 : i32 to index
    %get3A_41 = arith.constant 1 : index
    %get3A_42 = memref.load %arg1[%get3A_40, %get3A_41] : memref<64x4xi32, #tpu.memory_space<smem>>
    %add3A_43 = arith.constant 0 : i32
    %add3A_44 = arith.addi %get3A_42, %add3A_43 : i32
    %get3A_45 = arith.constant 0 : index
    %get3A_46 = arith.constant 1 : index
    %get3A_47 = arith.constant 0 : index
    %get3A_48 = vector.load %arg6[%get3A_45, %get3A_46, %get3A_47] : memref<2x4x768xf32, #tpu.memory_space<vmem>>, vector<1x1x768xf32>
    %get3A_49 = vector.shape_cast %get3A_48 : vector<1x1x768xf32> to vector<768xf32>
    %eq3A_50 = vector.broadcast %add3A_44 : i32 to vector<1024x1xi32>
    %eq3A_51 = arith.cmpi eq, %iota3A, %eq3A_50 : vector<1024x1xi32>
    %broadcast_in_dim3A_52 = vector.shape_cast %get3A_49 : vector<768xf32> to vector<1x768xf32>
    %broadcast_in_dim3A_53 = vector.shape_cast %eq3A_51 : vector<1024x1xi1> to vector<1024x1xi1>
    %broadcast_in_dim3A_54 = vector.broadcast %broadcast_in_dim3A_53 : vector<1024x1xi1> to vector<1024x768xi1>
    %broadcast_in_dim3A_55 = vector.shape_cast %broadcast_in_dim3A_52 : vector<1x768xf32> to vector<1x768xf32>
    %broadcast_in_dim3A_56 = vector.broadcast %broadcast_in_dim3A_55 : vector<1x768xf32> to vector<1024x768xf32>
    %select_n3A_57 = arith.select %broadcast_in_dim3A_54, %broadcast_in_dim3A_56, %select_n3A : vector<1024x768xi1>, vector<1024x768xf32>
    %add3A_58 = arith.constant 0 : i32
    %add3A_59 = arith.addi %add3A_1, %add3A_58 : i32
    %get3A_60 = arith.index_cast %add3A_59 : i32 to index
    %get3A_61 = arith.constant 2 : index
    %get3A_62 = memref.load %arg1[%get3A_60, %get3A_61] : memref<64x4xi32, #tpu.memory_space<smem>>
    %add3A_63 = arith.constant 0 : i32
    %add3A_64 = arith.addi %get3A_62, %add3A_63 : i32
    %get3A_65 = arith.constant 0 : index
    %get3A_66 = arith.constant 2 : index
    %get3A_67 = arith.constant 0 : index
    %get3A_68 = vector.load %arg6[%get3A_65, %get3A_66, %get3A_67] : memref<2x4x768xf32, #tpu.memory_space<vmem>>, vector<1x1x768xf32>
    %get3A_69 = vector.shape_cast %get3A_68 : vector<1x1x768xf32> to vector<768xf32>
    %eq3A_70 = vector.broadcast %add3A_64 : i32 to vector<1024x1xi32>
    %eq3A_71 = arith.cmpi eq, %iota3A, %eq3A_70 : vector<1024x1xi32>
    %broadcast_in_dim3A_72 = vector.shape_cast %get3A_69 : vector<768xf32> to vector<1x768xf32>
    %broadcast_in_dim3A_73 = vector.shape_cast %eq3A_71 : vector<1024x1xi1> to vector<1024x1xi1>
    %broadcast_in_dim3A_74 = vector.broadcast %broadcast_in_dim3A_73 : vector<1024x1xi1> to vector<1024x768xi1>
    %broadcast_in_dim3A_75 = vector.shape_cast %broadcast_in_dim3A_72 : vector<1x768xf32> to vector<1x768xf32>
    %broadcast_in_dim3A_76 = vector.broadcast %broadcast_in_dim3A_75 : vector<1x768xf32> to vector<1024x768xf32>
    %select_n3A_77 = arith.select %broadcast_in_dim3A_74, %broadcast_in_dim3A_76, %select_n3A_57 : vector<1024x768xi1>, vector<1024x768xf32>
    %add3A_78 = arith.constant 0 : i32
    %add3A_79 = arith.addi %add3A_1, %add3A_78 : i32
    %get3A_80 = arith.index_cast %add3A_79 : i32 to index
    %get3A_81 = arith.constant 3 : index
    %get3A_82 = memref.load %arg1[%get3A_80, %get3A_81] : memref<64x4xi32, #tpu.memory_space<smem>>
    %add3A_83 = arith.constant 0 : i32
    %add3A_84 = arith.addi %get3A_82, %add3A_83 : i32
    %get3A_85 = arith.constant 0 : index
    %get3A_86 = arith.constant 3 : index
    %get3A_87 = arith.constant 0 : index
    %get3A_88 = vector.load %arg6[%get3A_85, %get3A_86, %get3A_87] : memref<2x4x768xf32, #tpu.memory_space<vmem>>, vector<1x1x768xf32>
    %get3A_89 = vector.shape_cast %get3A_88 : vector<1x1x768xf32> to vector<768xf32>
    %eq3A_90 = vector.broadcast %add3A_84 : i32 to vector<1024x1xi32>
    %eq3A_91 = arith.cmpi eq, %iota3A, %eq3A_90 : vector<1024x1xi32>
    %broadcast_in_dim3A_92 = vector.shape_cast %get3A_89 : vector<768xf32> to vector<1x768xf32>
    %broadcast_in_dim3A_93 = vector.shape_cast %eq3A_91 : vector<1024x1xi1> to vector<1024x1xi1>
    %broadcast_in_dim3A_94 = vector.broadcast %broadcast_in_dim3A_93 : vector<1024x1xi1> to vector<1024x768xi1>
    %broadcast_in_dim3A_95 = vector.shape_cast %broadcast_in_dim3A_92 : vector<1x768xf32> to vector<1x768xf32>
    %broadcast_in_dim3A_96 = vector.broadcast %broadcast_in_dim3A_95 : vector<1x768xf32> to vector<1024x768xf32>
    %select_n3A_97 = arith.select %broadcast_in_dim3A_94, %broadcast_in_dim3A_96, %select_n3A_77 : vector<1024x768xi1>, vector<1024x768xf32>
    %add3A_98 = arith.constant 1 : i32
    %add3A_99 = arith.addi %add3A_1, %add3A_98 : i32
    %get3A_100 = arith.index_cast %add3A_99 : i32 to index
    %get3A_101 = arith.constant 0 : index
    %get3A_102 = memref.load %arg1[%get3A_100, %get3A_101] : memref<64x4xi32, #tpu.memory_space<smem>>
    %add3A_103 = arith.constant 512 : i32
    %add3A_104 = arith.addi %get3A_102, %add3A_103 : i32
    %get3A_105 = arith.constant 1 : index
    %get3A_106 = arith.constant 0 : index
    %get3A_107 = arith.constant 0 : index
    %get3A_108 = vector.load %arg6[%get3A_105, %get3A_106, %get3A_107] : memref<2x4x768xf32, #tpu.memory_space<vmem>>, vector<1x1x768xf32>
    %get3A_109 = vector.shape_cast %get3A_108 : vector<1x1x768xf32> to vector<768xf32>
    %eq3A_110 = vector.broadcast %add3A_104 : i32 to vector<1024x1xi32>
    %eq3A_111 = arith.cmpi eq, %iota3A, %eq3A_110 : vector<1024x1xi32>
    %broadcast_in_dim3A_112 = vector.shape_cast %get3A_109 : vector<768xf32> to vector<1x768xf32>
    %broadcast_in_dim3A_113 = vector.shape_cast %eq3A_111 : vector<1024x1xi1> to vector<1024x1xi1>
    %broadcast_in_dim3A_114 = vector.broadcast %broadcast_in_dim3A_113 : vector<1024x1xi1> to vector<1024x768xi1>
    %broadcast_in_dim3A_115 = vector.shape_cast %broadcast_in_dim3A_112 : vector<1x768xf32> to vector<1x768xf32>
    %broadcast_in_dim3A_116 = vector.broadcast %broadcast_in_dim3A_115 : vector<1x768xf32> to vector<1024x768xf32>
    %select_n3A_117 = arith.select %broadcast_in_dim3A_114, %broadcast_in_dim3A_116, %select_n3A_97 : vector<1024x768xi1>, vector<1024x768xf32>
    %add3A_118 = arith.constant 1 : i32
    %add3A_119 = arith.addi %add3A_1, %add3A_118 : i32
    %get3A_120 = arith.index_cast %add3A_119 : i32 to index
    %get3A_121 = arith.constant 1 : index
    %get3A_122 = memref.load %arg1[%get3A_120, %get3A_121] : memref<64x4xi32, #tpu.memory_space<smem>>
    %add3A_123 = arith.constant 512 : i32
    %add3A_124 = arith.addi %get3A_122, %add3A_123 : i32
    %get3A_125 = arith.constant 1 : index
    %get3A_126 = arith.constant 1 : index
    %get3A_127 = arith.constant 0 : index
    %get3A_128 = vector.load %arg6[%get3A_125, %get3A_126, %get3A_127] : memref<2x4x768xf32, #tpu.memory_space<vmem>>, vector<1x1x768xf32>
    %get3A_129 = vector.shape_cast %get3A_128 : vector<1x1x768xf32> to vector<768xf32>
    %eq3A_130 = vector.broadcast %add3A_124 : i32 to vector<1024x1xi32>
    %eq3A_131 = arith.cmpi eq, %iota3A, %eq3A_130 : vector<1024x1xi32>
    %broadcast_in_dim3A_132 = vector.shape_cast %get3A_129 : vector<768xf32> to vector<1x768xf32>
    %broadcast_in_dim3A_133 = vector.shape_cast %eq3A_131 : vector<1024x1xi1> to vector<1024x1xi1>
    %broadcast_in_dim3A_134 = vector.broadcast %broadcast_in_dim3A_133 : vector<1024x1xi1> to vector<1024x768xi1>
    %broadcast_in_dim3A_135 = vector.shape_cast %broadcast_in_dim3A_132 : vector<1x768xf32> to vector<1x768xf32>
    %broadcast_in_dim3A_136 = vector.broadcast %broadcast_in_dim3A_135 : vector<1x768xf32> to vector<1024x768xf32>
    %select_n3A_137 = arith.select %broadcast_in_dim3A_134, %broadcast_in_dim3A_136, %select_n3A_117 : vector<1024x768xi1>, vector<1024x768xf32>
    %add3A_138 = arith.constant 1 : i32
    %add3A_139 = arith.addi %add3A_1, %add3A_138 : i32
    %get3A_140 = arith.index_cast %add3A_139 : i32 to index
    %get3A_141 = arith.constant 2 : index
    %get3A_142 = memref.load %arg1[%get3A_140, %get3A_141] : memref<64x4xi32, #tpu.memory_space<smem>>
    %add3A_143 = arith.constant 512 : i32
    %add3A_144 = arith.addi %get3A_142, %add3A_143 : i32
    %get3A_145 = arith.constant 1 : index
    %get3A_146 = arith.constant 2 : index
    %get3A_147 = arith.constant 0 : index
    %get3A_148 = vector.load %arg6[%get3A_145, %get3A_146, %get3A_147] : memref<2x4x768xf32, #tpu.memory_space<vmem>>, vector<1x1x768xf32>
    %get3A_149 = vector.shape_cast %get3A_148 : vector<1x1x768xf32> to vector<768xf32>
    %eq3A_150 = vector.broadcast %add3A_144 : i32 to vector<1024x1xi32>
    %eq3A_151 = arith.cmpi eq, %iota3A, %eq3A_150 : vector<1024x1xi32>
    %broadcast_in_dim3A_152 = vector.shape_cast %get3A_149 : vector<768xf32> to vector<1x768xf32>
    %broadcast_in_dim3A_153 = vector.shape_cast %eq3A_151 : vector<1024x1xi1> to vector<1024x1xi1>
    %broadcast_in_dim3A_154 = vector.broadcast %broadcast_in_dim3A_153 : vector<1024x1xi1> to vector<1024x768xi1>
    %broadcast_in_dim3A_155 = vector.shape_cast %broadcast_in_dim3A_152 : vector<1x768xf32> to vector<1x768xf32>
    %broadcast_in_dim3A_156 = vector.broadcast %broadcast_in_dim3A_155 : vector<1x768xf32> to vector<1024x768xf32>
    %select_n3A_157 = arith.select %broadcast_in_dim3A_154, %broadcast_in_dim3A_156, %select_n3A_137 : vector<1024x768xi1>, vector<1024x768xf32>
    %add3A_158 = arith.constant 1 : i32
    %add3A_159 = arith.addi %add3A_1, %add3A_158 : i32
    %get3A_160 = arith.index_cast %add3A_159 : i32 to index
    %get3A_161 = arith.constant 3 : index
    %get3A_162 = memref.load %arg1[%get3A_160, %get3A_161] : memref<64x4xi32, #tpu.memory_space<smem>>
    %add3A_163 = arith.constant 512 : i32
    %add3A_164 = arith.addi %get3A_162, %add3A_163 : i32
    %get3A_165 = arith.constant 1 : index
    %get3A_166 = arith.constant 3 : index
    %get3A_167 = arith.constant 0 : index
    %get3A_168 = vector.load %arg6[%get3A_165, %get3A_166, %get3A_167] : memref<2x4x768xf32, #tpu.memory_space<vmem>>, vector<1x1x768xf32>
    %get3A_169 = vector.shape_cast %get3A_168 : vector<1x1x768xf32> to vector<768xf32>
    %eq3A_170 = vector.broadcast %add3A_164 : i32 to vector<1024x1xi32>
    %eq3A_171 = arith.cmpi eq, %iota3A, %eq3A_170 : vector<1024x1xi32>
    %broadcast_in_dim3A_172 = vector.shape_cast %get3A_169 : vector<768xf32> to vector<1x768xf32>
    %broadcast_in_dim3A_173 = vector.shape_cast %eq3A_171 : vector<1024x1xi1> to vector<1024x1xi1>
    %broadcast_in_dim3A_174 = vector.broadcast %broadcast_in_dim3A_173 : vector<1024x1xi1> to vector<1024x768xi1>
    %broadcast_in_dim3A_175 = vector.shape_cast %broadcast_in_dim3A_172 : vector<1x768xf32> to vector<1x768xf32>
    %broadcast_in_dim3A_176 = vector.broadcast %broadcast_in_dim3A_175 : vector<1x768xf32> to vector<1024x768xf32>
    %select_n3A_177 = arith.select %broadcast_in_dim3A_174, %broadcast_in_dim3A_176, %select_n3A_157 : vector<1024x768xi1>, vector<1024x768xf32>
    %add3A_178 = arith.addf %add3A_14, %select_n3A_177 : vector<1024x768xf32>
    %reduce_sum3A = arith.constant dense<0.000000e+00> : vector<1024xf32>
    %reduce_sum3A_179 = vector.multi_reduction <add>, %add3A_178, %reduce_sum3A [1] : vector<1024x768xf32> to vector<1024xf32>
    %broadcast_in_dim3A_180 = vector.shape_cast %reduce_sum3A_179 : vector<1024xf32> to vector<1024x1xf32>
    %div3A = arith.constant 7.680000e+02 : f32
    %div3A_181 = vector.broadcast %div3A : f32 to vector<1024x1xf32>
    %div3A_182 = arith.divf %broadcast_in_dim3A_180, %div3A_181 : vector<1024x1xf32>
    %sub3A = vector.broadcast %div3A_182 : vector<1024x1xf32> to vector<1024x768xf32>
    %sub3A_183 = arith.subf %add3A_178, %sub3A : vector<1024x768xf32>
    %integer_pow3A = arith.mulf %sub3A_183, %sub3A_183 : vector<1024x768xf32>
    %reduce_sum3A_184 = arith.constant dense<0.000000e+00> : vector<1024xf32>
    %reduce_sum3A_185 = vector.multi_reduction <add>, %integer_pow3A, %reduce_sum3A_184 [1] : vector<1024x768xf32> to vector<1024xf32>
    %broadcast_in_dim3A_186 = vector.shape_cast %reduce_sum3A_185 : vector<1024xf32> to vector<1024x1xf32>
    %div3A_187 = arith.constant 7.680000e+02 : f32
    %div3A_188 = vector.broadcast %div3A_187 : f32 to vector<1024x1xf32>
    %div3A_189 = arith.divf %broadcast_in_dim3A_186, %div3A_188 : vector<1024x1xf32>
    %sub3A_190 = vector.broadcast %div3A_182 : vector<1024x1xf32> to vector<1024x768xf32>
    %sub3A_191 = arith.subf %add3A_178, %sub3A_190 : vector<1024x768xf32>
    %add3A_192 = arith.constant 9.99999996E-13 : f32
    %add3A_193 = vector.broadcast %add3A_192 : f32 to vector<1024x1xf32>
    %add3A_194 = arith.addf %div3A_189, %add3A_193 : vector<1024x1xf32>
    %sqrt3A = math.sqrt %add3A_194 : vector<1024x1xf32>
    %div3A_195 = vector.broadcast %sqrt3A : vector<1024x1xf32> to vector<1024x768xf32>
    %div3A_196 = arith.divf %sub3A_191, %div3A_195 : vector<1024x768xf32>
    %get3A_197 = arith.constant 0 : index
    %get3A_198 = arith.constant 0 : index
    %get3A_199 = vector.load %arg7[%get3A_197, %get3A_198] : memref<1x768xf32, #tpu.memory_space<vmem>>, vector<1x768xf32>
    %mul3A_200 = vector.broadcast %get3A_199 : vector<1x768xf32> to vector<1024x768xf32>
    %mul3A_201 = arith.mulf %div3A_196, %mul3A_200 : vector<1024x768xf32>
    %get3A_202 = arith.constant 0 : index
    %get3A_203 = arith.constant 0 : index
    %get3A_204 = vector.load %arg8[%get3A_202, %get3A_203] : memref<1x768xf32, #tpu.memory_space<vmem>>, vector<1x768xf32>
    %add3A_205 = vector.broadcast %get3A_204 : vector<1x768xf32> to vector<1024x768xf32>
    %add3A_206 = arith.addf %mul3A_201, %add3A_205 : vector<1024x768xf32>
    %swap3A = arith.constant 0 : index
    %swap3A_207 = arith.constant 0 : index
    %swap3A_208 = vector.load %arg9[%swap3A, %swap3A_207] : memref<1024x768xf32, #tpu.memory_space<vmem>>, vector<1024x768xf32>
    tpu.vector_store %arg9[%swap3A, %swap3A_207], %add3A_206 {strides = array<i32>} : memref<1024x768xf32, #tpu.memory_space<vmem>>, vector<1024x768xf32>,
    return
  }
  func.func @transform_0(%arg0: i32) -> (i32, i32) {
    %c0_i32 = arith.constant 0 : i32
    %c0_i32_0 = arith.constant 0 : i32
    %c0_i32_1 = arith.constant 0 : i32
    return %c0_i32, %c0_i32_0 : i32, i32
  }
  func.func @transform_1(%arg0: i32) -> (i32, i32) {
    %c0_i32 = arith.constant 0 : i32
    %c0_i32_0 = arith.constant 0 : i32
    return %arg0, %c0_i32 : i32, i32
  }
  func.func @transform_2(%arg0: i32) -> (i32, i32) {
    %c0_i32 = arith.constant 0 : i32
    %c0_i32_0 = arith.constant 0 : i32
    %c0_i32_1 = arith.constant 0 : i32
    return %c0_i32, %c0_i32_0 : i32, i32
  }
  func.func @transform_3(%arg0: i32) -> (i32, i32) {
    %c0_i32 = arith.constant 0 : i32
    %c0_i32_0 = arith.constant 0 : i32
    %c0_i32_1 = arith.constant 0 : i32
    return %c0_i32, %c0_i32_0 : i32, i32
  }
  func.func @transform_4(%arg0: i32) -> (i32, i32) {
    %c0_i32 = arith.constant 0 : i32
    %c0_i32_0 = arith.constant 0 : i32
    %c0_i32_1 = arith.constant 0 : i32
    return %c0_i32, %c0_i32_0 : i32, i32
  }
  func.func @transform_5(%arg0: i32) -> (i32, i32, i32) {
    %add3A = arith.constant 0 : i32
    %add3A_0 = arith.addi %add3A, %arg0 : i32
    %c0_i32 = arith.constant 0 : i32
    %c0_i32_1 = arith.constant 0 : i32
    %c0_i32_2 = arith.constant 0 : i32
    return %add3A_0, %c0_i32, %c0_i32_1 : i32, i32, i32
  }
  func.func @transform_6(%arg0: i32) -> (i32, i32) {
    %c0_i32 = arith.constant 0 : i32
    %c0_i32_0 = arith.constant 0 : i32
    %c0_i32_1 = arith.constant 0 : i32
    return %c0_i32, %c0_i32_0 : i32, i32
  }
  func.func @transform_7(%arg0: i32) -> (i32, i32) {
    %c0_i32 = arith.constant 0 : i32
    %c0_i32_0 = arith.constant 0 : i32
    %c0_i32_1 = arith.constant 0 : i32
    return %c0_i32, %c0_i32_0 : i32, i32
  }
  func.func @transform_8(%arg0: i32) -> (i32, i32) {
    %add3A = arith.constant 0 : i32
    %add3A_0 = arith.addi %add3A, %arg0 : i32
    %c0_i32 = arith.constant 0 : i32
    %c0_i32_1 = arith.constant 0 : i32
    return %add3A_0, %c0_i32 : i32, i32
  }
}

module attributes {stable_mosaic.version = 14 : i64} {
  func.func @body_al(%arg0: i32, %arg1: memref<32768x768xf32, #tpu.memory_space<any>>, %arg2: memref<64x4xi32, #tpu.memory_space<smem>>, %arg3: memref<1024x768xf32, #tpu.memory_space<vmem>>, %arg4: memref<512x768xf32, #tpu.memory_space<vmem>>, %arg5: memref<1x768xf32, #tpu.memory_space<vmem>>, %arg6: memref<1x768xf32, #tpu.memory_space<vmem>>, %arg7: memref<2x4x768xf32, #tpu.memory_space<vmem>>, %arg8: memref<1x768xf32, #tpu.memory_space<vmem>>, %arg9: memref<1x768xf32, #tpu.memory_space<vmem>>, %arg10: memref<1024x768xf32, #tpu.memory_space<vmem>>) attributes {dimension_semantics = [#tpu.dimension_semantics<arbitrary>], iteration_bounds = array<i64: 8>, scalar_prefetch = 0 : i64, scratch_operands = 0 : i64, tpu.core_type = #tpu.core_type<tc>, window_params = [{}, {transform_indices = @transform_1, window_bounds = array<i64: 64, 4>}, {transform_indices = @transform_2, window_bounds = array<i64: 1024, 768>}, {pipeline_mode = #tpu.pipeline_mode<synchronous>, transform_indices = @transform_3, window_bounds = array<i64: 512, 768>}, {pipeline_mode = #tpu.pipeline_mode<synchronous>, transform_indices = @transform_4, window_bounds = array<i64: 1, 768>}, {pipeline_mode = #tpu.pipeline_mode<synchronous>, transform_indices = @transform_5, window_bounds = array<i64: 1, 768>}, {transform_indices = @transform_6, window_bounds = array<i64: 2, 4, 768>}, {pipeline_mode = #tpu.pipeline_mode<synchronous>, transform_indices = @transform_7, window_bounds = array<i64: 1, 768>}, {pipeline_mode = #tpu.pipeline_mode<synchronous>, transform_indices = @transform_8, window_bounds = array<i64: 1, 768>}, {transform_indices = @transform_9, window_bounds = array<i64: 1024, 768>}]} {
    %mul3A = arith.constant 2 : i32
    %mul3A_0 = arith.muli %arg0, %mul3A : i32
    %add3A = arith.constant 8 : i32
    %add3A_1 = arith.addi %add3A, %mul3A_0 : i32
    %get3A = arith.constant 0 : index
    %get3A_2 = arith.constant 0 : index
    %get3A_3 = vector.load %arg3[%get3A, %get3A_2] : memref<1024x768xf32, #tpu.memory_space<vmem>>, vector<1024x768xf32>
    %reshape3A = vector.shape_cast %get3A_3 : vector<1024x768xf32> to vector<2x512x768xf32>
    %get3A_4 = arith.constant 0 : index
    %get3A_5 = arith.constant 0 : index
    %get3A_6 = vector.load %arg4[%get3A_4, %get3A_5] : memref<512x768xf32, #tpu.memory_space<vmem>>, vector<512x768xf32>
    %broadcast_in_dim3A = vector.shape_cast %get3A_6 : vector<512x768xf32> to vector<1x512x768xf32>
    %add3A_7 = vector.broadcast %broadcast_in_dim3A : vector<1x512x768xf32> to vector<2x512x768xf32>
    %add3A_8 = arith.addf %reshape3A, %add3A_7 : vector<2x512x768xf32>
    %reshape3A_9 = vector.shape_cast %add3A_8 : vector<2x512x768xf32> to vector<1024x768xf32>
    %get3A_10 = arith.constant 0 : index
    %get3A_11 = arith.constant 0 : index
    %get3A_12 = vector.load %arg5[%get3A_10, %get3A_11] : memref<1x768xf32, #tpu.memory_space<vmem>>, vector<1x768xf32>
    %add3A_13 = vector.broadcast %get3A_12 : vector<1x768xf32> to vector<1024x768xf32>
    %add3A_14 = arith.addf %reshape3A_9, %add3A_13 : vector<1024x768xf32>
    %get3A_15 = arith.constant 0 : index
    %get3A_16 = arith.constant 0 : index
    %get3A_17 = vector.load %arg6[%get3A_15, %get3A_16] : memref<1x768xf32, #tpu.memory_space<vmem>>, vector<1x768xf32>
    %broadcast_in_dim3A_18 = vector.shape_cast %get3A_17 : vector<1x768xf32> to vector<1x768xf32>
    %broadcast_in_dim3A_19 = vector.broadcast %broadcast_in_dim3A_18 : vector<1x768xf32> to vector<1024x768xf32>
    %iota3A = tpu.iota {dimensions = array<i32: 0>} : vector<1024x1xi32>
    %add3A_20 = arith.constant 0 : i32
    %add3A_21 = arith.addi %add3A_1, %add3A_20 : i32
    %get3A_22 = arith.index_cast %add3A_21 : i32 to index
    %get3A_23 = arith.constant 0 : index
    %get3A_24 = memref.load %arg2[%get3A_22, %get3A_23] : memref<64x4xi32, #tpu.memory_space<smem>>
    %add3A_25 = arith.constant 0 : i32
    %add3A_26 = arith.addi %get3A_24, %add3A_25 : i32
    %get3A_27 = arith.constant 0 : index
    %get3A_28 = arith.constant 0 : index
    %get3A_29 = arith.constant 0 : index
    %get3A_30 = vector.load %arg7[%get3A_27, %get3A_28, %get3A_29] : memref<2x4x768xf32, #tpu.memory_space<vmem>>, vector<1x1x768xf32>
    %get3A_31 = vector.shape_cast %get3A_30 : vector<1x1x768xf32> to vector<768xf32>
    %eq3A = vector.broadcast %add3A_26 : i32 to vector<1024x1xi32>
    %eq3A_32 = arith.cmpi eq, %iota3A, %eq3A : vector<1024x1xi32>
    %broadcast_in_dim3A_33 = vector.shape_cast %get3A_31 : vector<768xf32> to vector<1x768xf32>
    %broadcast_in_dim3A_34 = vector.shape_cast %eq3A_32 : vector<1024x1xi1> to vector<1024x1xi1>
    %broadcast_in_dim3A_35 = vector.broadcast %broadcast_in_dim3A_34 : vector<1024x1xi1> to vector<1024x768xi1>
    %broadcast_in_dim3A_36 = vector.shape_cast %broadcast_in_dim3A_33 : vector<1x768xf32> to vector<1x768xf32>
    %broadcast_in_dim3A_37 = vector.broadcast %broadcast_in_dim3A_36 : vector<1x768xf32> to vector<1024x768xf32>
    %select_n3A = arith.select %broadcast_in_dim3A_35, %broadcast_in_dim3A_37, %broadcast_in_dim3A_19 : vector<1024x768xi1>, vector<1024x768xf32>
    %add3A_38 = arith.constant 0 : i32
    %add3A_39 = arith.addi %add3A_1, %add3A_38 : i32
    %get3A_40 = arith.index_cast %add3A_39 : i32 to index
    %get3A_41 = arith.constant 1 : index
    %get3A_42 = memref.load %arg2[%get3A_40, %get3A_41] : memref<64x4xi32, #tpu.memory_space<smem>>
    %add3A_43 = arith.constant 0 : i32
    %add3A_44 = arith.addi %get3A_42, %add3A_43 : i32
    %get3A_45 = arith.constant 0 : index
    %get3A_46 = arith.constant 1 : index
    %get3A_47 = arith.constant 0 : index
    %get3A_48 = vector.load %arg7[%get3A_45, %get3A_46, %get3A_47] : memref<2x4x768xf32, #tpu.memory_space<vmem>>, vector<1x1x768xf32>
    %get3A_49 = vector.shape_cast %get3A_48 : vector<1x1x768xf32> to vector<768xf32>
    %eq3A_50 = vector.broadcast %add3A_44 : i32 to vector<1024x1xi32>
    %eq3A_51 = arith.cmpi eq, %iota3A, %eq3A_50 : vector<1024x1xi32>
    %broadcast_in_dim3A_52 = vector.shape_cast %get3A_49 : vector<768xf32> to vector<1x768xf32>
    %broadcast_in_dim3A_53 = vector.shape_cast %eq3A_51 : vector<1024x1xi1> to vector<1024x1xi1>
    %broadcast_in_dim3A_54 = vector.broadcast %broadcast_in_dim3A_53 : vector<1024x1xi1> to vector<1024x768xi1>
    %broadcast_in_dim3A_55 = vector.shape_cast %broadcast_in_dim3A_52 : vector<1x768xf32> to vector<1x768xf32>
    %broadcast_in_dim3A_56 = vector.broadcast %broadcast_in_dim3A_55 : vector<1x768xf32> to vector<1024x768xf32>
    %select_n3A_57 = arith.select %broadcast_in_dim3A_54, %broadcast_in_dim3A_56, %select_n3A : vector<1024x768xi1>, vector<1024x768xf32>
    %add3A_58 = arith.constant 0 : i32
    %add3A_59 = arith.addi %add3A_1, %add3A_58 : i32
    %get3A_60 = arith.index_cast %add3A_59 : i32 to index
    %get3A_61 = arith.constant 2 : index
    %get3A_62 = memref.load %arg2[%get3A_60, %get3A_61] : memref<64x4xi32, #tpu.memory_space<smem>>
    %add3A_63 = arith.constant 0 : i32
    %add3A_64 = arith.addi %get3A_62, %add3A_63 : i32
    %get3A_65 = arith.constant 0 : index
    %get3A_66 = arith.constant 2 : index
    %get3A_67 = arith.constant 0 : index
    %get3A_68 = vector.load %arg7[%get3A_65, %get3A_66, %get3A_67] : memref<2x4x768xf32, #tpu.memory_space<vmem>>, vector<1x1x768xf32>
    %get3A_69 = vector.shape_cast %get3A_68 : vector<1x1x768xf32> to vector<768xf32>
    %eq3A_70 = vector.broadcast %add3A_64 : i32 to vector<1024x1xi32>
    %eq3A_71 = arith.cmpi eq, %iota3A, %eq3A_70 : vector<1024x1xi32>
    %broadcast_in_dim3A_72 = vector.shape_cast %get3A_69 : vector<768xf32> to vector<1x768xf32>
    %broadcast_in_dim3A_73 = vector.shape_cast %eq3A_71 : vector<1024x1xi1> to vector<1024x1xi1>
    %broadcast_in_dim3A_74 = vector.broadcast %broadcast_in_dim3A_73 : vector<1024x1xi1> to vector<1024x768xi1>
    %broadcast_in_dim3A_75 = vector.shape_cast %broadcast_in_dim3A_72 : vector<1x768xf32> to vector<1x768xf32>
    %broadcast_in_dim3A_76 = vector.broadcast %broadcast_in_dim3A_75 : vector<1x768xf32> to vector<1024x768xf32>
    %select_n3A_77 = arith.select %broadcast_in_dim3A_74, %broadcast_in_dim3A_76, %select_n3A_57 : vector<1024x768xi1>, vector<1024x768xf32>
    %add3A_78 = arith.constant 0 : i32
    %add3A_79 = arith.addi %add3A_1, %add3A_78 : i32
    %get3A_80 = arith.index_cast %add3A_79 : i32 to index
    %get3A_81 = arith.constant 3 : index
    %get3A_82 = memref.load %arg2[%get3A_80, %get3A_81] : memref<64x4xi32, #tpu.memory_space<smem>>
    %add3A_83 = arith.constant 0 : i32
    %add3A_84 = arith.addi %get3A_82, %add3A_83 : i32
    %get3A_85 = arith.constant 0 : index
    %get3A_86 = arith.constant 3 : index
    %get3A_87 = arith.constant 0 : index
    %get3A_88 = vector.load %arg7[%get3A_85, %get3A_86, %get3A_87] : memref<2x4x768xf32, #tpu.memory_space<vmem>>, vector<1x1x768xf32>
    %get3A_89 = vector.shape_cast %get3A_88 : vector<1x1x768xf32> to vector<768xf32>
    %eq3A_90 = vector.broadcast %add3A_84 : i32 to vector<1024x1xi32>
    %eq3A_91 = arith.cmpi eq, %iota3A, %eq3A_90 : vector<1024x1xi32>
    %broadcast_in_dim3A_92 = vector.shape_cast %get3A_89 : vector<768xf32> to vector<1x768xf32>
    %broadcast_in_dim3A_93 = vector.shape_cast %eq3A_91 : vector<1024x1xi1> to vector<1024x1xi1>
    %broadcast_in_dim3A_94 = vector.broadcast %broadcast_in_dim3A_93 : vector<1024x1xi1> to vector<1024x768xi1>
    %broadcast_in_dim3A_95 = vector.shape_cast %broadcast_in_dim3A_92 : vector<1x768xf32> to vector<1x768xf32>
    %broadcast_in_dim3A_96 = vector.broadcast %broadcast_in_dim3A_95 : vector<1x768xf32> to vector<1024x768xf32>
    %select_n3A_97 = arith.select %broadcast_in_dim3A_94, %broadcast_in_dim3A_96, %select_n3A_77 : vector<1024x768xi1>, vector<1024x768xf32>
    %add3A_98 = arith.constant 1 : i32
    %add3A_99 = arith.addi %add3A_1, %add3A_98 : i32
    %get3A_100 = arith.index_cast %add3A_99 : i32 to index
    %get3A_101 = arith.constant 0 : index
    %get3A_102 = memref.load %arg2[%get3A_100, %get3A_101] : memref<64x4xi32, #tpu.memory_space<smem>>
    %add3A_103 = arith.constant 512 : i32
    %add3A_104 = arith.addi %get3A_102, %add3A_103 : i32
    %get3A_105 = arith.constant 1 : index
    %get3A_106 = arith.constant 0 : index
    %get3A_107 = arith.constant 0 : index
    %get3A_108 = vector.load %arg7[%get3A_105, %get3A_106, %get3A_107] : memref<2x4x768xf32, #tpu.memory_space<vmem>>, vector<1x1x768xf32>
    %get3A_109 = vector.shape_cast %get3A_108 : vector<1x1x768xf32> to vector<768xf32>
    %eq3A_110 = vector.broadcast %add3A_104 : i32 to vector<1024x1xi32>
    %eq3A_111 = arith.cmpi eq, %iota3A, %eq3A_110 : vector<1024x1xi32>
    %broadcast_in_dim3A_112 = vector.shape_cast %get3A_109 : vector<768xf32> to vector<1x768xf32>
    %broadcast_in_dim3A_113 = vector.shape_cast %eq3A_111 : vector<1024x1xi1> to vector<1024x1xi1>
    %broadcast_in_dim3A_114 = vector.broadcast %broadcast_in_dim3A_113 : vector<1024x1xi1> to vector<1024x768xi1>
    %broadcast_in_dim3A_115 = vector.shape_cast %broadcast_in_dim3A_112 : vector<1x768xf32> to vector<1x768xf32>
    %broadcast_in_dim3A_116 = vector.broadcast %broadcast_in_dim3A_115 : vector<1x768xf32> to vector<1024x768xf32>
    %select_n3A_117 = arith.select %broadcast_in_dim3A_114, %broadcast_in_dim3A_116, %select_n3A_97 : vector<1024x768xi1>, vector<1024x768xf32>
    %add3A_118 = arith.constant 1 : i32
    %add3A_119 = arith.addi %add3A_1, %add3A_118 : i32
    %get3A_120 = arith.index_cast %add3A_119 : i32 to index
    %get3A_121 = arith.constant 1 : index
    %get3A_122 = memref.load %arg2[%get3A_120, %get3A_121] : memref<64x4xi32, #tpu.memory_space<smem>>
    %add3A_123 = arith.constant 512 : i32
    %add3A_124 = arith.addi %get3A_122, %add3A_123 : i32
    %get3A_125 = arith.constant 1 : index
    %get3A_126 = arith.constant 1 : index
    %get3A_127 = arith.constant 0 : index
    %get3A_128 = vector.load %arg7[%get3A_125, %get3A_126, %get3A_127] : memref<2x4x768xf32, #tpu.memory_space<vmem>>, vector<1x1x768xf32>
    %get3A_129 = vector.shape_cast %get3A_128 : vector<1x1x768xf32> to vector<768xf32>
    %eq3A_130 = vector.broadcast %add3A_124 : i32 to vector<1024x1xi32>
    %eq3A_131 = arith.cmpi eq, %iota3A, %eq3A_130 : vector<1024x1xi32>
    %broadcast_in_dim3A_132 = vector.shape_cast %get3A_129 : vector<768xf32> to vector<1x768xf32>
    %broadcast_in_dim3A_133 = vector.shape_cast %eq3A_131 : vector<1024x1xi1> to vector<1024x1xi1>
    %broadcast_in_dim3A_134 = vector.broadcast %broadcast_in_dim3A_133 : vector<1024x1xi1> to vector<1024x768xi1>
    %broadcast_in_dim3A_135 = vector.shape_cast %broadcast_in_dim3A_132 : vector<1x768xf32> to vector<1x768xf32>
    %broadcast_in_dim3A_136 = vector.broadcast %broadcast_in_dim3A_135 : vector<1x768xf32> to vector<1024x768xf32>
    %select_n3A_137 = arith.select %broadcast_in_dim3A_134, %broadcast_in_dim3A_136, %select_n3A_117 : vector<1024x768xi1>, vector<1024x768xf32>
    %add3A_138 = arith.constant 1 : i32
    %add3A_139 = arith.addi %add3A_1, %add3A_138 : i32
    %get3A_140 = arith.index_cast %add3A_139 : i32 to index
    %get3A_141 = arith.constant 2 : index
    %get3A_142 = memref.load %arg2[%get3A_140, %get3A_141] : memref<64x4xi32, #tpu.memory_space<smem>>
    %add3A_143 = arith.constant 512 : i32
    %add3A_144 = arith.addi %get3A_142, %add3A_143 : i32
    %get3A_145 = arith.constant 1 : index
    %get3A_146 = arith.constant 2 : index
    %get3A_147 = arith.constant 0 : index
    %get3A_148 = vector.load %arg7[%get3A_145, %get3A_146, %get3A_147] : memref<2x4x768xf32, #tpu.memory_space<vmem>>, vector<1x1x768xf32>
    %get3A_149 = vector.shape_cast %get3A_148 : vector<1x1x768xf32> to vector<768xf32>
    %eq3A_150 = vector.broadcast %add3A_144 : i32 to vector<1024x1xi32>
    %eq3A_151 = arith.cmpi eq, %iota3A, %eq3A_150 : vector<1024x1xi32>
    %broadcast_in_dim3A_152 = vector.shape_cast %get3A_149 : vector<768xf32> to vector<1x768xf32>
    %broadcast_in_dim3A_153 = vector.shape_cast %eq3A_151 : vector<1024x1xi1> to vector<1024x1xi1>
    %broadcast_in_dim3A_154 = vector.broadcast %broadcast_in_dim3A_153 : vector<1024x1xi1> to vector<1024x768xi1>
    %broadcast_in_dim3A_155 = vector.shape_cast %broadcast_in_dim3A_152 : vector<1x768xf32> to vector<1x768xf32>
    %broadcast_in_dim3A_156 = vector.broadcast %broadcast_in_dim3A_155 : vector<1x768xf32> to vector<1024x768xf32>
    %select_n3A_157 = arith.select %broadcast_in_dim3A_154, %broadcast_in_dim3A_156, %select_n3A_137 : vector<1024x768xi1>, vector<1024x768xf32>
    %add3A_158 = arith.constant 1 : i32
    %add3A_159 = arith.addi %add3A_1, %add3A_158 : i32
    %get3A_160 = arith.index_cast %add3A_159 : i32 to index
    %get3A_161 = arith.constant 3 : index
    %get3A_162 = memref.load %arg2[%get3A_160, %get3A_161] : memref<64x4xi32, #tpu.memory_space<smem>>
    %add3A_163 = arith.constant 512 : i32
    %add3A_164 = arith.addi %get3A_162, %add3A_163 : i32
    %get3A_165 = arith.constant 1 : index
    %get3A_166 = arith.constant 3 : index
    %get3A_167 = arith.constant 0 : index
    %get3A_168 = vector.load %arg7[%get3A_165, %get3A_166, %get3A_167] : memref<2x4x768xf32, #tpu.memory_space<vmem>>, vector<1x1x768xf32>
    %get3A_169 = vector.shape_cast %get3A_168 : vector<1x1x768xf32> to vector<768xf32>
    %eq3A_170 = vector.broadcast %add3A_164 : i32 to vector<1024x1xi32>
    %eq3A_171 = arith.cmpi eq, %iota3A, %eq3A_170 : vector<1024x1xi32>
    %broadcast_in_dim3A_172 = vector.shape_cast %get3A_169 : vector<768xf32> to vector<1x768xf32>
    %broadcast_in_dim3A_173 = vector.shape_cast %eq3A_171 : vector<1024x1xi1> to vector<1024x1xi1>
    %broadcast_in_dim3A_174 = vector.broadcast %broadcast_in_dim3A_173 : vector<1024x1xi1> to vector<1024x768xi1>
    %broadcast_in_dim3A_175 = vector.shape_cast %broadcast_in_dim3A_172 : vector<1x768xf32> to vector<1x768xf32>
    %broadcast_in_dim3A_176 = vector.broadcast %broadcast_in_dim3A_175 : vector<1x768xf32> to vector<1024x768xf32>
    %select_n3A_177 = arith.select %broadcast_in_dim3A_174, %broadcast_in_dim3A_176, %select_n3A_157 : vector<1024x768xi1>, vector<1024x768xf32>
    %add3A_178 = arith.addf %add3A_14, %select_n3A_177 : vector<1024x768xf32>
    %reduce_sum3A = arith.constant dense<0.000000e+00> : vector<1024xf32>
    %reduce_sum3A_179 = vector.multi_reduction <add>, %add3A_178, %reduce_sum3A [1] : vector<1024x768xf32> to vector<1024xf32>
    %broadcast_in_dim3A_180 = vector.shape_cast %reduce_sum3A_179 : vector<1024xf32> to vector<1024x1xf32>
    %div3A = arith.constant 7.680000e+02 : f32
    %div3A_181 = vector.broadcast %div3A : f32 to vector<1024x1xf32>
    %div3A_182 = arith.divf %broadcast_in_dim3A_180, %div3A_181 : vector<1024x1xf32>
    %sub3A = vector.broadcast %div3A_182 : vector<1024x1xf32> to vector<1024x768xf32>
    %sub3A_183 = arith.subf %add3A_178, %sub3A : vector<1024x768xf32>
    %integer_pow3A = arith.mulf %sub3A_183, %sub3A_183 : vector<1024x768xf32>
    %reduce_sum3A_184 = arith.constant dense<0.000000e+00> : vector<1024xf32>
    %reduce_sum3A_185 = vector.multi_reduction <add>, %integer_pow3A, %reduce_sum3A_184 [1] : vector<1024x768xf32> to vector<1024xf32>
    %broadcast_in_dim3A_186 = vector.shape_cast %reduce_sum3A_185 : vector<1024xf32> to vector<1024x1xf32>
    %div3A_187 = arith.constant 7.680000e+02 : f32
    %div3A_188 = vector.broadcast %div3A_187 : f32 to vector<1024x1xf32>
    %div3A_189 = arith.divf %broadcast_in_dim3A_186, %div3A_188 : vector<1024x1xf32>
    %sub3A_190 = vector.broadcast %div3A_182 : vector<1024x1xf32> to vector<1024x768xf32>
    %sub3A_191 = arith.subf %add3A_178, %sub3A_190 : vector<1024x768xf32>
    %add3A_192 = arith.constant 9.99999996E-13 : f32
    %add3A_193 = vector.broadcast %add3A_192 : f32 to vector<1024x1xf32>
    %add3A_194 = arith.addf %div3A_189, %add3A_193 : vector<1024x1xf32>
    %sqrt3A = math.sqrt %add3A_194 : vector<1024x1xf32>
    %div3A_195 = vector.broadcast %sqrt3A : vector<1024x1xf32> to vector<1024x768xf32>
    %div3A_196 = arith.divf %sub3A_191, %div3A_195 : vector<1024x768xf32>
    %get3A_197 = arith.constant 0 : index
    %get3A_198 = arith.constant 0 : index
    %get3A_199 = vector.load %arg8[%get3A_197, %get3A_198] : memref<1x768xf32, #tpu.memory_space<vmem>>, vector<1x768xf32>
    %mul3A_200 = vector.broadcast %get3A_199 : vector<1x768xf32> to vector<1024x768xf32>
    %mul3A_201 = arith.mulf %div3A_196, %mul3A_200 : vector<1024x768xf32>
    %get3A_202 = arith.constant 0 : index
    %get3A_203 = arith.constant 0 : index
    %get3A_204 = vector.load %arg9[%get3A_202, %get3A_203] : memref<1x768xf32, #tpu.memory_space<vmem>>, vector<1x768xf32>
    %add3A_205 = vector.broadcast %get3A_204 : vector<1x768xf32> to vector<1024x768xf32>
    %add3A_206 = arith.addf %mul3A_201, %add3A_205 : vector<1024x768xf32>
    %swap3A = arith.constant 0 : index
    %swap3A_207 = arith.constant 0 : index
    %swap3A_208 = vector.load %arg10[%swap3A, %swap3A_207] : memref<1024x768xf32, #tpu.memory_space<vmem>>, vector<1024x768xf32>
    tpu.vector_store %arg10[%swap3A, %swap3A_207], %add3A_206 {strides = array<i32>} : memref<1024x768xf32, #tpu.memory_space<vmem>>, vector<1024x768xf32>,
    return
  }
  func.func @transform_1(%arg0: i32) -> (i32, i32) {
    %c0_i32 = arith.constant 0 : i32
    %c0_i32_0 = arith.constant 0 : i32
    %c0_i32_1 = arith.constant 0 : i32
    return %c0_i32, %c0_i32_0 : i32, i32
  }
  func.func @transform_2(%arg0: i32) -> (i32, i32) {
    %c0_i32 = arith.constant 0 : i32
    %c0_i32_0 = arith.constant 0 : i32
    return %arg0, %c0_i32 : i32, i32
  }
  func.func @transform_3(%arg0: i32) -> (i32, i32) {
    %c0_i32 = arith.constant 0 : i32
    %c0_i32_0 = arith.constant 0 : i32
    %c0_i32_1 = arith.constant 0 : i32
    return %c0_i32, %c0_i32_0 : i32, i32
  }
  func.func @transform_4(%arg0: i32) -> (i32, i32) {
    %c0_i32 = arith.constant 0 : i32
    %c0_i32_0 = arith.constant 0 : i32
    %c0_i32_1 = arith.constant 0 : i32
    return %c0_i32, %c0_i32_0 : i32, i32
  }
  func.func @transform_5(%arg0: i32) -> (i32, i32) {
    %c0_i32 = arith.constant 0 : i32
    %c0_i32_0 = arith.constant 0 : i32
    %c0_i32_1 = arith.constant 0 : i32
    return %c0_i32, %c0_i32_0 : i32, i32
  }
  func.func @transform_6(%arg0: i32) -> (i32, i32, i32) {
    %add3A = arith.constant 4 : i32
    %add3A_0 = arith.addi %add3A, %arg0 : i32
    %c0_i32 = arith.constant 0 : i32
    %c0_i32_1 = arith.constant 0 : i32
    %c0_i32_2 = arith.constant 0 : i32
    return %add3A_0, %c0_i32, %c0_i32_1 : i32, i32, i32
  }
  func.func @transform_7(%arg0: i32) -> (i32, i32) {
    %c0_i32 = arith.constant 0 : i32
    %c0_i32_0 = arith.constant 0 : i32
    %c0_i32_1 = arith.constant 0 : i32
    return %c0_i32, %c0_i32_0 : i32, i32
  }
  func.func @transform_8(%arg0: i32) -> (i32, i32) {
    %c0_i32 = arith.constant 0 : i32
    %c0_i32_0 = arith.constant 0 : i32
    %c0_i32_1 = arith.constant 0 : i32
    return %c0_i32, %c0_i32_0 : i32, i32
  }
  func.func @transform_9(%arg0: i32) -> (i32, i32) {
    %add3A = arith.constant 4 : i32
    %add3A_0 = arith.addi %add3A, %arg0 : i32
    %c0_i32 = arith.constant 0 : i32
    %c0_i32_1 = arith.constant 0 : i32
    return %add3A_0, %c0_i32 : i32, i32
  }
}

module attributes {stable_mosaic.version = 14 : i64} {
  func.func @body_al(%arg0: i32, %arg1: memref<32768x768xf32, #tpu.memory_space<any>>, %arg2: memref<64x4xi32, #tpu.memory_space<smem>>, %arg3: memref<1024x768xf32, #tpu.memory_space<vmem>>, %arg4: memref<512x768xf32, #tpu.memory_space<vmem>>, %arg5: memref<1x768xf32, #tpu.memory_space<vmem>>, %arg6: memref<1x768xf32, #tpu.memory_space<vmem>>, %arg7: memref<2x4x768xf32, #tpu.memory_space<vmem>>, %arg8: memref<1x768xf32, #tpu.memory_space<vmem>>, %arg9: memref<1x768xf32, #tpu.memory_space<vmem>>, %arg10: memref<1024x768xf32, #tpu.memory_space<vmem>>) attributes {dimension_semantics = [#tpu.dimension_semantics<arbitrary>], iteration_bounds = array<i64: 8>, scalar_prefetch = 0 : i64, scratch_operands = 0 : i64, tpu.core_type = #tpu.core_type<tc>, window_params = [{}, {transform_indices = @transform_1, window_bounds = array<i64: 64, 4>}, {transform_indices = @transform_2, window_bounds = array<i64: 1024, 768>}, {pipeline_mode = #tpu.pipeline_mode<synchronous>, transform_indices = @transform_3, window_bounds = array<i64: 512, 768>}, {pipeline_mode = #tpu.pipeline_mode<synchronous>, transform_indices = @transform_4, window_bounds = array<i64: 1, 768>}, {pipeline_mode = #tpu.pipeline_mode<synchronous>, transform_indices = @transform_5, window_bounds = array<i64: 1, 768>}, {transform_indices = @transform_6, window_bounds = array<i64: 2, 4, 768>}, {pipeline_mode = #tpu.pipeline_mode<synchronous>, transform_indices = @transform_7, window_bounds = array<i64: 1, 768>}, {pipeline_mode = #tpu.pipeline_mode<synchronous>, transform_indices = @transform_8, window_bounds = array<i64: 1, 768>}, {transform_indices = @transform_9, window_bounds = array<i64: 1024, 768>}]} {
    %mul3A = arith.constant 2 : i32
    %mul3A_0 = arith.muli %arg0, %mul3A : i32
    %add3A = arith.constant 24 : i32
    %add3A_1 = arith.addi %add3A, %mul3A_0 : i32
    %get3A = arith.constant 0 : index
    %get3A_2 = arith.constant 0 : index
    %get3A_3 = vector.load %arg3[%get3A, %get3A_2] : memref<1024x768xf32, #tpu.memory_space<vmem>>, vector<1024x768xf32>
    %reshape3A = vector.shape_cast %get3A_3 : vector<1024x768xf32> to vector<2x512x768xf32>
    %get3A_4 = arith.constant 0 : index
    %get3A_5 = arith.constant 0 : index
    %get3A_6 = vector.load %arg4[%get3A_4, %get3A_5] : memref<512x768xf32, #tpu.memory_space<vmem>>, vector<512x768xf32>
    %broadcast_in_dim3A = vector.shape_cast %get3A_6 : vector<512x768xf32> to vector<1x512x768xf32>
    %add3A_7 = vector.broadcast %broadcast_in_dim3A : vector<1x512x768xf32> to vector<2x512x768xf32>
    %add3A_8 = arith.addf %reshape3A, %add3A_7 : vector<2x512x768xf32>
    %reshape3A_9 = vector.shape_cast %add3A_8 : vector<2x512x768xf32> to vector<1024x768xf32>
    %get3A_10 = arith.constant 0 : index
    %get3A_11 = arith.constant 0 : index
    %get3A_12 = vector.load %arg5[%get3A_10, %get3A_11] : memref<1x768xf32, #tpu.memory_space<vmem>>, vector<1x768xf32>
    %add3A_13 = vector.broadcast %get3A_12 : vector<1x768xf32> to vector<1024x768xf32>
    %add3A_14 = arith.addf %reshape3A_9, %add3A_13 : vector<1024x768xf32>
    %get3A_15 = arith.constant 0 : index
    %get3A_16 = arith.constant 0 : index
    %get3A_17 = vector.load %arg6[%get3A_15, %get3A_16] : memref<1x768xf32, #tpu.memory_space<vmem>>, vector<1x768xf32>
    %broadcast_in_dim3A_18 = vector.shape_cast %get3A_17 : vector<1x768xf32> to vector<1x768xf32>
    %broadcast_in_dim3A_19 = vector.broadcast %broadcast_in_dim3A_18 : vector<1x768xf32> to vector<1024x768xf32>
    %iota3A = tpu.iota {dimensions = array<i32: 0>} : vector<1024x1xi32>
    %add3A_20 = arith.constant 0 : i32
    %add3A_21 = arith.addi %add3A_1, %add3A_20 : i32
    %get3A_22 = arith.index_cast %add3A_21 : i32 to index
    %get3A_23 = arith.constant 0 : index
    %get3A_24 = memref.load %arg2[%get3A_22, %get3A_23] : memref<64x4xi32, #tpu.memory_space<smem>>
    %add3A_25 = arith.constant 0 : i32
    %add3A_26 = arith.addi %get3A_24, %add3A_25 : i32
    %get3A_27 = arith.constant 0 : index
    %get3A_28 = arith.constant 0 : index
    %get3A_29 = arith.constant 0 : index
    %get3A_30 = vector.load %arg7[%get3A_27, %get3A_28, %get3A_29] : memref<2x4x768xf32, #tpu.memory_space<vmem>>, vector<1x1x768xf32>
    %get3A_31 = vector.shape_cast %get3A_30 : vector<1x1x768xf32> to vector<768xf32>
    %eq3A = vector.broadcast %add3A_26 : i32 to vector<1024x1xi32>
    %eq3A_32 = arith.cmpi eq, %iota3A, %eq3A : vector<1024x1xi32>
    %broadcast_in_dim3A_33 = vector.shape_cast %get3A_31 : vector<768xf32> to vector<1x768xf32>
    %broadcast_in_dim3A_34 = vector.shape_cast %eq3A_32 : vector<1024x1xi1> to vector<1024x1xi1>
    %broadcast_in_dim3A_35 = vector.broadcast %broadcast_in_dim3A_34 : vector<1024x1xi1> to vector<1024x768xi1>
    %broadcast_in_dim3A_36 = vector.shape_cast %broadcast_in_dim3A_33 : vector<1x768xf32> to vector<1x768xf32>
    %broadcast_in_dim3A_37 = vector.broadcast %broadcast_in_dim3A_36 : vector<1x768xf32> to vector<1024x768xf32>
    %select_n3A = arith.select %broadcast_in_dim3A_35, %broadcast_in_dim3A_37, %broadcast_in_dim3A_19 : vector<1024x768xi1>, vector<1024x768xf32>
    %add3A_38 = arith.constant 0 : i32
    %add3A_39 = arith.addi %add3A_1, %add3A_38 : i32
    %get3A_40 = arith.index_cast %add3A_39 : i32 to index
    %get3A_41 = arith.constant 1 : index
    %get3A_42 = memref.load %arg2[%get3A_40, %get3A_41] : memref<64x4xi32, #tpu.memory_space<smem>>
    %add3A_43 = arith.constant 0 : i32
    %add3A_44 = arith.addi %get3A_42, %add3A_43 : i32
    %get3A_45 = arith.constant 0 : index
    %get3A_46 = arith.constant 1 : index
    %get3A_47 = arith.constant 0 : index
    %get3A_48 = vector.load %arg7[%get3A_45, %get3A_46, %get3A_47] : memref<2x4x768xf32, #tpu.memory_space<vmem>>, vector<1x1x768xf32>
    %get3A_49 = vector.shape_cast %get3A_48 : vector<1x1x768xf32> to vector<768xf32>
    %eq3A_50 = vector.broadcast %add3A_44 : i32 to vector<1024x1xi32>
    %eq3A_51 = arith.cmpi eq, %iota3A, %eq3A_50 : vector<1024x1xi32>
    %broadcast_in_dim3A_52 = vector.shape_cast %get3A_49 : vector<768xf32> to vector<1x768xf32>
    %broadcast_in_dim3A_53 = vector.shape_cast %eq3A_51 : vector<1024x1xi1> to vector<1024x1xi1>
    %broadcast_in_dim3A_54 = vector.broadcast %broadcast_in_dim3A_53 : vector<1024x1xi1> to vector<1024x768xi1>
    %broadcast_in_dim3A_55 = vector.shape_cast %broadcast_in_dim3A_52 : vector<1x768xf32> to vector<1x768xf32>
    %broadcast_in_dim3A_56 = vector.broadcast %broadcast_in_dim3A_55 : vector<1x768xf32> to vector<1024x768xf32>
    %select_n3A_57 = arith.select %broadcast_in_dim3A_54, %broadcast_in_dim3A_56, %select_n3A : vector<1024x768xi1>, vector<1024x768xf32>
    %add3A_58 = arith.constant 0 : i32
    %add3A_59 = arith.addi %add3A_1, %add3A_58 : i32
    %get3A_60 = arith.index_cast %add3A_59 : i32 to index
    %get3A_61 = arith.constant 2 : index
    %get3A_62 = memref.load %arg2[%get3A_60, %get3A_61] : memref<64x4xi32, #tpu.memory_space<smem>>
    %add3A_63 = arith.constant 0 : i32
    %add3A_64 = arith.addi %get3A_62, %add3A_63 : i32
    %get3A_65 = arith.constant 0 : index
    %get3A_66 = arith.constant 2 : index
    %get3A_67 = arith.constant 0 : index
    %get3A_68 = vector.load %arg7[%get3A_65, %get3A_66, %get3A_67] : memref<2x4x768xf32, #tpu.memory_space<vmem>>, vector<1x1x768xf32>
    %get3A_69 = vector.shape_cast %get3A_68 : vector<1x1x768xf32> to vector<768xf32>
    %eq3A_70 = vector.broadcast %add3A_64 : i32 to vector<1024x1xi32>
    %eq3A_71 = arith.cmpi eq, %iota3A, %eq3A_70 : vector<1024x1xi32>
    %broadcast_in_dim3A_72 = vector.shape_cast %get3A_69 : vector<768xf32> to vector<1x768xf32>
    %broadcast_in_dim3A_73 = vector.shape_cast %eq3A_71 : vector<1024x1xi1> to vector<1024x1xi1>
    %broadcast_in_dim3A_74 = vector.broadcast %broadcast_in_dim3A_73 : vector<1024x1xi1> to vector<1024x768xi1>
    %broadcast_in_dim3A_75 = vector.shape_cast %broadcast_in_dim3A_72 : vector<1x768xf32> to vector<1x768xf32>
    %broadcast_in_dim3A_76 = vector.broadcast %broadcast_in_dim3A_75 : vector<1x768xf32> to vector<1024x768xf32>
    %select_n3A_77 = arith.select %broadcast_in_dim3A_74, %broadcast_in_dim3A_76, %select_n3A_57 : vector<1024x768xi1>, vector<1024x768xf32>
    %add3A_78 = arith.constant 0 : i32
    %add3A_79 = arith.addi %add3A_1, %add3A_78 : i32
    %get3A_80 = arith.index_cast %add3A_79 : i32 to index
    %get3A_81 = arith.constant 3 : index
    %get3A_82 = memref.load %arg2[%get3A_80, %get3A_81] : memref<64x4xi32, #tpu.memory_space<smem>>
    %add3A_83 = arith.constant 0 : i32
    %add3A_84 = arith.addi %get3A_82, %add3A_83 : i32
    %get3A_85 = arith.constant 0 : index
    %get3A_86 = arith.constant 3 : index
    %get3A_87 = arith.constant 0 : index
    %get3A_88 = vector.load %arg7[%get3A_85, %get3A_86, %get3A_87] : memref<2x4x768xf32, #tpu.memory_space<vmem>>, vector<1x1x768xf32>
    %get3A_89 = vector.shape_cast %get3A_88 : vector<1x1x768xf32> to vector<768xf32>
    %eq3A_90 = vector.broadcast %add3A_84 : i32 to vector<1024x1xi32>
    %eq3A_91 = arith.cmpi eq, %iota3A, %eq3A_90 : vector<1024x1xi32>
    %broadcast_in_dim3A_92 = vector.shape_cast %get3A_89 : vector<768xf32> to vector<1x768xf32>
    %broadcast_in_dim3A_93 = vector.shape_cast %eq3A_91 : vector<1024x1xi1> to vector<1024x1xi1>
    %broadcast_in_dim3A_94 = vector.broadcast %broadcast_in_dim3A_93 : vector<1024x1xi1> to vector<1024x768xi1>
    %broadcast_in_dim3A_95 = vector.shape_cast %broadcast_in_dim3A_92 : vector<1x768xf32> to vector<1x768xf32>
    %broadcast_in_dim3A_96 = vector.broadcast %broadcast_in_dim3A_95 : vector<1x768xf32> to vector<1024x768xf32>
    %select_n3A_97 = arith.select %broadcast_in_dim3A_94, %broadcast_in_dim3A_96, %select_n3A_77 : vector<1024x768xi1>, vector<1024x768xf32>
    %add3A_98 = arith.constant 1 : i32
    %add3A_99 = arith.addi %add3A_1, %add3A_98 : i32
    %get3A_100 = arith.index_cast %add3A_99 : i32 to index
    %get3A_101 = arith.constant 0 : index
    %get3A_102 = memref.load %arg2[%get3A_100, %get3A_101] : memref<64x4xi32, #tpu.memory_space<smem>>
    %add3A_103 = arith.constant 512 : i32
    %add3A_104 = arith.addi %get3A_102, %add3A_103 : i32
    %get3A_105 = arith.constant 1 : index
    %get3A_106 = arith.constant 0 : index
    %get3A_107 = arith.constant 0 : index
    %get3A_108 = vector.load %arg7[%get3A_105, %get3A_106, %get3A_107] : memref<2x4x768xf32, #tpu.memory_space<vmem>>, vector<1x1x768xf32>
    %get3A_109 = vector.shape_cast %get3A_108 : vector<1x1x768xf32> to vector<768xf32>
    %eq3A_110 = vector.broadcast %add3A_104 : i32 to vector<1024x1xi32>
    %eq3A_111 = arith.cmpi eq, %iota3A, %eq3A_110 : vector<1024x1xi32>
    %broadcast_in_dim3A_112 = vector.shape_cast %get3A_109 : vector<768xf32> to vector<1x768xf32>
    %broadcast_in_dim3A_113 = vector.shape_cast %eq3A_111 : vector<1024x1xi1> to vector<1024x1xi1>
    %broadcast_in_dim3A_114 = vector.broadcast %broadcast_in_dim3A_113 : vector<1024x1xi1> to vector<1024x768xi1>
    %broadcast_in_dim3A_115 = vector.shape_cast %broadcast_in_dim3A_112 : vector<1x768xf32> to vector<1x768xf32>
    %broadcast_in_dim3A_116 = vector.broadcast %broadcast_in_dim3A_115 : vector<1x768xf32> to vector<1024x768xf32>
    %select_n3A_117 = arith.select %broadcast_in_dim3A_114, %broadcast_in_dim3A_116, %select_n3A_97 : vector<1024x768xi1>, vector<1024x768xf32>
    %add3A_118 = arith.constant 1 : i32
    %add3A_119 = arith.addi %add3A_1, %add3A_118 : i32
    %get3A_120 = arith.index_cast %add3A_119 : i32 to index
    %get3A_121 = arith.constant 1 : index
    %get3A_122 = memref.load %arg2[%get3A_120, %get3A_121] : memref<64x4xi32, #tpu.memory_space<smem>>
    %add3A_123 = arith.constant 512 : i32
    %add3A_124 = arith.addi %get3A_122, %add3A_123 : i32
    %get3A_125 = arith.constant 1 : index
    %get3A_126 = arith.constant 1 : index
    %get3A_127 = arith.constant 0 : index
    %get3A_128 = vector.load %arg7[%get3A_125, %get3A_126, %get3A_127] : memref<2x4x768xf32, #tpu.memory_space<vmem>>, vector<1x1x768xf32>
    %get3A_129 = vector.shape_cast %get3A_128 : vector<1x1x768xf32> to vector<768xf32>
    %eq3A_130 = vector.broadcast %add3A_124 : i32 to vector<1024x1xi32>
    %eq3A_131 = arith.cmpi eq, %iota3A, %eq3A_130 : vector<1024x1xi32>
    %broadcast_in_dim3A_132 = vector.shape_cast %get3A_129 : vector<768xf32> to vector<1x768xf32>
    %broadcast_in_dim3A_133 = vector.shape_cast %eq3A_131 : vector<1024x1xi1> to vector<1024x1xi1>
    %broadcast_in_dim3A_134 = vector.broadcast %broadcast_in_dim3A_133 : vector<1024x1xi1> to vector<1024x768xi1>
    %broadcast_in_dim3A_135 = vector.shape_cast %broadcast_in_dim3A_132 : vector<1x768xf32> to vector<1x768xf32>
    %broadcast_in_dim3A_136 = vector.broadcast %broadcast_in_dim3A_135 : vector<1x768xf32> to vector<1024x768xf32>
    %select_n3A_137 = arith.select %broadcast_in_dim3A_134, %broadcast_in_dim3A_136, %select_n3A_117 : vector<1024x768xi1>, vector<1024x768xf32>
    %add3A_138 = arith.constant 1 : i32
    %add3A_139 = arith.addi %add3A_1, %add3A_138 : i32
    %get3A_140 = arith.index_cast %add3A_139 : i32 to index
    %get3A_141 = arith.constant 2 : index
    %get3A_142 = memref.load %arg2[%get3A_140, %get3A_141] : memref<64x4xi32, #tpu.memory_space<smem>>
    %add3A_143 = arith.constant 512 : i32
    %add3A_144 = arith.addi %get3A_142, %add3A_143 : i32
    %get3A_145 = arith.constant 1 : index
    %get3A_146 = arith.constant 2 : index
    %get3A_147 = arith.constant 0 : index
    %get3A_148 = vector.load %arg7[%get3A_145, %get3A_146, %get3A_147] : memref<2x4x768xf32, #tpu.memory_space<vmem>>, vector<1x1x768xf32>
    %get3A_149 = vector.shape_cast %get3A_148 : vector<1x1x768xf32> to vector<768xf32>
    %eq3A_150 = vector.broadcast %add3A_144 : i32 to vector<1024x1xi32>
    %eq3A_151 = arith.cmpi eq, %iota3A, %eq3A_150 : vector<1024x1xi32>
    %broadcast_in_dim3A_152 = vector.shape_cast %get3A_149 : vector<768xf32> to vector<1x768xf32>
    %broadcast_in_dim3A_153 = vector.shape_cast %eq3A_151 : vector<1024x1xi1> to vector<1024x1xi1>
    %broadcast_in_dim3A_154 = vector.broadcast %broadcast_in_dim3A_153 : vector<1024x1xi1> to vector<1024x768xi1>
    %broadcast_in_dim3A_155 = vector.shape_cast %broadcast_in_dim3A_152 : vector<1x768xf32> to vector<1x768xf32>
    %broadcast_in_dim3A_156 = vector.broadcast %broadcast_in_dim3A_155 : vector<1x768xf32> to vector<1024x768xf32>
    %select_n3A_157 = arith.select %broadcast_in_dim3A_154, %broadcast_in_dim3A_156, %select_n3A_137 : vector<1024x768xi1>, vector<1024x768xf32>
    %add3A_158 = arith.constant 1 : i32
    %add3A_159 = arith.addi %add3A_1, %add3A_158 : i32
    %get3A_160 = arith.index_cast %add3A_159 : i32 to index
    %get3A_161 = arith.constant 3 : index
    %get3A_162 = memref.load %arg2[%get3A_160, %get3A_161] : memref<64x4xi32, #tpu.memory_space<smem>>
    %add3A_163 = arith.constant 512 : i32
    %add3A_164 = arith.addi %get3A_162, %add3A_163 : i32
    %get3A_165 = arith.constant 1 : index
    %get3A_166 = arith.constant 3 : index
    %get3A_167 = arith.constant 0 : index
    %get3A_168 = vector.load %arg7[%get3A_165, %get3A_166, %get3A_167] : memref<2x4x768xf32, #tpu.memory_space<vmem>>, vector<1x1x768xf32>
    %get3A_169 = vector.shape_cast %get3A_168 : vector<1x1x768xf32> to vector<768xf32>
    %eq3A_170 = vector.broadcast %add3A_164 : i32 to vector<1024x1xi32>
    %eq3A_171 = arith.cmpi eq, %iota3A, %eq3A_170 : vector<1024x1xi32>
    %broadcast_in_dim3A_172 = vector.shape_cast %get3A_169 : vector<768xf32> to vector<1x768xf32>
    %broadcast_in_dim3A_173 = vector.shape_cast %eq3A_171 : vector<1024x1xi1> to vector<1024x1xi1>
    %broadcast_in_dim3A_174 = vector.broadcast %broadcast_in_dim3A_173 : vector<1024x1xi1> to vector<1024x768xi1>
    %broadcast_in_dim3A_175 = vector.shape_cast %broadcast_in_dim3A_172 : vector<1x768xf32> to vector<1x768xf32>
    %broadcast_in_dim3A_176 = vector.broadcast %broadcast_in_dim3A_175 : vector<1x768xf32> to vector<1024x768xf32>
    %select_n3A_177 = arith.select %broadcast_in_dim3A_174, %broadcast_in_dim3A_176, %select_n3A_157 : vector<1024x768xi1>, vector<1024x768xf32>
    %add3A_178 = arith.addf %add3A_14, %select_n3A_177 : vector<1024x768xf32>
    %reduce_sum3A = arith.constant dense<0.000000e+00> : vector<1024xf32>
    %reduce_sum3A_179 = vector.multi_reduction <add>, %add3A_178, %reduce_sum3A [1] : vector<1024x768xf32> to vector<1024xf32>
    %broadcast_in_dim3A_180 = vector.shape_cast %reduce_sum3A_179 : vector<1024xf32> to vector<1024x1xf32>
    %div3A = arith.constant 7.680000e+02 : f32
    %div3A_181 = vector.broadcast %div3A : f32 to vector<1024x1xf32>
    %div3A_182 = arith.divf %broadcast_in_dim3A_180, %div3A_181 : vector<1024x1xf32>
    %sub3A = vector.broadcast %div3A_182 : vector<1024x1xf32> to vector<1024x768xf32>
    %sub3A_183 = arith.subf %add3A_178, %sub3A : vector<1024x768xf32>
    %integer_pow3A = arith.mulf %sub3A_183, %sub3A_183 : vector<1024x768xf32>
    %reduce_sum3A_184 = arith.constant dense<0.000000e+00> : vector<1024xf32>
    %reduce_sum3A_185 = vector.multi_reduction <add>, %integer_pow3A, %reduce_sum3A_184 [1] : vector<1024x768xf32> to vector<1024xf32>
    %broadcast_in_dim3A_186 = vector.shape_cast %reduce_sum3A_185 : vector<1024xf32> to vector<1024x1xf32>
    %div3A_187 = arith.constant 7.680000e+02 : f32
    %div3A_188 = vector.broadcast %div3A_187 : f32 to vector<1024x1xf32>
    %div3A_189 = arith.divf %broadcast_in_dim3A_186, %div3A_188 : vector<1024x1xf32>
    %sub3A_190 = vector.broadcast %div3A_182 : vector<1024x1xf32> to vector<1024x768xf32>
    %sub3A_191 = arith.subf %add3A_178, %sub3A_190 : vector<1024x768xf32>
    %add3A_192 = arith.constant 9.99999996E-13 : f32
    %add3A_193 = vector.broadcast %add3A_192 : f32 to vector<1024x1xf32>
    %add3A_194 = arith.addf %div3A_189, %add3A_193 : vector<1024x1xf32>
    %sqrt3A = math.sqrt %add3A_194 : vector<1024x1xf32>
    %div3A_195 = vector.broadcast %sqrt3A : vector<1024x1xf32> to vector<1024x768xf32>
    %div3A_196 = arith.divf %sub3A_191, %div3A_195 : vector<1024x768xf32>
    %get3A_197 = arith.constant 0 : index
    %get3A_198 = arith.constant 0 : index
    %get3A_199 = vector.load %arg8[%get3A_197, %get3A_198] : memref<1x768xf32, #tpu.memory_space<vmem>>, vector<1x768xf32>
    %mul3A_200 = vector.broadcast %get3A_199 : vector<1x768xf32> to vector<1024x768xf32>
    %mul3A_201 = arith.mulf %div3A_196, %mul3A_200 : vector<1024x768xf32>
    %get3A_202 = arith.constant 0 : index
    %get3A_203 = arith.constant 0 : index
    %get3A_204 = vector.load %arg9[%get3A_202, %get3A_203] : memref<1x768xf32, #tpu.memory_space<vmem>>, vector<1x768xf32>
    %add3A_205 = vector.broadcast %get3A_204 : vector<1x768xf32> to vector<1024x768xf32>
    %add3A_206 = arith.addf %mul3A_201, %add3A_205 : vector<1024x768xf32>
    %swap3A = arith.constant 0 : index
    %swap3A_207 = arith.constant 0 : index
    %swap3A_208 = vector.load %arg10[%swap3A, %swap3A_207] : memref<1024x768xf32, #tpu.memory_space<vmem>>, vector<1024x768xf32>
    tpu.vector_store %arg10[%swap3A, %swap3A_207], %add3A_206 {strides = array<i32>} : memref<1024x768xf32, #tpu.memory_space<vmem>>, vector<1024x768xf32>,
    return
  }
  func.func @transform_1(%arg0: i32) -> (i32, i32) {
    %c0_i32 = arith.constant 0 : i32
    %c0_i32_0 = arith.constant 0 : i32
    %c0_i32_1 = arith.constant 0 : i32
    return %c0_i32, %c0_i32_0 : i32, i32
  }
  func.func @transform_2(%arg0: i32) -> (i32, i32) {
    %c0_i32 = arith.constant 0 : i32
    %c0_i32_0 = arith.constant 0 : i32
    return %arg0, %c0_i32 : i32, i32
  }
  func.func @transform_3(%arg0: i32) -> (i32, i32) {
    %c0_i32 = arith.constant 0 : i32
    %c0_i32_0 = arith.constant 0 : i32
    %c0_i32_1 = arith.constant 0 : i32
    return %c0_i32, %c0_i32_0 : i32, i32
  }
  func.func @transform_4(%arg0: i32) -> (i32, i32) {
    %c0_i32 = arith.constant 0 : i32
    %c0_i32_0 = arith.constant 0 : i32
    %c0_i32_1 = arith.constant 0 : i32
    return %c0_i32, %c0_i32_0 : i32, i32
  }
  func.func @transform_5(%arg0: i32) -> (i32, i32) {
    %c0_i32 = arith.constant 0 : i32
    %c0_i32_0 = arith.constant 0 : i32
    %c0_i32_1 = arith.constant 0 : i32
    return %c0_i32, %c0_i32_0 : i32, i32
  }
  func.func @transform_6(%arg0: i32) -> (i32, i32, i32) {
    %add3A = arith.constant 12 : i32
    %add3A_0 = arith.addi %add3A, %arg0 : i32
    %c0_i32 = arith.constant 0 : i32
    %c0_i32_1 = arith.constant 0 : i32
    %c0_i32_2 = arith.constant 0 : i32
    return %add3A_0, %c0_i32, %c0_i32_1 : i32, i32, i32
  }
  func.func @transform_7(%arg0: i32) -> (i32, i32) {
    %c0_i32 = arith.constant 0 : i32
    %c0_i32_0 = arith.constant 0 : i32
    %c0_i32_1 = arith.constant 0 : i32
    return %c0_i32, %c0_i32_0 : i32, i32
  }
  func.func @transform_8(%arg0: i32) -> (i32, i32) {
    %c0_i32 = arith.constant 0 : i32
    %c0_i32_0 = arith.constant 0 : i32
    %c0_i32_1 = arith.constant 0 : i32
    return %c0_i32, %c0_i32_0 : i32, i32
  }
  func.func @transform_9(%arg0: i32) -> (i32, i32) {
    %add3A = arith.constant 12 : i32
    %add3A_0 = arith.addi %add3A, %arg0 : i32
    %c0_i32 = arith.constant 0 : i32
    %c0_i32_1 = arith.constant 0 : i32
    return %add3A_0, %c0_i32 : i32, i32
  }
}

module attributes {stable_mosaic.version = 14 : i64} {
  func.func @body_al(%arg0: i32, %arg1: memref<32768x768xf32, #tpu.memory_space<any>>, %arg2: memref<64x4xi32, #tpu.memory_space<smem>>, %arg3: memref<1024x768xf32, #tpu.memory_space<vmem>>, %arg4: memref<512x768xf32, #tpu.memory_space<vmem>>, %arg5: memref<1x768xf32, #tpu.memory_space<vmem>>, %arg6: memref<1x768xf32, #tpu.memory_space<vmem>>, %arg7: memref<2x4x768xf32, #tpu.memory_space<vmem>>, %arg8: memref<1x768xf32, #tpu.memory_space<vmem>>, %arg9: memref<1x768xf32, #tpu.memory_space<vmem>>, %arg10: memref<1024x768xf32, #tpu.memory_space<vmem>>) attributes {dimension_semantics = [#tpu.dimension_semantics<arbitrary>], iteration_bounds = array<i64: 8>, scalar_prefetch = 0 : i64, scratch_operands = 0 : i64, tpu.core_type = #tpu.core_type<tc>, window_params = [{}, {transform_indices = @transform_1, window_bounds = array<i64: 64, 4>}, {transform_indices = @transform_2, window_bounds = array<i64: 1024, 768>}, {pipeline_mode = #tpu.pipeline_mode<synchronous>, transform_indices = @transform_3, window_bounds = array<i64: 512, 768>}, {pipeline_mode = #tpu.pipeline_mode<synchronous>, transform_indices = @transform_4, window_bounds = array<i64: 1, 768>}, {pipeline_mode = #tpu.pipeline_mode<synchronous>, transform_indices = @transform_5, window_bounds = array<i64: 1, 768>}, {transform_indices = @transform_6, window_bounds = array<i64: 2, 4, 768>}, {pipeline_mode = #tpu.pipeline_mode<synchronous>, transform_indices = @transform_7, window_bounds = array<i64: 1, 768>}, {pipeline_mode = #tpu.pipeline_mode<synchronous>, transform_indices = @transform_8, window_bounds = array<i64: 1, 768>}, {transform_indices = @transform_9, window_bounds = array<i64: 1024, 768>}]} {
    %mul3A = arith.constant 2 : i32
    %mul3A_0 = arith.muli %arg0, %mul3A : i32
    %add3A = arith.constant 40 : i32
    %add3A_1 = arith.addi %add3A, %mul3A_0 : i32
    %get3A = arith.constant 0 : index
    %get3A_2 = arith.constant 0 : index
    %get3A_3 = vector.load %arg3[%get3A, %get3A_2] : memref<1024x768xf32, #tpu.memory_space<vmem>>, vector<1024x768xf32>
    %reshape3A = vector.shape_cast %get3A_3 : vector<1024x768xf32> to vector<2x512x768xf32>
    %get3A_4 = arith.constant 0 : index
    %get3A_5 = arith.constant 0 : index
    %get3A_6 = vector.load %arg4[%get3A_4, %get3A_5] : memref<512x768xf32, #tpu.memory_space<vmem>>, vector<512x768xf32>
    %broadcast_in_dim3A = vector.shape_cast %get3A_6 : vector<512x768xf32> to vector<1x512x768xf32>
    %add3A_7 = vector.broadcast %broadcast_in_dim3A : vector<1x512x768xf32> to vector<2x512x768xf32>
    %add3A_8 = arith.addf %reshape3A, %add3A_7 : vector<2x512x768xf32>
    %reshape3A_9 = vector.shape_cast %add3A_8 : vector<2x512x768xf32> to vector<1024x768xf32>
    %get3A_10 = arith.constant 0 : index
    %get3A_11 = arith.constant 0 : index
    %get3A_12 = vector.load %arg5[%get3A_10, %get3A_11] : memref<1x768xf32, #tpu.memory_space<vmem>>, vector<1x768xf32>
    %add3A_13 = vector.broadcast %get3A_12 : vector<1x768xf32> to vector<1024x768xf32>
    %add3A_14 = arith.addf %reshape3A_9, %add3A_13 : vector<1024x768xf32>
    %get3A_15 = arith.constant 0 : index
    %get3A_16 = arith.constant 0 : index
    %get3A_17 = vector.load %arg6[%get3A_15, %get3A_16] : memref<1x768xf32, #tpu.memory_space<vmem>>, vector<1x768xf32>
    %broadcast_in_dim3A_18 = vector.shape_cast %get3A_17 : vector<1x768xf32> to vector<1x768xf32>
    %broadcast_in_dim3A_19 = vector.broadcast %broadcast_in_dim3A_18 : vector<1x768xf32> to vector<1024x768xf32>
    %iota3A = tpu.iota {dimensions = array<i32: 0>} : vector<1024x1xi32>
    %add3A_20 = arith.constant 0 : i32
    %add3A_21 = arith.addi %add3A_1, %add3A_20 : i32
    %get3A_22 = arith.index_cast %add3A_21 : i32 to index
    %get3A_23 = arith.constant 0 : index
    %get3A_24 = memref.load %arg2[%get3A_22, %get3A_23] : memref<64x4xi32, #tpu.memory_space<smem>>
    %add3A_25 = arith.constant 0 : i32
    %add3A_26 = arith.addi %get3A_24, %add3A_25 : i32
    %get3A_27 = arith.constant 0 : index
    %get3A_28 = arith.constant 0 : index
    %get3A_29 = arith.constant 0 : index
    %get3A_30 = vector.load %arg7[%get3A_27, %get3A_28, %get3A_29] : memref<2x4x768xf32, #tpu.memory_space<vmem>>, vector<1x1x768xf32>
    %get3A_31 = vector.shape_cast %get3A_30 : vector<1x1x768xf32> to vector<768xf32>
    %eq3A = vector.broadcast %add3A_26 : i32 to vector<1024x1xi32>
    %eq3A_32 = arith.cmpi eq, %iota3A, %eq3A : vector<1024x1xi32>
    %broadcast_in_dim3A_33 = vector.shape_cast %get3A_31 : vector<768xf32> to vector<1x768xf32>
    %broadcast_in_dim3A_34 = vector.shape_cast %eq3A_32 : vector<1024x1xi1> to vector<1024x1xi1>
    %broadcast_in_dim3A_35 = vector.broadcast %broadcast_in_dim3A_34 : vector<1024x1xi1> to vector<1024x768xi1>
    %broadcast_in_dim3A_36 = vector.shape_cast %broadcast_in_dim3A_33 : vector<1x768xf32> to vector<1x768xf32>
    %broadcast_in_dim3A_37 = vector.broadcast %broadcast_in_dim3A_36 : vector<1x768xf32> to vector<1024x768xf32>
    %select_n3A = arith.select %broadcast_in_dim3A_35, %broadcast_in_dim3A_37, %broadcast_in_dim3A_19 : vector<1024x768xi1>, vector<1024x768xf32>
    %add3A_38 = arith.constant 0 : i32
    %add3A_39 = arith.addi %add3A_1, %add3A_38 : i32
    %get3A_40 = arith.index_cast %add3A_39 : i32 to index
    %get3A_41 = arith.constant 1 : index
    %get3A_42 = memref.load %arg2[%get3A_40, %get3A_41] : memref<64x4xi32, #tpu.memory_space<smem>>
    %add3A_43 = arith.constant 0 : i32
    %add3A_44 = arith.addi %get3A_42, %add3A_43 : i32
    %get3A_45 = arith.constant 0 : index
    %get3A_46 = arith.constant 1 : index
    %get3A_47 = arith.constant 0 : index
    %get3A_48 = vector.load %arg7[%get3A_45, %get3A_46, %get3A_47] : memref<2x4x768xf32, #tpu.memory_space<vmem>>, vector<1x1x768xf32>
    %get3A_49 = vector.shape_cast %get3A_48 : vector<1x1x768xf32> to vector<768xf32>
    %eq3A_50 = vector.broadcast %add3A_44 : i32 to vector<1024x1xi32>
    %eq3A_51 = arith.cmpi eq, %iota3A, %eq3A_50 : vector<1024x1xi32>
    %broadcast_in_dim3A_52 = vector.shape_cast %get3A_49 : vector<768xf32> to vector<1x768xf32>
    %broadcast_in_dim3A_53 = vector.shape_cast %eq3A_51 : vector<1024x1xi1> to vector<1024x1xi1>
    %broadcast_in_dim3A_54 = vector.broadcast %broadcast_in_dim3A_53 : vector<1024x1xi1> to vector<1024x768xi1>
    %broadcast_in_dim3A_55 = vector.shape_cast %broadcast_in_dim3A_52 : vector<1x768xf32> to vector<1x768xf32>
    %broadcast_in_dim3A_56 = vector.broadcast %broadcast_in_dim3A_55 : vector<1x768xf32> to vector<1024x768xf32>
    %select_n3A_57 = arith.select %broadcast_in_dim3A_54, %broadcast_in_dim3A_56, %select_n3A : vector<1024x768xi1>, vector<1024x768xf32>
    %add3A_58 = arith.constant 0 : i32
    %add3A_59 = arith.addi %add3A_1, %add3A_58 : i32
    %get3A_60 = arith.index_cast %add3A_59 : i32 to index
    %get3A_61 = arith.constant 2 : index
    %get3A_62 = memref.load %arg2[%get3A_60, %get3A_61] : memref<64x4xi32, #tpu.memory_space<smem>>
    %add3A_63 = arith.constant 0 : i32
    %add3A_64 = arith.addi %get3A_62, %add3A_63 : i32
    %get3A_65 = arith.constant 0 : index
    %get3A_66 = arith.constant 2 : index
    %get3A_67 = arith.constant 0 : index
    %get3A_68 = vector.load %arg7[%get3A_65, %get3A_66, %get3A_67] : memref<2x4x768xf32, #tpu.memory_space<vmem>>, vector<1x1x768xf32>
    %get3A_69 = vector.shape_cast %get3A_68 : vector<1x1x768xf32> to vector<768xf32>
    %eq3A_70 = vector.broadcast %add3A_64 : i32 to vector<1024x1xi32>
    %eq3A_71 = arith.cmpi eq, %iota3A, %eq3A_70 : vector<1024x1xi32>
    %broadcast_in_dim3A_72 = vector.shape_cast %get3A_69 : vector<768xf32> to vector<1x768xf32>
    %broadcast_in_dim3A_73 = vector.shape_cast %eq3A_71 : vector<1024x1xi1> to vector<1024x1xi1>
    %broadcast_in_dim3A_74 = vector.broadcast %broadcast_in_dim3A_73 : vector<1024x1xi1> to vector<1024x768xi1>
    %broadcast_in_dim3A_75 = vector.shape_cast %broadcast_in_dim3A_72 : vector<1x768xf32> to vector<1x768xf32>
    %broadcast_in_dim3A_76 = vector.broadcast %broadcast_in_dim3A_75 : vector<1x768xf32> to vector<1024x768xf32>
    %select_n3A_77 = arith.select %broadcast_in_dim3A_74, %broadcast_in_dim3A_76, %select_n3A_57 : vector<1024x768xi1>, vector<1024x768xf32>
    %add3A_78 = arith.constant 0 : i32
    %add3A_79 = arith.addi %add3A_1, %add3A_78 : i32
    %get3A_80 = arith.index_cast %add3A_79 : i32 to index
    %get3A_81 = arith.constant 3 : index
    %get3A_82 = memref.load %arg2[%get3A_80, %get3A_81] : memref<64x4xi32, #tpu.memory_space<smem>>
    %add3A_83 = arith.constant 0 : i32
    %add3A_84 = arith.addi %get3A_82, %add3A_83 : i32
    %get3A_85 = arith.constant 0 : index
    %get3A_86 = arith.constant 3 : index
    %get3A_87 = arith.constant 0 : index
    %get3A_88 = vector.load %arg7[%get3A_85, %get3A_86, %get3A_87] : memref<2x4x768xf32, #tpu.memory_space<vmem>>, vector<1x1x768xf32>
    %get3A_89 = vector.shape_cast %get3A_88 : vector<1x1x768xf32> to vector<768xf32>
    %eq3A_90 = vector.broadcast %add3A_84 : i32 to vector<1024x1xi32>
    %eq3A_91 = arith.cmpi eq, %iota3A, %eq3A_90 : vector<1024x1xi32>
    %broadcast_in_dim3A_92 = vector.shape_cast %get3A_89 : vector<768xf32> to vector<1x768xf32>
    %broadcast_in_dim3A_93 = vector.shape_cast %eq3A_91 : vector<1024x1xi1> to vector<1024x1xi1>
    %broadcast_in_dim3A_94 = vector.broadcast %broadcast_in_dim3A_93 : vector<1024x1xi1> to vector<1024x768xi1>
    %broadcast_in_dim3A_95 = vector.shape_cast %broadcast_in_dim3A_92 : vector<1x768xf32> to vector<1x768xf32>
    %broadcast_in_dim3A_96 = vector.broadcast %broadcast_in_dim3A_95 : vector<1x768xf32> to vector<1024x768xf32>
    %select_n3A_97 = arith.select %broadcast_in_dim3A_94, %broadcast_in_dim3A_96, %select_n3A_77 : vector<1024x768xi1>, vector<1024x768xf32>
    %add3A_98 = arith.constant 1 : i32
    %add3A_99 = arith.addi %add3A_1, %add3A_98 : i32
    %get3A_100 = arith.index_cast %add3A_99 : i32 to index
    %get3A_101 = arith.constant 0 : index
    %get3A_102 = memref.load %arg2[%get3A_100, %get3A_101] : memref<64x4xi32, #tpu.memory_space<smem>>
    %add3A_103 = arith.constant 512 : i32
    %add3A_104 = arith.addi %get3A_102, %add3A_103 : i32
    %get3A_105 = arith.constant 1 : index
    %get3A_106 = arith.constant 0 : index
    %get3A_107 = arith.constant 0 : index
    %get3A_108 = vector.load %arg7[%get3A_105, %get3A_106, %get3A_107] : memref<2x4x768xf32, #tpu.memory_space<vmem>>, vector<1x1x768xf32>
    %get3A_109 = vector.shape_cast %get3A_108 : vector<1x1x768xf32> to vector<768xf32>
    %eq3A_110 = vector.broadcast %add3A_104 : i32 to vector<1024x1xi32>
    %eq3A_111 = arith.cmpi eq, %iota3A, %eq3A_110 : vector<1024x1xi32>
    %broadcast_in_dim3A_112 = vector.shape_cast %get3A_109 : vector<768xf32> to vector<1x768xf32>
    %broadcast_in_dim3A_113 = vector.shape_cast %eq3A_111 : vector<1024x1xi1> to vector<1024x1xi1>
    %broadcast_in_dim3A_114 = vector.broadcast %broadcast_in_dim3A_113 : vector<1024x1xi1> to vector<1024x768xi1>
    %broadcast_in_dim3A_115 = vector.shape_cast %broadcast_in_dim3A_112 : vector<1x768xf32> to vector<1x768xf32>
    %broadcast_in_dim3A_116 = vector.broadcast %broadcast_in_dim3A_115 : vector<1x768xf32> to vector<1024x768xf32>
    %select_n3A_117 = arith.select %broadcast_in_dim3A_114, %broadcast_in_dim3A_116, %select_n3A_97 : vector<1024x768xi1>, vector<1024x768xf32>
    %add3A_118 = arith.constant 1 : i32
    %add3A_119 = arith.addi %add3A_1, %add3A_118 : i32
    %get3A_120 = arith.index_cast %add3A_119 : i32 to index
    %get3A_121 = arith.constant 1 : index
    %get3A_122 = memref.load %arg2[%get3A_120, %get3A_121] : memref<64x4xi32, #tpu.memory_space<smem>>
    %add3A_123 = arith.constant 512 : i32
    %add3A_124 = arith.addi %get3A_122, %add3A_123 : i32
    %get3A_125 = arith.constant 1 : index
    %get3A_126 = arith.constant 1 : index
    %get3A_127 = arith.constant 0 : index
    %get3A_128 = vector.load %arg7[%get3A_125, %get3A_126, %get3A_127] : memref<2x4x768xf32, #tpu.memory_space<vmem>>, vector<1x1x768xf32>
    %get3A_129 = vector.shape_cast %get3A_128 : vector<1x1x768xf32> to vector<768xf32>
    %eq3A_130 = vector.broadcast %add3A_124 : i32 to vector<1024x1xi32>
    %eq3A_131 = arith.cmpi eq, %iota3A, %eq3A_130 : vector<1024x1xi32>
    %broadcast_in_dim3A_132 = vector.shape_cast %get3A_129 : vector<768xf32> to vector<1x768xf32>
    %broadcast_in_dim3A_133 = vector.shape_cast %eq3A_131 : vector<1024x1xi1> to vector<1024x1xi1>
    %broadcast_in_dim3A_134 = vector.broadcast %broadcast_in_dim3A_133 : vector<1024x1xi1> to vector<1024x768xi1>
    %broadcast_in_dim3A_135 = vector.shape_cast %broadcast_in_dim3A_132 : vector<1x768xf32> to vector<1x768xf32>
    %broadcast_in_dim3A_136 = vector.broadcast %broadcast_in_dim3A_135 : vector<1x768xf32> to vector<1024x768xf32>
    %select_n3A_137 = arith.select %broadcast_in_dim3A_134, %broadcast_in_dim3A_136, %select_n3A_117 : vector<1024x768xi1>, vector<1024x768xf32>
    %add3A_138 = arith.constant 1 : i32
    %add3A_139 = arith.addi %add3A_1, %add3A_138 : i32
    %get3A_140 = arith.index_cast %add3A_139 : i32 to index
    %get3A_141 = arith.constant 2 : index
    %get3A_142 = memref.load %arg2[%get3A_140, %get3A_141] : memref<64x4xi32, #tpu.memory_space<smem>>
    %add3A_143 = arith.constant 512 : i32
    %add3A_144 = arith.addi %get3A_142, %add3A_143 : i32
    %get3A_145 = arith.constant 1 : index
    %get3A_146 = arith.constant 2 : index
    %get3A_147 = arith.constant 0 : index
    %get3A_148 = vector.load %arg7[%get3A_145, %get3A_146, %get3A_147] : memref<2x4x768xf32, #tpu.memory_space<vmem>>, vector<1x1x768xf32>
    %get3A_149 = vector.shape_cast %get3A_148 : vector<1x1x768xf32> to vector<768xf32>
    %eq3A_150 = vector.broadcast %add3A_144 : i32 to vector<1024x1xi32>
    %eq3A_151 = arith.cmpi eq, %iota3A, %eq3A_150 : vector<1024x1xi32>
    %broadcast_in_dim3A_152 = vector.shape_cast %get3A_149 : vector<768xf32> to vector<1x768xf32>
    %broadcast_in_dim3A_153 = vector.shape_cast %eq3A_151 : vector<1024x1xi1> to vector<1024x1xi1>
    %broadcast_in_dim3A_154 = vector.broadcast %broadcast_in_dim3A_153 : vector<1024x1xi1> to vector<1024x768xi1>
    %broadcast_in_dim3A_155 = vector.shape_cast %broadcast_in_dim3A_152 : vector<1x768xf32> to vector<1x768xf32>
    %broadcast_in_dim3A_156 = vector.broadcast %broadcast_in_dim3A_155 : vector<1x768xf32> to vector<1024x768xf32>
    %select_n3A_157 = arith.select %broadcast_in_dim3A_154, %broadcast_in_dim3A_156, %select_n3A_137 : vector<1024x768xi1>, vector<1024x768xf32>
    %add3A_158 = arith.constant 1 : i32
    %add3A_159 = arith.addi %add3A_1, %add3A_158 : i32
    %get3A_160 = arith.index_cast %add3A_159 : i32 to index
    %get3A_161 = arith.constant 3 : index
    %get3A_162 = memref.load %arg2[%get3A_160, %get3A_161] : memref<64x4xi32, #tpu.memory_space<smem>>
    %add3A_163 = arith.constant 512 : i32
    %add3A_164 = arith.addi %get3A_162, %add3A_163 : i32
    %get3A_165 = arith.constant 1 : index
    %get3A_166 = arith.constant 3 : index
    %get3A_167 = arith.constant 0 : index
    %get3A_168 = vector.load %arg7[%get3A_165, %get3A_166, %get3A_167] : memref<2x4x768xf32, #tpu.memory_space<vmem>>, vector<1x1x768xf32>
    %get3A_169 = vector.shape_cast %get3A_168 : vector<1x1x768xf32> to vector<768xf32>
    %eq3A_170 = vector.broadcast %add3A_164 : i32 to vector<1024x1xi32>
    %eq3A_171 = arith.cmpi eq, %iota3A, %eq3A_170 : vector<1024x1xi32>
    %broadcast_in_dim3A_172 = vector.shape_cast %get3A_169 : vector<768xf32> to vector<1x768xf32>
    %broadcast_in_dim3A_173 = vector.shape_cast %eq3A_171 : vector<1024x1xi1> to vector<1024x1xi1>
    %broadcast_in_dim3A_174 = vector.broadcast %broadcast_in_dim3A_173 : vector<1024x1xi1> to vector<1024x768xi1>
    %broadcast_in_dim3A_175 = vector.shape_cast %broadcast_in_dim3A_172 : vector<1x768xf32> to vector<1x768xf32>
    %broadcast_in_dim3A_176 = vector.broadcast %broadcast_in_dim3A_175 : vector<1x768xf32> to vector<1024x768xf32>
    %select_n3A_177 = arith.select %broadcast_in_dim3A_174, %broadcast_in_dim3A_176, %select_n3A_157 : vector<1024x768xi1>, vector<1024x768xf32>
    %add3A_178 = arith.addf %add3A_14, %select_n3A_177 : vector<1024x768xf32>
    %reduce_sum3A = arith.constant dense<0.000000e+00> : vector<1024xf32>
    %reduce_sum3A_179 = vector.multi_reduction <add>, %add3A_178, %reduce_sum3A [1] : vector<1024x768xf32> to vector<1024xf32>
    %broadcast_in_dim3A_180 = vector.shape_cast %reduce_sum3A_179 : vector<1024xf32> to vector<1024x1xf32>
    %div3A = arith.constant 7.680000e+02 : f32
    %div3A_181 = vector.broadcast %div3A : f32 to vector<1024x1xf32>
    %div3A_182 = arith.divf %broadcast_in_dim3A_180, %div3A_181 : vector<1024x1xf32>
    %sub3A = vector.broadcast %div3A_182 : vector<1024x1xf32> to vector<1024x768xf32>
    %sub3A_183 = arith.subf %add3A_178, %sub3A : vector<1024x768xf32>
    %integer_pow3A = arith.mulf %sub3A_183, %sub3A_183 : vector<1024x768xf32>
    %reduce_sum3A_184 = arith.constant dense<0.000000e+00> : vector<1024xf32>
    %reduce_sum3A_185 = vector.multi_reduction <add>, %integer_pow3A, %reduce_sum3A_184 [1] : vector<1024x768xf32> to vector<1024xf32>
    %broadcast_in_dim3A_186 = vector.shape_cast %reduce_sum3A_185 : vector<1024xf32> to vector<1024x1xf32>
    %div3A_187 = arith.constant 7.680000e+02 : f32
    %div3A_188 = vector.broadcast %div3A_187 : f32 to vector<1024x1xf32>
    %div3A_189 = arith.divf %broadcast_in_dim3A_186, %div3A_188 : vector<1024x1xf32>
    %sub3A_190 = vector.broadcast %div3A_182 : vector<1024x1xf32> to vector<1024x768xf32>
    %sub3A_191 = arith.subf %add3A_178, %sub3A_190 : vector<1024x768xf32>
    %add3A_192 = arith.constant 9.99999996E-13 : f32
    %add3A_193 = vector.broadcast %add3A_192 : f32 to vector<1024x1xf32>
    %add3A_194 = arith.addf %div3A_189, %add3A_193 : vector<1024x1xf32>
    %sqrt3A = math.sqrt %add3A_194 : vector<1024x1xf32>
    %div3A_195 = vector.broadcast %sqrt3A : vector<1024x1xf32> to vector<1024x768xf32>
    %div3A_196 = arith.divf %sub3A_191, %div3A_195 : vector<1024x768xf32>
    %get3A_197 = arith.constant 0 : index
    %get3A_198 = arith.constant 0 : index
    %get3A_199 = vector.load %arg8[%get3A_197, %get3A_198] : memref<1x768xf32, #tpu.memory_space<vmem>>, vector<1x768xf32>
    %mul3A_200 = vector.broadcast %get3A_199 : vector<1x768xf32> to vector<1024x768xf32>
    %mul3A_201 = arith.mulf %div3A_196, %mul3A_200 : vector<1024x768xf32>
    %get3A_202 = arith.constant 0 : index
    %get3A_203 = arith.constant 0 : index
    %get3A_204 = vector.load %arg9[%get3A_202, %get3A_203] : memref<1x768xf32, #tpu.memory_space<vmem>>, vector<1x768xf32>
    %add3A_205 = vector.broadcast %get3A_204 : vector<1x768xf32> to vector<1024x768xf32>
    %add3A_206 = arith.addf %mul3A_201, %add3A_205 : vector<1024x768xf32>
    %swap3A = arith.constant 0 : index
    %swap3A_207 = arith.constant 0 : index
    %swap3A_208 = vector.load %arg10[%swap3A, %swap3A_207] : memref<1024x768xf32, #tpu.memory_space<vmem>>, vector<1024x768xf32>
    tpu.vector_store %arg10[%swap3A, %swap3A_207], %add3A_206 {strides = array<i32>} : memref<1024x768xf32, #tpu.memory_space<vmem>>, vector<1024x768xf32>,
    return
  }
  func.func @transform_1(%arg0: i32) -> (i32, i32) {
    %c0_i32 = arith.constant 0 : i32
    %c0_i32_0 = arith.constant 0 : i32
    %c0_i32_1 = arith.constant 0 : i32
    return %c0_i32, %c0_i32_0 : i32, i32
  }
  func.func @transform_2(%arg0: i32) -> (i32, i32) {
    %c0_i32 = arith.constant 0 : i32
    %c0_i32_0 = arith.constant 0 : i32
    return %arg0, %c0_i32 : i32, i32
  }
  func.func @transform_3(%arg0: i32) -> (i32, i32) {
    %c0_i32 = arith.constant 0 : i32
    %c0_i32_0 = arith.constant 0 : i32
    %c0_i32_1 = arith.constant 0 : i32
    return %c0_i32, %c0_i32_0 : i32, i32
  }
  func.func @transform_4(%arg0: i32) -> (i32, i32) {
    %c0_i32 = arith.constant 0 : i32
    %c0_i32_0 = arith.constant 0 : i32
    %c0_i32_1 = arith.constant 0 : i32
    return %c0_i32, %c0_i32_0 : i32, i32
  }
  func.func @transform_5(%arg0: i32) -> (i32, i32) {
    %c0_i32 = arith.constant 0 : i32
    %c0_i32_0 = arith.constant 0 : i32
    %c0_i32_1 = arith.constant 0 : i32
    return %c0_i32, %c0_i32_0 : i32, i32
  }
  func.func @transform_6(%arg0: i32) -> (i32, i32, i32) {
    %add3A = arith.constant 20 : i32
    %add3A_0 = arith.addi %add3A, %arg0 : i32
    %c0_i32 = arith.constant 0 : i32
    %c0_i32_1 = arith.constant 0 : i32
    %c0_i32_2 = arith.constant 0 : i32
    return %add3A_0, %c0_i32, %c0_i32_1 : i32, i32, i32
  }
  func.func @transform_7(%arg0: i32) -> (i32, i32) {
    %c0_i32 = arith.constant 0 : i32
    %c0_i32_0 = arith.constant 0 : i32
    %c0_i32_1 = arith.constant 0 : i32
    return %c0_i32, %c0_i32_0 : i32, i32
  }
  func.func @transform_8(%arg0: i32) -> (i32, i32) {
    %c0_i32 = arith.constant 0 : i32
    %c0_i32_0 = arith.constant 0 : i32
    %c0_i32_1 = arith.constant 0 : i32
    return %c0_i32, %c0_i32_0 : i32, i32
  }
  func.func @transform_9(%arg0: i32) -> (i32, i32) {
    %add3A = arith.constant 20 : i32
    %add3A_0 = arith.addi %add3A, %arg0 : i32
    %c0_i32 = arith.constant 0 : i32
    %c0_i32_1 = arith.constant 0 : i32
    return %add3A_0, %c0_i32 : i32, i32
  }
}

module attributes {stable_mosaic.version = 14 : i64} {
  func.func @body_al(%arg0: i32, %arg1: memref<32768x768xf32, #tpu.memory_space<any>>, %arg2: memref<64x4xi32, #tpu.memory_space<smem>>, %arg3: memref<1024x768xf32, #tpu.memory_space<vmem>>, %arg4: memref<512x768xf32, #tpu.memory_space<vmem>>, %arg5: memref<1x768xf32, #tpu.memory_space<vmem>>, %arg6: memref<1x768xf32, #tpu.memory_space<vmem>>, %arg7: memref<2x4x768xf32, #tpu.memory_space<vmem>>, %arg8: memref<1x768xf32, #tpu.memory_space<vmem>>, %arg9: memref<1x768xf32, #tpu.memory_space<vmem>>, %arg10: memref<1024x768xf32, #tpu.memory_space<vmem>>) attributes {dimension_semantics = [#tpu.dimension_semantics<arbitrary>], iteration_bounds = array<i64: 4>, scalar_prefetch = 0 : i64, scratch_operands = 0 : i64, tpu.core_type = #tpu.core_type<tc>, window_params = [{}, {transform_indices = @transform_1, window_bounds = array<i64: 64, 4>}, {transform_indices = @transform_2, window_bounds = array<i64: 1024, 768>}, {pipeline_mode = #tpu.pipeline_mode<synchronous>, transform_indices = @transform_3, window_bounds = array<i64: 512, 768>}, {pipeline_mode = #tpu.pipeline_mode<synchronous>, transform_indices = @transform_4, window_bounds = array<i64: 1, 768>}, {pipeline_mode = #tpu.pipeline_mode<synchronous>, transform_indices = @transform_5, window_bounds = array<i64: 1, 768>}, {transform_indices = @transform_6, window_bounds = array<i64: 2, 4, 768>}, {pipeline_mode = #tpu.pipeline_mode<synchronous>, transform_indices = @transform_7, window_bounds = array<i64: 1, 768>}, {pipeline_mode = #tpu.pipeline_mode<synchronous>, transform_indices = @transform_8, window_bounds = array<i64: 1, 768>}, {transform_indices = @transform_9, window_bounds = array<i64: 1024, 768>}]} {
    %mul3A = arith.constant 2 : i32
    %mul3A_0 = arith.muli %arg0, %mul3A : i32
    %add3A = arith.constant 56 : i32
    %add3A_1 = arith.addi %add3A, %mul3A_0 : i32
    %get3A = arith.constant 0 : index
    %get3A_2 = arith.constant 0 : index
    %get3A_3 = vector.load %arg3[%get3A, %get3A_2] : memref<1024x768xf32, #tpu.memory_space<vmem>>, vector<1024x768xf32>
    %reshape3A = vector.shape_cast %get3A_3 : vector<1024x768xf32> to vector<2x512x768xf32>
    %get3A_4 = arith.constant 0 : index
    %get3A_5 = arith.constant 0 : index
    %get3A_6 = vector.load %arg4[%get3A_4, %get3A_5] : memref<512x768xf32, #tpu.memory_space<vmem>>, vector<512x768xf32>
    %broadcast_in_dim3A = vector.shape_cast %get3A_6 : vector<512x768xf32> to vector<1x512x768xf32>
    %add3A_7 = vector.broadcast %broadcast_in_dim3A : vector<1x512x768xf32> to vector<2x512x768xf32>
    %add3A_8 = arith.addf %reshape3A, %add3A_7 : vector<2x512x768xf32>
    %reshape3A_9 = vector.shape_cast %add3A_8 : vector<2x512x768xf32> to vector<1024x768xf32>
    %get3A_10 = arith.constant 0 : index
    %get3A_11 = arith.constant 0 : index
    %get3A_12 = vector.load %arg5[%get3A_10, %get3A_11] : memref<1x768xf32, #tpu.memory_space<vmem>>, vector<1x768xf32>
    %add3A_13 = vector.broadcast %get3A_12 : vector<1x768xf32> to vector<1024x768xf32>
    %add3A_14 = arith.addf %reshape3A_9, %add3A_13 : vector<1024x768xf32>
    %get3A_15 = arith.constant 0 : index
    %get3A_16 = arith.constant 0 : index
    %get3A_17 = vector.load %arg6[%get3A_15, %get3A_16] : memref<1x768xf32, #tpu.memory_space<vmem>>, vector<1x768xf32>
    %broadcast_in_dim3A_18 = vector.shape_cast %get3A_17 : vector<1x768xf32> to vector<1x768xf32>
    %broadcast_in_dim3A_19 = vector.broadcast %broadcast_in_dim3A_18 : vector<1x768xf32> to vector<1024x768xf32>
    %iota3A = tpu.iota {dimensions = array<i32: 0>} : vector<1024x1xi32>
    %add3A_20 = arith.constant 0 : i32
    %add3A_21 = arith.addi %add3A_1, %add3A_20 : i32
    %get3A_22 = arith.index_cast %add3A_21 : i32 to index
    %get3A_23 = arith.constant 0 : index
    %get3A_24 = memref.load %arg2[%get3A_22, %get3A_23] : memref<64x4xi32, #tpu.memory_space<smem>>
    %add3A_25 = arith.constant 0 : i32
    %add3A_26 = arith.addi %get3A_24, %add3A_25 : i32
    %get3A_27 = arith.constant 0 : index
    %get3A_28 = arith.constant 0 : index
    %get3A_29 = arith.constant 0 : index
    %get3A_30 = vector.load %arg7[%get3A_27, %get3A_28, %get3A_29] : memref<2x4x768xf32, #tpu.memory_space<vmem>>, vector<1x1x768xf32>
    %get3A_31 = vector.shape_cast %get3A_30 : vector<1x1x768xf32> to vector<768xf32>
    %eq3A = vector.broadcast %add3A_26 : i32 to vector<1024x1xi32>
    %eq3A_32 = arith.cmpi eq, %iota3A, %eq3A : vector<1024x1xi32>
    %broadcast_in_dim3A_33 = vector.shape_cast %get3A_31 : vector<768xf32> to vector<1x768xf32>
    %broadcast_in_dim3A_34 = vector.shape_cast %eq3A_32 : vector<1024x1xi1> to vector<1024x1xi1>
    %broadcast_in_dim3A_35 = vector.broadcast %broadcast_in_dim3A_34 : vector<1024x1xi1> to vector<1024x768xi1>
    %broadcast_in_dim3A_36 = vector.shape_cast %broadcast_in_dim3A_33 : vector<1x768xf32> to vector<1x768xf32>
    %broadcast_in_dim3A_37 = vector.broadcast %broadcast_in_dim3A_36 : vector<1x768xf32> to vector<1024x768xf32>
    %select_n3A = arith.select %broadcast_in_dim3A_35, %broadcast_in_dim3A_37, %broadcast_in_dim3A_19 : vector<1024x768xi1>, vector<1024x768xf32>
    %add3A_38 = arith.constant 0 : i32
    %add3A_39 = arith.addi %add3A_1, %add3A_38 : i32
    %get3A_40 = arith.index_cast %add3A_39 : i32 to index
    %get3A_41 = arith.constant 1 : index
    %get3A_42 = memref.load %arg2[%get3A_40, %get3A_41] : memref<64x4xi32, #tpu.memory_space<smem>>
    %add3A_43 = arith.constant 0 : i32
    %add3A_44 = arith.addi %get3A_42, %add3A_43 : i32
    %get3A_45 = arith.constant 0 : index
    %get3A_46 = arith.constant 1 : index
    %get3A_47 = arith.constant 0 : index
    %get3A_48 = vector.load %arg7[%get3A_45, %get3A_46, %get3A_47] : memref<2x4x768xf32, #tpu.memory_space<vmem>>, vector<1x1x768xf32>
    %get3A_49 = vector.shape_cast %get3A_48 : vector<1x1x768xf32> to vector<768xf32>
    %eq3A_50 = vector.broadcast %add3A_44 : i32 to vector<1024x1xi32>
    %eq3A_51 = arith.cmpi eq, %iota3A, %eq3A_50 : vector<1024x1xi32>
    %broadcast_in_dim3A_52 = vector.shape_cast %get3A_49 : vector<768xf32> to vector<1x768xf32>
    %broadcast_in_dim3A_53 = vector.shape_cast %eq3A_51 : vector<1024x1xi1> to vector<1024x1xi1>
    %broadcast_in_dim3A_54 = vector.broadcast %broadcast_in_dim3A_53 : vector<1024x1xi1> to vector<1024x768xi1>
    %broadcast_in_dim3A_55 = vector.shape_cast %broadcast_in_dim3A_52 : vector<1x768xf32> to vector<1x768xf32>
    %broadcast_in_dim3A_56 = vector.broadcast %broadcast_in_dim3A_55 : vector<1x768xf32> to vector<1024x768xf32>
    %select_n3A_57 = arith.select %broadcast_in_dim3A_54, %broadcast_in_dim3A_56, %select_n3A : vector<1024x768xi1>, vector<1024x768xf32>
    %add3A_58 = arith.constant 0 : i32
    %add3A_59 = arith.addi %add3A_1, %add3A_58 : i32
    %get3A_60 = arith.index_cast %add3A_59 : i32 to index
    %get3A_61 = arith.constant 2 : index
    %get3A_62 = memref.load %arg2[%get3A_60, %get3A_61] : memref<64x4xi32, #tpu.memory_space<smem>>
    %add3A_63 = arith.constant 0 : i32
    %add3A_64 = arith.addi %get3A_62, %add3A_63 : i32
    %get3A_65 = arith.constant 0 : index
    %get3A_66 = arith.constant 2 : index
    %get3A_67 = arith.constant 0 : index
    %get3A_68 = vector.load %arg7[%get3A_65, %get3A_66, %get3A_67] : memref<2x4x768xf32, #tpu.memory_space<vmem>>, vector<1x1x768xf32>
    %get3A_69 = vector.shape_cast %get3A_68 : vector<1x1x768xf32> to vector<768xf32>
    %eq3A_70 = vector.broadcast %add3A_64 : i32 to vector<1024x1xi32>
    %eq3A_71 = arith.cmpi eq, %iota3A, %eq3A_70 : vector<1024x1xi32>
    %broadcast_in_dim3A_72 = vector.shape_cast %get3A_69 : vector<768xf32> to vector<1x768xf32>
    %broadcast_in_dim3A_73 = vector.shape_cast %eq3A_71 : vector<1024x1xi1> to vector<1024x1xi1>
    %broadcast_in_dim3A_74 = vector.broadcast %broadcast_in_dim3A_73 : vector<1024x1xi1> to vector<1024x768xi1>
    %broadcast_in_dim3A_75 = vector.shape_cast %broadcast_in_dim3A_72 : vector<1x768xf32> to vector<1x768xf32>
    %broadcast_in_dim3A_76 = vector.broadcast %broadcast_in_dim3A_75 : vector<1x768xf32> to vector<1024x768xf32>
    %select_n3A_77 = arith.select %broadcast_in_dim3A_74, %broadcast_in_dim3A_76, %select_n3A_57 : vector<1024x768xi1>, vector<1024x768xf32>
    %add3A_78 = arith.constant 0 : i32
    %add3A_79 = arith.addi %add3A_1, %add3A_78 : i32
    %get3A_80 = arith.index_cast %add3A_79 : i32 to index
    %get3A_81 = arith.constant 3 : index
    %get3A_82 = memref.load %arg2[%get3A_80, %get3A_81] : memref<64x4xi32, #tpu.memory_space<smem>>
    %add3A_83 = arith.constant 0 : i32
    %add3A_84 = arith.addi %get3A_82, %add3A_83 : i32
    %get3A_85 = arith.constant 0 : index
    %get3A_86 = arith.constant 3 : index
    %get3A_87 = arith.constant 0 : index
    %get3A_88 = vector.load %arg7[%get3A_85, %get3A_86, %get3A_87] : memref<2x4x768xf32, #tpu.memory_space<vmem>>, vector<1x1x768xf32>
    %get3A_89 = vector.shape_cast %get3A_88 : vector<1x1x768xf32> to vector<768xf32>
    %eq3A_90 = vector.broadcast %add3A_84 : i32 to vector<1024x1xi32>
    %eq3A_91 = arith.cmpi eq, %iota3A, %eq3A_90 : vector<1024x1xi32>
    %broadcast_in_dim3A_92 = vector.shape_cast %get3A_89 : vector<768xf32> to vector<1x768xf32>
    %broadcast_in_dim3A_93 = vector.shape_cast %eq3A_91 : vector<1024x1xi1> to vector<1024x1xi1>
    %broadcast_in_dim3A_94 = vector.broadcast %broadcast_in_dim3A_93 : vector<1024x1xi1> to vector<1024x768xi1>
    %broadcast_in_dim3A_95 = vector.shape_cast %broadcast_in_dim3A_92 : vector<1x768xf32> to vector<1x768xf32>
    %broadcast_in_dim3A_96 = vector.broadcast %broadcast_in_dim3A_95 : vector<1x768xf32> to vector<1024x768xf32>
    %select_n3A_97 = arith.select %broadcast_in_dim3A_94, %broadcast_in_dim3A_96, %select_n3A_77 : vector<1024x768xi1>, vector<1024x768xf32>
    %add3A_98 = arith.constant 1 : i32
    %add3A_99 = arith.addi %add3A_1, %add3A_98 : i32
    %get3A_100 = arith.index_cast %add3A_99 : i32 to index
    %get3A_101 = arith.constant 0 : index
    %get3A_102 = memref.load %arg2[%get3A_100, %get3A_101] : memref<64x4xi32, #tpu.memory_space<smem>>
    %add3A_103 = arith.constant 512 : i32
    %add3A_104 = arith.addi %get3A_102, %add3A_103 : i32
    %get3A_105 = arith.constant 1 : index
    %get3A_106 = arith.constant 0 : index
    %get3A_107 = arith.constant 0 : index
    %get3A_108 = vector.load %arg7[%get3A_105, %get3A_106, %get3A_107] : memref<2x4x768xf32, #tpu.memory_space<vmem>>, vector<1x1x768xf32>
    %get3A_109 = vector.shape_cast %get3A_108 : vector<1x1x768xf32> to vector<768xf32>
    %eq3A_110 = vector.broadcast %add3A_104 : i32 to vector<1024x1xi32>
    %eq3A_111 = arith.cmpi eq, %iota3A, %eq3A_110 : vector<1024x1xi32>
    %broadcast_in_dim3A_112 = vector.shape_cast %get3A_109 : vector<768xf32> to vector<1x768xf32>
    %broadcast_in_dim3A_113 = vector.shape_cast %eq3A_111 : vector<1024x1xi1> to vector<1024x1xi1>
    %broadcast_in_dim3A_114 = vector.broadcast %broadcast_in_dim3A_113 : vector<1024x1xi1> to vector<1024x768xi1>
    %broadcast_in_dim3A_115 = vector.shape_cast %broadcast_in_dim3A_112 : vector<1x768xf32> to vector<1x768xf32>
    %broadcast_in_dim3A_116 = vector.broadcast %broadcast_in_dim3A_115 : vector<1x768xf32> to vector<1024x768xf32>
    %select_n3A_117 = arith.select %broadcast_in_dim3A_114, %broadcast_in_dim3A_116, %select_n3A_97 : vector<1024x768xi1>, vector<1024x768xf32>
    %add3A_118 = arith.constant 1 : i32
    %add3A_119 = arith.addi %add3A_1, %add3A_118 : i32
    %get3A_120 = arith.index_cast %add3A_119 : i32 to index
    %get3A_121 = arith.constant 1 : index
    %get3A_122 = memref.load %arg2[%get3A_120, %get3A_121] : memref<64x4xi32, #tpu.memory_space<smem>>
    %add3A_123 = arith.constant 512 : i32
    %add3A_124 = arith.addi %get3A_122, %add3A_123 : i32
    %get3A_125 = arith.constant 1 : index
    %get3A_126 = arith.constant 1 : index
    %get3A_127 = arith.constant 0 : index
    %get3A_128 = vector.load %arg7[%get3A_125, %get3A_126, %get3A_127] : memref<2x4x768xf32, #tpu.memory_space<vmem>>, vector<1x1x768xf32>
    %get3A_129 = vector.shape_cast %get3A_128 : vector<1x1x768xf32> to vector<768xf32>
    %eq3A_130 = vector.broadcast %add3A_124 : i32 to vector<1024x1xi32>
    %eq3A_131 = arith.cmpi eq, %iota3A, %eq3A_130 : vector<1024x1xi32>
    %broadcast_in_dim3A_132 = vector.shape_cast %get3A_129 : vector<768xf32> to vector<1x768xf32>
    %broadcast_in_dim3A_133 = vector.shape_cast %eq3A_131 : vector<1024x1xi1> to vector<1024x1xi1>
    %broadcast_in_dim3A_134 = vector.broadcast %broadcast_in_dim3A_133 : vector<1024x1xi1> to vector<1024x768xi1>
    %broadcast_in_dim3A_135 = vector.shape_cast %broadcast_in_dim3A_132 : vector<1x768xf32> to vector<1x768xf32>
    %broadcast_in_dim3A_136 = vector.broadcast %broadcast_in_dim3A_135 : vector<1x768xf32> to vector<1024x768xf32>
    %select_n3A_137 = arith.select %broadcast_in_dim3A_134, %broadcast_in_dim3A_136, %select_n3A_117 : vector<1024x768xi1>, vector<1024x768xf32>
    %add3A_138 = arith.constant 1 : i32
    %add3A_139 = arith.addi %add3A_1, %add3A_138 : i32
    %get3A_140 = arith.index_cast %add3A_139 : i32 to index
    %get3A_141 = arith.constant 2 : index
    %get3A_142 = memref.load %arg2[%get3A_140, %get3A_141] : memref<64x4xi32, #tpu.memory_space<smem>>
    %add3A_143 = arith.constant 512 : i32
    %add3A_144 = arith.addi %get3A_142, %add3A_143 : i32
    %get3A_145 = arith.constant 1 : index
    %get3A_146 = arith.constant 2 : index
    %get3A_147 = arith.constant 0 : index
    %get3A_148 = vector.load %arg7[%get3A_145, %get3A_146, %get3A_147] : memref<2x4x768xf32, #tpu.memory_space<vmem>>, vector<1x1x768xf32>
    %get3A_149 = vector.shape_cast %get3A_148 : vector<1x1x768xf32> to vector<768xf32>
    %eq3A_150 = vector.broadcast %add3A_144 : i32 to vector<1024x1xi32>
    %eq3A_151 = arith.cmpi eq, %iota3A, %eq3A_150 : vector<1024x1xi32>
    %broadcast_in_dim3A_152 = vector.shape_cast %get3A_149 : vector<768xf32> to vector<1x768xf32>
    %broadcast_in_dim3A_153 = vector.shape_cast %eq3A_151 : vector<1024x1xi1> to vector<1024x1xi1>
    %broadcast_in_dim3A_154 = vector.broadcast %broadcast_in_dim3A_153 : vector<1024x1xi1> to vector<1024x768xi1>
    %broadcast_in_dim3A_155 = vector.shape_cast %broadcast_in_dim3A_152 : vector<1x768xf32> to vector<1x768xf32>
    %broadcast_in_dim3A_156 = vector.broadcast %broadcast_in_dim3A_155 : vector<1x768xf32> to vector<1024x768xf32>
    %select_n3A_157 = arith.select %broadcast_in_dim3A_154, %broadcast_in_dim3A_156, %select_n3A_137 : vector<1024x768xi1>, vector<1024x768xf32>
    %add3A_158 = arith.constant 1 : i32
    %add3A_159 = arith.addi %add3A_1, %add3A_158 : i32
    %get3A_160 = arith.index_cast %add3A_159 : i32 to index
    %get3A_161 = arith.constant 3 : index
    %get3A_162 = memref.load %arg2[%get3A_160, %get3A_161] : memref<64x4xi32, #tpu.memory_space<smem>>
    %add3A_163 = arith.constant 512 : i32
    %add3A_164 = arith.addi %get3A_162, %add3A_163 : i32
    %get3A_165 = arith.constant 1 : index
    %get3A_166 = arith.constant 3 : index
    %get3A_167 = arith.constant 0 : index
    %get3A_168 = vector.load %arg7[%get3A_165, %get3A_166, %get3A_167] : memref<2x4x768xf32, #tpu.memory_space<vmem>>, vector<1x1x768xf32>
    %get3A_169 = vector.shape_cast %get3A_168 : vector<1x1x768xf32> to vector<768xf32>
    %eq3A_170 = vector.broadcast %add3A_164 : i32 to vector<1024x1xi32>
    %eq3A_171 = arith.cmpi eq, %iota3A, %eq3A_170 : vector<1024x1xi32>
    %broadcast_in_dim3A_172 = vector.shape_cast %get3A_169 : vector<768xf32> to vector<1x768xf32>
    %broadcast_in_dim3A_173 = vector.shape_cast %eq3A_171 : vector<1024x1xi1> to vector<1024x1xi1>
    %broadcast_in_dim3A_174 = vector.broadcast %broadcast_in_dim3A_173 : vector<1024x1xi1> to vector<1024x768xi1>
    %broadcast_in_dim3A_175 = vector.shape_cast %broadcast_in_dim3A_172 : vector<1x768xf32> to vector<1x768xf32>
    %broadcast_in_dim3A_176 = vector.broadcast %broadcast_in_dim3A_175 : vector<1x768xf32> to vector<1024x768xf32>
    %select_n3A_177 = arith.select %broadcast_in_dim3A_174, %broadcast_in_dim3A_176, %select_n3A_157 : vector<1024x768xi1>, vector<1024x768xf32>
    %add3A_178 = arith.addf %add3A_14, %select_n3A_177 : vector<1024x768xf32>
    %reduce_sum3A = arith.constant dense<0.000000e+00> : vector<1024xf32>
    %reduce_sum3A_179 = vector.multi_reduction <add>, %add3A_178, %reduce_sum3A [1] : vector<1024x768xf32> to vector<1024xf32>
    %broadcast_in_dim3A_180 = vector.shape_cast %reduce_sum3A_179 : vector<1024xf32> to vector<1024x1xf32>
    %div3A = arith.constant 7.680000e+02 : f32
    %div3A_181 = vector.broadcast %div3A : f32 to vector<1024x1xf32>
    %div3A_182 = arith.divf %broadcast_in_dim3A_180, %div3A_181 : vector<1024x1xf32>
    %sub3A = vector.broadcast %div3A_182 : vector<1024x1xf32> to vector<1024x768xf32>
    %sub3A_183 = arith.subf %add3A_178, %sub3A : vector<1024x768xf32>
    %integer_pow3A = arith.mulf %sub3A_183, %sub3A_183 : vector<1024x768xf32>
    %reduce_sum3A_184 = arith.constant dense<0.000000e+00> : vector<1024xf32>
    %reduce_sum3A_185 = vector.multi_reduction <add>, %integer_pow3A, %reduce_sum3A_184 [1] : vector<1024x768xf32> to vector<1024xf32>
    %broadcast_in_dim3A_186 = vector.shape_cast %reduce_sum3A_185 : vector<1024xf32> to vector<1024x1xf32>
    %div3A_187 = arith.constant 7.680000e+02 : f32
    %div3A_188 = vector.broadcast %div3A_187 : f32 to vector<1024x1xf32>
    %div3A_189 = arith.divf %broadcast_in_dim3A_186, %div3A_188 : vector<1024x1xf32>
    %sub3A_190 = vector.broadcast %div3A_182 : vector<1024x1xf32> to vector<1024x768xf32>
    %sub3A_191 = arith.subf %add3A_178, %sub3A_190 : vector<1024x768xf32>
    %add3A_192 = arith.constant 9.99999996E-13 : f32
    %add3A_193 = vector.broadcast %add3A_192 : f32 to vector<1024x1xf32>
    %add3A_194 = arith.addf %div3A_189, %add3A_193 : vector<1024x1xf32>
    %sqrt3A = math.sqrt %add3A_194 : vector<1024x1xf32>
    %div3A_195 = vector.broadcast %sqrt3A : vector<1024x1xf32> to vector<1024x768xf32>
    %div3A_196 = arith.divf %sub3A_191, %div3A_195 : vector<1024x768xf32>
    %get3A_197 = arith.constant 0 : index
    %get3A_198 = arith.constant 0 : index
    %get3A_199 = vector.load %arg8[%get3A_197, %get3A_198] : memref<1x768xf32, #tpu.memory_space<vmem>>, vector<1x768xf32>
    %mul3A_200 = vector.broadcast %get3A_199 : vector<1x768xf32> to vector<1024x768xf32>
    %mul3A_201 = arith.mulf %div3A_196, %mul3A_200 : vector<1024x768xf32>
    %get3A_202 = arith.constant 0 : index
    %get3A_203 = arith.constant 0 : index
    %get3A_204 = vector.load %arg9[%get3A_202, %get3A_203] : memref<1x768xf32, #tpu.memory_space<vmem>>, vector<1x768xf32>
    %add3A_205 = vector.broadcast %get3A_204 : vector<1x768xf32> to vector<1024x768xf32>
    %add3A_206 = arith.addf %mul3A_201, %add3A_205 : vector<1024x768xf32>
    %swap3A = arith.constant 0 : index
    %swap3A_207 = arith.constant 0 : index
    %swap3A_208 = vector.load %arg10[%swap3A, %swap3A_207] : memref<1024x768xf32, #tpu.memory_space<vmem>>, vector<1024x768xf32>
    tpu.vector_store %arg10[%swap3A, %swap3A_207], %add3A_206 {strides = array<i32>} : memref<1024x768xf32, #tpu.memory_space<vmem>>, vector<1024x768xf32>,
    return
  }
  func.func @transform_1(%arg0: i32) -> (i32, i32) {
    %c0_i32 = arith.constant 0 : i32
    %c0_i32_0 = arith.constant 0 : i32
    %c0_i32_1 = arith.constant 0 : i32
    return %c0_i32, %c0_i32_0 : i32, i32
  }
  func.func @transform_2(%arg0: i32) -> (i32, i32) {
    %c0_i32 = arith.constant 0 : i32
    %c0_i32_0 = arith.constant 0 : i32
    return %arg0, %c0_i32 : i32, i32
  }
  func.func @transform_3(%arg0: i32) -> (i32, i32) {
    %c0_i32 = arith.constant 0 : i32
    %c0_i32_0 = arith.constant 0 : i32
    %c0_i32_1 = arith.constant 0 : i32
    return %c0_i32, %c0_i32_0 : i32, i32
  }
  func.func @transform_4(%arg0: i32) -> (i32, i32) {
    %c0_i32 = arith.constant 0 : i32
    %c0_i32_0 = arith.constant 0 : i32
    %c0_i32_1 = arith.constant 0 : i32
    return %c0_i32, %c0_i32_0 : i32, i32
  }
  func.func @transform_5(%arg0: i32) -> (i32, i32) {
    %c0_i32 = arith.constant 0 : i32
    %c0_i32_0 = arith.constant 0 : i32
    %c0_i32_1 = arith.constant 0 : i32
    return %c0_i32, %c0_i32_0 : i32, i32
  }
  func.func @transform_6(%arg0: i32) -> (i32, i32, i32) {
    %add3A = arith.constant 28 : i32
    %add3A_0 = arith.addi %add3A, %arg0 : i32
    %c0_i32 = arith.constant 0 : i32
    %c0_i32_1 = arith.constant 0 : i32
    %c0_i32_2 = arith.constant 0 : i32
    return %add3A_0, %c0_i32, %c0_i32_1 : i32, i32, i32
  }
  func.func @transform_7(%arg0: i32) -> (i32, i32) {
    %c0_i32 = arith.constant 0 : i32
    %c0_i32_0 = arith.constant 0 : i32
    %c0_i32_1 = arith.constant 0 : i32
    return %c0_i32, %c0_i32_0 : i32, i32
  }
  func.func @transform_8(%arg0: i32) -> (i32, i32) {
    %c0_i32 = arith.constant 0 : i32
    %c0_i32_0 = arith.constant 0 : i32
    %c0_i32_1 = arith.constant 0 : i32
    return %c0_i32, %c0_i32_0 : i32, i32
  }
  func.func @transform_9(%arg0: i32) -> (i32, i32) {
    %add3A = arith.constant 28 : i32
    %add3A_0 = arith.addi %add3A, %arg0 : i32
    %c0_i32 = arith.constant 0 : i32
    %c0_i32_1 = arith.constant 0 : i32
    return %add3A_0, %c0_i32 : i32, i32
  }
}

</mosaic_0001>

<sc_bundles>
// kernel: kernel.13.cloned.1.call-start
scs
__scs_entry_jumppad:
0x0: {  	(pc) =	sbr.rel $0x88, $3  }
0x1: {  	(tag) =	ssettag $0x0;
	lr =	simm.s32 $0x1  }
0x2: {  	[smem:$0x3F92] =	sst lr;
	_ =	strace $0xD0000000  }
0x3: {  	_ = 	snop  }
0x4: {  	_ = 	snop  }
0x5: {  	_ = 	snop  }
0x6: {  	_ = 	snop  }
0x7: {  	_ = 	snop  }
__scs_overlays_trampoline_lowered:
0x8: {  	[smem:$0x3FA1] =	sst s0  }
0x9: {  	[smem:$0x3FA2] =	sst s1  }
0xa: {  	[smem:$0x3FA3] =	sst s2  }
0xb: {  	[smem:$0x3FA4] =	sst s3  }
0xc: {  	[smem:$0x3FA5] =	sst s4  }
0xd: {  	[smem:$0x3FA6] =	sst s5  }
0xe: {  	[smem:$0x3FA7] =	sst s6  }
0xf: {  	[smem:$0x3FA8] =	sst s7  }
0x10: {  	[smem:$0x3FA9] =	sst s8  }
0x11: {  	[smem:$0x3FAA] =	sst s9;
	s0 =	simm.s32 @!p0 $0x0  }
0x12: {  	s1 =	sld [smem:$0x3F90];
	s0 =	simm.s32 @p0 $0x1  }
0x13: {  	[smem:$0x3FAB] =	sst s0;
	s0 =	simm.s32 @!p1 $0x0  }
0x14: {  	s2 =	sld [smem:$0x3F8F];
	s0 =	simm.s32 @p1 $0x1  }
0x15: {  	[smem:$0x3FAC] =	sst s0;
	s0 =	simm.s32 @!p2 $0x0  }
0x16: {  	s3 =	sld [smem:$0x3FDB];
	s0 =	simm.s32 @p2 $0x1  }
0x17: {  	s4 =	simm.s32 $0x1BF5;
	[smem:$0x3FAE] =	sst s0  }
0x18: {  	s0 =	sld [smem:$0x3F91];
	_ =	swait.ge [sflag:s4], $0x0  }
0x19: {  	s7 =	sld [smem:$0x3F92]  }
0x1a: {  	s8 =	sadd.s32 $0xFFFFE003, lr  }
0x1b: {  	s9 =	sadd.s32 $0xFFFFFEF7, lr;
	s5 =	simm.s32 $0xFFFFFFFF;
	p2 =	slt.u32 s8, $0xFFFFF086  }
0x1c: {  	p1 =	slt.u32 s9, $0xF7A;
	s5 =	simm.s32 @!p2 $0x0  }
0x1d: {  	s5 =	simm.s32 @p1 $0x1;
	p0 =	seq.s32 s7, s2  }
0x1e: {  	s7 =	smul.u32 @!p0 $0xF7A, s2;
	p2 =	seq.s32 @!p0 s5, $0x0  }
0x1f: {  	s9 =	smul.u32 $0xF7A, s1;
	s8 =	simm.s32 @!p0 $0x1BF5;
	p2 =	por !p2, p0  }
0x20: {  	[sflag:s8] =	ssyncset.s32 @!p0 $0xFFFFF086;
	s6 =	sadd.s32 @!p0 s3, s7;
	s7 =	simm.s32 @!p0 $0x108  }
0x21: {  	s3 =	sadd.s32 s3, s9;
	s6 =	sadd.s32 @!p0 $0x88, s6;
	s7 =	simm.s32 @p2 $0x1082  }
0x22: {  	[simem:s7], [sflag:s8] =	dma.local @!p0 [hbm:s6], $0xF7A  }
0x23: {  	s9 =	sor.u32 $0xD0000000, s2;
	s6 =	simm.s32 $0x108;
	_ =	swait.ge @!p0 [sflag:s8], $0x0  }
0x24: {  	s3 =	sadd.s32 $0x88, s3;
	s6 =	simm.s32 @!p1 $0x1082;
	[sflag:s4] =	ssyncset.s32 $0xFFFFF086  }
0x25: {  	[simem:s6], [sflag:s4] =	dma.local [hbm:s3], $0xF7A  }
0x26: {  	[smem:$0x3F92] =	sst s1;
	(tag) =	ssettag s2;
	_ =	strace s9  }
0x27: {  	s1 =	sld [smem:$0x3FA2]  }
0x28: {  	s2 =	sld [smem:$0x3FA3]  }
0x29: {  	s4 =	sld [smem:$0x3FA5]  }
0x2a: {  	p0 =	seq.s32 s5, $0x0;
	s5 =	sld [smem:$0x3FA6]  }
0x2b: {  	s6 =	sld [smem:$0x3FA7]  }
0x2c: {  	s7 =	sld [smem:$0x3FA8]  }
0x2d: {  	s3 =	simm.s32 $0x108;
	s8 =	sld [smem:$0x3FA9]  }
0x2e: {  	s3 =	simm.s32 @!p0 $0x1082;
	s9 =	sld [smem:$0x3FAA]  }
0x2f: {  	lr =	sadd.s32 s0, s3;
	s0 =	sld [smem:$0x3FA1]  }
0x30: {  	s3 =	sld [smem:$0x3FA4]  }
0x31: {  	[smem:$0x3FAD] =	sst s10  }
0x32: {  	s10 =	sld [smem:$0x3FAB];
	_ =	sdelay $0x3  }
0x33: {  	p0 =	seq.s32 s10, $0x1;
	s10 =	sld [smem:$0x3FAD];
	_ =	sdelay $0x3  }
0x34: {  	[smem:$0x3FAD] =	sst s10  }
0x35: {  	s10 =	sld [smem:$0x3FAC];
	_ =	sdelay $0x3  }
0x36: {  	p1 =	seq.s32 s10, $0x1;
	s10 =	sld [smem:$0x3FAD];
	_ =	sdelay $0x3  }
0x37: {  	[smem:$0x3FAD] =	sst s10  }
0x38: {  	s10 =	sld [smem:$0x3FAE]  }
0x39: {  	_ = 	snop;
	(pc) =	sbr.ind lr, $3  }
0x3a: {  	_ = 	snop  }
0x3b: {  	_ = 	snop  }
0x3c: {  	p2 =	seq.s32 s10, $0x1;
	s10 =	sld [smem:$0x3FAD]  }
0x3d: {  	_ =	shalt  }
0x3e: {  	_ =	shalt  }
0x3f: {  	_ =	shalt  }
0x40: {  	_ =	shalt  }
0x41: {  	_ =	shalt  }
0x42: {  	_ =	shalt  }
0x43: {  	_ =	shalt  }
0x44: {  	_ =	shalt  }
0x45: {  	_ =	shalt  }
0x46: {  	_ =	shalt  }
0x47: {  	_ =	shalt  }
0x48: {  	_ =	shalt  }
0x49: {  	_ =	shalt  }
0x4a: {  	_ =	shalt  }
0x4b: {  	_ =	shalt  }
0x4c: {  	_ =	shalt  }
0x4d: {  	_ =	shalt  }
0x4e: {  	_ =	shalt  }
0x4f: {  	_ =	shalt  }
0x50: {  	_ =	shalt  }
0x51: {  	_ =	shalt  }
0x52: {  	_ =	shalt  }
0x53: {  	_ =	shalt  }
0x54: {  	_ =	shalt  }
0x55: {  	_ =	shalt  }
0x56: {  	_ =	shalt  }
0x57: {  	_ =	shalt  }
0x58: {  	_ =	shalt  }
0x59: {  	_ =	shalt  }
0x5a: {  	_ =	shalt  }
0x5b: {  	_ =	shalt  }
0x5c: {  	_ =	shalt  }
0x5d: {  	_ =	shalt  }
0x5e: {  	_ =	shalt  }
0x5f: {  	_ =	shalt  }
0x60: {  	_ =	shalt  }
0x61: {  	_ =	shalt  }
0x62: {  	_ =	shalt  }
0x63: {  	_ =	shalt  }
0x64: {  	_ =	shalt  }
0x65: {  	_ =	shalt  }
0x66: {  	_ =	shalt  }
0x67: {  	_ =	shalt  }
0x68: {  	_ =	shalt  }
0x69: {  	_ =	shalt  }
0x6a: {  	_ =	shalt  }
0x6b: {  	_ =	shalt  }
0x6c: {  	_ =	shalt  }
0x6d: {  	_ =	shalt  }
0x6e: {  	_ =	shalt  }
0x6f: {  	_ =	shalt  }
0x70: {  	_ =	shalt  }
0x71: {  	_ =	shalt  }
0x72: {  	_ =	shalt  }
0x73: {  	_ =	shalt  }
0x74: {  	_ =	shalt  }
0x75: {  	_ =	shalt  }
0x76: {  	_ =	shalt  }
0x77: {  	_ =	shalt  }
0x78: {  	_ =	shalt  }
0x79: {  	_ =	shalt  }
0x7a: {  	_ =	shalt  }
0x7b: {  	_ =	shalt  }
0x7c: {  	_ =	shalt  }
0x7d: {  	_ =	shalt  }
0x7e: {  	_ =	shalt  }
0x7f: {  	_ =	shalt  }
0x80: {  	_ =	shalt  }
0x81: {  	_ =	shalt  }
0x82: {  	_ =	shalt  }
0x83: {  	_ =	shalt  }
0x84: {  	_ =	shalt  }
0x85: {  	_ =	shalt  }
0x86: {  	_ =	shalt  }
0x87: {  	_ =	shalt  }
.Lfunc_end0:
.L_simem_size_0:
called_computation_lowered:
.L_overlay_start_0:
0x88: {  	s2 =	sld [smem:$0x3FD9]  }
0x89: {  	s3 =	sld [smem:$0x3FFE];
	_ =	sdelay $0x1  }
0x8a: {  	s1 =	srdreg.scid  }
0x8b: {  	s0 =	sand.u32 $0x1, s1  }
0x8c: {  	s17 =	sshll.u32 s0, $0xA;
	s2 =	sadd.s32 s3, s2  }
0x8d: {  	s2 =	sadd.s32 s2, s17  }
0x8e: {  	[smem:$0x3FB9] =	sst s2  }
0x8f: {  	_ = 	snop  }
0x90: {  	s2 =	sld [smem:$0x3FC6]  }
0x91: {  	s18 =	sld [smem:$0x3FD0];
	(tm) =	ssettm $0x1  }
0x92: {  	s4 =	sld [smem:$0x3FFB];
	_ =	sdelay $0x3  }
0x93: {  	_ =	strace s4  }
0x94: {  	s4 =	sld [smem:$0x3FFC];
	_ =	sdelay $0x3  }
0x95: {  	_ =	strace s4  }
0x96: {  	s4 =	sld [smem:$0x3FFD];
	_ =	sdelay $0x3  }
0x97: {  	_ =	strace s4  }
0x98: {  	_ =	strace $0x8FFFFFFF  }
0x99: {  	s19 =	sld [smem:$0x3FDB];
	_ =	sdelay $0x1  }
0x9a: {  	s5 =	simm.s32 $_scs_section_size  }
0x9b: {  	s6 =	simm.s32 $_size__tile_overlayer_lowered;
	s7 =	simm.s32 $_tile_overlayer_lowered  }
0x9c: {  	s22 =	simm.s32 $0x1BFF;
	s21 =	sshll.u32 s7, $0x1;
	s4 =	sadd.s32 s5, s19  }
0x9d: {  	s8 =	simm.s32 $0x0;
	s20 =	sshll.u32 s6, $0x1;
	s6 =	sadd.s32 s21, s4  }
0x9e: {  	[timem:s8], [sflag:s22] =	dma.local [hbm:s6], s20  }
0x9f: {  	_ =	swait.ge [sflag:s22], s20  }
0xa0: {  	s5 =	ssub.s32 $0x0, s20;
	[sflag:s22] =	ssyncset.done $0x0  }
0xa1: {  	[sflag:s22] =	ssyncadd.s32 s5;
	_ =	sdelay $0x1  }
0xa2: {  	s23 =	simm.s32 $0x1B8B  }
0xa3: {  	_ =	swait.ge [sflag:s23], $0x1  }
0xa4: {  	[sflag:s23] =	ssyncset.done $0x0  }
0xa5: {  	s25 =	simm.s32 $0x1B8E;
	s24 =	sld [smem:$0x3FFE];
	[sflag:s23] =	ssyncadd.s32 $0xFFFFFFFF  }
0xa6: {  	s26 =	simm.s32 $execute0_lowered;
	[smem:$0x3FD2] =	sst s25  }
0xa7: {  	s6 =	sshll.u32 s26, $0x1;
	_ =	strace $0x80000046;
	[dreg:$0x1] =	wrdreg $0xFFFFFFFF  }
0xa8: {  	s28 =	simm.s32 $_size_execute0_lowered;
	s4 =	sadd.s32 s4, s6;
	[dreg:$0x0] =	wrdreg $0x0  }
0xa9: {  	s6 =	sshll.u32 s28, $0x1;
	[dreg:$0x2] =	wrdreg s4  }
0xaa: {  	[dreg:$0x3] =	wrdreg s6  }
0xab: {  	[dreg:$0x4] =	wrdreg $0xC0  }
0xac: {  	_ =	task [dreg:s8], $0x5FFFF  }
0xad: {  	[dreg:$0x1] =	wrdreg $0xFFFFFFFF  }
0xae: {  	[dreg:$0x0] =	wrdreg $0x60  }
0xaf: {  	[dreg:$0x2] =	wrdreg s2  }
0xb0: {  	[dreg:$0x3] =	wrdreg s24  }
0xb1: {  	[dreg:$0x4] =	wrdreg s18  }
0xb2: {  	[dreg:$0x5] =	wrdreg $0x9  }
0xb3: {  	_ =	task.clear_ibuf [dreg:s8], $0x6FFFF;
	_ =	strace $0x90000046  }
0xb4: {  	s29 =	simm.s32 $0x9;
	_ =	strace $0x80000048  }
0xb5: {  	_ =	swait.ge [sflag:s29], $0x1  }
0xb6: {  	[sflag:s29] =	ssyncadd.s32 $0xFFFFFFFF  }
0xb7: {  	_ =	strace $0x90000048  }
0xb8: {  	_ =	sfence  }
0xb9: {  	s30 =	sld [smem:$0x0];
	_ =	sdelay $0x2  }
0xba: {  	s31 =	sshll.u32 s1, $0xD;
	s1 =	sshrl.u32 s1, $0x2  }
0xbb: {  	s3 =	sand.u32 $0x4000, s31;
	s1 =	sadd.s32 s1, s30  }
0xbc: {  	s0 =	sor.u32 s3, s0;
	s1 =	sshll.u32 s1, $0x11  }
0xbd: {  	s0 =	sor.u32 s1, s0  }
0xbe: {  	s0 =	sadd.s32 $0x8F2B, s0  }
0xbf: {  	[sflag:s0] =	ssyncadd.remote.s32 $0x1  }
0xc0: {  	_ =	sfence.sel $0xFFFF  }
0xc1: {  	[dreg:$0x0] =	wrdreg $0xFFFFFFFF;
	(pc) =	sbr.abs _section_cstart, $3  }
0xc2: {  	[dreg:$0x1] =	wrdreg $0xFFFFFFFF  }
0xc3: {  	_ =	task.clear_ibuf [dreg:s8], $0x2FFFF;
	_ =	strace $0x9FFFFFFF  }
0xc4: {  	(tm) =	ssettm $0x7FFFFFFF  }
0xc5: {  	_ =	shalt  }
tec
execute0_lowered:
.L_overlay_start_1:
0x0: {  	(tag) =	ssettag $0x1  }
0x1: {  	s1 =	rddreg [dreg:$0x0]  }
0x2: {  	s4 =	rddreg [dreg:$0x1]  }
0x3: {  	s5 =	rddreg [dreg:$0x2];
	s3 =	simm.s32 $0x0  }
0x4: {  	s24 =	simm.s32 $0x880;
	[smem:$0x7FF] =	sst s3  }
0x5: {  	s25 =	simm.s32 $0x1080;
	_ =	strace $0x80000047;
	[dreg:$0x6] =	wrdreg s24  }
0x6: {  	s0 =	stileid.u32;
	s26 =	simm.s32 $0x1880;
	[dreg:$0x7] =	wrdreg s25  }
0x7: {  	s6 =	sshll.u32 s0, $0x5;
	s0 =	simm.s32 $0x2080;
	[dreg:$0x8] =	wrdreg s26  }
0x8: {  	s8 =	simm.s32 $0x4080;
	[dreg:$0x9] =	wrdreg s0  }
0x9: {  	s9 =	simm.s32 $0x4880;
	[dreg:$0xd] =	wrdreg s8  }
0xa: {  	s10 =	simm.s32 $0x5080;
	[dreg:$0xe] =	wrdreg s9  }
0xb: {  	s11 =	simm.s32 $0x5880;
	[dreg:$0xf] =	wrdreg s10  }
0xc: {  	s12 =	simm.s32 $0x6080;
	[dreg:$0x10] =	wrdreg s11  }
0xd: {  	s13 =	simm.s32 $0x6880;
	[dreg:$0x11] =	wrdreg s12  }
0xe: {  	s14 =	simm.s32 $0x7080;
	[dreg:$0x12] =	wrdreg s13  }
0xf: {  	s2 =	srdreg.scid;
	s15 =	simm.s32 $0x7880;
	[dreg:$0x13] =	wrdreg s14  }
0x10: {  	s16 =	simm.s32 $0x8080;
	s17 =	simm.s32 $0x8880;
	[dreg:$0x14] =	wrdreg s15  }
0x11: {  	s18 =	simm.s32 $0x9080;
	s20 =	simm.s32 $0x9880;
	[dreg:$0x15] =	wrdreg s16  }
0x12: {  	s21 =	simm.s32 $0xA080;
	s22 =	simm.s32 $0xA880;
	[dreg:$0x16] =	wrdreg s17  }
0x13: {  	s28 =	simm.s32 $0x16080;
	s29 =	simm.s32 $0x16880;
	[dreg:$0x17] =	wrdreg s18  }
0x14: {  	s30 =	simm.s32 $0x17080;
	s2 =	sand.u32 $0x1, s2;
	[dreg:$0x18] =	wrdreg s20  }
0x15: {  	s31 =	simm.s32 $0x17880;
	s7 =	sshll.u32 s2, $0x4;
	[dreg:$0x19] =	wrdreg s21  }
0x16: {  	s2 =	ssub.s32 $0x2, s2;
	[dreg:$0x1a] =	wrdreg s22;
	s24 =	simm.s32 $0xB880  }
0x17: {  	s25 =	simm.s32 $0xC080;
	s8 =	simm.s32 $0x80;
	s26 =	simm.s32 $0xC880  }
0x18: {  	s10 =	simm.s32 $0xD880;
	s11 =	simm.s32 $0xE080;
	s12 =	simm.s32 $0xE880  }
0x19: {  	s13 =	simm.s32 $0xF080;
	s14 =	simm.s32 $0xF880;
	s15 =	simm.s32 $0x10080  }
0x1a: {  	s16 =	simm.s32 $0x10880;
	s17 =	simm.s32 $0x11080;
	s18 =	simm.s32 $0x11880  }
0x1b: {  	s20 =	simm.s32 $0x12880;
	s21 =	simm.s32 $0x13080;
	[dreg:$0x1c] =	wrdreg s24  }
0x1c: {  	s22 =	simm.s32 $0x13880;
	s6 =	sor.u32 s7, s6;
	[dreg:$0x1d] =	wrdreg s25  }
0x1d: {  	s7 =	simm.s32 $0x3880;
	s19 =	sshrl.u32 s2, $0x1;
	[dreg:$0x1e] =	wrdreg s26  }
0x1e: {  	s24 =	simm.s32 $0x14880;
	s4 =	sadd.s32 s6, s4;
	s6 =	smul.u32 $0x300, s6  }
0x1f: {  	s25 =	simm.s32 $0x15080;
	[dreg:$0xc] =	wrdreg s7;
	s4 =	sadd.s32 $0x3800, s4  }
0x20: {  	s26 =	simm.s32 $0x15880;
	[dreg:$0x4] =	wrdreg s4;
	s23 =	sadd.s32 s5, s6  }
0x21: {  	s2 =	ssub.s32 s2, s19;
	s5 =	simm.s32 $0x2880;
	[dreg:$0x5] =	wrdreg s23  }
0x22: {  	s7 =	simm.s32 $0x2;
	s6 =	simm.s32 $0x3080;
	[dreg:$0xa] =	wrdreg s5  }
0x23: {  	v2 =	vlaneseq.u32;
	s19 =	simm.s32 $0x12080;
	s4 =	sadd.s32 $0x100, s1;
	[dreg:$0xb] =	wrdreg s6  }
0x24: {  	vm0 =	vmmov $0xffff;
	v1 =	vshrl.u32 v2, $0x3;
	s5 =	sadd.s32 $0x200, s1;
	s23 =	simm.s32 $0xB080;
	s6 =	smax.u32 s2, $0x1  }
0x25: {  	v0 =	vand.u32 $0x7, v2;
	v2 =	vor.u32 $0x8, v2;
	v1 =	vmul.u32 $0x8, v1;
	s2 =	simm.s32 $0x1;
	[dreg:$0x1b] =	wrdreg s23;
	s23 =	simm.s32 $0x14080  }
.LBB2_1:
0x26: {  	s0 =	rddreg [dreg:$0x4]  }
0x27: {  	[tilespmem:s3], [sflag:$0x2] =	stream.linear.gather [hbm4b:s0+s3], $0x80, $0x38;
	[tilespmem:$0x18080] =	vst v63  }
0x28: {  	_ =	swait.ge [sflag:s7], $0x80  }
0x29: {  	[sflag:s7] =	ssyncset.done $0x0  }
0x2a: {  	[sflag:s7] =	ssyncadd.s32 $0xFFFFFF80  }
0x2b: {  	v3 =	vld [tilespmem:$0x0];
	_ =	sdelay $0x4  }
0x2c: {  	v4 =	vshrl.u32 v3, $0x3  }
0x2d: {  	v4 =	vmul.u32 $0x30, v4  }
0x2e: {  	v3 =	vand.u32 $0x7, v3  }
0x2f: {  	v3 =	vor.u32 v3, v4  }
0x30: {  	v4 =	vperm.xlane v3, v0;
	_ =	sdelay $0x1  }
0x31: {  	v4 =	vadd.s32 v1, v4;
	_ =	sdelay $0x3  }
0x32: {  	v3 =	vperm.xlane v3, v2  }
0x33: {  	[tilespmem:s8], [sflag:$0x1] =	stream.indirect_vreg.gather [hbm4b:s1+s3], $0x80, v4, vm0, $0xb8;
	[tilespmem:$0x18080] =	vst v63  }
0x34: {  	s0 =	rddreg [dreg:$0x6];
	v3 =	vadd.s32 v1, v3  }
0x35: {  	[tilespmem:s0], [sflag:$0x1] =	stream.indirect_vreg.gather [hbm4b:s4+s3], $0x80, v4, vm0, $0xb8;
	[tilespmem:$0x18080] =	vst v63  }
0x36: {  	s9 =	rddreg [dreg:$0x7]  }
0x37: {  	[tilespmem:s9], [sflag:$0x1] =	stream.indirect_vreg.gather [hbm4b:s5+s3], $0x80, v4, vm0, $0xb8;
	[tilespmem:$0x18080] =	vst v63  }
0x38: {  	s0 =	rddreg [dreg:$0x8]  }
0x39: {  	[tilespmem:s0], [sflag:$0x1] =	stream.indirect_vreg.gather [hbm4b:s1+s3], $0x80, v3, vm0, $0xb8;
	[tilespmem:$0x18080] =	vst v63  }
0x3a: {  	s9 =	rddreg [dreg:$0x9]  }
0x3b: {  	[tilespmem:s9], [sflag:$0x1] =	stream.indirect_vreg.gather [hbm4b:s4+s3], $0x80, v3, vm0, $0xb8;
	[tilespmem:$0x18080] =	vst v63  }
0x3c: {  	s0 =	rddreg [dreg:$0xa]  }
0x3d: {  	[tilespmem:s0], [sflag:$0x1] =	stream.indirect_vreg.gather [hbm4b:s5+s3], $0x80, v3, vm0, $0xb8;
	[tilespmem:$0x18080] =	vst v63  }
0x3e: {  	v3 =	vld [tilespmem:$0x10];
	_ =	sdelay $0x4  }
0x3f: {  	v57 =	vshrl.u32 v3, $0x3  }
0x40: {  	v4 =	vmul.u32 $0x30, v57  }
0x41: {  	v3 =	vand.u32 $0x7, v3  }
0x42: {  	v3 =	vor.u32 v3, v4  }
0x43: {  	v4 =	vperm.xlane v3, v0;
	_ =	sdelay $0x1  }
0x44: {  	v4 =	vadd.s32 v1, v4;
	_ =	sdelay $0x3  }
0x45: {  	s0 =	rddreg [dreg:$0xb];
	v3 =	vperm.xlane v3, v2  }
0x46: {  	[tilespmem:s0], [sflag:$0x1] =	stream.indirect_vreg.gather [hbm4b:s1+s3], $0x80, v4, vm0, $0xb8;
	[tilespmem:$0x18080] =	vst v63  }
0x47: {  	s9 =	rddreg [dreg:$0xc];
	v3 =	vadd.s32 v1, v3  }
0x48: {  	[tilespmem:s9], [sflag:$0x1] =	stream.indirect_vreg.gather [hbm4b:s4+s3], $0x80, v4, vm0, $0xb8;
	[tilespmem:$0x18080] =	vst v63  }
0x49: {  	s0 =	rddreg [dreg:$0xd]  }
0x4a: {  	[tilespmem:s0], [sflag:$0x1] =	stream.indirect_vreg.gather [hbm4b:s5+s3], $0x80, v4, vm0, $0xb8;
	[tilespmem:$0x18080] =	vst v63  }
0x4b: {  	s9 =	rddreg [dreg:$0xe]  }
0x4c: {  	[tilespmem:s9], [sflag:$0x1] =	stream.indirect_vreg.gather [hbm4b:s1+s3], $0x80, v3, vm0, $0xb8;
	[tilespmem:$0x18080] =	vst v63  }
0x4d: {  	s0 =	rddreg [dreg:$0xf]  }
0x4e: {  	[tilespmem:s0], [sflag:$0x1] =	stream.indirect_vreg.gather [hbm4b:s4+s3], $0x80, v3, vm0, $0xb8;
	[tilespmem:$0x18080] =	vst v63  }
0x4f: {  	s9 =	rddreg [dreg:$0x10]  }
0x50: {  	[tilespmem:s9], [sflag:$0x1] =	stream.indirect_vreg.gather [hbm4b:s5+s3], $0x80, v3, vm0, $0xb8;
	[tilespmem:$0x18080] =	vst v63  }
0x51: {  	v3 =	vld [tilespmem:$0x20];
	_ =	sdelay $0x4  }
0x52: {  	v58 =	vshrl.u32 v3, $0x3  }
0x53: {  	v4 =	vmul.u32 $0x30, v58  }
0x54: {  	v3 =	vand.u32 $0x7, v3  }
0x55: {  	v3 =	vor.u32 v3, v4  }
0x56: {  	v4 =	vperm.xlane v3, v0;
	_ =	sdelay $0x1  }
0x57: {  	v4 =	vadd.s32 v1, v4;
	_ =	sdelay $0x3  }
0x58: {  	s0 =	rddreg [dreg:$0x11];
	v3 =	vperm.xlane v3, v2  }
0x59: {  	[tilespmem:s0], [sflag:$0x1] =	stream.indirect_vreg.gather [hbm4b:s1+s3], $0x80, v4, vm0, $0xb8;
	[tilespmem:$0x18080] =	vst v63  }
0x5a: {  	s9 =	rddreg [dreg:$0x12];
	v3 =	vadd.s32 v1, v3  }
0x5b: {  	[tilespmem:s9], [sflag:$0x1] =	stream.indirect_vreg.gather [hbm4b:s4+s3], $0x80, v4, vm0, $0xb8;
	[tilespmem:$0x18080] =	vst v63  }
0x5c: {  	s0 =	rddreg [dreg:$0x13]  }
0x5d: {  	[tilespmem:s0], [sflag:$0x1] =	stream.indirect_vreg.gather [hbm4b:s5+s3], $0x80, v4, vm0, $0xb8;
	[tilespmem:$0x18080] =	vst v63  }
0x5e: {  	s9 =	rddreg [dreg:$0x14]  }
0x5f: {  	[tilespmem:s9], [sflag:$0x1] =	stream.indirect_vreg.gather [hbm4b:s1+s3], $0x80, v3, vm0, $0xb8;
	[tilespmem:$0x18080] =	vst v63  }
0x60: {  	s0 =	rddreg [dreg:$0x15]  }
0x61: {  	[tilespmem:s0], [sflag:$0x1] =	stream.indirect_vreg.gather [hbm4b:s4+s3], $0x80, v3, vm0, $0xb8;
	[tilespmem:$0x18080] =	vst v63  }
0x62: {  	s9 =	rddreg [dreg:$0x16]  }
0x63: {  	[tilespmem:s9], [sflag:$0x1] =	stream.indirect_vreg.gather [hbm4b:s5+s3], $0x80, v3, vm0, $0xb8;
	[tilespmem:$0x18080] =	vst v63  }
0x64: {  	v3 =	vld [tilespmem:$0x30];
	_ =	sdelay $0x4  }
0x65: {  	v59 =	vshrl.u32 v3, $0x3  }
0x66: {  	v4 =	vmul.u32 $0x30, v59  }
0x67: {  	v3 =	vand.u32 $0x7, v3  }
0x68: {  	v3 =	vor.u32 v3, v4  }
0x69: {  	v4 =	vperm.xlane v3, v0;
	_ =	sdelay $0x1  }
0x6a: {  	v4 =	vadd.s32 v1, v4;
	_ =	sdelay $0x3  }
0x6b: {  	s0 =	rddreg [dreg:$0x17];
	v3 =	vperm.xlane v3, v2  }
0x6c: {  	[tilespmem:s0], [sflag:$0x1] =	stream.indirect_vreg.gather [hbm4b:s1+s3], $0x80, v4, vm0, $0xb8;
	[tilespmem:$0x18080] =	vst v63  }
0x6d: {  	s9 =	rddreg [dreg:$0x18];
	v3 =	vadd.s32 v1, v3  }
0x6e: {  	[tilespmem:s9], [sflag:$0x1] =	stream.indirect_vreg.gather [hbm4b:s4+s3], $0x80, v4, vm0, $0xb8;
	[tilespmem:$0x18080] =	vst v63  }
0x6f: {  	s0 =	rddreg [dreg:$0x19]  }
0x70: {  	[tilespmem:s0], [sflag:$0x1] =	stream.indirect_vreg.gather [hbm4b:s5+s3], $0x80, v4, vm0, $0xb8;
	[tilespmem:$0x18080] =	vst v63  }
0x71: {  	s9 =	rddreg [dreg:$0x1a]  }
0x72: {  	[tilespmem:s9], [sflag:$0x1] =	stream.indirect_vreg.gather [hbm4b:s1+s3], $0x80, v3, vm0, $0xb8;
	[tilespmem:$0x18080] =	vst v63  }
0x73: {  	s0 =	rddreg [dreg:$0x1b]  }
0x74: {  	[tilespmem:s0], [sflag:$0x1] =	stream.indirect_vreg.gather [hbm4b:s4+s3], $0x80, v3, vm0, $0xb8;
	[tilespmem:$0x18080] =	vst v63  }
0x75: {  	s9 =	rddreg [dreg:$0x1c]  }
0x76: {  	[tilespmem:s9], [sflag:$0x1] =	stream.indirect_vreg.gather [hbm4b:s5+s3], $0x80, v3, vm0, $0xb8;
	[tilespmem:$0x18080] =	vst v63  }
0x77: {  	v3 =	vld [tilespmem:$0x40];
	_ =	sdelay $0x4  }
0x78: {  	v60 =	vshrl.u32 v3, $0x3  }
0x79: {  	v4 =	vmul.u32 $0x30, v60  }
0x7a: {  	v3 =	vand.u32 $0x7, v3  }
0x7b: {  	v3 =	vor.u32 v3, v4  }
0x7c: {  	v4 =	vperm.xlane v3, v0;
	_ =	sdelay $0x1  }
0x7d: {  	v4 =	vadd.s32 v1, v4;
	_ =	sdelay $0x3  }
0x7e: {  	s0 =	rddreg [dreg:$0x1d];
	v3 =	vperm.xlane v3, v2  }
0x7f: {  	[tilespmem:s0], [sflag:$0x1] =	stream.indirect_vreg.gather [hbm4b:s1+s3], $0x80, v4, vm0, $0xb8;
	[tilespmem:$0x18080] =	vst v63  }
0x80: {  	s9 =	rddreg [dreg:$0x1e];
	v3 =	vadd.s32 v1, v3  }
0x81: {  	[tilespmem:s9], [sflag:$0x1] =	stream.indirect_vreg.gather [hbm4b:s4+s3], $0x80, v4, vm0, $0xb8;
	[tilespmem:$0x18080] =	vst v63  }
0x82: {  	s9 =	simm.s32 $0xD080  }
0x83: {  	[tilespmem:s9], [sflag:$0x1] =	stream.indirect_vreg.gather [hbm4b:s5+s3], $0x80, v4, vm0, $0xb8;
	[tilespmem:$0x18080] =	vst v63  }
0x84: {  	_ = 	snop  }
0x85: {  	[tilespmem:s10], [sflag:$0x1] =	stream.indirect_vreg.gather [hbm4b:s1+s3], $0x80, v3, vm0, $0xb8;
	[tilespmem:$0x18080] =	vst v63  }
0x86: {  	_ = 	snop  }
0x87: {  	[tilespmem:s11], [sflag:$0x1] =	stream.indirect_vreg.gather [hbm4b:s4+s3], $0x80, v3, vm0, $0xb8;
	[tilespmem:$0x18080] =	vst v63  }
0x88: {  	_ = 	snop  }
0x89: {  	[tilespmem:s12], [sflag:$0x1] =	stream.indirect_vreg.gather [hbm4b:s5+s3], $0x80, v3, vm0, $0xb8;
	[tilespmem:$0x18080] =	vst v63  }
0x8a: {  	v3 =	vld [tilespmem:$0x50];
	_ =	sdelay $0x4  }
0x8b: {  	v61 =	vshrl.u32 v3, $0x3  }
0x8c: {  	v4 =	vmul.u32 $0x30, v61  }
0x8d: {  	v3 =	vand.u32 $0x7, v3  }
0x8e: {  	v3 =	vor.u32 v3, v4  }
0x8f: {  	v4 =	vperm.xlane v3, v0;
	_ =	sdelay $0x1  }
0x90: {  	v4 =	vadd.s32 v1, v4;
	_ =	sdelay $0x3  }
0x91: {  	v3 =	vperm.xlane v3, v2  }
0x92: {  	[tilespmem:s13], [sflag:$0x1] =	stream.indirect_vreg.gather [hbm4b:s1+s3], $0x80, v4, vm0, $0xb8;
	[tilespmem:$0x18080] =	vst v63  }
0x93: {  	v3 =	vadd.s32 v1, v3  }
0x94: {  	[tilespmem:s14], [sflag:$0x1] =	stream.indirect_vreg.gather [hbm4b:s4+s3], $0x80, v4, vm0, $0xb8;
	[tilespmem:$0x18080] =	vst v63  }
0x95: {  	_ = 	snop  }
0x96: {  	[tilespmem:s15], [sflag:$0x1] =	stream.indirect_vreg.gather [hbm4b:s5+s3], $0x80, v4, vm0, $0xb8;
	[tilespmem:$0x18080] =	vst v63  }
0x97: {  	_ = 	snop  }
0x98: {  	[tilespmem:s16], [sflag:$0x1] =	stream.indirect_vreg.gather [hbm4b:s1+s3], $0x80, v3, vm0, $0xb8;
	[tilespmem:$0x18080] =	vst v63  }
0x99: {  	_ = 	snop  }
0x9a: {  	[tilespmem:s17], [sflag:$0x1] =	stream.indirect_vreg.gather [hbm4b:s4+s3], $0x80, v3, vm0, $0xb8;
	[tilespmem:$0x18080] =	vst v63  }
0x9b: {  	_ = 	snop  }
0x9c: {  	[tilespmem:s18], [sflag:$0x1] =	stream.indirect_vreg.gather [hbm4b:s5+s3], $0x80, v3, vm0, $0xb8;
	[tilespmem:$0x18080] =	vst v63  }
0x9d: {  	v3 =	vld [tilespmem:$0x60];
	_ =	sdelay $0x4  }
0x9e: {  	v62 =	vshrl.u32 v3, $0x3  }
0x9f: {  	v4 =	vmul.u32 $0x30, v62  }
0xa0: {  	v3 =	vand.u32 $0x7, v3  }
0xa1: {  	v3 =	vor.u32 v3, v4  }
0xa2: {  	v4 =	vperm.xlane v3, v0;
	_ =	sdelay $0x1  }
0xa3: {  	v4 =	vadd.s32 v1, v4;
	_ =	sdelay $0x3  }
0xa4: {  	v3 =	vperm.xlane v3, v2  }
0xa5: {  	[tilespmem:s19], [sflag:$0x1] =	stream.indirect_vreg.gather [hbm4b:s1+s3], $0x80, v4, vm0, $0xb8;
	[tilespmem:$0x18080] =	vst v63  }
0xa6: {  	v3 =	vadd.s32 v1, v3  }
0xa7: {  	[tilespmem:s20], [sflag:$0x1] =	stream.indirect_vreg.gather [hbm4b:s4+s3], $0x80, v4, vm0, $0xb8;
	[tilespmem:$0x18080] =	vst v63  }
0xa8: {  	_ = 	snop  }
0xa9: {  	[tilespmem:s21], [sflag:$0x1] =	stream.indirect_vreg.gather [hbm4b:s5+s3], $0x80, v4, vm0, $0xb8;
	[tilespmem:$0x18080] =	vst v63  }
0xaa: {  	_ = 	snop  }
0xab: {  	[tilespmem:s22], [sflag:$0x1] =	stream.indirect_vreg.gather [hbm4b:s1+s3], $0x80, v3, vm0, $0xb8;
	[tilespmem:$0x18080] =	vst v63  }
0xac: {  	_ = 	snop  }
0xad: {  	[tilespmem:s23], [sflag:$0x1] =	stream.indirect_vreg.gather [hbm4b:s4+s3], $0x80, v3, vm0, $0xb8;
	[tilespmem:$0x18080] =	vst v63  }
0xae: {  	_ = 	snop  }
0xaf: {  	[tilespmem:s24], [sflag:$0x1] =	stream.indirect_vreg.gather [hbm4b:s5+s3], $0x80, v3, vm0, $0xb8;
	[tilespmem:$0x18080] =	vst v63  }
0xb0: {  	v3 =	vld [tilespmem:$0x70];
	_ =	sdelay $0x4  }
0xb1: {  	v63 =	vshrl.u32 v3, $0x3  }
0xb2: {  	v4 =	vmul.u32 $0x30, v63  }
0xb3: {  	v3 =	vand.u32 $0x7, v3  }
0xb4: {  	v3 =	vor.u32 v3, v4  }
0xb5: {  	v4 =	vperm.xlane v3, v0;
	_ =	sdelay $0x1  }
0xb6: {  	v4 =	vadd.s32 v1, v4;
	_ =	sdelay $0x3  }
0xb7: {  	v3 =	vperm.xlane v3, v2  }
0xb8: {  	[tilespmem:s25], [sflag:$0x1] =	stream.indirect_vreg.gather [hbm4b:s1+s3], $0x80, v4, vm0, $0xb8;
	[tilespmem:$0x18080] =	vst v63  }
0xb9: {  	v3 =	vadd.s32 v1, v3  }
0xba: {  	[tilespmem:s26], [sflag:$0x1] =	stream.indirect_vreg.gather [hbm4b:s4+s3], $0x80, v4, vm0, $0xb8;
	[tilespmem:$0x18080] =	vst v63  }
0xbb: {  	_ = 	snop  }
0xbc: {  	[tilespmem:s28], [sflag:$0x1] =	stream.indirect_vreg.gather [hbm4b:s5+s3], $0x80, v4, vm0, $0xb8;
	[tilespmem:$0x18080] =	vst v63  }
0xbd: {  	_ = 	snop  }
0xbe: {  	[tilespmem:s29], [sflag:$0x1] =	stream.indirect_vreg.gather [hbm4b:s1+s3], $0x80, v3, vm0, $0xb8;
	[tilespmem:$0x18080] =	vst v63  }
0xbf: {  	_ = 	snop  }
0xc0: {  	[tilespmem:s30], [sflag:$0x1] =	stream.indirect_vreg.gather [hbm4b:s4+s3], $0x80, v3, vm0, $0xb8;
	[tilespmem:$0x18080] =	vst v63  }
0xc1: {  	_ = 	snop  }
0xc2: {  	[tilespmem:s31], [sflag:$0x1] =	stream.indirect_vreg.gather [hbm4b:s5+s3], $0x80, v3, vm0, $0xb8;
	[tilespmem:$0x18080] =	vst v63  }
0xc3: {  	_ =	swait.ge [sflag:s2], $0x18000  }
0xc4: {  	p0 =	sne.s32 s6, $0x1;
	[sflag:s2] =	ssyncset.done $0x0  }
.Ltmp0:
0xc5: {  	s9 =	rddreg [dreg:$0x5];
	[sflag:s2] =	ssyncadd.s32 $0xFFFE8000;
	(pc) =	sbr.rel @p0 .LBB2_1-.Ltmp0, $4  }
0xc6: {  	[hbm4b:s9+s3] =	stream.linear.scatter [tilespmem:s8], [sflag:$0x2], $0x18000, $0x38;
	[tilespmem:$0x18080] =	vst v63  }
0xc7: {  	_ =	swait.ge [sflag:s7], $0x18000  }
0xc8: {  	[sflag:s7] =	ssyncset.done $0x0  }
0xc9: {  	s6 =	sadd.s32 $0xFFFFFFFF, s6;
	[sflag:s7] =	ssyncadd.s32 $0xFFFE8000  }
0xca: {  	_ =	sfence.sel $0x180000  }
0xcb: {  	[bflag:$0x0] =	sbarrier.arrive $0xFFFF  }
0xcc: {  	_ =	strace $0x90000047  }
0xcd: {  	s0 =	stileid.u32;
	[bflag:$0x2] =	sbarrier.arrive $0xFFFF  }
0xce: {  	p0 =	sne.s32 s0, $0x0;
	s0 =	rddreg [dreg:$0x3]  }
0xcf: {  	s0 =	sadd.s32 @!p0 $0x100000, s0  }
0xd0: {  	[sflag:s0] =	ssyncadd.tile.s32 @!p0 $0x1;
	_ =	shalt  }
.Lfunc_end2:
_tile_overlayer_lowered:
.L_overlay_start_2:
0xd1: {  	(tag) =	ssettag $0x2  }
0xd2: {  	s0 =	rddreg [dreg:$0x0];
	s2 =	stileid.u32  }
0xd3: {  	s1 =	rddreg [dreg:$0x1];
	p0 =	sne.s32 s2, $0x0  }
0xd4: {  	s3 =	rddreg [dreg:$0x2];
	[bflag:$0x3] =	sbarrier.arrive $0xFFFF;
	s2 =	simm.s32 @!p0 $0x1C02  }
0xd5: {  	[timem:s3], [sflag:s2] =	dma.local @!p0 [hbm:s0], s1  }
0xd6: {  	s0 =	simm.s32 @!p0 $0x2  }
0xd7: {  	_ =	swait.ge @!p0 [sflag:s0], s1  }
0xd8: {  	s1 =	ssub.s32 @!p0 $0x0, s1;
	[sflag:s0] =	ssyncset.done @!p0 $0x0  }
0xd9: {  	[sflag:s0] =	ssyncadd.s32 @!p0 s1  }
0xda: {  	[bflag:$0x3] =	sbarrier.arrive $0xFFFF  }
0xdb: {  	_ =	shalt  }

// kernel: kernel.16.cloned.1.call-start
scs
__scs_entry_jumppad:
0x0: {  	(pc) =	sbr.rel $0x88, $3  }
0x1: {  	(tag) =	ssettag $0x0;
	lr =	simm.s32 $0x1  }
0x2: {  	[smem:$0x3F92] =	sst lr;
	_ =	strace $0xD0000000  }
0x3: {  	_ = 	snop  }
0x4: {  	_ = 	snop  }
0x5: {  	_ = 	snop  }
0x6: {  	_ = 	snop  }
0x7: {  	_ = 	snop  }
__scs_overlays_trampoline_lowered:
0x8: {  	[smem:$0x3FA1] =	sst s0  }
0x9: {  	[smem:$0x3FA2] =	sst s1  }
0xa: {  	[smem:$0x3FA3] =	sst s2  }
0xb: {  	[smem:$0x3FA4] =	sst s3  }
0xc: {  	[smem:$0x3FA5] =	sst s4  }
0xd: {  	[smem:$0x3FA6] =	sst s5  }
0xe: {  	[smem:$0x3FA7] =	sst s6  }
0xf: {  	[smem:$0x3FA8] =	sst s7  }
0x10: {  	[smem:$0x3FA9] =	sst s8  }
0x11: {  	[smem:$0x3FAA] =	sst s9;
	s0 =	simm.s32 @!p0 $0x0  }
0x12: {  	s1 =	sld [smem:$0x3F90];
	s0 =	simm.s32 @p0 $0x1  }
0x13: {  	[smem:$0x3FAB] =	sst s0;
	s0 =	simm.s32 @!p1 $0x0  }
0x14: {  	s2 =	sld [smem:$0x3F8F];
	s0 =	simm.s32 @p1 $0x1  }
0x15: {  	[smem:$0x3FAC] =	sst s0;
	s0 =	simm.s32 @!p2 $0x0  }
0x16: {  	s3 =	sld [smem:$0x3FDB];
	s0 =	simm.s32 @p2 $0x1  }
0x17: {  	s4 =	simm.s32 $0x1BF5;
	[smem:$0x3FAE] =	sst s0  }
0x18: {  	s0 =	sld [smem:$0x3F91];
	_ =	swait.ge [sflag:s4], $0x0  }
0x19: {  	s7 =	sld [smem:$0x3F92]  }
0x1a: {  	s8 =	sadd.s32 $0xFFFFE003, lr  }
0x1b: {  	s9 =	sadd.s32 $0xFFFFFEF7, lr;
	s5 =	simm.s32 $0xFFFFFFFF;
	p2 =	slt.u32 s8, $0xFFFFF086  }
0x1c: {  	p1 =	slt.u32 s9, $0xF7A;
	s5 =	simm.s32 @!p2 $0x0  }
0x1d: {  	s5 =	simm.s32 @p1 $0x1;
	p0 =	seq.s32 s7, s2  }
0x1e: {  	s7 =	smul.u32 @!p0 $0xF7A, s2;
	p2 =	seq.s32 @!p0 s5, $0x0  }
0x1f: {  	s9 =	smul.u32 $0xF7A, s1;
	s8 =	simm.s32 @!p0 $0x1BF5;
	p2 =	por !p2, p0  }
0x20: {  	[sflag:s8] =	ssyncset.s32 @!p0 $0xFFFFF086;
	s6 =	sadd.s32 @!p0 s3, s7;
	s7 =	simm.s32 @!p0 $0x108  }
0x21: {  	s3 =	sadd.s32 s3, s9;
	s6 =	sadd.s32 @!p0 $0x88, s6;
	s7 =	simm.s32 @p2 $0x1082  }
0x22: {  	[simem:s7], [sflag:s8] =	dma.local @!p0 [hbm:s6], $0xF7A  }
0x23: {  	s9 =	sor.u32 $0xD0000000, s2;
	s6 =	simm.s32 $0x108;
	_ =	swait.ge @!p0 [sflag:s8], $0x0  }
0x24: {  	s3 =	sadd.s32 $0x88, s3;
	s6 =	simm.s32 @!p1 $0x1082;
	[sflag:s4] =	ssyncset.s32 $0xFFFFF086  }
0x25: {  	[simem:s6], [sflag:s4] =	dma.local [hbm:s3], $0xF7A  }
0x26: {  	[smem:$0x3F92] =	sst s1;
	(tag) =	ssettag s2;
	_ =	strace s9  }
0x27: {  	s1 =	sld [smem:$0x3FA2]  }
0x28: {  	s2 =	sld [smem:$0x3FA3]  }
0x29: {  	s4 =	sld [smem:$0x3FA5]  }
0x2a: {  	p0 =	seq.s32 s5, $0x0;
	s5 =	sld [smem:$0x3FA6]  }
0x2b: {  	s6 =	sld [smem:$0x3FA7]  }
0x2c: {  	s7 =	sld [smem:$0x3FA8]  }
0x2d: {  	s3 =	simm.s32 $0x108;
	s8 =	sld [smem:$0x3FA9]  }
0x2e: {  	s3 =	simm.s32 @!p0 $0x1082;
	s9 =	sld [smem:$0x3FAA]  }
0x2f: {  	lr =	sadd.s32 s0, s3;
	s0 =	sld [smem:$0x3FA1]  }
0x30: {  	s3 =	sld [smem:$0x3FA4]  }
0x31: {  	[smem:$0x3FAD] =	sst s10  }
0x32: {  	s10 =	sld [smem:$0x3FAB];
	_ =	sdelay $0x3  }
0x33: {  	p0 =	seq.s32 s10, $0x1;
	s10 =	sld [smem:$0x3FAD];
	_ =	sdelay $0x3  }
0x34: {  	[smem:$0x3FAD] =	sst s10  }
0x35: {  	s10 =	sld [smem:$0x3FAC];
	_ =	sdelay $0x3  }
0x36: {  	p1 =	seq.s32 s10, $0x1;
	s10 =	sld [smem:$0x3FAD];
	_ =	sdelay $0x3  }
0x37: {  	[smem:$0x3FAD] =	sst s10  }
0x38: {  	s10 =	sld [smem:$0x3FAE]  }
0x39: {  	_ = 	snop;
	(pc) =	sbr.ind lr, $3  }
0x3a: {  	_ = 	snop  }
0x3b: {  	_ = 	snop  }
0x3c: {  	p2 =	seq.s32 s10, $0x1;
	s10 =	sld [smem:$0x3FAD]  }
0x3d: {  	_ =	shalt  }
0x3e: {  	_ =	shalt  }
0x3f: {  	_ =	shalt  }
0x40: {  	_ =	shalt  }
0x41: {  	_ =	shalt  }
0x42: {  	_ =	shalt  }
0x43: {  	_ =	shalt  }
0x44: {  	_ =	shalt  }
0x45: {  	_ =	shalt  }
0x46: {  	_ =	shalt  }
0x47: {  	_ =	shalt  }
0x48: {  	_ =	shalt  }
0x49: {  	_ =	shalt  }
0x4a: {  	_ =	shalt  }
0x4b: {  	_ =	shalt  }
0x4c: {  	_ =	shalt  }
0x4d: {  	_ =	shalt  }
0x4e: {  	_ =	shalt  }
0x4f: {  	_ =	shalt  }
0x50: {  	_ =	shalt  }
0x51: {  	_ =	shalt  }
0x52: {  	_ =	shalt  }
0x53: {  	_ =	shalt  }
0x54: {  	_ =	shalt  }
0x55: {  	_ =	shalt  }
0x56: {  	_ =	shalt  }
0x57: {  	_ =	shalt  }
0x58: {  	_ =	shalt  }
0x59: {  	_ =	shalt  }
0x5a: {  	_ =	shalt  }
0x5b: {  	_ =	shalt  }
0x5c: {  	_ =	shalt  }
0x5d: {  	_ =	shalt  }
0x5e: {  	_ =	shalt  }
0x5f: {  	_ =	shalt  }
0x60: {  	_ =	shalt  }
0x61: {  	_ =	shalt  }
0x62: {  	_ =	shalt  }
0x63: {  	_ =	shalt  }
0x64: {  	_ =	shalt  }
0x65: {  	_ =	shalt  }
0x66: {  	_ =	shalt  }
0x67: {  	_ =	shalt  }
0x68: {  	_ =	shalt  }
0x69: {  	_ =	shalt  }
0x6a: {  	_ =	shalt  }
0x6b: {  	_ =	shalt  }
0x6c: {  	_ =	shalt  }
0x6d: {  	_ =	shalt  }
0x6e: {  	_ =	shalt  }
0x6f: {  	_ =	shalt  }
0x70: {  	_ =	shalt  }
0x71: {  	_ =	shalt  }
0x72: {  	_ =	shalt  }
0x73: {  	_ =	shalt  }
0x74: {  	_ =	shalt  }
0x75: {  	_ =	shalt  }
0x76: {  	_ =	shalt  }
0x77: {  	_ =	shalt  }
0x78: {  	_ =	shalt  }
0x79: {  	_ =	shalt  }
0x7a: {  	_ =	shalt  }
0x7b: {  	_ =	shalt  }
0x7c: {  	_ =	shalt  }
0x7d: {  	_ =	shalt  }
0x7e: {  	_ =	shalt  }
0x7f: {  	_ =	shalt  }
0x80: {  	_ =	shalt  }
0x81: {  	_ =	shalt  }
0x82: {  	_ =	shalt  }
0x83: {  	_ =	shalt  }
0x84: {  	_ =	shalt  }
0x85: {  	_ =	shalt  }
0x86: {  	_ =	shalt  }
0x87: {  	_ =	shalt  }
.Lfunc_end0:
.L_simem_size_0:
called_computation.1_lowered:
.L_overlay_start_0:
0x88: {  	s2 =	sld [smem:$0x3FD9]  }
0x89: {  	s3 =	sld [smem:$0x3FFE];
	_ =	sdelay $0x1  }
0x8a: {  	s1 =	srdreg.scid  }
0x8b: {  	s0 =	sand.u32 $0x1, s1  }
0x8c: {  	s17 =	sshll.u32 s0, $0xA;
	s2 =	sadd.s32 s3, s2  }
0x8d: {  	s2 =	sadd.s32 s2, s17  }
0x8e: {  	[smem:$0x3FB9] =	sst s2  }
0x8f: {  	_ = 	snop  }
0x90: {  	s18 =	sld [smem:$0x3FC6];
	(tm) =	ssettm $0x1  }
0x91: {  	s19 =	sld [smem:$0x3FFB];
	_ =	sdelay $0x3  }
0x92: {  	_ =	strace s19  }
0x93: {  	s2 =	sld [smem:$0x3FFC];
	_ =	sdelay $0x3  }
0x94: {  	_ =	strace s2  }
0x95: {  	s2 =	sld [smem:$0x3FFD];
	_ =	sdelay $0x3  }
0x96: {  	_ =	strace s2  }
0x97: {  	_ =	strace $0x8FFFFFFF  }
0x98: {  	s20 =	sld [smem:$0x3FDB];
	_ =	sdelay $0x1  }
0x99: {  	s4 =	simm.s32 $_scs_section_size  }
0x9a: {  	s5 =	simm.s32 $_size__tile_overlayer_lowered;
	s6 =	simm.s32 $_tile_overlayer_lowered  }
0x9b: {  	s7 =	simm.s32 $0x1BFF;
	s21 =	sshll.u32 s6, $0x1;
	s4 =	sadd.s32 s4, s20  }
0x9c: {  	s22 =	simm.s32 $0x0;
	s5 =	sshll.u32 s5, $0x1;
	s6 =	sadd.s32 s21, s4  }
0x9d: {  	[timem:s22], [sflag:s7] =	dma.local [hbm:s6], s5  }
0x9e: {  	_ =	swait.ge [sflag:s7], s5  }
0x9f: {  	s5 =	ssub.s32 $0x0, s5;
	[sflag:s7] =	ssyncset.done $0x0  }
0xa0: {  	[sflag:s7] =	ssyncadd.s32 s5;
	_ =	sdelay $0x1  }
0xa1: {  	s23 =	simm.s32 $0x1B8B  }
0xa2: {  	_ =	swait.ge [sflag:s23], $0x1  }
0xa3: {  	[sflag:s23] =	ssyncset.done $0x0  }
0xa4: {  	[sflag:s23] =	ssyncadd.s32 $0xFFFFFFFF  }
0xa5: {  	s5 =	sld [smem:$0x0]  }
0xa6: {  	s6 =	sand.u32 $0xFFFFFFFE, s1  }
0xa7: {  	p0 =	sne.s32 s1, s6  }
0xa8: {  	s6 =	sshll.u32 @p0 s6, $0xE  }
0xa9: {  	s6 =	sadd.s32 @p0 $0x11B8D, s6;
	s7 =	sshll.u32 @p0 s5, $0x11  }
0xaa: {  	s6 =	sor.u32 @p0 s7, s6  }
0xab: {  	[sflag:s6] =	ssyncadd.remote.s32 @p0 $0x1;
	_ =	sdelay $0x1  }
0xac: {  	s6 =	simm.s32 @p0 $0x1B8D  }
0xad: {  	_ =	swait.eq @p0 [sflag:s6], $0x1  }
0xae: {  	[sflag:s6] =	ssyncadd.s32 @p0 $0xFFFFFFFF  }
0xaf: {  	s7 =	sshll.u32 @!p0 s1, $0xE  }
0xb0: {  	s7 =	sor.u32 @!p0 $0x4000, s7;
	s6 =	simm.s32 @!p0 $0x1B8D  }
0xb1: {  	s5 =	sshll.u32 @!p0 s5, $0x11;
	s7 =	sadd.s32 @!p0 $0x11B8D, s7;
	_ =	swait.eq @!p0 [sflag:s6], $0x1  }
0xb2: {  	s5 =	sor.u32 @!p0 s5, s7;
	[sflag:s6] =	ssyncadd.s32 @!p0 $0xFFFFFFFF  }
0xb3: {  	s25 =	simm.s32 $0x1B8E;
	s24 =	sld [smem:$0x3FFE];
	[sflag:s5] =	ssyncadd.remote.s32 @!p0 $0x1  }
0xb4: {  	s26 =	simm.s32 $execute0_lowered;
	[smem:$0x3FD2] =	sst s25  }
0xb5: {  	s6 =	sshll.u32 s26, $0x1;
	_ =	strace $0x80000049;
	[dreg:$0x1] =	wrdreg $0xFFFFFFFF  }
0xb6: {  	s28 =	simm.s32 $_size_execute0_lowered;
	s4 =	sadd.s32 s4, s6;
	[dreg:$0x0] =	wrdreg $0x0  }
0xb7: {  	s6 =	sshll.u32 s28, $0x1;
	[dreg:$0x2] =	wrdreg s4  }
0xb8: {  	[dreg:$0x3] =	wrdreg s6  }
0xb9: {  	[dreg:$0x4] =	wrdreg $0xC0  }
0xba: {  	_ =	task [dreg:s22], $0x5FFFF  }
0xbb: {  	[dreg:$0x1] =	wrdreg $0xFFFFFFFF  }
0xbc: {  	[dreg:$0x0] =	wrdreg $0x60  }
0xbd: {  	[dreg:$0x2] =	wrdreg s18  }
0xbe: {  	[dreg:$0x3] =	wrdreg s24  }
0xbf: {  	[dreg:$0x4] =	wrdreg $0xA  }
0xc0: {  	_ =	task.clear_ibuf [dreg:s22], $0x5FFFF;
	_ =	strace $0x90000049  }
0xc1: {  	s29 =	simm.s32 $0xA;
	_ =	strace $0x8000004B  }
0xc2: {  	_ =	swait.ge [sflag:s29], $0x1  }
0xc3: {  	[sflag:s29] =	ssyncadd.s32 $0xFFFFFFFF  }
0xc4: {  	_ =	strace $0x9000004B  }
0xc5: {  	_ =	sfence  }
0xc6: {  	s30 =	sld [smem:$0x0];
	_ =	sdelay $0x2  }
0xc7: {  	s31 =	sshll.u32 s1, $0xD;
	s1 =	sshrl.u32 s1, $0x2  }
0xc8: {  	s4 =	sand.u32 $0x4000, s31;
	s1 =	sadd.s32 s1, s30  }
0xc9: {  	s0 =	sor.u32 s4, s0;
	s1 =	sshll.u32 s1, $0x11  }
0xca: {  	s0 =	sor.u32 s1, s0  }
0xcb: {  	s0 =	sadd.s32 $0x8F2B, s0  }
0xcc: {  	[sflag:s0] =	ssyncadd.remote.s32 $0x1  }
0xcd: {  	_ =	sfence.sel $0xFFFF  }
0xce: {  	[dreg:$0x0] =	wrdreg $0xFFFFFFFF;
	(pc) =	sbr.abs _section_cstart, $3  }
0xcf: {  	[dreg:$0x1] =	wrdreg $0xFFFFFFFF  }
0xd0: {  	_ =	task.clear_ibuf [dreg:s22], $0x2FFFF;
	_ =	strace $0x9FFFFFFF  }
0xd1: {  	(tm) =	ssettm $0x7FFFFFFF  }
tec
execute0_lowered:
.L_overlay_start_1:
0x0: {  	(tag) =	ssettag $0x1  }
0x1: {  	s2 =	rddreg [dreg:$0x0]  }
0x2: {  	s0 =	rddreg [dreg:$0x1]  }
0x3: {  	s1 =	srdreg.scid;
	s4 =	stileid.u32;
	s3 =	simm.s32 $0x0  }
0x4: {  	s10 =	simm.s32 $0x900;
	s11 =	simm.s32 $0x1100;
	s12 =	simm.s32 $0x1900  }
0x5: {  	s13 =	simm.s32 $0x2100;
	s14 =	simm.s32 $0x2900;
	s15 =	simm.s32 $0x3100  }
0x6: {  	s16 =	simm.s32 $0x3900;
	s17 =	simm.s32 $0x4100;
	s18 =	simm.s32 $0x4900  }
0x7: {  	s19 =	simm.s32 $0x5100;
	s20 =	simm.s32 $0x5900;
	s21 =	simm.s32 $0x6100  }
0x8: {  	s22 =	simm.s32 $0x6900;
	s23 =	simm.s32 $0x7100;
	s24 =	simm.s32 $0x7900  }
0x9: {  	s25 =	simm.s32 $0x8100;
	s26 =	simm.s32 $0x8900;
	s28 =	simm.s32 $0x9100  }
0xa: {  	s29 =	simm.s32 $0x9900;
	s30 =	simm.s32 $0xA100;
	s31 =	simm.s32 $0xA900  }
0xb: {  	s8 =	simm.s32 $0xB900;
	s1 =	sand.u32 $0x1, s1;
	s4 =	sshll.u32 s4, $0x6  }
0xc: {  	[smem:$0x7FF] =	sst s3;
	s5 =	sshll.u32 s1, $0x5;
	s1 =	ssub.s32 $0x2, s1  }
0xd: {  	_ =	strace $0x8000004A;
	s4 =	sor.u32 s5, s4;
	s7 =	sshrl.u32 s1, $0x1  }
0xe: {  	s5 =	sadd.s32 s4, s0;
	s6 =	smul.u32 $0x1800, s4;
	s0 =	sadd.s32 $0x5600, s0  }
0xf: {  	s4 =	smul.u32 $0x300, s4;
	s1 =	ssub.s32 s1, s7;
	s5 =	sadd.s32 $0x4A00, s5  }
0x10: {  	s7 =	simm.s32 $0x2;
	s6 =	sshrl.u32 s6, $0x3;
	[dreg:$0x3] =	wrdreg s5  }
0x11: {  	v2 =	vlaneseq.u32;
	s4 =	sadd.s32 s0, s4;
	s5 =	sadd.s32 $0x200, s2;
	s0 =	sadd.s32 s0, s6  }
0x12: {  	vm0 =	vmmov $0xffff;
	v1 =	vshrl.u32 v2, $0x3;
	[dreg:$0x4] =	wrdreg s4;
	s4 =	sadd.s32 $0x100, s2;
	s0 =	sadd.s32 $0x3000, s0  }
0x13: {  	v0 =	vand.u32 $0x7, v2;
	v2 =	vor.u32 $0x8, v2;
	v1 =	vmul.u32 $0x8, v1;
	s6 =	smax.u32 s1, $0x1;
	s1 =	simm.s32 $0x1;
	[dreg:$0x5] =	wrdreg s0  }
.LBB2_1:
0x14: {  	s9 =	rddreg [dreg:$0x3]  }
0x15: {  	[tilespmem:s3], [sflag:$0x2] =	stream.linear.gather [hbm4b:s9+s3], $0x100, $0x38;
	[tilespmem:$0x18100] =	vst v63  }
0x16: {  	_ =	swait.ge [sflag:s7], $0x100  }
0x17: {  	[sflag:s7] =	ssyncset.done $0x0  }
0x18: {  	[sflag:s7] =	ssyncadd.s32 $0xFFFFFF00  }
0x19: {  	v3 =	vld [tilespmem:$0x0];
	_ =	sdelay $0x4  }
0x1a: {  	v4 =	vshrl.u32 v3, $0x3  }
0x1b: {  	v4 =	vmul.u32 $0x30, v4  }
0x1c: {  	v3 =	vand.u32 $0x7, v3  }
0x1d: {  	v3 =	vor.u32 v3, v4  }
0x1e: {  	v4 =	vperm.xlane v3, v0;
	_ =	sdelay $0x1  }
0x1f: {  	v4 =	vadd.s32 v1, v4;
	_ =	sdelay $0x3  }
0x20: {  	s0 =	simm.s32 $0x100;
	v3 =	vperm.xlane v3, v2  }
0x21: {  	[tilespmem:s0], [sflag:$0x1] =	stream.indirect_vreg.gather [hbm4b:s2+s3], $0x80, v4, vm0, $0xb8;
	[tilespmem:$0x18100] =	vst v63  }
0x22: {  	v3 =	vadd.s32 v1, v3  }
0x23: {  	[tilespmem:s10], [sflag:$0x1] =	stream.indirect_vreg.gather [hbm4b:s4+s3], $0x80, v4, vm0, $0xb8;
	[tilespmem:$0x18100] =	vst v63  }
0x24: {  	_ = 	snop  }
0x25: {  	[tilespmem:s11], [sflag:$0x1] =	stream.indirect_vreg.gather [hbm4b:s5+s3], $0x80, v4, vm0, $0xb8;
	[tilespmem:$0x18100] =	vst v63  }
0x26: {  	_ = 	snop  }
0x27: {  	[tilespmem:s12], [sflag:$0x1] =	stream.indirect_vreg.gather [hbm4b:s2+s3], $0x80, v3, vm0, $0xb8;
	[tilespmem:$0x18100] =	vst v63  }
0x28: {  	_ = 	snop  }
0x29: {  	[tilespmem:s13], [sflag:$0x1] =	stream.indirect_vreg.gather [hbm4b:s4+s3], $0x80, v3, vm0, $0xb8;
	[tilespmem:$0x18100] =	vst v63  }
0x2a: {  	_ = 	snop  }
0x2b: {  	[tilespmem:s14], [sflag:$0x1] =	stream.indirect_vreg.gather [hbm4b:s5+s3], $0x80, v3, vm0, $0xb8;
	[tilespmem:$0x18100] =	vst v63  }
0x2c: {  	v3 =	vld [tilespmem:$0x10];
	_ =	sdelay $0x4  }
0x2d: {  	v49 =	vshrl.u32 v3, $0x3  }
0x2e: {  	v4 =	vmul.u32 $0x30, v49  }
0x2f: {  	v3 =	vand.u32 $0x7, v3  }
0x30: {  	v3 =	vor.u32 v3, v4  }
0x31: {  	v4 =	vperm.xlane v3, v0;
	_ =	sdelay $0x1  }
0x32: {  	v4 =	vadd.s32 v1, v4;
	_ =	sdelay $0x3  }
0x33: {  	v3 =	vperm.xlane v3, v2  }
0x34: {  	[tilespmem:s15], [sflag:$0x1] =	stream.indirect_vreg.gather [hbm4b:s2+s3], $0x80, v4, vm0, $0xb8;
	[tilespmem:$0x18100] =	vst v63  }
0x35: {  	v3 =	vadd.s32 v1, v3  }
0x36: {  	[tilespmem:s16], [sflag:$0x1] =	stream.indirect_vreg.gather [hbm4b:s4+s3], $0x80, v4, vm0, $0xb8;
	[tilespmem:$0x18100] =	vst v63  }
0x37: {  	_ = 	snop  }
0x38: {  	[tilespmem:s17], [sflag:$0x1] =	stream.indirect_vreg.gather [hbm4b:s5+s3], $0x80, v4, vm0, $0xb8;
	[tilespmem:$0x18100] =	vst v63  }
0x39: {  	_ = 	snop  }
0x3a: {  	[tilespmem:s18], [sflag:$0x1] =	stream.indirect_vreg.gather [hbm4b:s2+s3], $0x80, v3, vm0, $0xb8;
	[tilespmem:$0x18100] =	vst v63  }
0x3b: {  	_ = 	snop  }
0x3c: {  	[tilespmem:s19], [sflag:$0x1] =	stream.indirect_vreg.gather [hbm4b:s4+s3], $0x80, v3, vm0, $0xb8;
	[tilespmem:$0x18100] =	vst v63  }
0x3d: {  	_ = 	snop  }
0x3e: {  	[tilespmem:s20], [sflag:$0x1] =	stream.indirect_vreg.gather [hbm4b:s5+s3], $0x80, v3, vm0, $0xb8;
	[tilespmem:$0x18100] =	vst v63  }
0x3f: {  	v3 =	vld [tilespmem:$0x20];
	_ =	sdelay $0x4  }
0x40: {  	v50 =	vshrl.u32 v3, $0x3  }
0x41: {  	v4 =	vmul.u32 $0x30, v50  }
0x42: {  	v3 =	vand.u32 $0x7, v3  }
0x43: {  	v3 =	vor.u32 v3, v4  }
0x44: {  	v4 =	vperm.xlane v3, v0;
	_ =	sdelay $0x1  }
0x45: {  	v4 =	vadd.s32 v1, v4;
	_ =	sdelay $0x3  }
0x46: {  	v3 =	vperm.xlane v3, v2  }
0x47: {  	[tilespmem:s21], [sflag:$0x1] =	stream.indirect_vreg.gather [hbm4b:s2+s3], $0x80, v4, vm0, $0xb8;
	[tilespmem:$0x18100] =	vst v63  }
0x48: {  	v3 =	vadd.s32 v1, v3  }
0x49: {  	[tilespmem:s22], [sflag:$0x1] =	stream.indirect_vreg.gather [hbm4b:s4+s3], $0x80, v4, vm0, $0xb8;
	[tilespmem:$0x18100] =	vst v63  }
0x4a: {  	_ = 	snop  }
0x4b: {  	[tilespmem:s23], [sflag:$0x1] =	stream.indirect_vreg.gather [hbm4b:s5+s3], $0x80, v4, vm0, $0xb8;
	[tilespmem:$0x18100] =	vst v63  }
0x4c: {  	_ = 	snop  }
0x4d: {  	[tilespmem:s24], [sflag:$0x1] =	stream.indirect_vreg.gather [hbm4b:s2+s3], $0x80, v3, vm0, $0xb8;
	[tilespmem:$0x18100] =	vst v63  }
0x4e: {  	_ = 	snop  }
0x4f: {  	[tilespmem:s25], [sflag:$0x1] =	stream.indirect_vreg.gather [hbm4b:s4+s3], $0x80, v3, vm0, $0xb8;
	[tilespmem:$0x18100] =	vst v63  }
0x50: {  	_ = 	snop  }
0x51: {  	[tilespmem:s26], [sflag:$0x1] =	stream.indirect_vreg.gather [hbm4b:s5+s3], $0x80, v3, vm0, $0xb8;
	[tilespmem:$0x18100] =	vst v63  }
0x52: {  	v3 =	vld [tilespmem:$0x30];
	_ =	sdelay $0x4  }
0x53: {  	v51 =	vshrl.u32 v3, $0x3  }
0x54: {  	v4 =	vmul.u32 $0x30, v51  }
0x55: {  	v3 =	vand.u32 $0x7, v3  }
0x56: {  	v3 =	vor.u32 v3, v4  }
0x57: {  	v4 =	vperm.xlane v3, v0;
	_ =	sdelay $0x1  }
0x58: {  	v4 =	vadd.s32 v1, v4;
	_ =	sdelay $0x3  }
0x59: {  	v3 =	vperm.xlane v3, v2  }
0x5a: {  	[tilespmem:s28], [sflag:$0x1] =	stream.indirect_vreg.gather [hbm4b:s2+s3], $0x80, v4, vm0, $0xb8;
	[tilespmem:$0x18100] =	vst v63  }
0x5b: {  	v3 =	vadd.s32 v1, v3  }
0x5c: {  	[tilespmem:s29], [sflag:$0x1] =	stream.indirect_vreg.gather [hbm4b:s4+s3], $0x80, v4, vm0, $0xb8;
	[tilespmem:$0x18100] =	vst v63  }
0x5d: {  	_ = 	snop  }
0x5e: {  	[tilespmem:s30], [sflag:$0x1] =	stream.indirect_vreg.gather [hbm4b:s5+s3], $0x80, v4, vm0, $0xb8;
	[tilespmem:$0x18100] =	vst v63  }
0x5f: {  	_ = 	snop  }
0x60: {  	[tilespmem:s31], [sflag:$0x1] =	stream.indirect_vreg.gather [hbm4b:s2+s3], $0x80, v3, vm0, $0xb8;
	[tilespmem:$0x18100] =	vst v63  }
0x61: {  	s9 =	simm.s32 $0xB100  }
0x62: {  	[tilespmem:s9], [sflag:$0x1] =	stream.indirect_vreg.gather [hbm4b:s4+s3], $0x80, v3, vm0, $0xb8;
	[tilespmem:$0x18100] =	vst v63  }
0x63: {  	_ = 	snop  }
0x64: {  	[tilespmem:s8], [sflag:$0x1] =	stream.indirect_vreg.gather [hbm4b:s5+s3], $0x80, v3, vm0, $0xb8;
	[tilespmem:$0x18100] =	vst v63  }
0x65: {  	v3 =	vld [tilespmem:$0x40];
	_ =	sdelay $0x4  }
0x66: {  	v52 =	vshrl.u32 v3, $0x3  }
0x67: {  	v4 =	vmul.u32 $0x30, v52  }
0x68: {  	v3 =	vand.u32 $0x7, v3  }
0x69: {  	v3 =	vor.u32 v3, v4  }
0x6a: {  	v4 =	vperm.xlane v3, v0;
	_ =	sdelay $0x1  }
0x6b: {  	v4 =	vadd.s32 v1, v4;
	_ =	sdelay $0x3  }
0x6c: {  	s9 =	simm.s32 $0xC100;
	v3 =	vperm.xlane v3, v2  }
0x6d: {  	[tilespmem:s9], [sflag:$0x1] =	stream.indirect_vreg.gather [hbm4b:s2+s3], $0x80, v4, vm0, $0xb8;
	[tilespmem:$0x18100] =	vst v63  }
0x6e: {  	v3 =	vadd.s32 v1, v3;
	s9 =	simm.s32 $0xC900  }
0x6f: {  	[tilespmem:s9], [sflag:$0x1] =	stream.indirect_vreg.gather [hbm4b:s4+s3], $0x80, v4, vm0, $0xb8;
	[tilespmem:$0x18100] =	vst v63  }
0x70: {  	s9 =	simm.s32 $0xD100  }
0x71: {  	[tilespmem:s9], [sflag:$0x1] =	stream.indirect_vreg.gather [hbm4b:s5+s3], $0x80, v4, vm0, $0xb8;
	[tilespmem:$0x18100] =	vst v63  }
0x72: {  	s9 =	simm.s32 $0xD900  }
0x73: {  	[tilespmem:s9], [sflag:$0x1] =	stream.indirect_vreg.gather [hbm4b:s2+s3], $0x80, v3, vm0, $0xb8;
	[tilespmem:$0x18100] =	vst v63  }
0x74: {  	s9 =	simm.s32 $0xE100  }
0x75: {  	[tilespmem:s9], [sflag:$0x1] =	stream.indirect_vreg.gather [hbm4b:s4+s3], $0x80, v3, vm0, $0xb8;
	[tilespmem:$0x18100] =	vst v63  }
0x76: {  	s9 =	simm.s32 $0xE900  }
0x77: {  	[tilespmem:s9], [sflag:$0x1] =	stream.indirect_vreg.gather [hbm4b:s5+s3], $0x80, v3, vm0, $0xb8;
	[tilespmem:$0x18100] =	vst v63  }
0x78: {  	v3 =	vld [tilespmem:$0x50];
	_ =	sdelay $0x4  }
0x79: {  	v53 =	vshrl.u32 v3, $0x3  }
0x7a: {  	v4 =	vmul.u32 $0x30, v53  }
0x7b: {  	v3 =	vand.u32 $0x7, v3  }
0x7c: {  	v3 =	vor.u32 v3, v4  }
0x7d: {  	v4 =	vperm.xlane v3, v0;
	_ =	sdelay $0x1  }
0x7e: {  	v4 =	vadd.s32 v1, v4;
	_ =	sdelay $0x3  }
0x7f: {  	s9 =	simm.s32 $0xF100;
	v3 =	vperm.xlane v3, v2  }
0x80: {  	[tilespmem:s9], [sflag:$0x1] =	stream.indirect_vreg.gather [hbm4b:s2+s3], $0x80, v4, vm0, $0xb8;
	[tilespmem:$0x18100] =	vst v63  }
0x81: {  	v3 =	vadd.s32 v1, v3;
	s9 =	simm.s32 $0xF900  }
0x82: {  	[tilespmem:s9], [sflag:$0x1] =	stream.indirect_vreg.gather [hbm4b:s4+s3], $0x80, v4, vm0, $0xb8;
	[tilespmem:$0x18100] =	vst v63  }
0x83: {  	s9 =	simm.s32 $0x10100  }
0x84: {  	[tilespmem:s9], [sflag:$0x1] =	stream.indirect_vreg.gather [hbm4b:s5+s3], $0x80, v4, vm0, $0xb8;
	[tilespmem:$0x18100] =	vst v63  }
0x85: {  	s9 =	simm.s32 $0x10900  }
0x86: {  	[tilespmem:s9], [sflag:$0x1] =	stream.indirect_vreg.gather [hbm4b:s2+s3], $0x80, v3, vm0, $0xb8;
	[tilespmem:$0x18100] =	vst v63  }
0x87: {  	s9 =	simm.s32 $0x11100  }
0x88: {  	[tilespmem:s9], [sflag:$0x1] =	stream.indirect_vreg.gather [hbm4b:s4+s3], $0x80, v3, vm0, $0xb8;
	[tilespmem:$0x18100] =	vst v63  }
0x89: {  	s9 =	simm.s32 $0x11900  }
0x8a: {  	[tilespmem:s9], [sflag:$0x1] =	stream.indirect_vreg.gather [hbm4b:s5+s3], $0x80, v3, vm0, $0xb8;
	[tilespmem:$0x18100] =	vst v63  }
0x8b: {  	v3 =	vld [tilespmem:$0x60];
	_ =	sdelay $0x4  }
0x8c: {  	v54 =	vshrl.u32 v3, $0x3  }
0x8d: {  	v4 =	vmul.u32 $0x30, v54  }
0x8e: {  	v3 =	vand.u32 $0x7, v3  }
0x8f: {  	v3 =	vor.u32 v3, v4  }
0x90: {  	v4 =	vperm.xlane v3, v0;
	_ =	sdelay $0x1  }
0x91: {  	v4 =	vadd.s32 v1, v4;
	_ =	sdelay $0x3  }
0x92: {  	s9 =	simm.s32 $0x12100;
	v3 =	vperm.xlane v3, v2  }
0x93: {  	[tilespmem:s9], [sflag:$0x1] =	stream.indirect_vreg.gather [hbm4b:s2+s3], $0x80, v4, vm0, $0xb8;
	[tilespmem:$0x18100] =	vst v63  }
0x94: {  	v3 =	vadd.s32 v1, v3;
	s9 =	simm.s32 $0x12900  }
0x95: {  	[tilespmem:s9], [sflag:$0x1] =	stream.indirect_vreg.gather [hbm4b:s4+s3], $0x80, v4, vm0, $0xb8;
	[tilespmem:$0x18100] =	vst v63  }
0x96: {  	s9 =	simm.s32 $0x13100  }
0x97: {  	[tilespmem:s9], [sflag:$0x1] =	stream.indirect_vreg.gather [hbm4b:s5+s3], $0x80, v4, vm0, $0xb8;
	[tilespmem:$0x18100] =	vst v63  }
0x98: {  	s9 =	simm.s32 $0x13900  }
0x99: {  	[tilespmem:s9], [sflag:$0x1] =	stream.indirect_vreg.gather [hbm4b:s2+s3], $0x80, v3, vm0, $0xb8;
	[tilespmem:$0x18100] =	vst v63  }
0x9a: {  	s9 =	simm.s32 $0x14100  }
0x9b: {  	[tilespmem:s9], [sflag:$0x1] =	stream.indirect_vreg.gather [hbm4b:s4+s3], $0x80, v3, vm0, $0xb8;
	[tilespmem:$0x18100] =	vst v63  }
0x9c: {  	s9 =	simm.s32 $0x14900  }
0x9d: {  	[tilespmem:s9], [sflag:$0x1] =	stream.indirect_vreg.gather [hbm4b:s5+s3], $0x80, v3, vm0, $0xb8;
	[tilespmem:$0x18100] =	vst v63  }
0x9e: {  	v3 =	vld [tilespmem:$0x70];
	_ =	sdelay $0x4  }
0x9f: {  	v55 =	vshrl.u32 v3, $0x3  }
0xa0: {  	v4 =	vmul.u32 $0x30, v55  }
0xa1: {  	v3 =	vand.u32 $0x7, v3  }
0xa2: {  	v3 =	vor.u32 v3, v4  }
0xa3: {  	v4 =	vperm.xlane v3, v0;
	_ =	sdelay $0x1  }
0xa4: {  	v4 =	vadd.s32 v1, v4;
	_ =	sdelay $0x3  }
0xa5: {  	s9 =	simm.s32 $0x15100;
	v3 =	vperm.xlane v3, v2  }
0xa6: {  	[tilespmem:s9], [sflag:$0x1] =	stream.indirect_vreg.gather [hbm4b:s2+s3], $0x80, v4, vm0, $0xb8;
	[tilespmem:$0x18100] =	vst v63  }
0xa7: {  	v3 =	vadd.s32 v1, v3;
	s9 =	simm.s32 $0x15900  }
0xa8: {  	[tilespmem:s9], [sflag:$0x1] =	stream.indirect_vreg.gather [hbm4b:s4+s3], $0x80, v4, vm0, $0xb8;
	[tilespmem:$0x18100] =	vst v63  }
0xa9: {  	s9 =	simm.s32 $0x16100  }
0xaa: {  	[tilespmem:s9], [sflag:$0x1] =	stream.indirect_vreg.gather [hbm4b:s5+s3], $0x80, v4, vm0, $0xb8;
	[tilespmem:$0x18100] =	vst v63  }
0xab: {  	s9 =	simm.s32 $0x16900  }
0xac: {  	[tilespmem:s9], [sflag:$0x1] =	stream.indirect_vreg.gather [hbm4b:s2+s3], $0x80, v3, vm0, $0xb8;
	[tilespmem:$0x18100] =	vst v63  }
0xad: {  	s9 =	simm.s32 $0x17100  }
0xae: {  	[tilespmem:s9], [sflag:$0x1] =	stream.indirect_vreg.gather [hbm4b:s4+s3], $0x80, v3, vm0, $0xb8;
	[tilespmem:$0x18100] =	vst v63  }
0xaf: {  	s9 =	simm.s32 $0x17900  }
0xb0: {  	[tilespmem:s9], [sflag:$0x1] =	stream.indirect_vreg.gather [hbm4b:s5+s3], $0x80, v3, vm0, $0xb8;
	[tilespmem:$0x18100] =	vst v63  }
0xb1: {  	_ =	swait.ge [sflag:s1], $0x18000  }
0xb2: {  	[sflag:s1] =	ssyncset.done $0x0  }
0xb3: {  	s0 =	simm.s32 $0x100;
	s9 =	rddreg [dreg:$0x4];
	[sflag:s1] =	ssyncadd.s32 $0xFFFE8000  }
0xb4: {  	[hbm4b:s9+s3] =	stream.linear.scatter [tilespmem:s0], [sflag:$0x2], $0x18000, $0x38;
	[tilespmem:$0x18100] =	vst v63  }
0xb5: {  	_ =	swait.ge [sflag:s7], $0x18000  }
0xb6: {  	[sflag:s7] =	ssyncset.done $0x0  }
0xb7: {  	[sflag:s7] =	ssyncadd.s32 $0xFFFE8000  }
0xb8: {  	v3 =	vld [tilespmem:$0x80];
	_ =	sdelay $0x4  }
0xb9: {  	v56 =	vshrl.u32 v3, $0x3  }
0xba: {  	v4 =	vmul.u32 $0x30, v56  }
0xbb: {  	v3 =	vand.u32 $0x7, v3  }
0xbc: {  	v3 =	vor.u32 v3, v4  }
0xbd: {  	v4 =	vperm.xlane v3, v0;
	_ =	sdelay $0x1  }
0xbe: {  	v4 =	vadd.s32 v1, v4;
	_ =	sdelay $0x3  }
0xbf: {  	v3 =	vperm.xlane v3, v2  }
0xc0: {  	[tilespmem:s0], [sflag:$0x1] =	stream.indirect_vreg.gather [hbm4b:s2+s3], $0x80, v4, vm0, $0xb8;
	[tilespmem:$0x18100] =	vst v63  }
0xc1: {  	v3 =	vadd.s32 v1, v3  }
0xc2: {  	[tilespmem:s10], [sflag:$0x1] =	stream.indirect_vreg.gather [hbm4b:s4+s3], $0x80, v4, vm0, $0xb8;
	[tilespmem:$0x18100] =	vst v63  }
0xc3: {  	_ = 	snop  }
0xc4: {  	[tilespmem:s11], [sflag:$0x1] =	stream.indirect_vreg.gather [hbm4b:s5+s3], $0x80, v4, vm0, $0xb8;
	[tilespmem:$0x18100] =	vst v63  }
0xc5: {  	_ = 	snop  }
0xc6: {  	[tilespmem:s12], [sflag:$0x1] =	stream.indirect_vreg.gather [hbm4b:s2+s3], $0x80, v3, vm0, $0xb8;
	[tilespmem:$0x18100] =	vst v63  }
0xc7: {  	_ = 	snop  }
0xc8: {  	[tilespmem:s13], [sflag:$0x1] =	stream.indirect_vreg.gather [hbm4b:s4+s3], $0x80, v3, vm0, $0xb8;
	[tilespmem:$0x18100] =	vst v63  }
0xc9: {  	_ = 	snop  }
0xca: {  	[tilespmem:s14], [sflag:$0x1] =	stream.indirect_vreg.gather [hbm4b:s5+s3], $0x80, v3, vm0, $0xb8;
	[tilespmem:$0x18100] =	vst v63  }
0xcb: {  	v3 =	vld [tilespmem:$0x90];
	_ =	sdelay $0x4  }
0xcc: {  	v57 =	vshrl.u32 v3, $0x3  }
0xcd: {  	v4 =	vmul.u32 $0x30, v57  }
0xce: {  	v3 =	vand.u32 $0x7, v3  }
0xcf: {  	v3 =	vor.u32 v3, v4  }
0xd0: {  	v4 =	vperm.xlane v3, v0;
	_ =	sdelay $0x1  }
0xd1: {  	v4 =	vadd.s32 v1, v4;
	_ =	sdelay $0x3  }
0xd2: {  	v3 =	vperm.xlane v3, v2  }
0xd3: {  	[tilespmem:s15], [sflag:$0x1] =	stream.indirect_vreg.gather [hbm4b:s2+s3], $0x80, v4, vm0, $0xb8;
	[tilespmem:$0x18100] =	vst v63  }
0xd4: {  	v3 =	vadd.s32 v1, v3  }
0xd5: {  	[tilespmem:s16], [sflag:$0x1] =	stream.indirect_vreg.gather [hbm4b:s4+s3], $0x80, v4, vm0, $0xb8;
	[tilespmem:$0x18100] =	vst v63  }
0xd6: {  	_ = 	snop  }
0xd7: {  	[tilespmem:s17], [sflag:$0x1] =	stream.indirect_vreg.gather [hbm4b:s5+s3], $0x80, v4, vm0, $0xb8;
	[tilespmem:$0x18100] =	vst v63  }
0xd8: {  	_ = 	snop  }
0xd9: {  	[tilespmem:s18], [sflag:$0x1] =	stream.indirect_vreg.gather [hbm4b:s2+s3], $0x80, v3, vm0, $0xb8;
	[tilespmem:$0x18100] =	vst v63  }
0xda: {  	_ = 	snop  }
0xdb: {  	[tilespmem:s19], [sflag:$0x1] =	stream.indirect_vreg.gather [hbm4b:s4+s3], $0x80, v3, vm0, $0xb8;
	[tilespmem:$0x18100] =	vst v63  }
0xdc: {  	_ = 	snop  }
0xdd: {  	[tilespmem:s20], [sflag:$0x1] =	stream.indirect_vreg.gather [hbm4b:s5+s3], $0x80, v3, vm0, $0xb8;
	[tilespmem:$0x18100] =	vst v63  }
0xde: {  	v3 =	vld [tilespmem:$0xA0];
	_ =	sdelay $0x4  }
0xdf: {  	v58 =	vshrl.u32 v3, $0x3  }
0xe0: {  	v4 =	vmul.u32 $0x30, v58  }
0xe1: {  	v3 =	vand.u32 $0x7, v3  }
0xe2: {  	v3 =	vor.u32 v3, v4  }
0xe3: {  	v4 =	vperm.xlane v3, v0;
	_ =	sdelay $0x1  }
0xe4: {  	v4 =	vadd.s32 v1, v4;
	_ =	sdelay $0x3  }
0xe5: {  	v3 =	vperm.xlane v3, v2  }
0xe6: {  	[tilespmem:s21], [sflag:$0x1] =	stream.indirect_vreg.gather [hbm4b:s2+s3], $0x80, v4, vm0, $0xb8;
	[tilespmem:$0x18100] =	vst v63  }
0xe7: {  	v3 =	vadd.s32 v1, v3  }
0xe8: {  	[tilespmem:s22], [sflag:$0x1] =	stream.indirect_vreg.gather [hbm4b:s4+s3], $0x80, v4, vm0, $0xb8;
	[tilespmem:$0x18100] =	vst v63  }
0xe9: {  	_ = 	snop  }
0xea: {  	[tilespmem:s23], [sflag:$0x1] =	stream.indirect_vreg.gather [hbm4b:s5+s3], $0x80, v4, vm0, $0xb8;
	[tilespmem:$0x18100] =	vst v63  }
0xeb: {  	_ = 	snop  }
0xec: {  	[tilespmem:s24], [sflag:$0x1] =	stream.indirect_vreg.gather [hbm4b:s2+s3], $0x80, v3, vm0, $0xb8;
	[tilespmem:$0x18100] =	vst v63  }
0xed: {  	_ = 	snop  }
0xee: {  	[tilespmem:s25], [sflag:$0x1] =	stream.indirect_vreg.gather [hbm4b:s4+s3], $0x80, v3, vm0, $0xb8;
	[tilespmem:$0x18100] =	vst v63  }
0xef: {  	_ = 	snop  }
0xf0: {  	[tilespmem:s26], [sflag:$0x1] =	stream.indirect_vreg.gather [hbm4b:s5+s3], $0x80, v3, vm0, $0xb8;
	[tilespmem:$0x18100] =	vst v63  }
0xf1: {  	v3 =	vld [tilespmem:$0xB0];
	_ =	sdelay $0x4  }
0xf2: {  	v59 =	vshrl.u32 v3, $0x3  }
0xf3: {  	v4 =	vmul.u32 $0x30, v59  }
0xf4: {  	v3 =	vand.u32 $0x7, v3  }
0xf5: {  	v3 =	vor.u32 v3, v4  }
0xf6: {  	v4 =	vperm.xlane v3, v0;
	_ =	sdelay $0x1  }
0xf7: {  	v4 =	vadd.s32 v1, v4;
	_ =	sdelay $0x3  }
0xf8: {  	v3 =	vperm.xlane v3, v2  }
0xf9: {  	[tilespmem:s28], [sflag:$0x1] =	stream.indirect_vreg.gather [hbm4b:s2+s3], $0x80, v4, vm0, $0xb8;
	[tilespmem:$0x18100] =	vst v63  }
0xfa: {  	v3 =	vadd.s32 v1, v3  }
0xfb: {  	[tilespmem:s29], [sflag:$0x1] =	stream.indirect_vreg.gather [hbm4b:s4+s3], $0x80, v4, vm0, $0xb8;
	[tilespmem:$0x18100] =	vst v63  }
0xfc: {  	_ = 	snop  }
0xfd: {  	[tilespmem:s30], [sflag:$0x1] =	stream.indirect_vreg.gather [hbm4b:s5+s3], $0x80, v4, vm0, $0xb8;
	[tilespmem:$0x18100] =	vst v63  }
0xfe: {  	_ = 	snop  }
0xff: {  	[tilespmem:s31], [sflag:$0x1] =	stream.indirect_vreg.gather [hbm4b:s2+s3], $0x80, v3, vm0, $0xb8;
	[tilespmem:$0x18100] =	vst v63  }
0x100: {  	s9 =	simm.s32 $0xB100  }
0x101: {  	[tilespmem:s9], [sflag:$0x1] =	stream.indirect_vreg.gather [hbm4b:s4+s3], $0x80, v3, vm0, $0xb8;
	[tilespmem:$0x18100] =	vst v63  }
0x102: {  	_ = 	snop  }
0x103: {  	[tilespmem:s8], [sflag:$0x1] =	stream.indirect_vreg.gather [hbm4b:s5+s3], $0x80, v3, vm0, $0xb8;
	[tilespmem:$0x18100] =	vst v63  }
0x104: {  	v3 =	vld [tilespmem:$0xC0];
	_ =	sdelay $0x4  }
0x105: {  	v60 =	vshrl.u32 v3, $0x3  }
0x106: {  	v4 =	vmul.u32 $0x30, v60  }
0x107: {  	v3 =	vand.u32 $0x7, v3  }
0x108: {  	v3 =	vor.u32 v3, v4  }
0x109: {  	v4 =	vperm.xlane v3, v0;
	_ =	sdelay $0x1  }
0x10a: {  	v4 =	vadd.s32 v1, v4;
	_ =	sdelay $0x3  }
0x10b: {  	s9 =	simm.s32 $0xC100;
	v3 =	vperm.xlane v3, v2  }
0x10c: {  	[tilespmem:s9], [sflag:$0x1] =	stream.indirect_vreg.gather [hbm4b:s2+s3], $0x80, v4, vm0, $0xb8;
	[tilespmem:$0x18100] =	vst v63  }
0x10d: {  	v3 =	vadd.s32 v1, v3;
	s9 =	simm.s32 $0xC900  }
0x10e: {  	[tilespmem:s9], [sflag:$0x1] =	stream.indirect_vreg.gather [hbm4b:s4+s3], $0x80, v4, vm0, $0xb8;
	[tilespmem:$0x18100] =	vst v63  }
0x10f: {  	s9 =	simm.s32 $0xD100  }
0x110: {  	[tilespmem:s9], [sflag:$0x1] =	stream.indirect_vreg.gather [hbm4b:s5+s3], $0x80, v4, vm0, $0xb8;
	[tilespmem:$0x18100] =	vst v63  }
0x111: {  	s9 =	simm.s32 $0xD900  }
0x112: {  	[tilespmem:s9], [sflag:$0x1] =	stream.indirect_vreg.gather [hbm4b:s2+s3], $0x80, v3, vm0, $0xb8;
	[tilespmem:$0x18100] =	vst v63  }
0x113: {  	s9 =	simm.s32 $0xE100  }
0x114: {  	[tilespmem:s9], [sflag:$0x1] =	stream.indirect_vreg.gather [hbm4b:s4+s3], $0x80, v3, vm0, $0xb8;
	[tilespmem:$0x18100] =	vst v63  }
0x115: {  	s9 =	simm.s32 $0xE900  }
0x116: {  	[tilespmem:s9], [sflag:$0x1] =	stream.indirect_vreg.gather [hbm4b:s5+s3], $0x80, v3, vm0, $0xb8;
	[tilespmem:$0x18100] =	vst v63  }
0x117: {  	v3 =	vld [tilespmem:$0xD0];
	_ =	sdelay $0x4  }
0x118: {  	v61 =	vshrl.u32 v3, $0x3  }
0x119: {  	v4 =	vmul.u32 $0x30, v61  }
0x11a: {  	v3 =	vand.u32 $0x7, v3  }
0x11b: {  	v3 =	vor.u32 v3, v4  }
0x11c: {  	v4 =	vperm.xlane v3, v0;
	_ =	sdelay $0x1  }
0x11d: {  	v4 =	vadd.s32 v1, v4;
	_ =	sdelay $0x3  }
0x11e: {  	s9 =	simm.s32 $0xF100;
	v3 =	vperm.xlane v3, v2  }
0x11f: {  	[tilespmem:s9], [sflag:$0x1] =	stream.indirect_vreg.gather [hbm4b:s2+s3], $0x80, v4, vm0, $0xb8;
	[tilespmem:$0x18100] =	vst v63  }
0x120: {  	v3 =	vadd.s32 v1, v3;
	s9 =	simm.s32 $0xF900  }
0x121: {  	[tilespmem:s9], [sflag:$0x1] =	stream.indirect_vreg.gather [hbm4b:s4+s3], $0x80, v4, vm0, $0xb8;
	[tilespmem:$0x18100] =	vst v63  }
0x122: {  	s9 =	simm.s32 $0x10100  }
0x123: {  	[tilespmem:s9], [sflag:$0x1] =	stream.indirect_vreg.gather [hbm4b:s5+s3], $0x80, v4, vm0, $0xb8;
	[tilespmem:$0x18100] =	vst v63  }
0x124: {  	s9 =	simm.s32 $0x10900  }
0x125: {  	[tilespmem:s9], [sflag:$0x1] =	stream.indirect_vreg.gather [hbm4b:s2+s3], $0x80, v3, vm0, $0xb8;
	[tilespmem:$0x18100] =	vst v63  }
0x126: {  	s9 =	simm.s32 $0x11100  }
0x127: {  	[tilespmem:s9], [sflag:$0x1] =	stream.indirect_vreg.gather [hbm4b:s4+s3], $0x80, v3, vm0, $0xb8;
	[tilespmem:$0x18100] =	vst v63  }
0x128: {  	s9 =	simm.s32 $0x11900  }
0x129: {  	[tilespmem:s9], [sflag:$0x1] =	stream.indirect_vreg.gather [hbm4b:s5+s3], $0x80, v3, vm0, $0xb8;
	[tilespmem:$0x18100] =	vst v63  }
0x12a: {  	v3 =	vld [tilespmem:$0xE0];
	_ =	sdelay $0x4  }
0x12b: {  	v62 =	vshrl.u32 v3, $0x3  }
0x12c: {  	v4 =	vmul.u32 $0x30, v62  }
0x12d: {  	v3 =	vand.u32 $0x7, v3  }
0x12e: {  	v3 =	vor.u32 v3, v4  }
0x12f: {  	v4 =	vperm.xlane v3, v0;
	_ =	sdelay $0x1  }
0x130: {  	v4 =	vadd.s32 v1, v4;
	_ =	sdelay $0x3  }
0x131: {  	s9 =	simm.s32 $0x12100;
	v3 =	vperm.xlane v3, v2  }
0x132: {  	[tilespmem:s9], [sflag:$0x1] =	stream.indirect_vreg.gather [hbm4b:s2+s3], $0x80, v4, vm0, $0xb8;
	[tilespmem:$0x18100] =	vst v63  }
0x133: {  	v3 =	vadd.s32 v1, v3;
	s9 =	simm.s32 $0x12900  }
0x134: {  	[tilespmem:s9], [sflag:$0x1] =	stream.indirect_vreg.gather [hbm4b:s4+s3], $0x80, v4, vm0, $0xb8;
	[tilespmem:$0x18100] =	vst v63  }
0x135: {  	s9 =	simm.s32 $0x13100  }
0x136: {  	[tilespmem:s9], [sflag:$0x1] =	stream.indirect_vreg.gather [hbm4b:s5+s3], $0x80, v4, vm0, $0xb8;
	[tilespmem:$0x18100] =	vst v63  }
0x137: {  	s9 =	simm.s32 $0x13900  }
0x138: {  	[tilespmem:s9], [sflag:$0x1] =	stream.indirect_vreg.gather [hbm4b:s2+s3], $0x80, v3, vm0, $0xb8;
	[tilespmem:$0x18100] =	vst v63  }
0x139: {  	s9 =	simm.s32 $0x14100  }
0x13a: {  	[tilespmem:s9], [sflag:$0x1] =	stream.indirect_vreg.gather [hbm4b:s4+s3], $0x80, v3, vm0, $0xb8;
	[tilespmem:$0x18100] =	vst v63  }
0x13b: {  	s9 =	simm.s32 $0x14900  }
0x13c: {  	[tilespmem:s9], [sflag:$0x1] =	stream.indirect_vreg.gather [hbm4b:s5+s3], $0x80, v3, vm0, $0xb8;
	[tilespmem:$0x18100] =	vst v63  }
0x13d: {  	v3 =	vld [tilespmem:$0xF0];
	_ =	sdelay $0x4  }
0x13e: {  	v63 =	vshrl.u32 v3, $0x3  }
0x13f: {  	v4 =	vmul.u32 $0x30, v63  }
0x140: {  	v3 =	vand.u32 $0x7, v3  }
0x141: {  	v3 =	vor.u32 v3, v4  }
0x142: {  	v4 =	vperm.xlane v3, v0;
	_ =	sdelay $0x1  }
0x143: {  	v4 =	vadd.s32 v1, v4;
	_ =	sdelay $0x3  }
0x144: {  	s9 =	simm.s32 $0x15100;
	v3 =	vperm.xlane v3, v2  }
0x145: {  	[tilespmem:s9], [sflag:$0x1] =	stream.indirect_vreg.gather [hbm4b:s2+s3], $0x80, v4, vm0, $0xb8;
	[tilespmem:$0x18100] =	vst v63  }
0x146: {  	v3 =	vadd.s32 v1, v3;
	s9 =	simm.s32 $0x15900  }
0x147: {  	[tilespmem:s9], [sflag:$0x1] =	stream.indirect_vreg.gather [hbm4b:s4+s3], $0x80, v4, vm0, $0xb8;
	[tilespmem:$0x18100] =	vst v63  }
0x148: {  	s9 =	simm.s32 $0x16100  }
0x149: {  	[tilespmem:s9], [sflag:$0x1] =	stream.indirect_vreg.gather [hbm4b:s5+s3], $0x80, v4, vm0, $0xb8;
	[tilespmem:$0x18100] =	vst v63  }
0x14a: {  	s9 =	simm.s32 $0x16900  }
0x14b: {  	[tilespmem:s9], [sflag:$0x1] =	stream.indirect_vreg.gather [hbm4b:s2+s3], $0x80, v3, vm0, $0xb8;
	[tilespmem:$0x18100] =	vst v63  }
0x14c: {  	s9 =	simm.s32 $0x17100  }
0x14d: {  	[tilespmem:s9], [sflag:$0x1] =	stream.indirect_vreg.gather [hbm4b:s4+s3], $0x80, v3, vm0, $0xb8;
	[tilespmem:$0x18100] =	vst v63  }
0x14e: {  	s9 =	simm.s32 $0x17900  }
0x14f: {  	[tilespmem:s9], [sflag:$0x1] =	stream.indirect_vreg.gather [hbm4b:s5+s3], $0x80, v3, vm0, $0xb8;
	[tilespmem:$0x18100] =	vst v63  }
0x150: {  	_ =	swait.ge [sflag:s1], $0x18000  }
0x151: {  	p0 =	sne.s32 s6, $0x1;
	s0 =	simm.s32 $0x100;
	[sflag:s1] =	ssyncset.done $0x0  }
.Ltmp0:
0x152: {  	s9 =	rddreg [dreg:$0x5];
	[sflag:s1] =	ssyncadd.s32 $0xFFFE8000;
	(pc) =	sbr.rel @p0 .LBB2_1-.Ltmp0, $4  }
0x153: {  	[hbm4b:s9+s3] =	stream.linear.scatter [tilespmem:s0], [sflag:$0x2], $0x18000, $0x38;
	[tilespmem:$0x18100] =	vst v63  }
0x154: {  	_ =	swait.ge [sflag:s7], $0x18000  }
0x155: {  	[sflag:s7] =	ssyncset.done $0x0  }
0x156: {  	s6 =	sadd.s32 $0xFFFFFFFF, s6;
	[sflag:s7] =	ssyncadd.s32 $0xFFFE8000  }
0x157: {  	_ =	sfence.sel $0x180000  }
0x158: {  	[bflag:$0x0] =	sbarrier.arrive $0xFFFF  }
0x159: {  	_ =	strace $0x9000004A  }
0x15a: {  	s0 =	stileid.u32;
	[bflag:$0x2] =	sbarrier.arrive $0xFFFF  }
0x15b: {  	p0 =	sne.s32 s0, $0x0;
	s0 =	rddreg [dreg:$0x2]  }
0x15c: {  	s0 =	sadd.s32 @!p0 $0x100000, s0  }
0x15d: {  	[sflag:s0] =	ssyncadd.tile.s32 @!p0 $0x1;
	_ =	shalt  }
.Lfunc_end2:
_tile_overlayer_lowered:
.L_overlay_start_2:
0x15e: {  	(tag) =	ssettag $0x2  }
0x15f: {  	s0 =	rddreg [dreg:$0x0];
	s2 =	stileid.u32  }
0x160: {  	s1 =	rddreg [dreg:$0x1];
	p0 =	sne.s32 s2, $0x0  }
0x161: {  	s3 =	rddreg [dreg:$0x2];
	[bflag:$0x3] =	sbarrier.arrive $0xFFFF;
	s2 =	simm.s32 @!p0 $0x1C02  }
0x162: {  	[timem:s3], [sflag:s2] =	dma.local @!p0 [hbm:s0], s1  }
0x163: {  	s0 =	simm.s32 @!p0 $0x2  }
0x164: {  	_ =	swait.ge @!p0 [sflag:s0], s1  }
0x165: {  	s1 =	ssub.s32 @!p0 $0x0, s1;
	[sflag:s0] =	ssyncset.done @!p0 $0x0  }
0x166: {  	[sflag:s0] =	ssyncadd.s32 @!p0 s1  }
0x167: {  	[bflag:$0x3] =	sbarrier.arrive $0xFFFF  }
0x168: {  	_ =	shalt  }

// kernel: kernel.19.cloned.1.call-start
scs
__scs_entry_jumppad:
0x0: {  	(pc) =	sbr.rel $0x88, $3  }
0x1: {  	(tag) =	ssettag $0x0;
	lr =	simm.s32 $0x1  }
0x2: {  	[smem:$0x3F92] =	sst lr;
	_ =	strace $0xD0000000  }
0x3: {  	_ = 	snop  }
0x4: {  	_ = 	snop  }
0x5: {  	_ = 	snop  }
0x6: {  	_ = 	snop  }
0x7: {  	_ = 	snop  }
__scs_overlays_trampoline_lowered:
0x8: {  	[smem:$0x3FA1] =	sst s0  }
0x9: {  	[smem:$0x3FA2] =	sst s1  }
0xa: {  	[smem:$0x3FA3] =	sst s2  }
0xb: {  	[smem:$0x3FA4] =	sst s3  }
0xc: {  	[smem:$0x3FA5] =	sst s4  }
0xd: {  	[smem:$0x3FA6] =	sst s5  }
0xe: {  	[smem:$0x3FA7] =	sst s6  }
0xf: {  	[smem:$0x3FA8] =	sst s7  }
0x10: {  	[smem:$0x3FA9] =	sst s8  }
0x11: {  	[smem:$0x3FAA] =	sst s9;
	s0 =	simm.s32 @!p0 $0x0  }
0x12: {  	s1 =	sld [smem:$0x3F90];
	s0 =	simm.s32 @p0 $0x1  }
0x13: {  	[smem:$0x3FAB] =	sst s0;
	s0 =	simm.s32 @!p1 $0x0  }
0x14: {  	s2 =	sld [smem:$0x3F8F];
	s0 =	simm.s32 @p1 $0x1  }
0x15: {  	[smem:$0x3FAC] =	sst s0;
	s0 =	simm.s32 @!p2 $0x0  }
0x16: {  	s3 =	sld [smem:$0x3FDB];
	s0 =	simm.s32 @p2 $0x1  }
0x17: {  	s4 =	simm.s32 $0x1BF5;
	[smem:$0x3FAE] =	sst s0  }
0x18: {  	s0 =	sld [smem:$0x3F91];
	_ =	swait.ge [sflag:s4], $0x0  }
0x19: {  	s7 =	sld [smem:$0x3F92]  }
0x1a: {  	s8 =	sadd.s32 $0xFFFFE003, lr  }
0x1b: {  	s9 =	sadd.s32 $0xFFFFFEF7, lr;
	s5 =	simm.s32 $0xFFFFFFFF;
	p2 =	slt.u32 s8, $0xFFFFF086  }
0x1c: {  	p1 =	slt.u32 s9, $0xF7A;
	s5 =	simm.s32 @!p2 $0x0  }
0x1d: {  	s5 =	simm.s32 @p1 $0x1;
	p0 =	seq.s32 s7, s2  }
0x1e: {  	s7 =	smul.u32 @!p0 $0xF7A, s2;
	p2 =	seq.s32 @!p0 s5, $0x0  }
0x1f: {  	s9 =	smul.u32 $0xF7A, s1;
	s8 =	simm.s32 @!p0 $0x1BF5;
	p2 =	por !p2, p0  }
0x20: {  	[sflag:s8] =	ssyncset.s32 @!p0 $0xFFFFF086;
	s6 =	sadd.s32 @!p0 s3, s7;
	s7 =	simm.s32 @!p0 $0x108  }
0x21: {  	s3 =	sadd.s32 s3, s9;
	s6 =	sadd.s32 @!p0 $0x88, s6;
	s7 =	simm.s32 @p2 $0x1082  }
0x22: {  	[simem:s7], [sflag:s8] =	dma.local @!p0 [hbm:s6], $0xF7A  }
0x23: {  	s9 =	sor.u32 $0xD0000000, s2;
	s6 =	simm.s32 $0x108;
	_ =	swait.ge @!p0 [sflag:s8], $0x0  }
0x24: {  	s3 =	sadd.s32 $0x88, s3;
	s6 =	simm.s32 @!p1 $0x1082;
	[sflag:s4] =	ssyncset.s32 $0xFFFFF086  }
0x25: {  	[simem:s6], [sflag:s4] =	dma.local [hbm:s3], $0xF7A  }
0x26: {  	[smem:$0x3F92] =	sst s1;
	(tag) =	ssettag s2;
	_ =	strace s9  }
0x27: {  	s1 =	sld [smem:$0x3FA2]  }
0x28: {  	s2 =	sld [smem:$0x3FA3]  }
0x29: {  	s4 =	sld [smem:$0x3FA5]  }
0x2a: {  	p0 =	seq.s32 s5, $0x0;
	s5 =	sld [smem:$0x3FA6]  }
0x2b: {  	s6 =	sld [smem:$0x3FA7]  }
0x2c: {  	s7 =	sld [smem:$0x3FA8]  }
0x2d: {  	s3 =	simm.s32 $0x108;
	s8 =	sld [smem:$0x3FA9]  }
0x2e: {  	s3 =	simm.s32 @!p0 $0x1082;
	s9 =	sld [smem:$0x3FAA]  }
0x2f: {  	lr =	sadd.s32 s0, s3;
	s0 =	sld [smem:$0x3FA1]  }
0x30: {  	s3 =	sld [smem:$0x3FA4]  }
0x31: {  	[smem:$0x3FAD] =	sst s10  }
0x32: {  	s10 =	sld [smem:$0x3FAB];
	_ =	sdelay $0x3  }
0x33: {  	p0 =	seq.s32 s10, $0x1;
	s10 =	sld [smem:$0x3FAD];
	_ =	sdelay $0x3  }
0x34: {  	[smem:$0x3FAD] =	sst s10  }
0x35: {  	s10 =	sld [smem:$0x3FAC];
	_ =	sdelay $0x3  }
0x36: {  	p1 =	seq.s32 s10, $0x1;
	s10 =	sld [smem:$0x3FAD];
	_ =	sdelay $0x3  }
0x37: {  	[smem:$0x3FAD] =	sst s10  }
0x38: {  	s10 =	sld [smem:$0x3FAE]  }
0x39: {  	_ = 	snop;
	(pc) =	sbr.ind lr, $3  }
0x3a: {  	_ = 	snop  }
0x3b: {  	_ = 	snop  }
0x3c: {  	p2 =	seq.s32 s10, $0x1;
	s10 =	sld [smem:$0x3FAD]  }
0x3d: {  	_ =	shalt  }
0x3e: {  	_ =	shalt  }
0x3f: {  	_ =	shalt  }
0x40: {  	_ =	shalt  }
0x41: {  	_ =	shalt  }
0x42: {  	_ =	shalt  }
0x43: {  	_ =	shalt  }
0x44: {  	_ =	shalt  }
0x45: {  	_ =	shalt  }
0x46: {  	_ =	shalt  }
0x47: {  	_ =	shalt  }
0x48: {  	_ =	shalt  }
0x49: {  	_ =	shalt  }
0x4a: {  	_ =	shalt  }
0x4b: {  	_ =	shalt  }
0x4c: {  	_ =	shalt  }
0x4d: {  	_ =	shalt  }
0x4e: {  	_ =	shalt  }
0x4f: {  	_ =	shalt  }
0x50: {  	_ =	shalt  }
0x51: {  	_ =	shalt  }
0x52: {  	_ =	shalt  }
0x53: {  	_ =	shalt  }
0x54: {  	_ =	shalt  }
0x55: {  	_ =	shalt  }
0x56: {  	_ =	shalt  }
0x57: {  	_ =	shalt  }
0x58: {  	_ =	shalt  }
0x59: {  	_ =	shalt  }
0x5a: {  	_ =	shalt  }
0x5b: {  	_ =	shalt  }
0x5c: {  	_ =	shalt  }
0x5d: {  	_ =	shalt  }
0x5e: {  	_ =	shalt  }
0x5f: {  	_ =	shalt  }
0x60: {  	_ =	shalt  }
0x61: {  	_ =	shalt  }
0x62: {  	_ =	shalt  }
0x63: {  	_ =	shalt  }
0x64: {  	_ =	shalt  }
0x65: {  	_ =	shalt  }
0x66: {  	_ =	shalt  }
0x67: {  	_ =	shalt  }
0x68: {  	_ =	shalt  }
0x69: {  	_ =	shalt  }
0x6a: {  	_ =	shalt  }
0x6b: {  	_ =	shalt  }
0x6c: {  	_ =	shalt  }
0x6d: {  	_ =	shalt  }
0x6e: {  	_ =	shalt  }
0x6f: {  	_ =	shalt  }
0x70: {  	_ =	shalt  }
0x71: {  	_ =	shalt  }
0x72: {  	_ =	shalt  }
0x73: {  	_ =	shalt  }
0x74: {  	_ =	shalt  }
0x75: {  	_ =	shalt  }
0x76: {  	_ =	shalt  }
0x77: {  	_ =	shalt  }
0x78: {  	_ =	shalt  }
0x79: {  	_ =	shalt  }
0x7a: {  	_ =	shalt  }
0x7b: {  	_ =	shalt  }
0x7c: {  	_ =	shalt  }
0x7d: {  	_ =	shalt  }
0x7e: {  	_ =	shalt  }
0x7f: {  	_ =	shalt  }
0x80: {  	_ =	shalt  }
0x81: {  	_ =	shalt  }
0x82: {  	_ =	shalt  }
0x83: {  	_ =	shalt  }
0x84: {  	_ =	shalt  }
0x85: {  	_ =	shalt  }
0x86: {  	_ =	shalt  }
0x87: {  	_ =	shalt  }
.Lfunc_end0:
.L_simem_size_0:
called_computation.2_lowered:
.L_overlay_start_0:
0x88: {  	s2 =	sld [smem:$0x3FD9]  }
0x89: {  	s3 =	sld [smem:$0x3FFE];
	_ =	sdelay $0x1  }
0x8a: {  	s1 =	srdreg.scid  }
0x8b: {  	s0 =	sand.u32 $0x1, s1  }
0x8c: {  	s17 =	sshll.u32 s0, $0xA;
	s2 =	sadd.s32 s3, s2  }
0x8d: {  	s2 =	sadd.s32 s2, s17  }
0x8e: {  	[smem:$0x3FB9] =	sst s2  }
0x8f: {  	_ = 	snop  }
0x90: {  	s18 =	sld [smem:$0x3FC6];
	(tm) =	ssettm $0x1  }
0x91: {  	s19 =	sld [smem:$0x3FFB];
	_ =	sdelay $0x3  }
0x92: {  	_ =	strace s19  }
0x93: {  	s2 =	sld [smem:$0x3FFC];
	_ =	sdelay $0x3  }
0x94: {  	_ =	strace s2  }
0x95: {  	s2 =	sld [smem:$0x3FFD];
	_ =	sdelay $0x3  }
0x96: {  	_ =	strace s2  }
0x97: {  	_ =	strace $0x8FFFFFFF  }
0x98: {  	s20 =	sld [smem:$0x3FDB];
	_ =	sdelay $0x1  }
0x99: {  	s4 =	simm.s32 $_scs_section_size  }
0x9a: {  	s5 =	simm.s32 $_size__tile_overlayer_lowered;
	s6 =	simm.s32 $_tile_overlayer_lowered  }
0x9b: {  	s7 =	simm.s32 $0x1BFF;
	s21 =	sshll.u32 s6, $0x1;
	s4 =	sadd.s32 s4, s20  }
0x9c: {  	s22 =	simm.s32 $0x0;
	s5 =	sshll.u32 s5, $0x1;
	s6 =	sadd.s32 s21, s4  }
0x9d: {  	[timem:s22], [sflag:s7] =	dma.local [hbm:s6], s5  }
0x9e: {  	_ =	swait.ge [sflag:s7], s5  }
0x9f: {  	s5 =	ssub.s32 $0x0, s5;
	[sflag:s7] =	ssyncset.done $0x0  }
0xa0: {  	[sflag:s7] =	ssyncadd.s32 s5;
	_ =	sdelay $0x1  }
0xa1: {  	s23 =	simm.s32 $0x1B8B  }
0xa2: {  	_ =	swait.ge [sflag:s23], $0x1  }
0xa3: {  	[sflag:s23] =	ssyncset.done $0x0  }
0xa4: {  	[sflag:s23] =	ssyncadd.s32 $0xFFFFFFFF  }
0xa5: {  	s5 =	sld [smem:$0x0]  }
0xa6: {  	s6 =	sand.u32 $0xFFFFFFFE, s1  }
0xa7: {  	p0 =	sne.s32 s1, s6  }
0xa8: {  	s6 =	sshll.u32 @p0 s6, $0xE  }
0xa9: {  	s6 =	sadd.s32 @p0 $0x11B8D, s6;
	s7 =	sshll.u32 @p0 s5, $0x11  }
0xaa: {  	s6 =	sor.u32 @p0 s7, s6  }
0xab: {  	[sflag:s6] =	ssyncadd.remote.s32 @p0 $0x1;
	_ =	sdelay $0x1  }
0xac: {  	s6 =	simm.s32 @p0 $0x1B8D  }
0xad: {  	_ =	swait.eq @p0 [sflag:s6], $0x1  }
0xae: {  	[sflag:s6] =	ssyncadd.s32 @p0 $0xFFFFFFFF  }
0xaf: {  	s7 =	sshll.u32 @!p0 s1, $0xE  }
0xb0: {  	s7 =	sor.u32 @!p0 $0x4000, s7;
	s6 =	simm.s32 @!p0 $0x1B8D  }
0xb1: {  	s5 =	sshll.u32 @!p0 s5, $0x11;
	s7 =	sadd.s32 @!p0 $0x11B8D, s7;
	_ =	swait.eq @!p0 [sflag:s6], $0x1  }
0xb2: {  	s5 =	sor.u32 @!p0 s5, s7;
	[sflag:s6] =	ssyncadd.s32 @!p0 $0xFFFFFFFF  }
0xb3: {  	s25 =	simm.s32 $0x1B8E;
	s24 =	sld [smem:$0x3FFE];
	[sflag:s5] =	ssyncadd.remote.s32 @!p0 $0x1  }
0xb4: {  	s26 =	simm.s32 $execute0_lowered;
	[smem:$0x3FD2] =	sst s25  }
0xb5: {  	s6 =	sshll.u32 s26, $0x1;
	_ =	strace $0x8000004C;
	[dreg:$0x1] =	wrdreg $0xFFFFFFFF  }
0xb6: {  	s28 =	simm.s32 $_size_execute0_lowered;
	s4 =	sadd.s32 s4, s6;
	[dreg:$0x0] =	wrdreg $0x0  }
0xb7: {  	s6 =	sshll.u32 s28, $0x1;
	[dreg:$0x2] =	wrdreg s4  }
0xb8: {  	[dreg:$0x3] =	wrdreg s6  }
0xb9: {  	[dreg:$0x4] =	wrdreg $0xC0  }
0xba: {  	_ =	task [dreg:s22], $0x5FFFF  }
0xbb: {  	[dreg:$0x1] =	wrdreg $0xFFFFFFFF  }
0xbc: {  	[dreg:$0x0] =	wrdreg $0x60  }
0xbd: {  	[dreg:$0x2] =	wrdreg s18  }
0xbe: {  	[dreg:$0x3] =	wrdreg s24  }
0xbf: {  	[dreg:$0x4] =	wrdreg $0xB  }
0xc0: {  	_ =	task.clear_ibuf [dreg:s22], $0x5FFFF;
	_ =	strace $0x9000004C  }
0xc1: {  	s29 =	simm.s32 $0xB;
	_ =	strace $0x8000004E  }
0xc2: {  	_ =	swait.ge [sflag:s29], $0x1  }
0xc3: {  	[sflag:s29] =	ssyncadd.s32 $0xFFFFFFFF  }
0xc4: {  	_ =	strace $0x9000004E  }
0xc5: {  	_ =	sfence  }
0xc6: {  	s30 =	sld [smem:$0x0];
	_ =	sdelay $0x2  }
0xc7: {  	s31 =	sshll.u32 s1, $0xD;
	s1 =	sshrl.u32 s1, $0x2  }
0xc8: {  	s4 =	sand.u32 $0x4000, s31;
	s1 =	sadd.s32 s1, s30  }
0xc9: {  	s0 =	sor.u32 s4, s0;
	s1 =	sshll.u32 s1, $0x11  }
0xca: {  	s0 =	sor.u32 s1, s0  }
0xcb: {  	s0 =	sadd.s32 $0x8F2B, s0  }
0xcc: {  	[sflag:s0] =	ssyncadd.remote.s32 $0x1  }
0xcd: {  	_ =	sfence.sel $0xFFFF  }
0xce: {  	[dreg:$0x0] =	wrdreg $0xFFFFFFFF;
	(pc) =	sbr.abs _section_cstart, $3  }
0xcf: {  	[dreg:$0x1] =	wrdreg $0xFFFFFFFF  }
0xd0: {  	_ =	task.clear_ibuf [dreg:s22], $0x2FFFF;
	_ =	strace $0x9FFFFFFF  }
0xd1: {  	(tm) =	ssettm $0x7FFFFFFF  }
tec
execute0_lowered:
.L_overlay_start_1:
0x0: {  	(tag) =	ssettag $0x1  }
0x1: {  	s2 =	rddreg [dreg:$0x0]  }
0x2: {  	s0 =	rddreg [dreg:$0x1]  }
0x3: {  	s1 =	srdreg.scid;
	s4 =	stileid.u32;
	s3 =	simm.s32 $0x0  }
0x4: {  	s10 =	simm.s32 $0x900;
	s11 =	simm.s32 $0x1100;
	s12 =	simm.s32 $0x1900  }
0x5: {  	s13 =	simm.s32 $0x2100;
	s14 =	simm.s32 $0x2900;
	s15 =	simm.s32 $0x3100  }
0x6: {  	s16 =	simm.s32 $0x3900;
	s17 =	simm.s32 $0x4100;
	s18 =	simm.s32 $0x4900  }
0x7: {  	s19 =	simm.s32 $0x5100;
	s20 =	simm.s32 $0x5900;
	s21 =	simm.s32 $0x6100  }
0x8: {  	s22 =	simm.s32 $0x6900;
	s23 =	simm.s32 $0x7100;
	s24 =	simm.s32 $0x7900  }
0x9: {  	s25 =	simm.s32 $0x8100;
	s26 =	simm.s32 $0x8900;
	s28 =	simm.s32 $0x9100  }
0xa: {  	s29 =	simm.s32 $0x9900;
	s30 =	simm.s32 $0xA100;
	s31 =	simm.s32 $0xA900  }
0xb: {  	s8 =	simm.s32 $0xB900;
	s1 =	sand.u32 $0x1, s1;
	s4 =	sshll.u32 s4, $0x6  }
0xc: {  	[smem:$0x7FF] =	sst s3;
	s5 =	sshll.u32 s1, $0x5;
	s1 =	ssub.s32 $0x2, s1  }
0xd: {  	_ =	strace $0x8000004D;
	s4 =	sor.u32 s5, s4;
	s7 =	sshrl.u32 s1, $0x1  }
0xe: {  	s5 =	sadd.s32 s4, s0;
	s6 =	smul.u32 $0x1800, s4;
	s0 =	sadd.s32 $0xC5600, s0  }
0xf: {  	s4 =	smul.u32 $0x300, s4;
	s1 =	ssub.s32 s1, s7;
	s5 =	sadd.s32 $0x4E00, s5  }
0x10: {  	s7 =	simm.s32 $0x2;
	s6 =	sshrl.u32 s6, $0x3;
	[dreg:$0x3] =	wrdreg s5  }
0x11: {  	v2 =	vlaneseq.u32;
	s4 =	sadd.s32 s0, s4;
	s5 =	sadd.s32 $0x200, s2;
	s0 =	sadd.s32 s0, s6  }
0x12: {  	vm0 =	vmmov $0xffff;
	v1 =	vshrl.u32 v2, $0x3;
	[dreg:$0x4] =	wrdreg s4;
	s4 =	sadd.s32 $0x100, s2;
	s0 =	sadd.s32 $0x3000, s0  }
0x13: {  	v0 =	vand.u32 $0x7, v2;
	v2 =	vor.u32 $0x8, v2;
	v1 =	vmul.u32 $0x8, v1;
	s6 =	smax.u32 s1, $0x1;
	s1 =	simm.s32 $0x1;
	[dreg:$0x5] =	wrdreg s0  }
.LBB2_1:
0x14: {  	s9 =	rddreg [dreg:$0x3]  }
0x15: {  	[tilespmem:s3], [sflag:$0x2] =	stream.linear.gather [hbm4b:s9+s3], $0x100, $0x38;
	[tilespmem:$0x18100] =	vst v63  }
0x16: {  	_ =	swait.ge [sflag:s7], $0x100  }
0x17: {  	[sflag:s7] =	ssyncset.done $0x0  }
0x18: {  	[sflag:s7] =	ssyncadd.s32 $0xFFFFFF00  }
0x19: {  	v3 =	vld [tilespmem:$0x0];
	_ =	sdelay $0x4  }
0x1a: {  	v4 =	vshrl.u32 v3, $0x3  }
0x1b: {  	v4 =	vmul.u32 $0x30, v4  }
0x1c: {  	v3 =	vand.u32 $0x7, v3  }
0x1d: {  	v3 =	vor.u32 v3, v4  }
0x1e: {  	v4 =	vperm.xlane v3, v0;
	_ =	sdelay $0x1  }
0x1f: {  	v4 =	vadd.s32 v1, v4;
	_ =	sdelay $0x3  }
0x20: {  	s0 =	simm.s32 $0x100;
	v3 =	vperm.xlane v3, v2  }
0x21: {  	[tilespmem:s0], [sflag:$0x1] =	stream.indirect_vreg.gather [hbm4b:s2+s3], $0x80, v4, vm0, $0xb8;
	[tilespmem:$0x18100] =	vst v63  }
0x22: {  	v3 =	vadd.s32 v1, v3  }
0x23: {  	[tilespmem:s10], [sflag:$0x1] =	stream.indirect_vreg.gather [hbm4b:s4+s3], $0x80, v4, vm0, $0xb8;
	[tilespmem:$0x18100] =	vst v63  }
0x24: {  	_ = 	snop  }
0x25: {  	[tilespmem:s11], [sflag:$0x1] =	stream.indirect_vreg.gather [hbm4b:s5+s3], $0x80, v4, vm0, $0xb8;
	[tilespmem:$0x18100] =	vst v63  }
0x26: {  	_ = 	snop  }
0x27: {  	[tilespmem:s12], [sflag:$0x1] =	stream.indirect_vreg.gather [hbm4b:s2+s3], $0x80, v3, vm0, $0xb8;
	[tilespmem:$0x18100] =	vst v63  }
0x28: {  	_ = 	snop  }
0x29: {  	[tilespmem:s13], [sflag:$0x1] =	stream.indirect_vreg.gather [hbm4b:s4+s3], $0x80, v3, vm0, $0xb8;
	[tilespmem:$0x18100] =	vst v63  }
0x2a: {  	_ = 	snop  }
0x2b: {  	[tilespmem:s14], [sflag:$0x1] =	stream.indirect_vreg.gather [hbm4b:s5+s3], $0x80, v3, vm0, $0xb8;
	[tilespmem:$0x18100] =	vst v63  }
0x2c: {  	v3 =	vld [tilespmem:$0x10];
	_ =	sdelay $0x4  }
0x2d: {  	v49 =	vshrl.u32 v3, $0x3  }
0x2e: {  	v4 =	vmul.u32 $0x30, v49  }
0x2f: {  	v3 =	vand.u32 $0x7, v3  }
0x30: {  	v3 =	vor.u32 v3, v4  }
0x31: {  	v4 =	vperm.xlane v3, v0;
	_ =	sdelay $0x1  }
0x32: {  	v4 =	vadd.s32 v1, v4;
	_ =	sdelay $0x3  }
0x33: {  	v3 =	vperm.xlane v3, v2  }
0x34: {  	[tilespmem:s15], [sflag:$0x1] =	stream.indirect_vreg.gather [hbm4b:s2+s3], $0x80, v4, vm0, $0xb8;
	[tilespmem:$0x18100] =	vst v63  }
0x35: {  	v3 =	vadd.s32 v1, v3  }
0x36: {  	[tilespmem:s16], [sflag:$0x1] =	stream.indirect_vreg.gather [hbm4b:s4+s3], $0x80, v4, vm0, $0xb8;
	[tilespmem:$0x18100] =	vst v63  }
0x37: {  	_ = 	snop  }
0x38: {  	[tilespmem:s17], [sflag:$0x1] =	stream.indirect_vreg.gather [hbm4b:s5+s3], $0x80, v4, vm0, $0xb8;
	[tilespmem:$0x18100] =	vst v63  }
0x39: {  	_ = 	snop  }
0x3a: {  	[tilespmem:s18], [sflag:$0x1] =	stream.indirect_vreg.gather [hbm4b:s2+s3], $0x80, v3, vm0, $0xb8;
	[tilespmem:$0x18100] =	vst v63  }
0x3b: {  	_ = 	snop  }
0x3c: {  	[tilespmem:s19], [sflag:$0x1] =	stream.indirect_vreg.gather [hbm4b:s4+s3], $0x80, v3, vm0, $0xb8;
	[tilespmem:$0x18100] =	vst v63  }
0x3d: {  	_ = 	snop  }
0x3e: {  	[tilespmem:s20], [sflag:$0x1] =	stream.indirect_vreg.gather [hbm4b:s5+s3], $0x80, v3, vm0, $0xb8;
	[tilespmem:$0x18100] =	vst v63  }
0x3f: {  	v3 =	vld [tilespmem:$0x20];
	_ =	sdelay $0x4  }
0x40: {  	v50 =	vshrl.u32 v3, $0x3  }
0x41: {  	v4 =	vmul.u32 $0x30, v50  }
0x42: {  	v3 =	vand.u32 $0x7, v3  }
0x43: {  	v3 =	vor.u32 v3, v4  }
0x44: {  	v4 =	vperm.xlane v3, v0;
	_ =	sdelay $0x1  }
0x45: {  	v4 =	vadd.s32 v1, v4;
	_ =	sdelay $0x3  }
0x46: {  	v3 =	vperm.xlane v3, v2  }
0x47: {  	[tilespmem:s21], [sflag:$0x1] =	stream.indirect_vreg.gather [hbm4b:s2+s3], $0x80, v4, vm0, $0xb8;
	[tilespmem:$0x18100] =	vst v63  }
0x48: {  	v3 =	vadd.s32 v1, v3  }
0x49: {  	[tilespmem:s22], [sflag:$0x1] =	stream.indirect_vreg.gather [hbm4b:s4+s3], $0x80, v4, vm0, $0xb8;
	[tilespmem:$0x18100] =	vst v63  }
0x4a: {  	_ = 	snop  }
0x4b: {  	[tilespmem:s23], [sflag:$0x1] =	stream.indirect_vreg.gather [hbm4b:s5+s3], $0x80, v4, vm0, $0xb8;
	[tilespmem:$0x18100] =	vst v63  }
0x4c: {  	_ = 	snop  }
0x4d: {  	[tilespmem:s24], [sflag:$0x1] =	stream.indirect_vreg.gather [hbm4b:s2+s3], $0x80, v3, vm0, $0xb8;
	[tilespmem:$0x18100] =	vst v63  }
0x4e: {  	_ = 	snop  }
0x4f: {  	[tilespmem:s25], [sflag:$0x1] =	stream.indirect_vreg.gather [hbm4b:s4+s3], $0x80, v3, vm0, $0xb8;
	[tilespmem:$0x18100] =	vst v63  }
0x50: {  	_ = 	snop  }
0x51: {  	[tilespmem:s26], [sflag:$0x1] =	stream.indirect_vreg.gather [hbm4b:s5+s3], $0x80, v3, vm0, $0xb8;
	[tilespmem:$0x18100] =	vst v63  }
0x52: {  	v3 =	vld [tilespmem:$0x30];
	_ =	sdelay $0x4  }
0x53: {  	v51 =	vshrl.u32 v3, $0x3  }
0x54: {  	v4 =	vmul.u32 $0x30, v51  }
0x55: {  	v3 =	vand.u32 $0x7, v3  }
0x56: {  	v3 =	vor.u32 v3, v4  }
0x57: {  	v4 =	vperm.xlane v3, v0;
	_ =	sdelay $0x1  }
0x58: {  	v4 =	vadd.s32 v1, v4;
	_ =	sdelay $0x3  }
0x59: {  	v3 =	vperm.xlane v3, v2  }
0x5a: {  	[tilespmem:s28], [sflag:$0x1] =	stream.indirect_vreg.gather [hbm4b:s2+s3], $0x80, v4, vm0, $0xb8;
	[tilespmem:$0x18100] =	vst v63  }
0x5b: {  	v3 =	vadd.s32 v1, v3  }
0x5c: {  	[tilespmem:s29], [sflag:$0x1] =	stream.indirect_vreg.gather [hbm4b:s4+s3], $0x80, v4, vm0, $0xb8;
	[tilespmem:$0x18100] =	vst v63  }
0x5d: {  	_ = 	snop  }
0x5e: {  	[tilespmem:s30], [sflag:$0x1] =	stream.indirect_vreg.gather [hbm4b:s5+s3], $0x80, v4, vm0, $0xb8;
	[tilespmem:$0x18100] =	vst v63  }
0x5f: {  	_ = 	snop  }
0x60: {  	[tilespmem:s31], [sflag:$0x1] =	stream.indirect_vreg.gather [hbm4b:s2+s3], $0x80, v3, vm0, $0xb8;
	[tilespmem:$0x18100] =	vst v63  }
0x61: {  	s9 =	simm.s32 $0xB100  }
0x62: {  	[tilespmem:s9], [sflag:$0x1] =	stream.indirect_vreg.gather [hbm4b:s4+s3], $0x80, v3, vm0, $0xb8;
	[tilespmem:$0x18100] =	vst v63  }
0x63: {  	_ = 	snop  }
0x64: {  	[tilespmem:s8], [sflag:$0x1] =	stream.indirect_vreg.gather [hbm4b:s5+s3], $0x80, v3, vm0, $0xb8;
	[tilespmem:$0x18100] =	vst v63  }
0x65: {  	v3 =	vld [tilespmem:$0x40];
	_ =	sdelay $0x4  }
0x66: {  	v52 =	vshrl.u32 v3, $0x3  }
0x67: {  	v4 =	vmul.u32 $0x30, v52  }
0x68: {  	v3 =	vand.u32 $0x7, v3  }
0x69: {  	v3 =	vor.u32 v3, v4  }
0x6a: {  	v4 =	vperm.xlane v3, v0;
	_ =	sdelay $0x1  }
0x6b: {  	v4 =	vadd.s32 v1, v4;
	_ =	sdelay $0x3  }
0x6c: {  	s9 =	simm.s32 $0xC100;
	v3 =	vperm.xlane v3, v2  }
0x6d: {  	[tilespmem:s9], [sflag:$0x1] =	stream.indirect_vreg.gather [hbm4b:s2+s3], $0x80, v4, vm0, $0xb8;
	[tilespmem:$0x18100] =	vst v63  }
0x6e: {  	v3 =	vadd.s32 v1, v3;
	s9 =	simm.s32 $0xC900  }
0x6f: {  	[tilespmem:s9], [sflag:$0x1] =	stream.indirect_vreg.gather [hbm4b:s4+s3], $0x80, v4, vm0, $0xb8;
	[tilespmem:$0x18100] =	vst v63  }
0x70: {  	s9 =	simm.s32 $0xD100  }
0x71: {  	[tilespmem:s9], [sflag:$0x1] =	stream.indirect_vreg.gather [hbm4b:s5+s3], $0x80, v4, vm0, $0xb8;
	[tilespmem:$0x18100] =	vst v63  }
0x72: {  	s9 =	simm.s32 $0xD900  }
0x73: {  	[tilespmem:s9], [sflag:$0x1] =	stream.indirect_vreg.gather [hbm4b:s2+s3], $0x80, v3, vm0, $0xb8;
	[tilespmem:$0x18100] =	vst v63  }
0x74: {  	s9 =	simm.s32 $0xE100  }
0x75: {  	[tilespmem:s9], [sflag:$0x1] =	stream.indirect_vreg.gather [hbm4b:s4+s3], $0x80, v3, vm0, $0xb8;
	[tilespmem:$0x18100] =	vst v63  }
0x76: {  	s9 =	simm.s32 $0xE900  }
0x77: {  	[tilespmem:s9], [sflag:$0x1] =	stream.indirect_vreg.gather [hbm4b:s5+s3], $0x80, v3, vm0, $0xb8;
	[tilespmem:$0x18100] =	vst v63  }
0x78: {  	v3 =	vld [tilespmem:$0x50];
	_ =	sdelay $0x4  }
0x79: {  	v53 =	vshrl.u32 v3, $0x3  }
0x7a: {  	v4 =	vmul.u32 $0x30, v53  }
0x7b: {  	v3 =	vand.u32 $0x7, v3  }
0x7c: {  	v3 =	vor.u32 v3, v4  }
0x7d: {  	v4 =	vperm.xlane v3, v0;
	_ =	sdelay $0x1  }
0x7e: {  	v4 =	vadd.s32 v1, v4;
	_ =	sdelay $0x3  }
0x7f: {  	s9 =	simm.s32 $0xF100;
	v3 =	vperm.xlane v3, v2  }
0x80: {  	[tilespmem:s9], [sflag:$0x1] =	stream.indirect_vreg.gather [hbm4b:s2+s3], $0x80, v4, vm0, $0xb8;
	[tilespmem:$0x18100] =	vst v63  }
0x81: {  	v3 =	vadd.s32 v1, v3;
	s9 =	simm.s32 $0xF900  }
0x82: {  	[tilespmem:s9], [sflag:$0x1] =	stream.indirect_vreg.gather [hbm4b:s4+s3], $0x80, v4, vm0, $0xb8;
	[tilespmem:$0x18100] =	vst v63  }
0x83: {  	s9 =	simm.s32 $0x10100  }
0x84: {  	[tilespmem:s9], [sflag:$0x1] =	stream.indirect_vreg.gather [hbm4b:s5+s3], $0x80, v4, vm0, $0xb8;
	[tilespmem:$0x18100] =	vst v63  }
0x85: {  	s9 =	simm.s32 $0x10900  }
0x86: {  	[tilespmem:s9], [sflag:$0x1] =	stream.indirect_vreg.gather [hbm4b:s2+s3], $0x80, v3, vm0, $0xb8;
	[tilespmem:$0x18100] =	vst v63  }
0x87: {  	s9 =	simm.s32 $0x11100  }
0x88: {  	[tilespmem:s9], [sflag:$0x1] =	stream.indirect_vreg.gather [hbm4b:s4+s3], $0x80, v3, vm0, $0xb8;
	[tilespmem:$0x18100] =	vst v63  }
0x89: {  	s9 =	simm.s32 $0x11900  }
0x8a: {  	[tilespmem:s9], [sflag:$0x1] =	stream.indirect_vreg.gather [hbm4b:s5+s3], $0x80, v3, vm0, $0xb8;
	[tilespmem:$0x18100] =	vst v63  }
0x8b: {  	v3 =	vld [tilespmem:$0x60];
	_ =	sdelay $0x4  }
0x8c: {  	v54 =	vshrl.u32 v3, $0x3  }
0x8d: {  	v4 =	vmul.u32 $0x30, v54  }
0x8e: {  	v3 =	vand.u32 $0x7, v3  }
0x8f: {  	v3 =	vor.u32 v3, v4  }
0x90: {  	v4 =	vperm.xlane v3, v0;
	_ =	sdelay $0x1  }
0x91: {  	v4 =	vadd.s32 v1, v4;
	_ =	sdelay $0x3  }
0x92: {  	s9 =	simm.s32 $0x12100;
	v3 =	vperm.xlane v3, v2  }
0x93: {  	[tilespmem:s9], [sflag:$0x1] =	stream.indirect_vreg.gather [hbm4b:s2+s3], $0x80, v4, vm0, $0xb8;
	[tilespmem:$0x18100] =	vst v63  }
0x94: {  	v3 =	vadd.s32 v1, v3;
	s9 =	simm.s32 $0x12900  }
0x95: {  	[tilespmem:s9], [sflag:$0x1] =	stream.indirect_vreg.gather [hbm4b:s4+s3], $0x80, v4, vm0, $0xb8;
	[tilespmem:$0x18100] =	vst v63  }
0x96: {  	s9 =	simm.s32 $0x13100  }
0x97: {  	[tilespmem:s9], [sflag:$0x1] =	stream.indirect_vreg.gather [hbm4b:s5+s3], $0x80, v4, vm0, $0xb8;
	[tilespmem:$0x18100] =	vst v63  }
0x98: {  	s9 =	simm.s32 $0x13900  }
0x99: {  	[tilespmem:s9], [sflag:$0x1] =	stream.indirect_vreg.gather [hbm4b:s2+s3], $0x80, v3, vm0, $0xb8;
	[tilespmem:$0x18100] =	vst v63  }
0x9a: {  	s9 =	simm.s32 $0x14100  }
0x9b: {  	[tilespmem:s9], [sflag:$0x1] =	stream.indirect_vreg.gather [hbm4b:s4+s3], $0x80, v3, vm0, $0xb8;
	[tilespmem:$0x18100] =	vst v63  }
0x9c: {  	s9 =	simm.s32 $0x14900  }
0x9d: {  	[tilespmem:s9], [sflag:$0x1] =	stream.indirect_vreg.gather [hbm4b:s5+s3], $0x80, v3, vm0, $0xb8;
	[tilespmem:$0x18100] =	vst v63  }
0x9e: {  	v3 =	vld [tilespmem:$0x70];
	_ =	sdelay $0x4  }
0x9f: {  	v55 =	vshrl.u32 v3, $0x3  }
0xa0: {  	v4 =	vmul.u32 $0x30, v55  }
0xa1: {  	v3 =	vand.u32 $0x7, v3  }
0xa2: {  	v3 =	vor.u32 v3, v4  }
0xa3: {  	v4 =	vperm.xlane v3, v0;
	_ =	sdelay $0x1  }
0xa4: {  	v4 =	vadd.s32 v1, v4;
	_ =	sdelay $0x3  }
0xa5: {  	s9 =	simm.s32 $0x15100;
	v3 =	vperm.xlane v3, v2  }
0xa6: {  	[tilespmem:s9], [sflag:$0x1] =	stream.indirect_vreg.gather [hbm4b:s2+s3], $0x80, v4, vm0, $0xb8;
	[tilespmem:$0x18100] =	vst v63  }
0xa7: {  	v3 =	vadd.s32 v1, v3;
	s9 =	simm.s32 $0x15900  }
0xa8: {  	[tilespmem:s9], [sflag:$0x1] =	stream.indirect_vreg.gather [hbm4b:s4+s3], $0x80, v4, vm0, $0xb8;
	[tilespmem:$0x18100] =	vst v63  }
0xa9: {  	s9 =	simm.s32 $0x16100  }
0xaa: {  	[tilespmem:s9], [sflag:$0x1] =	stream.indirect_vreg.gather [hbm4b:s5+s3], $0x80, v4, vm0, $0xb8;
	[tilespmem:$0x18100] =	vst v63  }
0xab: {  	s9 =	simm.s32 $0x16900  }
0xac: {  	[tilespmem:s9], [sflag:$0x1] =	stream.indirect_vreg.gather [hbm4b:s2+s3], $0x80, v3, vm0, $0xb8;
	[tilespmem:$0x18100] =	vst v63  }
0xad: {  	s9 =	simm.s32 $0x17100  }
0xae: {  	[tilespmem:s9], [sflag:$0x1] =	stream.indirect_vreg.gather [hbm4b:s4+s3], $0x80, v3, vm0, $0xb8;
	[tilespmem:$0x18100] =	vst v63  }
0xaf: {  	s9 =	simm.s32 $0x17900  }
0xb0: {  	[tilespmem:s9], [sflag:$0x1] =	stream.indirect_vreg.gather [hbm4b:s5+s3], $0x80, v3, vm0, $0xb8;
	[tilespmem:$0x18100] =	vst v63  }
0xb1: {  	_ =	swait.ge [sflag:s1], $0x18000  }
0xb2: {  	[sflag:s1] =	ssyncset.done $0x0  }
0xb3: {  	s0 =	simm.s32 $0x100;
	s9 =	rddreg [dreg:$0x4];
	[sflag:s1] =	ssyncadd.s32 $0xFFFE8000  }
0xb4: {  	[hbm4b:s9+s3] =	stream.linear.scatter [tilespmem:s0], [sflag:$0x2], $0x18000, $0x38;
	[tilespmem:$0x18100] =	vst v63  }
0xb5: {  	_ =	swait.ge [sflag:s7], $0x18000  }
0xb6: {  	[sflag:s7] =	ssyncset.done $0x0  }
0xb7: {  	[sflag:s7] =	ssyncadd.s32 $0xFFFE8000  }
0xb8: {  	v3 =	vld [tilespmem:$0x80];
	_ =	sdelay $0x4  }
0xb9: {  	v56 =	vshrl.u32 v3, $0x3  }
0xba: {  	v4 =	vmul.u32 $0x30, v56  }
0xbb: {  	v3 =	vand.u32 $0x7, v3  }
0xbc: {  	v3 =	vor.u32 v3, v4  }
0xbd: {  	v4 =	vperm.xlane v3, v0;
	_ =	sdelay $0x1  }
0xbe: {  	v4 =	vadd.s32 v1, v4;
	_ =	sdelay $0x3  }
0xbf: {  	v3 =	vperm.xlane v3, v2  }
0xc0: {  	[tilespmem:s0], [sflag:$0x1] =	stream.indirect_vreg.gather [hbm4b:s2+s3], $0x80, v4, vm0, $0xb8;
	[tilespmem:$0x18100] =	vst v63  }
0xc1: {  	v3 =	vadd.s32 v1, v3  }
0xc2: {  	[tilespmem:s10], [sflag:$0x1] =	stream.indirect_vreg.gather [hbm4b:s4+s3], $0x80, v4, vm0, $0xb8;
	[tilespmem:$0x18100] =	vst v63  }
0xc3: {  	_ = 	snop  }
0xc4: {  	[tilespmem:s11], [sflag:$0x1] =	stream.indirect_vreg.gather [hbm4b:s5+s3], $0x80, v4, vm0, $0xb8;
	[tilespmem:$0x18100] =	vst v63  }
0xc5: {  	_ = 	snop  }
0xc6: {  	[tilespmem:s12], [sflag:$0x1] =	stream.indirect_vreg.gather [hbm4b:s2+s3], $0x80, v3, vm0, $0xb8;
	[tilespmem:$0x18100] =	vst v63  }
0xc7: {  	_ = 	snop  }
0xc8: {  	[tilespmem:s13], [sflag:$0x1] =	stream.indirect_vreg.gather [hbm4b:s4+s3], $0x80, v3, vm0, $0xb8;
	[tilespmem:$0x18100] =	vst v63  }
0xc9: {  	_ = 	snop  }
0xca: {  	[tilespmem:s14], [sflag:$0x1] =	stream.indirect_vreg.gather [hbm4b:s5+s3], $0x80, v3, vm0, $0xb8;
	[tilespmem:$0x18100] =	vst v63  }
0xcb: {  	v3 =	vld [tilespmem:$0x90];
	_ =	sdelay $0x4  }
0xcc: {  	v57 =	vshrl.u32 v3, $0x3  }
0xcd: {  	v4 =	vmul.u32 $0x30, v57  }
0xce: {  	v3 =	vand.u32 $0x7, v3  }
0xcf: {  	v3 =	vor.u32 v3, v4  }
0xd0: {  	v4 =	vperm.xlane v3, v0;
	_ =	sdelay $0x1  }
0xd1: {  	v4 =	vadd.s32 v1, v4;
	_ =	sdelay $0x3  }
0xd2: {  	v3 =	vperm.xlane v3, v2  }
0xd3: {  	[tilespmem:s15], [sflag:$0x1] =	stream.indirect_vreg.gather [hbm4b:s2+s3], $0x80, v4, vm0, $0xb8;
	[tilespmem:$0x18100] =	vst v63  }
0xd4: {  	v3 =	vadd.s32 v1, v3  }
0xd5: {  	[tilespmem:s16], [sflag:$0x1] =	stream.indirect_vreg.gather [hbm4b:s4+s3], $0x80, v4, vm0, $0xb8;
	[tilespmem:$0x18100] =	vst v63  }
0xd6: {  	_ = 	snop  }
0xd7: {  	[tilespmem:s17], [sflag:$0x1] =	stream.indirect_vreg.gather [hbm4b:s5+s3], $0x80, v4, vm0, $0xb8;
	[tilespmem:$0x18100] =	vst v63  }
0xd8: {  	_ = 	snop  }
0xd9: {  	[tilespmem:s18], [sflag:$0x1] =	stream.indirect_vreg.gather [hbm4b:s2+s3], $0x80, v3, vm0, $0xb8;
	[tilespmem:$0x18100] =	vst v63  }
0xda: {  	_ = 	snop  }
0xdb: {  	[tilespmem:s19], [sflag:$0x1] =	stream.indirect_vreg.gather [hbm4b:s4+s3], $0x80, v3, vm0, $0xb8;
	[tilespmem:$0x18100] =	vst v63  }
0xdc: {  	_ = 	snop  }
0xdd: {  	[tilespmem:s20], [sflag:$0x1] =	stream.indirect_vreg.gather [hbm4b:s5+s3], $0x80, v3, vm0, $0xb8;
	[tilespmem:$0x18100] =	vst v63  }
0xde: {  	v3 =	vld [tilespmem:$0xA0];
	_ =	sdelay $0x4  }
0xdf: {  	v58 =	vshrl.u32 v3, $0x3  }
0xe0: {  	v4 =	vmul.u32 $0x30, v58  }
0xe1: {  	v3 =	vand.u32 $0x7, v3  }
0xe2: {  	v3 =	vor.u32 v3, v4  }
0xe3: {  	v4 =	vperm.xlane v3, v0;
	_ =	sdelay $0x1  }
0xe4: {  	v4 =	vadd.s32 v1, v4;
	_ =	sdelay $0x3  }
0xe5: {  	v3 =	vperm.xlane v3, v2  }
0xe6: {  	[tilespmem:s21], [sflag:$0x1] =	stream.indirect_vreg.gather [hbm4b:s2+s3], $0x80, v4, vm0, $0xb8;
	[tilespmem:$0x18100] =	vst v63  }
0xe7: {  	v3 =	vadd.s32 v1, v3  }
0xe8: {  	[tilespmem:s22], [sflag:$0x1] =	stream.indirect_vreg.gather [hbm4b:s4+s3], $0x80, v4, vm0, $0xb8;
	[tilespmem:$0x18100] =	vst v63  }
0xe9: {  	_ = 	snop  }
0xea: {  	[tilespmem:s23], [sflag:$0x1] =	stream.indirect_vreg.gather [hbm4b:s5+s3], $0x80, v4, vm0, $0xb8;
	[tilespmem:$0x18100] =	vst v63  }
0xeb: {  	_ = 	snop  }
0xec: {  	[tilespmem:s24], [sflag:$0x1] =	stream.indirect_vreg.gather [hbm4b:s2+s3], $0x80, v3, vm0, $0xb8;
	[tilespmem:$0x18100] =	vst v63  }
0xed: {  	_ = 	snop  }
0xee: {  	[tilespmem:s25], [sflag:$0x1] =	stream.indirect_vreg.gather [hbm4b:s4+s3], $0x80, v3, vm0, $0xb8;
	[tilespmem:$0x18100] =	vst v63  }
0xef: {  	_ = 	snop  }
0xf0: {  	[tilespmem:s26], [sflag:$0x1] =	stream.indirect_vreg.gather [hbm4b:s5+s3], $0x80, v3, vm0, $0xb8;
	[tilespmem:$0x18100] =	vst v63  }
0xf1: {  	v3 =	vld [tilespmem:$0xB0];
	_ =	sdelay $0x4  }
0xf2: {  	v59 =	vshrl.u32 v3, $0x3  }
0xf3: {  	v4 =	vmul.u32 $0x30, v59  }
0xf4: {  	v3 =	vand.u32 $0x7, v3  }
0xf5: {  	v3 =	vor.u32 v3, v4  }
0xf6: {  	v4 =	vperm.xlane v3, v0;
	_ =	sdelay $0x1  }
0xf7: {  	v4 =	vadd.s32 v1, v4;
	_ =	sdelay $0x3  }
0xf8: {  	v3 =	vperm.xlane v3, v2  }
0xf9: {  	[tilespmem:s28], [sflag:$0x1] =	stream.indirect_vreg.gather [hbm4b:s2+s3], $0x80, v4, vm0, $0xb8;
	[tilespmem:$0x18100] =	vst v63  }
0xfa: {  	v3 =	vadd.s32 v1, v3  }
0xfb: {  	[tilespmem:s29], [sflag:$0x1] =	stream.indirect_vreg.gather [hbm4b:s4+s3], $0x80, v4, vm0, $0xb8;
	[tilespmem:$0x18100] =	vst v63  }
0xfc: {  	_ = 	snop  }
0xfd: {  	[tilespmem:s30], [sflag:$0x1] =	stream.indirect_vreg.gather [hbm4b:s5+s3], $0x80, v4, vm0, $0xb8;
	[tilespmem:$0x18100] =	vst v63  }
0xfe: {  	_ = 	snop  }
0xff: {  	[tilespmem:s31], [sflag:$0x1] =	stream.indirect_vreg.gather [hbm4b:s2+s3], $0x80, v3, vm0, $0xb8;
	[tilespmem:$0x18100] =	vst v63  }
0x100: {  	s9 =	simm.s32 $0xB100  }
0x101: {  	[tilespmem:s9], [sflag:$0x1] =	stream.indirect_vreg.gather [hbm4b:s4+s3], $0x80, v3, vm0, $0xb8;
	[tilespmem:$0x18100] =	vst v63  }
0x102: {  	_ = 	snop  }
0x103: {  	[tilespmem:s8], [sflag:$0x1] =	stream.indirect_vreg.gather [hbm4b:s5+s3], $0x80, v3, vm0, $0xb8;
	[tilespmem:$0x18100] =	vst v63  }
0x104: {  	v3 =	vld [tilespmem:$0xC0];
	_ =	sdelay $0x4  }
0x105: {  	v60 =	vshrl.u32 v3, $0x3  }
0x106: {  	v4 =	vmul.u32 $0x30, v60  }
0x107: {  	v3 =	vand.u32 $0x7, v3  }
0x108: {  	v3 =	vor.u32 v3, v4  }
0x109: {  	v4 =	vperm.xlane v3, v0;
	_ =	sdelay $0x1  }
0x10a: {  	v4 =	vadd.s32 v1, v4;
	_ =	sdelay $0x3  }
0x10b: {  	s9 =	simm.s32 $0xC100;
	v3 =	vperm.xlane v3, v2  }
0x10c: {  	[tilespmem:s9], [sflag:$0x1] =	stream.indirect_vreg.gather [hbm4b:s2+s3], $0x80, v4, vm0, $0xb8;
	[tilespmem:$0x18100] =	vst v63  }
0x10d: {  	v3 =	vadd.s32 v1, v3;
	s9 =	simm.s32 $0xC900  }
0x10e: {  	[tilespmem:s9], [sflag:$0x1] =	stream.indirect_vreg.gather [hbm4b:s4+s3], $0x80, v4, vm0, $0xb8;
	[tilespmem:$0x18100] =	vst v63  }
0x10f: {  	s9 =	simm.s32 $0xD100  }
0x110: {  	[tilespmem:s9], [sflag:$0x1] =	stream.indirect_vreg.gather [hbm4b:s5+s3], $0x80, v4, vm0, $0xb8;
	[tilespmem:$0x18100] =	vst v63  }
0x111: {  	s9 =	simm.s32 $0xD900  }
0x112: {  	[tilespmem:s9], [sflag:$0x1] =	stream.indirect_vreg.gather [hbm4b:s2+s3], $0x80, v3, vm0, $0xb8;
	[tilespmem:$0x18100] =	vst v63  }
0x113: {  	s9 =	simm.s32 $0xE100  }
0x114: {  	[tilespmem:s9], [sflag:$0x1] =	stream.indirect_vreg.gather [hbm4b:s4+s3], $0x80, v3, vm0, $0xb8;
	[tilespmem:$0x18100] =	vst v63  }
0x115: {  	s9 =	simm.s32 $0xE900  }
0x116: {  	[tilespmem:s9], [sflag:$0x1] =	stream.indirect_vreg.gather [hbm4b:s5+s3], $0x80, v3, vm0, $0xb8;
	[tilespmem:$0x18100] =	vst v63  }
0x117: {  	v3 =	vld [tilespmem:$0xD0];
	_ =	sdelay $0x4  }
0x118: {  	v61 =	vshrl.u32 v3, $0x3  }
0x119: {  	v4 =	vmul.u32 $0x30, v61  }
0x11a: {  	v3 =	vand.u32 $0x7, v3  }
0x11b: {  	v3 =	vor.u32 v3, v4  }
0x11c: {  	v4 =	vperm.xlane v3, v0;
	_ =	sdelay $0x1  }
0x11d: {  	v4 =	vadd.s32 v1, v4;
	_ =	sdelay $0x3  }
0x11e: {  	s9 =	simm.s32 $0xF100;
	v3 =	vperm.xlane v3, v2  }
0x11f: {  	[tilespmem:s9], [sflag:$0x1] =	stream.indirect_vreg.gather [hbm4b:s2+s3], $0x80, v4, vm0, $0xb8;
	[tilespmem:$0x18100] =	vst v63  }
0x120: {  	v3 =	vadd.s32 v1, v3;
	s9 =	simm.s32 $0xF900  }
0x121: {  	[tilespmem:s9], [sflag:$0x1] =	stream.indirect_vreg.gather [hbm4b:s4+s3], $0x80, v4, vm0, $0xb8;
	[tilespmem:$0x18100] =	vst v63  }
0x122: {  	s9 =	simm.s32 $0x10100  }
0x123: {  	[tilespmem:s9], [sflag:$0x1] =	stream.indirect_vreg.gather [hbm4b:s5+s3], $0x80, v4, vm0, $0xb8;
	[tilespmem:$0x18100] =	vst v63  }
0x124: {  	s9 =	simm.s32 $0x10900  }
0x125: {  	[tilespmem:s9], [sflag:$0x1] =	stream.indirect_vreg.gather [hbm4b:s2+s3], $0x80, v3, vm0, $0xb8;
	[tilespmem:$0x18100] =	vst v63  }
0x126: {  	s9 =	simm.s32 $0x11100  }
0x127: {  	[tilespmem:s9], [sflag:$0x1] =	stream.indirect_vreg.gather [hbm4b:s4+s3], $0x80, v3, vm0, $0xb8;
	[tilespmem:$0x18100] =	vst v63  }
0x128: {  	s9 =	simm.s32 $0x11900  }
0x129: {  	[tilespmem:s9], [sflag:$0x1] =	stream.indirect_vreg.gather [hbm4b:s5+s3], $0x80, v3, vm0, $0xb8;
	[tilespmem:$0x18100] =	vst v63  }
0x12a: {  	v3 =	vld [tilespmem:$0xE0];
	_ =	sdelay $0x4  }
0x12b: {  	v62 =	vshrl.u32 v3, $0x3  }
0x12c: {  	v4 =	vmul.u32 $0x30, v62  }
0x12d: {  	v3 =	vand.u32 $0x7, v3  }
0x12e: {  	v3 =	vor.u32 v3, v4  }
0x12f: {  	v4 =	vperm.xlane v3, v0;
	_ =	sdelay $0x1  }
0x130: {  	v4 =	vadd.s32 v1, v4;
	_ =	sdelay $0x3  }
0x131: {  	s9 =	simm.s32 $0x12100;
	v3 =	vperm.xlane v3, v2  }
0x132: {  	[tilespmem:s9], [sflag:$0x1] =	stream.indirect_vreg.gather [hbm4b:s2+s3], $0x80, v4, vm0, $0xb8;
	[tilespmem:$0x18100] =	vst v63  }
0x133: {  	v3 =	vadd.s32 v1, v3;
	s9 =	simm.s32 $0x12900  }
0x134: {  	[tilespmem:s9], [sflag:$0x1] =	stream.indirect_vreg.gather [hbm4b:s4+s3], $0x80, v4, vm0, $0xb8;
	[tilespmem:$0x18100] =	vst v63  }
0x135: {  	s9 =	simm.s32 $0x13100  }
0x136: {  	[tilespmem:s9], [sflag:$0x1] =	stream.indirect_vreg.gather [hbm4b:s5+s3], $0x80, v4, vm0, $0xb8;
	[tilespmem:$0x18100] =	vst v63  }
0x137: {  	s9 =	simm.s32 $0x13900  }
0x138: {  	[tilespmem:s9], [sflag:$0x1] =	stream.indirect_vreg.gather [hbm4b:s2+s3], $0x80, v3, vm0, $0xb8;
	[tilespmem:$0x18100] =	vst v63  }
0x139: {  	s9 =	simm.s32 $0x14100  }
0x13a: {  	[tilespmem:s9], [sflag:$0x1] =	stream.indirect_vreg.gather [hbm4b:s4+s3], $0x80, v3, vm0, $0xb8;
	[tilespmem:$0x18100] =	vst v63  }
0x13b: {  	s9 =	simm.s32 $0x14900  }
0x13c: {  	[tilespmem:s9], [sflag:$0x1] =	stream.indirect_vreg.gather [hbm4b:s5+s3], $0x80, v3, vm0, $0xb8;
	[tilespmem:$0x18100] =	vst v63  }
0x13d: {  	v3 =	vld [tilespmem:$0xF0];
	_ =	sdelay $0x4  }
0x13e: {  	v63 =	vshrl.u32 v3, $0x3  }
0x13f: {  	v4 =	vmul.u32 $0x30, v63  }
0x140: {  	v3 =	vand.u32 $0x7, v3  }
0x141: {  	v3 =	vor.u32 v3, v4  }
0x142: {  	v4 =	vperm.xlane v3, v0;
	_ =	sdelay $0x1  }
0x143: {  	v4 =	vadd.s32 v1, v4;
	_ =	sdelay $0x3  }
0x144: {  	s9 =	simm.s32 $0x15100;
	v3 =	vperm.xlane v3, v2  }
0x145: {  	[tilespmem:s9], [sflag:$0x1] =	stream.indirect_vreg.gather [hbm4b:s2+s3], $0x80, v4, vm0, $0xb8;
	[tilespmem:$0x18100] =	vst v63  }
0x146: {  	v3 =	vadd.s32 v1, v3;
	s9 =	simm.s32 $0x15900  }
0x147: {  	[tilespmem:s9], [sflag:$0x1] =	stream.indirect_vreg.gather [hbm4b:s4+s3], $0x80, v4, vm0, $0xb8;
	[tilespmem:$0x18100] =	vst v63  }
0x148: {  	s9 =	simm.s32 $0x16100  }
0x149: {  	[tilespmem:s9], [sflag:$0x1] =	stream.indirect_vreg.gather [hbm4b:s5+s3], $0x80, v4, vm0, $0xb8;
	[tilespmem:$0x18100] =	vst v63  }
0x14a: {  	s9 =	simm.s32 $0x16900  }
0x14b: {  	[tilespmem:s9], [sflag:$0x1] =	stream.indirect_vreg.gather [hbm4b:s2+s3], $0x80, v3, vm0, $0xb8;
	[tilespmem:$0x18100] =	vst v63  }
0x14c: {  	s9 =	simm.s32 $0x17100  }
0x14d: {  	[tilespmem:s9], [sflag:$0x1] =	stream.indirect_vreg.gather [hbm4b:s4+s3], $0x80, v3, vm0, $0xb8;
	[tilespmem:$0x18100] =	vst v63  }
0x14e: {  	s9 =	simm.s32 $0x17900  }
0x14f: {  	[tilespmem:s9], [sflag:$0x1] =	stream.indirect_vreg.gather [hbm4b:s5+s3], $0x80, v3, vm0, $0xb8;
	[tilespmem:$0x18100] =	vst v63  }
0x150: {  	_ =	swait.ge [sflag:s1], $0x18000  }
0x151: {  	p0 =	sne.s32 s6, $0x1;
	s0 =	simm.s32 $0x100;
	[sflag:s1] =	ssyncset.done $0x0  }
.Ltmp0:
0x152: {  	s9 =	rddreg [dreg:$0x5];
	[sflag:s1] =	ssyncadd.s32 $0xFFFE8000;
	(pc) =	sbr.rel @p0 .LBB2_1-.Ltmp0, $4  }
0x153: {  	[hbm4b:s9+s3] =	stream.linear.scatter [tilespmem:s0], [sflag:$0x2], $0x18000, $0x38;
	[tilespmem:$0x18100] =	vst v63  }
0x154: {  	_ =	swait.ge [sflag:s7], $0x18000  }
0x155: {  	[sflag:s7] =	ssyncset.done $0x0  }
0x156: {  	s6 =	sadd.s32 $0xFFFFFFFF, s6;
	[sflag:s7] =	ssyncadd.s32 $0xFFFE8000  }
0x157: {  	_ =	sfence.sel $0x180000  }
0x158: {  	[bflag:$0x0] =	sbarrier.arrive $0xFFFF  }
0x159: {  	_ =	strace $0x9000004D  }
0x15a: {  	s0 =	stileid.u32;
	[bflag:$0x2] =	sbarrier.arrive $0xFFFF  }
0x15b: {  	p0 =	sne.s32 s0, $0x0;
	s0 =	rddreg [dreg:$0x2]  }
0x15c: {  	s0 =	sadd.s32 @!p0 $0x100000, s0  }
0x15d: {  	[sflag:s0] =	ssyncadd.tile.s32 @!p0 $0x1;
	_ =	shalt  }
.Lfunc_end2:
_tile_overlayer_lowered:
.L_overlay_start_2:
0x15e: {  	(tag) =	ssettag $0x2  }
0x15f: {  	s0 =	rddreg [dreg:$0x0];
	s2 =	stileid.u32  }
0x160: {  	s1 =	rddreg [dreg:$0x1];
	p0 =	sne.s32 s2, $0x0  }
0x161: {  	s3 =	rddreg [dreg:$0x2];
	[bflag:$0x3] =	sbarrier.arrive $0xFFFF;
	s2 =	simm.s32 @!p0 $0x1C02  }
0x162: {  	[timem:s3], [sflag:s2] =	dma.local @!p0 [hbm:s0], s1  }
0x163: {  	s0 =	simm.s32 @!p0 $0x2  }
0x164: {  	_ =	swait.ge @!p0 [sflag:s0], s1  }
0x165: {  	s1 =	ssub.s32 @!p0 $0x0, s1;
	[sflag:s0] =	ssyncset.done @!p0 $0x0  }
0x166: {  	[sflag:s0] =	ssyncadd.s32 @!p0 s1  }
0x167: {  	[bflag:$0x3] =	sbarrier.arrive $0xFFFF  }
0x168: {  	_ =	shalt  }

// kernel: kernel.22.cloned.1.call-start
scs
__scs_entry_jumppad:
0x0: {  	(pc) =	sbr.rel $0x88, $3  }
0x1: {  	(tag) =	ssettag $0x0;
	lr =	simm.s32 $0x1  }
0x2: {  	[smem:$0x3F92] =	sst lr;
	_ =	strace $0xD0000000  }
0x3: {  	_ = 	snop  }
0x4: {  	_ = 	snop  }
0x5: {  	_ = 	snop  }
0x6: {  	_ = 	snop  }
0x7: {  	_ = 	snop  }
__scs_overlays_trampoline_lowered:
0x8: {  	[smem:$0x3FA1] =	sst s0  }
0x9: {  	[smem:$0x3FA2] =	sst s1  }
0xa: {  	[smem:$0x3FA3] =	sst s2  }
0xb: {  	[smem:$0x3FA4] =	sst s3  }
0xc: {  	[smem:$0x3FA5] =	sst s4  }
0xd: {  	[smem:$0x3FA6] =	sst s5  }
0xe: {  	[smem:$0x3FA7] =	sst s6  }
0xf: {  	[smem:$0x3FA8] =	sst s7  }
0x10: {  	[smem:$0x3FA9] =	sst s8  }
0x11: {  	[smem:$0x3FAA] =	sst s9;
	s0 =	simm.s32 @!p0 $0x0  }
0x12: {  	s1 =	sld [smem:$0x3F90];
	s0 =	simm.s32 @p0 $0x1  }
0x13: {  	[smem:$0x3FAB] =	sst s0;
	s0 =	simm.s32 @!p1 $0x0  }
0x14: {  	s2 =	sld [smem:$0x3F8F];
	s0 =	simm.s32 @p1 $0x1  }
0x15: {  	[smem:$0x3FAC] =	sst s0;
	s0 =	simm.s32 @!p2 $0x0  }
0x16: {  	s3 =	sld [smem:$0x3FDB];
	s0 =	simm.s32 @p2 $0x1  }
0x17: {  	s4 =	simm.s32 $0x1BF5;
	[smem:$0x3FAE] =	sst s0  }
0x18: {  	s0 =	sld [smem:$0x3F91];
	_ =	swait.ge [sflag:s4], $0x0  }
0x19: {  	s7 =	sld [smem:$0x3F92]  }
0x1a: {  	s8 =	sadd.s32 $0xFFFFE003, lr  }
0x1b: {  	s9 =	sadd.s32 $0xFFFFFEF7, lr;
	s5 =	simm.s32 $0xFFFFFFFF;
	p2 =	slt.u32 s8, $0xFFFFF086  }
0x1c: {  	p1 =	slt.u32 s9, $0xF7A;
	s5 =	simm.s32 @!p2 $0x0  }
0x1d: {  	s5 =	simm.s32 @p1 $0x1;
	p0 =	seq.s32 s7, s2  }
0x1e: {  	s7 =	smul.u32 @!p0 $0xF7A, s2;
	p2 =	seq.s32 @!p0 s5, $0x0  }
0x1f: {  	s9 =	smul.u32 $0xF7A, s1;
	s8 =	simm.s32 @!p0 $0x1BF5;
	p2 =	por !p2, p0  }
0x20: {  	[sflag:s8] =	ssyncset.s32 @!p0 $0xFFFFF086;
	s6 =	sadd.s32 @!p0 s3, s7;
	s7 =	simm.s32 @!p0 $0x108  }
0x21: {  	s3 =	sadd.s32 s3, s9;
	s6 =	sadd.s32 @!p0 $0x88, s6;
	s7 =	simm.s32 @p2 $0x1082  }
0x22: {  	[simem:s7], [sflag:s8] =	dma.local @!p0 [hbm:s6], $0xF7A  }
0x23: {  	s9 =	sor.u32 $0xD0000000, s2;
	s6 =	simm.s32 $0x108;
	_ =	swait.ge @!p0 [sflag:s8], $0x0  }
0x24: {  	s3 =	sadd.s32 $0x88, s3;
	s6 =	simm.s32 @!p1 $0x1082;
	[sflag:s4] =	ssyncset.s32 $0xFFFFF086  }
0x25: {  	[simem:s6], [sflag:s4] =	dma.local [hbm:s3], $0xF7A  }
0x26: {  	[smem:$0x3F92] =	sst s1;
	(tag) =	ssettag s2;
	_ =	strace s9  }
0x27: {  	s1 =	sld [smem:$0x3FA2]  }
0x28: {  	s2 =	sld [smem:$0x3FA3]  }
0x29: {  	s4 =	sld [smem:$0x3FA5]  }
0x2a: {  	p0 =	seq.s32 s5, $0x0;
	s5 =	sld [smem:$0x3FA6]  }
0x2b: {  	s6 =	sld [smem:$0x3FA7]  }
0x2c: {  	s7 =	sld [smem:$0x3FA8]  }
0x2d: {  	s3 =	simm.s32 $0x108;
	s8 =	sld [smem:$0x3FA9]  }
0x2e: {  	s3 =	simm.s32 @!p0 $0x1082;
	s9 =	sld [smem:$0x3FAA]  }
0x2f: {  	lr =	sadd.s32 s0, s3;
	s0 =	sld [smem:$0x3FA1]  }
0x30: {  	s3 =	sld [smem:$0x3FA4]  }
0x31: {  	[smem:$0x3FAD] =	sst s10  }
0x32: {  	s10 =	sld [smem:$0x3FAB];
	_ =	sdelay $0x3  }
0x33: {  	p0 =	seq.s32 s10, $0x1;
	s10 =	sld [smem:$0x3FAD];
	_ =	sdelay $0x3  }
0x34: {  	[smem:$0x3FAD] =	sst s10  }
0x35: {  	s10 =	sld [smem:$0x3FAC];
	_ =	sdelay $0x3  }
0x36: {  	p1 =	seq.s32 s10, $0x1;
	s10 =	sld [smem:$0x3FAD];
	_ =	sdelay $0x3  }
0x37: {  	[smem:$0x3FAD] =	sst s10  }
0x38: {  	s10 =	sld [smem:$0x3FAE]  }
0x39: {  	_ = 	snop;
	(pc) =	sbr.ind lr, $3  }
0x3a: {  	_ = 	snop  }
0x3b: {  	_ = 	snop  }
0x3c: {  	p2 =	seq.s32 s10, $0x1;
	s10 =	sld [smem:$0x3FAD]  }
0x3d: {  	_ =	shalt  }
0x3e: {  	_ =	shalt  }
0x3f: {  	_ =	shalt  }
0x40: {  	_ =	shalt  }
0x41: {  	_ =	shalt  }
0x42: {  	_ =	shalt  }
0x43: {  	_ =	shalt  }
0x44: {  	_ =	shalt  }
0x45: {  	_ =	shalt  }
0x46: {  	_ =	shalt  }
0x47: {  	_ =	shalt  }
0x48: {  	_ =	shalt  }
0x49: {  	_ =	shalt  }
0x4a: {  	_ =	shalt  }
0x4b: {  	_ =	shalt  }
0x4c: {  	_ =	shalt  }
0x4d: {  	_ =	shalt  }
0x4e: {  	_ =	shalt  }
0x4f: {  	_ =	shalt  }
0x50: {  	_ =	shalt  }
0x51: {  	_ =	shalt  }
0x52: {  	_ =	shalt  }
0x53: {  	_ =	shalt  }
0x54: {  	_ =	shalt  }
0x55: {  	_ =	shalt  }
0x56: {  	_ =	shalt  }
0x57: {  	_ =	shalt  }
0x58: {  	_ =	shalt  }
0x59: {  	_ =	shalt  }
0x5a: {  	_ =	shalt  }
0x5b: {  	_ =	shalt  }
0x5c: {  	_ =	shalt  }
0x5d: {  	_ =	shalt  }
0x5e: {  	_ =	shalt  }
0x5f: {  	_ =	shalt  }
0x60: {  	_ =	shalt  }
0x61: {  	_ =	shalt  }
0x62: {  	_ =	shalt  }
0x63: {  	_ =	shalt  }
0x64: {  	_ =	shalt  }
0x65: {  	_ =	shalt  }
0x66: {  	_ =	shalt  }
0x67: {  	_ =	shalt  }
0x68: {  	_ =	shalt  }
0x69: {  	_ =	shalt  }
0x6a: {  	_ =	shalt  }
0x6b: {  	_ =	shalt  }
0x6c: {  	_ =	shalt  }
0x6d: {  	_ =	shalt  }
0x6e: {  	_ =	shalt  }
0x6f: {  	_ =	shalt  }
0x70: {  	_ =	shalt  }
0x71: {  	_ =	shalt  }
0x72: {  	_ =	shalt  }
0x73: {  	_ =	shalt  }
0x74: {  	_ =	shalt  }
0x75: {  	_ =	shalt  }
0x76: {  	_ =	shalt  }
0x77: {  	_ =	shalt  }
0x78: {  	_ =	shalt  }
0x79: {  	_ =	shalt  }
0x7a: {  	_ =	shalt  }
0x7b: {  	_ =	shalt  }
0x7c: {  	_ =	shalt  }
0x7d: {  	_ =	shalt  }
0x7e: {  	_ =	shalt  }
0x7f: {  	_ =	shalt  }
0x80: {  	_ =	shalt  }
0x81: {  	_ =	shalt  }
0x82: {  	_ =	shalt  }
0x83: {  	_ =	shalt  }
0x84: {  	_ =	shalt  }
0x85: {  	_ =	shalt  }
0x86: {  	_ =	shalt  }
0x87: {  	_ =	shalt  }
.Lfunc_end0:
.L_simem_size_0:
called_computation.3_lowered:
.L_overlay_start_0:
0x88: {  	s2 =	sld [smem:$0x3FD9]  }
0x89: {  	s3 =	sld [smem:$0x3FFE];
	_ =	sdelay $0x1  }
0x8a: {  	s1 =	srdreg.scid  }
0x8b: {  	s0 =	sand.u32 $0x1, s1  }
0x8c: {  	s17 =	sshll.u32 s0, $0xA;
	s2 =	sadd.s32 s3, s2  }
0x8d: {  	s2 =	sadd.s32 s2, s17  }
0x8e: {  	[smem:$0x3FB9] =	sst s2  }
0x8f: {  	_ = 	snop  }
0x90: {  	s18 =	sld [smem:$0x3FC6];
	(tm) =	ssettm $0x1  }
0x91: {  	s19 =	sld [smem:$0x3FFB];
	_ =	sdelay $0x3  }
0x92: {  	_ =	strace s19  }
0x93: {  	s2 =	sld [smem:$0x3FFC];
	_ =	sdelay $0x3  }
0x94: {  	_ =	strace s2  }
0x95: {  	s2 =	sld [smem:$0x3FFD];
	_ =	sdelay $0x3  }
0x96: {  	_ =	strace s2  }
0x97: {  	_ =	strace $0x8FFFFFFF  }
0x98: {  	s20 =	sld [smem:$0x3FDB];
	_ =	sdelay $0x1  }
0x99: {  	s4 =	simm.s32 $_scs_section_size  }
0x9a: {  	s5 =	simm.s32 $_size__tile_overlayer_lowered;
	s6 =	simm.s32 $_tile_overlayer_lowered  }
0x9b: {  	s7 =	simm.s32 $0x1BFF;
	s21 =	sshll.u32 s6, $0x1;
	s4 =	sadd.s32 s4, s20  }
0x9c: {  	s22 =	simm.s32 $0x0;
	s5 =	sshll.u32 s5, $0x1;
	s6 =	sadd.s32 s21, s4  }
0x9d: {  	[timem:s22], [sflag:s7] =	dma.local [hbm:s6], s5  }
0x9e: {  	_ =	swait.ge [sflag:s7], s5  }
0x9f: {  	s5 =	ssub.s32 $0x0, s5;
	[sflag:s7] =	ssyncset.done $0x0  }
0xa0: {  	[sflag:s7] =	ssyncadd.s32 s5;
	_ =	sdelay $0x1  }
0xa1: {  	s23 =	simm.s32 $0x1B8B  }
0xa2: {  	_ =	swait.ge [sflag:s23], $0x1  }
0xa3: {  	[sflag:s23] =	ssyncset.done $0x0  }
0xa4: {  	[sflag:s23] =	ssyncadd.s32 $0xFFFFFFFF  }
0xa5: {  	s5 =	sld [smem:$0x0]  }
0xa6: {  	s6 =	sand.u32 $0xFFFFFFFE, s1  }
0xa7: {  	p0 =	sne.s32 s1, s6  }
0xa8: {  	s6 =	sshll.u32 @p0 s6, $0xE  }
0xa9: {  	s6 =	sadd.s32 @p0 $0x11B8D, s6;
	s7 =	sshll.u32 @p0 s5, $0x11  }
0xaa: {  	s6 =	sor.u32 @p0 s7, s6  }
0xab: {  	[sflag:s6] =	ssyncadd.remote.s32 @p0 $0x1;
	_ =	sdelay $0x1  }
0xac: {  	s6 =	simm.s32 @p0 $0x1B8D  }
0xad: {  	_ =	swait.eq @p0 [sflag:s6], $0x1  }
0xae: {  	[sflag:s6] =	ssyncadd.s32 @p0 $0xFFFFFFFF  }
0xaf: {  	s7 =	sshll.u32 @!p0 s1, $0xE  }
0xb0: {  	s7 =	sor.u32 @!p0 $0x4000, s7;
	s6 =	simm.s32 @!p0 $0x1B8D  }
0xb1: {  	s5 =	sshll.u32 @!p0 s5, $0x11;
	s7 =	sadd.s32 @!p0 $0x11B8D, s7;
	_ =	swait.eq @!p0 [sflag:s6], $0x1  }
0xb2: {  	s5 =	sor.u32 @!p0 s5, s7;
	[sflag:s6] =	ssyncadd.s32 @!p0 $0xFFFFFFFF  }
0xb3: {  	s25 =	simm.s32 $0x1B8E;
	s24 =	sld [smem:$0x3FFE];
	[sflag:s5] =	ssyncadd.remote.s32 @!p0 $0x1  }
0xb4: {  	s26 =	simm.s32 $execute0_lowered;
	[smem:$0x3FD2] =	sst s25  }
0xb5: {  	s6 =	sshll.u32 s26, $0x1;
	_ =	strace $0x8000004F;
	[dreg:$0x1] =	wrdreg $0xFFFFFFFF  }
0xb6: {  	s28 =	simm.s32 $_size_execute0_lowered;
	s4 =	sadd.s32 s4, s6;
	[dreg:$0x0] =	wrdreg $0x0  }
0xb7: {  	s6 =	sshll.u32 s28, $0x1;
	[dreg:$0x2] =	wrdreg s4  }
0xb8: {  	[dreg:$0x3] =	wrdreg s6  }
0xb9: {  	[dreg:$0x4] =	wrdreg $0xC0  }
0xba: {  	_ =	task [dreg:s22], $0x5FFFF  }
0xbb: {  	[dreg:$0x1] =	wrdreg $0xFFFFFFFF  }
0xbc: {  	[dreg:$0x0] =	wrdreg $0x60  }
0xbd: {  	[dreg:$0x2] =	wrdreg s18  }
0xbe: {  	[dreg:$0x3] =	wrdreg s24  }
0xbf: {  	[dreg:$0x4] =	wrdreg $0xC  }
0xc0: {  	_ =	task.clear_ibuf [dreg:s22], $0x5FFFF;
	_ =	strace $0x9000004F  }
0xc1: {  	s29 =	simm.s32 $0xC;
	_ =	strace $0x80000051  }
0xc2: {  	_ =	swait.ge [sflag:s29], $0x1  }
0xc3: {  	[sflag:s29] =	ssyncadd.s32 $0xFFFFFFFF  }
0xc4: {  	_ =	strace $0x90000051  }
0xc5: {  	_ =	sfence  }
0xc6: {  	s30 =	sld [smem:$0x0];
	_ =	sdelay $0x2  }
0xc7: {  	s31 =	sshll.u32 s1, $0xD;
	s1 =	sshrl.u32 s1, $0x2  }
0xc8: {  	s4 =	sand.u32 $0x4000, s31;
	s1 =	sadd.s32 s1, s30  }
0xc9: {  	s0 =	sor.u32 s4, s0;
	s1 =	sshll.u32 s1, $0x11  }
0xca: {  	s0 =	sor.u32 s1, s0  }
0xcb: {  	s0 =	sadd.s32 $0x8F2B, s0  }
0xcc: {  	[sflag:s0] =	ssyncadd.remote.s32 $0x1  }
0xcd: {  	_ =	sfence.sel $0xFFFF  }
0xce: {  	[dreg:$0x0] =	wrdreg $0xFFFFFFFF;
	(pc) =	sbr.abs _section_cstart, $3  }
0xcf: {  	[dreg:$0x1] =	wrdreg $0xFFFFFFFF  }
0xd0: {  	_ =	task.clear_ibuf [dreg:s22], $0x2FFFF;
	_ =	strace $0x9FFFFFFF  }
0xd1: {  	(tm) =	ssettm $0x7FFFFFFF  }
tec
execute0_lowered:
.L_overlay_start_1:
0x0: {  	(tag) =	ssettag $0x1  }
0x1: {  	s2 =	rddreg [dreg:$0x0]  }
0x2: {  	s0 =	rddreg [dreg:$0x1]  }
0x3: {  	s1 =	srdreg.scid;
	s4 =	stileid.u32;
	s3 =	simm.s32 $0x0  }
0x4: {  	s10 =	simm.s32 $0x900;
	s11 =	simm.s32 $0x1100;
	s12 =	simm.s32 $0x1900  }
0x5: {  	s13 =	simm.s32 $0x2100;
	s14 =	simm.s32 $0x2900;
	s15 =	simm.s32 $0x3100  }
0x6: {  	s16 =	simm.s32 $0x3900;
	s17 =	simm.s32 $0x4100;
	s18 =	simm.s32 $0x4900  }
0x7: {  	s19 =	simm.s32 $0x5100;
	s20 =	simm.s32 $0x5900;
	s21 =	simm.s32 $0x6100  }
0x8: {  	s22 =	simm.s32 $0x6900;
	s23 =	simm.s32 $0x7100;
	s24 =	simm.s32 $0x7900  }
0x9: {  	s25 =	simm.s32 $0x8100;
	s26 =	simm.s32 $0x8900;
	s28 =	simm.s32 $0x9100  }
0xa: {  	s29 =	simm.s32 $0x9900;
	s30 =	simm.s32 $0xA100;
	s31 =	simm.s32 $0xA900  }
0xb: {  	s8 =	simm.s32 $0xB900;
	s1 =	sand.u32 $0x1, s1;
	s4 =	sshll.u32 s4, $0x6  }
0xc: {  	[smem:$0x7FF] =	sst s3;
	s5 =	sshll.u32 s1, $0x5;
	s1 =	ssub.s32 $0x2, s1  }
0xd: {  	_ =	strace $0x80000050;
	s4 =	sor.u32 s5, s4;
	s7 =	sshrl.u32 s1, $0x1  }
0xe: {  	s5 =	sadd.s32 s4, s0;
	s6 =	smul.u32 $0x1800, s4;
	s0 =	sadd.s32 $0x185600, s0  }
0xf: {  	s4 =	smul.u32 $0x300, s4;
	s1 =	ssub.s32 s1, s7;
	s5 =	sadd.s32 $0x5200, s5  }
0x10: {  	s7 =	simm.s32 $0x2;
	s6 =	sshrl.u32 s6, $0x3;
	[dreg:$0x3] =	wrdreg s5  }
0x11: {  	v2 =	vlaneseq.u32;
	s4 =	sadd.s32 s0, s4;
	s5 =	sadd.s32 $0x200, s2;
	s0 =	sadd.s32 s0, s6  }
0x12: {  	vm0 =	vmmov $0xffff;
	v1 =	vshrl.u32 v2, $0x3;
	[dreg:$0x4] =	wrdreg s4;
	s4 =	sadd.s32 $0x100, s2;
	s0 =	sadd.s32 $0x3000, s0  }
0x13: {  	v0 =	vand.u32 $0x7, v2;
	v2 =	vor.u32 $0x8, v2;
	v1 =	vmul.u32 $0x8, v1;
	s6 =	smax.u32 s1, $0x1;
	s1 =	simm.s32 $0x1;
	[dreg:$0x5] =	wrdreg s0  }
.LBB2_1:
0x14: {  	s9 =	rddreg [dreg:$0x3]  }
0x15: {  	[tilespmem:s3], [sflag:$0x2] =	stream.linear.gather [hbm4b:s9+s3], $0x100, $0x38;
	[tilespmem:$0x18100] =	vst v63  }
0x16: {  	_ =	swait.ge [sflag:s7], $0x100  }
0x17: {  	[sflag:s7] =	ssyncset.done $0x0  }
0x18: {  	[sflag:s7] =	ssyncadd.s32 $0xFFFFFF00  }
0x19: {  	v3 =	vld [tilespmem:$0x0];
	_ =	sdelay $0x4  }
0x1a: {  	v4 =	vshrl.u32 v3, $0x3  }
0x1b: {  	v4 =	vmul.u32 $0x30, v4  }
0x1c: {  	v3 =	vand.u32 $0x7, v3  }
0x1d: {  	v3 =	vor.u32 v3, v4  }
0x1e: {  	v4 =	vperm.xlane v3, v0;
	_ =	sdelay $0x1  }
0x1f: {  	v4 =	vadd.s32 v1, v4;
	_ =	sdelay $0x3  }
0x20: {  	s0 =	simm.s32 $0x100;
	v3 =	vperm.xlane v3, v2  }
0x21: {  	[tilespmem:s0], [sflag:$0x1] =	stream.indirect_vreg.gather [hbm4b:s2+s3], $0x80, v4, vm0, $0xb8;
	[tilespmem:$0x18100] =	vst v63  }
0x22: {  	v3 =	vadd.s32 v1, v3  }
0x23: {  	[tilespmem:s10], [sflag:$0x1] =	stream.indirect_vreg.gather [hbm4b:s4+s3], $0x80, v4, vm0, $0xb8;
	[tilespmem:$0x18100] =	vst v63  }
0x24: {  	_ = 	snop  }
0x25: {  	[tilespmem:s11], [sflag:$0x1] =	stream.indirect_vreg.gather [hbm4b:s5+s3], $0x80, v4, vm0, $0xb8;
	[tilespmem:$0x18100] =	vst v63  }
0x26: {  	_ = 	snop  }
0x27: {  	[tilespmem:s12], [sflag:$0x1] =	stream.indirect_vreg.gather [hbm4b:s2+s3], $0x80, v3, vm0, $0xb8;
	[tilespmem:$0x18100] =	vst v63  }
0x28: {  	_ = 	snop  }
0x29: {  	[tilespmem:s13], [sflag:$0x1] =	stream.indirect_vreg.gather [hbm4b:s4+s3], $0x80, v3, vm0, $0xb8;
	[tilespmem:$0x18100] =	vst v63  }
0x2a: {  	_ = 	snop  }
0x2b: {  	[tilespmem:s14], [sflag:$0x1] =	stream.indirect_vreg.gather [hbm4b:s5+s3], $0x80, v3, vm0, $0xb8;
	[tilespmem:$0x18100] =	vst v63  }
0x2c: {  	v3 =	vld [tilespmem:$0x10];
	_ =	sdelay $0x4  }
0x2d: {  	v49 =	vshrl.u32 v3, $0x3  }
0x2e: {  	v4 =	vmul.u32 $0x30, v49  }
0x2f: {  	v3 =	vand.u32 $0x7, v3  }
0x30: {  	v3 =	vor.u32 v3, v4  }
0x31: {  	v4 =	vperm.xlane v3, v0;
	_ =	sdelay $0x1  }
0x32: {  	v4 =	vadd.s32 v1, v4;
	_ =	sdelay $0x3  }
0x33: {  	v3 =	vperm.xlane v3, v2  }
0x34: {  	[tilespmem:s15], [sflag:$0x1] =	stream.indirect_vreg.gather [hbm4b:s2+s3], $0x80, v4, vm0, $0xb8;
	[tilespmem:$0x18100] =	vst v63  }
0x35: {  	v3 =	vadd.s32 v1, v3  }
0x36: {  	[tilespmem:s16], [sflag:$0x1] =	stream.indirect_vreg.gather [hbm4b:s4+s3], $0x80, v4, vm0, $0xb8;
	[tilespmem:$0x18100] =	vst v63  }
0x37: {  	_ = 	snop  }
0x38: {  	[tilespmem:s17], [sflag:$0x1] =	stream.indirect_vreg.gather [hbm4b:s5+s3], $0x80, v4, vm0, $0xb8;
	[tilespmem:$0x18100] =	vst v63  }
0x39: {  	_ = 	snop  }
0x3a: {  	[tilespmem:s18], [sflag:$0x1] =	stream.indirect_vreg.gather [hbm4b:s2+s3], $0x80, v3, vm0, $0xb8;
	[tilespmem:$0x18100] =	vst v63  }
0x3b: {  	_ = 	snop  }
0x3c: {  	[tilespmem:s19], [sflag:$0x1] =	stream.indirect_vreg.gather [hbm4b:s4+s3], $0x80, v3, vm0, $0xb8;
	[tilespmem:$0x18100] =	vst v63  }
0x3d: {  	_ = 	snop  }
0x3e: {  	[tilespmem:s20], [sflag:$0x1] =	stream.indirect_vreg.gather [hbm4b:s5+s3], $0x80, v3, vm0, $0xb8;
	[tilespmem:$0x18100] =	vst v63  }
0x3f: {  	v3 =	vld [tilespmem:$0x20];
	_ =	sdelay $0x4  }
0x40: {  	v50 =	vshrl.u32 v3, $0x3  }
0x41: {  	v4 =	vmul.u32 $0x30, v50  }
0x42: {  	v3 =	vand.u32 $0x7, v3  }
0x43: {  	v3 =	vor.u32 v3, v4  }
0x44: {  	v4 =	vperm.xlane v3, v0;
	_ =	sdelay $0x1  }
0x45: {  	v4 =	vadd.s32 v1, v4;
	_ =	sdelay $0x3  }
0x46: {  	v3 =	vperm.xlane v3, v2  }
0x47: {  	[tilespmem:s21], [sflag:$0x1] =	stream.indirect_vreg.gather [hbm4b:s2+s3], $0x80, v4, vm0, $0xb8;
	[tilespmem:$0x18100] =	vst v63  }
0x48: {  	v3 =	vadd.s32 v1, v3  }
0x49: {  	[tilespmem:s22], [sflag:$0x1] =	stream.indirect_vreg.gather [hbm4b:s4+s3], $0x80, v4, vm0, $0xb8;
	[tilespmem:$0x18100] =	vst v63  }
0x4a: {  	_ = 	snop  }
0x4b: {  	[tilespmem:s23], [sflag:$0x1] =	stream.indirect_vreg.gather [hbm4b:s5+s3], $0x80, v4, vm0, $0xb8;
	[tilespmem:$0x18100] =	vst v63  }
0x4c: {  	_ = 	snop  }
0x4d: {  	[tilespmem:s24], [sflag:$0x1] =	stream.indirect_vreg.gather [hbm4b:s2+s3], $0x80, v3, vm0, $0xb8;
	[tilespmem:$0x18100] =	vst v63  }
0x4e: {  	_ = 	snop  }
0x4f: {  	[tilespmem:s25], [sflag:$0x1] =	stream.indirect_vreg.gather [hbm4b:s4+s3], $0x80, v3, vm0, $0xb8;
	[tilespmem:$0x18100] =	vst v63  }
0x50: {  	_ = 	snop  }
0x51: {  	[tilespmem:s26], [sflag:$0x1] =	stream.indirect_vreg.gather [hbm4b:s5+s3], $0x80, v3, vm0, $0xb8;
	[tilespmem:$0x18100] =	vst v63  }
0x52: {  	v3 =	vld [tilespmem:$0x30];
	_ =	sdelay $0x4  }
0x53: {  	v51 =	vshrl.u32 v3, $0x3  }
0x54: {  	v4 =	vmul.u32 $0x30, v51  }
0x55: {  	v3 =	vand.u32 $0x7, v3  }
0x56: {  	v3 =	vor.u32 v3, v4  }
0x57: {  	v4 =	vperm.xlane v3, v0;
	_ =	sdelay $0x1  }
0x58: {  	v4 =	vadd.s32 v1, v4;
	_ =	sdelay $0x3  }
0x59: {  	v3 =	vperm.xlane v3, v2  }
0x5a: {  	[tilespmem:s28], [sflag:$0x1] =	stream.indirect_vreg.gather [hbm4b:s2+s3], $0x80, v4, vm0, $0xb8;
	[tilespmem:$0x18100] =	vst v63  }
0x5b: {  	v3 =	vadd.s32 v1, v3  }
0x5c: {  	[tilespmem:s29], [sflag:$0x1] =	stream.indirect_vreg.gather [hbm4b:s4+s3], $0x80, v4, vm0, $0xb8;
	[tilespmem:$0x18100] =	vst v63  }
0x5d: {  	_ = 	snop  }
0x5e: {  	[tilespmem:s30], [sflag:$0x1] =	stream.indirect_vreg.gather [hbm4b:s5+s3], $0x80, v4, vm0, $0xb8;
	[tilespmem:$0x18100] =	vst v63  }
0x5f: {  	_ = 	snop  }
0x60: {  	[tilespmem:s31], [sflag:$0x1] =	stream.indirect_vreg.gather [hbm4b:s2+s3], $0x80, v3, vm0, $0xb8;
	[tilespmem:$0x18100] =	vst v63  }
0x61: {  	s9 =	simm.s32 $0xB100  }
0x62: {  	[tilespmem:s9], [sflag:$0x1] =	stream.indirect_vreg.gather [hbm4b:s4+s3], $0x80, v3, vm0, $0xb8;
	[tilespmem:$0x18100] =	vst v63  }
0x63: {  	_ = 	snop  }
0x64: {  	[tilespmem:s8], [sflag:$0x1] =	stream.indirect_vreg.gather [hbm4b:s5+s3], $0x80, v3, vm0, $0xb8;
	[tilespmem:$0x18100] =	vst v63  }
0x65: {  	v3 =	vld [tilespmem:$0x40];
	_ =	sdelay $0x4  }
0x66: {  	v52 =	vshrl.u32 v3, $0x3  }
0x67: {  	v4 =	vmul.u32 $0x30, v52  }
0x68: {  	v3 =	vand.u32 $0x7, v3  }
0x69: {  	v3 =	vor.u32 v3, v4  }
0x6a: {  	v4 =	vperm.xlane v3, v0;
	_ =	sdelay $0x1  }
0x6b: {  	v4 =	vadd.s32 v1, v4;
	_ =	sdelay $0x3  }
0x6c: {  	s9 =	simm.s32 $0xC100;
	v3 =	vperm.xlane v3, v2  }
0x6d: {  	[tilespmem:s9], [sflag:$0x1] =	stream.indirect_vreg.gather [hbm4b:s2+s3], $0x80, v4, vm0, $0xb8;
	[tilespmem:$0x18100] =	vst v63  }
0x6e: {  	v3 =	vadd.s32 v1, v3;
	s9 =	simm.s32 $0xC900  }
0x6f: {  	[tilespmem:s9], [sflag:$0x1] =	stream.indirect_vreg.gather [hbm4b:s4+s3], $0x80, v4, vm0, $0xb8;
	[tilespmem:$0x18100] =	vst v63  }
0x70: {  	s9 =	simm.s32 $0xD100  }
0x71: {  	[tilespmem:s9], [sflag:$0x1] =	stream.indirect_vreg.gather [hbm4b:s5+s3], $0x80, v4, vm0, $0xb8;
	[tilespmem:$0x18100] =	vst v63  }
0x72: {  	s9 =	simm.s32 $0xD900  }
0x73: {  	[tilespmem:s9], [sflag:$0x1] =	stream.indirect_vreg.gather [hbm4b:s2+s3], $0x80, v3, vm0, $0xb8;
	[tilespmem:$0x18100] =	vst v63  }
0x74: {  	s9 =	simm.s32 $0xE100  }
0x75: {  	[tilespmem:s9], [sflag:$0x1] =	stream.indirect_vreg.gather [hbm4b:s4+s3], $0x80, v3, vm0, $0xb8;
	[tilespmem:$0x18100] =	vst v63  }
0x76: {  	s9 =	simm.s32 $0xE900  }
0x77: {  	[tilespmem:s9], [sflag:$0x1] =	stream.indirect_vreg.gather [hbm4b:s5+s3], $0x80, v3, vm0, $0xb8;
	[tilespmem:$0x18100] =	vst v63  }
0x78: {  	v3 =	vld [tilespmem:$0x50];
	_ =	sdelay $0x4  }
0x79: {  	v53 =	vshrl.u32 v3, $0x3  }
0x7a: {  	v4 =	vmul.u32 $0x30, v53  }
0x7b: {  	v3 =	vand.u32 $0x7, v3  }
0x7c: {  	v3 =	vor.u32 v3, v4  }
0x7d: {  	v4 =	vperm.xlane v3, v0;
	_ =	sdelay $0x1  }
0x7e: {  	v4 =	vadd.s32 v1, v4;
	_ =	sdelay $0x3  }
0x7f: {  	s9 =	simm.s32 $0xF100;
	v3 =	vperm.xlane v3, v2  }
0x80: {  	[tilespmem:s9], [sflag:$0x1] =	stream.indirect_vreg.gather [hbm4b:s2+s3], $0x80, v4, vm0, $0xb8;
	[tilespmem:$0x18100] =	vst v63  }
0x81: {  	v3 =	vadd.s32 v1, v3;
	s9 =	simm.s32 $0xF900  }
0x82: {  	[tilespmem:s9], [sflag:$0x1] =	stream.indirect_vreg.gather [hbm4b:s4+s3], $0x80, v4, vm0, $0xb8;
	[tilespmem:$0x18100] =	vst v63  }
0x83: {  	s9 =	simm.s32 $0x10100  }
0x84: {  	[tilespmem:s9], [sflag:$0x1] =	stream.indirect_vreg.gather [hbm4b:s5+s3], $0x80, v4, vm0, $0xb8;
	[tilespmem:$0x18100] =	vst v63  }
0x85: {  	s9 =	simm.s32 $0x10900  }
0x86: {  	[tilespmem:s9], [sflag:$0x1] =	stream.indirect_vreg.gather [hbm4b:s2+s3], $0x80, v3, vm0, $0xb8;
	[tilespmem:$0x18100] =	vst v63  }
0x87: {  	s9 =	simm.s32 $0x11100  }
0x88: {  	[tilespmem:s9], [sflag:$0x1] =	stream.indirect_vreg.gather [hbm4b:s4+s3], $0x80, v3, vm0, $0xb8;
	[tilespmem:$0x18100] =	vst v63  }
0x89: {  	s9 =	simm.s32 $0x11900  }
0x8a: {  	[tilespmem:s9], [sflag:$0x1] =	stream.indirect_vreg.gather [hbm4b:s5+s3], $0x80, v3, vm0, $0xb8;
	[tilespmem:$0x18100] =	vst v63  }
0x8b: {  	v3 =	vld [tilespmem:$0x60];
	_ =	sdelay $0x4  }
0x8c: {  	v54 =	vshrl.u32 v3, $0x3  }
0x8d: {  	v4 =	vmul.u32 $0x30, v54  }
0x8e: {  	v3 =	vand.u32 $0x7, v3  }
0x8f: {  	v3 =	vor.u32 v3, v4  }
0x90: {  	v4 =	vperm.xlane v3, v0;
	_ =	sdelay $0x1  }
0x91: {  	v4 =	vadd.s32 v1, v4;
	_ =	sdelay $0x3  }
0x92: {  	s9 =	simm.s32 $0x12100;
	v3 =	vperm.xlane v3, v2  }
0x93: {  	[tilespmem:s9], [sflag:$0x1] =	stream.indirect_vreg.gather [hbm4b:s2+s3], $0x80, v4, vm0, $0xb8;
	[tilespmem:$0x18100] =	vst v63  }
0x94: {  	v3 =	vadd.s32 v1, v3;
	s9 =	simm.s32 $0x12900  }
0x95: {  	[tilespmem:s9], [sflag:$0x1] =	stream.indirect_vreg.gather [hbm4b:s4+s3], $0x80, v4, vm0, $0xb8;
	[tilespmem:$0x18100] =	vst v63  }
0x96: {  	s9 =	simm.s32 $0x13100  }
0x97: {  	[tilespmem:s9], [sflag:$0x1] =	stream.indirect_vreg.gather [hbm4b:s5+s3], $0x80, v4, vm0, $0xb8;
	[tilespmem:$0x18100] =	vst v63  }
0x98: {  	s9 =	simm.s32 $0x13900  }
0x99: {  	[tilespmem:s9], [sflag:$0x1] =	stream.indirect_vreg.gather [hbm4b:s2+s3], $0x80, v3, vm0, $0xb8;
	[tilespmem:$0x18100] =	vst v63  }
0x9a: {  	s9 =	simm.s32 $0x14100  }
0x9b: {  	[tilespmem:s9], [sflag:$0x1] =	stream.indirect_vreg.gather [hbm4b:s4+s3], $0x80, v3, vm0, $0xb8;
	[tilespmem:$0x18100] =	vst v63  }
0x9c: {  	s9 =	simm.s32 $0x14900  }
0x9d: {  	[tilespmem:s9], [sflag:$0x1] =	stream.indirect_vreg.gather [hbm4b:s5+s3], $0x80, v3, vm0, $0xb8;
	[tilespmem:$0x18100] =	vst v63  }
0x9e: {  	v3 =	vld [tilespmem:$0x70];
	_ =	sdelay $0x4  }
0x9f: {  	v55 =	vshrl.u32 v3, $0x3  }
0xa0: {  	v4 =	vmul.u32 $0x30, v55  }
0xa1: {  	v3 =	vand.u32 $0x7, v3  }
0xa2: {  	v3 =	vor.u32 v3, v4  }
0xa3: {  	v4 =	vperm.xlane v3, v0;
	_ =	sdelay $0x1  }
0xa4: {  	v4 =	vadd.s32 v1, v4;
	_ =	sdelay $0x3  }
0xa5: {  	s9 =	simm.s32 $0x15100;
	v3 =	vperm.xlane v3, v2  }
0xa6: {  	[tilespmem:s9], [sflag:$0x1] =	stream.indirect_vreg.gather [hbm4b:s2+s3], $0x80, v4, vm0, $0xb8;
	[tilespmem:$0x18100] =	vst v63  }
0xa7: {  	v3 =	vadd.s32 v1, v3;
	s9 =	simm.s32 $0x15900  }
0xa8: {  	[tilespmem:s9], [sflag:$0x1] =	stream.indirect_vreg.gather [hbm4b:s4+s3], $0x80, v4, vm0, $0xb8;
	[tilespmem:$0x18100] =	vst v63  }
0xa9: {  	s9 =	simm.s32 $0x16100  }
0xaa: {  	[tilespmem:s9], [sflag:$0x1] =	stream.indirect_vreg.gather [hbm4b:s5+s3], $0x80, v4, vm0, $0xb8;
	[tilespmem:$0x18100] =	vst v63  }
0xab: {  	s9 =	simm.s32 $0x16900  }
0xac: {  	[tilespmem:s9], [sflag:$0x1] =	stream.indirect_vreg.gather [hbm4b:s2+s3], $0x80, v3, vm0, $0xb8;
	[tilespmem:$0x18100] =	vst v63  }
0xad: {  	s9 =	simm.s32 $0x17100  }
0xae: {  	[tilespmem:s9], [sflag:$0x1] =	stream.indirect_vreg.gather [hbm4b:s4+s3], $0x80, v3, vm0, $0xb8;
	[tilespmem:$0x18100] =	vst v63  }
0xaf: {  	s9 =	simm.s32 $0x17900  }
0xb0: {  	[tilespmem:s9], [sflag:$0x1] =	stream.indirect_vreg.gather [hbm4b:s5+s3], $0x80, v3, vm0, $0xb8;
	[tilespmem:$0x18100] =	vst v63  }
0xb1: {  	_ =	swait.ge [sflag:s1], $0x18000  }
0xb2: {  	[sflag:s1] =	ssyncset.done $0x0  }
0xb3: {  	s0 =	simm.s32 $0x100;
	s9 =	rddreg [dreg:$0x4];
	[sflag:s1] =	ssyncadd.s32 $0xFFFE8000  }
0xb4: {  	[hbm4b:s9+s3] =	stream.linear.scatter [tilespmem:s0], [sflag:$0x2], $0x18000, $0x38;
	[tilespmem:$0x18100] =	vst v63  }
0xb5: {  	_ =	swait.ge [sflag:s7], $0x18000  }
0xb6: {  	[sflag:s7] =	ssyncset.done $0x0  }
0xb7: {  	[sflag:s7] =	ssyncadd.s32 $0xFFFE8000  }
0xb8: {  	v3 =	vld [tilespmem:$0x80];
	_ =	sdelay $0x4  }
0xb9: {  	v56 =	vshrl.u32 v3, $0x3  }
0xba: {  	v4 =	vmul.u32 $0x30, v56  }
0xbb: {  	v3 =	vand.u32 $0x7, v3  }
0xbc: {  	v3 =	vor.u32 v3, v4  }
0xbd: {  	v4 =	vperm.xlane v3, v0;
	_ =	sdelay $0x1  }
0xbe: {  	v4 =	vadd.s32 v1, v4;
	_ =	sdelay $0x3  }
0xbf: {  	v3 =	vperm.xlane v3, v2  }
0xc0: {  	[tilespmem:s0], [sflag:$0x1] =	stream.indirect_vreg.gather [hbm4b:s2+s3], $0x80, v4, vm0, $0xb8;
	[tilespmem:$0x18100] =	vst v63  }
0xc1: {  	v3 =	vadd.s32 v1, v3  }
0xc2: {  	[tilespmem:s10], [sflag:$0x1] =	stream.indirect_vreg.gather [hbm4b:s4+s3], $0x80, v4, vm0, $0xb8;
	[tilespmem:$0x18100] =	vst v63  }
0xc3: {  	_ = 	snop  }
0xc4: {  	[tilespmem:s11], [sflag:$0x1] =	stream.indirect_vreg.gather [hbm4b:s5+s3], $0x80, v4, vm0, $0xb8;
	[tilespmem:$0x18100] =	vst v63  }
0xc5: {  	_ = 	snop  }
0xc6: {  	[tilespmem:s12], [sflag:$0x1] =	stream.indirect_vreg.gather [hbm4b:s2+s3], $0x80, v3, vm0, $0xb8;
	[tilespmem:$0x18100] =	vst v63  }
0xc7: {  	_ = 	snop  }
0xc8: {  	[tilespmem:s13], [sflag:$0x1] =	stream.indirect_vreg.gather [hbm4b:s4+s3], $0x80, v3, vm0, $0xb8;
	[tilespmem:$0x18100] =	vst v63  }
0xc9: {  	_ = 	snop  }
0xca: {  	[tilespmem:s14], [sflag:$0x1] =	stream.indirect_vreg.gather [hbm4b:s5+s3], $0x80, v3, vm0, $0xb8;
	[tilespmem:$0x18100] =	vst v63  }
0xcb: {  	v3 =	vld [tilespmem:$0x90];
	_ =	sdelay $0x4  }
0xcc: {  	v57 =	vshrl.u32 v3, $0x3  }
0xcd: {  	v4 =	vmul.u32 $0x30, v57  }
0xce: {  	v3 =	vand.u32 $0x7, v3  }
0xcf: {  	v3 =	vor.u32 v3, v4  }
0xd0: {  	v4 =	vperm.xlane v3, v0;
	_ =	sdelay $0x1  }
0xd1: {  	v4 =	vadd.s32 v1, v4;
	_ =	sdelay $0x3  }
0xd2: {  	v3 =	vperm.xlane v3, v2  }
0xd3: {  	[tilespmem:s15], [sflag:$0x1] =	stream.indirect_vreg.gather [hbm4b:s2+s3], $0x80, v4, vm0, $0xb8;
	[tilespmem:$0x18100] =	vst v63  }
0xd4: {  	v3 =	vadd.s32 v1, v3  }
0xd5: {  	[tilespmem:s16], [sflag:$0x1] =	stream.indirect_vreg.gather [hbm4b:s4+s3], $0x80, v4, vm0, $0xb8;
	[tilespmem:$0x18100] =	vst v63  }
0xd6: {  	_ = 	snop  }
0xd7: {  	[tilespmem:s17], [sflag:$0x1] =	stream.indirect_vreg.gather [hbm4b:s5+s3], $0x80, v4, vm0, $0xb8;
	[tilespmem:$0x18100] =	vst v63  }
0xd8: {  	_ = 	snop  }
0xd9: {  	[tilespmem:s18], [sflag:$0x1] =	stream.indirect_vreg.gather [hbm4b:s2+s3], $0x80, v3, vm0, $0xb8;
	[tilespmem:$0x18100] =	vst v63  }
0xda: {  	_ = 	snop  }
0xdb: {  	[tilespmem:s19], [sflag:$0x1] =	stream.indirect_vreg.gather [hbm4b:s4+s3], $0x80, v3, vm0, $0xb8;
	[tilespmem:$0x18100] =	vst v63  }
0xdc: {  	_ = 	snop  }
0xdd: {  	[tilespmem:s20], [sflag:$0x1] =	stream.indirect_vreg.gather [hbm4b:s5+s3], $0x80, v3, vm0, $0xb8;
	[tilespmem:$0x18100] =	vst v63  }
0xde: {  	v3 =	vld [tilespmem:$0xA0];
	_ =	sdelay $0x4  }
0xdf: {  	v58 =	vshrl.u32 v3, $0x3  }
0xe0: {  	v4 =	vmul.u32 $0x30, v58  }
0xe1: {  	v3 =	vand.u32 $0x7, v3  }
0xe2: {  	v3 =	vor.u32 v3, v4  }
0xe3: {  	v4 =	vperm.xlane v3, v0;
	_ =	sdelay $0x1  }
0xe4: {  	v4 =	vadd.s32 v1, v4;
	_ =	sdelay $0x3  }
0xe5: {  	v3 =	vperm.xlane v3, v2  }
0xe6: {  	[tilespmem:s21], [sflag:$0x1] =	stream.indirect_vreg.gather [hbm4b:s2+s3], $0x80, v4, vm0, $0xb8;
	[tilespmem:$0x18100] =	vst v63  }
0xe7: {  	v3 =	vadd.s32 v1, v3  }
0xe8: {  	[tilespmem:s22], [sflag:$0x1] =	stream.indirect_vreg.gather [hbm4b:s4+s3], $0x80, v4, vm0, $0xb8;
	[tilespmem:$0x18100] =	vst v63  }
0xe9: {  	_ = 	snop  }
0xea: {  	[tilespmem:s23], [sflag:$0x1] =	stream.indirect_vreg.gather [hbm4b:s5+s3], $0x80, v4, vm0, $0xb8;
	[tilespmem:$0x18100] =	vst v63  }
0xeb: {  	_ = 	snop  }
0xec: {  	[tilespmem:s24], [sflag:$0x1] =	stream.indirect_vreg.gather [hbm4b:s2+s3], $0x80, v3, vm0, $0xb8;
	[tilespmem:$0x18100] =	vst v63  }
0xed: {  	_ = 	snop  }
0xee: {  	[tilespmem:s25], [sflag:$0x1] =	stream.indirect_vreg.gather [hbm4b:s4+s3], $0x80, v3, vm0, $0xb8;
	[tilespmem:$0x18100] =	vst v63  }
0xef: {  	_ = 	snop  }
0xf0: {  	[tilespmem:s26], [sflag:$0x1] =	stream.indirect_vreg.gather [hbm4b:s5+s3], $0x80, v3, vm0, $0xb8;
	[tilespmem:$0x18100] =	vst v63  }
0xf1: {  	v3 =	vld [tilespmem:$0xB0];
	_ =	sdelay $0x4  }
0xf2: {  	v59 =	vshrl.u32 v3, $0x3  }
0xf3: {  	v4 =	vmul.u32 $0x30, v59  }
0xf4: {  	v3 =	vand.u32 $0x7, v3  }
0xf5: {  	v3 =	vor.u32 v3, v4  }
0xf6: {  	v4 =	vperm.xlane v3, v0;
	_ =	sdelay $0x1  }
0xf7: {  	v4 =	vadd.s32 v1, v4;
	_ =	sdelay $0x3  }
0xf8: {  	v3 =	vperm.xlane v3, v2  }
0xf9: {  	[tilespmem:s28], [sflag:$0x1] =	stream.indirect_vreg.gather [hbm4b:s2+s3], $0x80, v4, vm0, $0xb8;
	[tilespmem:$0x18100] =	vst v63  }
0xfa: {  	v3 =	vadd.s32 v1, v3  }
0xfb: {  	[tilespmem:s29], [sflag:$0x1] =	stream.indirect_vreg.gather [hbm4b:s4+s3], $0x80, v4, vm0, $0xb8;
	[tilespmem:$0x18100] =	vst v63  }
0xfc: {  	_ = 	snop  }
0xfd: {  	[tilespmem:s30], [sflag:$0x1] =	stream.indirect_vreg.gather [hbm4b:s5+s3], $0x80, v4, vm0, $0xb8;
	[tilespmem:$0x18100] =	vst v63  }
0xfe: {  	_ = 	snop  }
0xff: {  	[tilespmem:s31], [sflag:$0x1] =	stream.indirect_vreg.gather [hbm4b:s2+s3], $0x80, v3, vm0, $0xb8;
	[tilespmem:$0x18100] =	vst v63  }
0x100: {  	s9 =	simm.s32 $0xB100  }
0x101: {  	[tilespmem:s9], [sflag:$0x1] =	stream.indirect_vreg.gather [hbm4b:s4+s3], $0x80, v3, vm0, $0xb8;
	[tilespmem:$0x18100] =	vst v63  }
0x102: {  	_ = 	snop  }
0x103: {  	[tilespmem:s8], [sflag:$0x1] =	stream.indirect_vreg.gather [hbm4b:s5+s3], $0x80, v3, vm0, $0xb8;
	[tilespmem:$0x18100] =	vst v63  }
0x104: {  	v3 =	vld [tilespmem:$0xC0];
	_ =	sdelay $0x4  }
0x105: {  	v60 =	vshrl.u32 v3, $0x3  }
0x106: {  	v4 =	vmul.u32 $0x30, v60  }
0x107: {  	v3 =	vand.u32 $0x7, v3  }
0x108: {  	v3 =	vor.u32 v3, v4  }
0x109: {  	v4 =	vperm.xlane v3, v0;
	_ =	sdelay $0x1  }
0x10a: {  	v4 =	vadd.s32 v1, v4;
	_ =	sdelay $0x3  }
0x10b: {  	s9 =	simm.s32 $0xC100;
	v3 =	vperm.xlane v3, v2  }
0x10c: {  	[tilespmem:s9], [sflag:$0x1] =	stream.indirect_vreg.gather [hbm4b:s2+s3], $0x80, v4, vm0, $0xb8;
	[tilespmem:$0x18100] =	vst v63  }
0x10d: {  	v3 =	vadd.s32 v1, v3;
	s9 =	simm.s32 $0xC900  }
0x10e: {  	[tilespmem:s9], [sflag:$0x1] =	stream.indirect_vreg.gather [hbm4b:s4+s3], $0x80, v4, vm0, $0xb8;
	[tilespmem:$0x18100] =	vst v63  }
0x10f: {  	s9 =	simm.s32 $0xD100  }
0x110: {  	[tilespmem:s9], [sflag:$0x1] =	stream.indirect_vreg.gather [hbm4b:s5+s3], $0x80, v4, vm0, $0xb8;
	[tilespmem:$0x18100] =	vst v63  }
0x111: {  	s9 =	simm.s32 $0xD900  }
0x112: {  	[tilespmem:s9], [sflag:$0x1] =	stream.indirect_vreg.gather [hbm4b:s2+s3], $0x80, v3, vm0, $0xb8;
	[tilespmem:$0x18100] =	vst v63  }
0x113: {  	s9 =	simm.s32 $0xE100  }
0x114: {  	[tilespmem:s9], [sflag:$0x1] =	stream.indirect_vreg.gather [hbm4b:s4+s3], $0x80, v3, vm0, $0xb8;
	[tilespmem:$0x18100] =	vst v63  }
0x115: {  	s9 =	simm.s32 $0xE900  }
0x116: {  	[tilespmem:s9], [sflag:$0x1] =	stream.indirect_vreg.gather [hbm4b:s5+s3], $0x80, v3, vm0, $0xb8;
	[tilespmem:$0x18100] =	vst v63  }
0x117: {  	v3 =	vld [tilespmem:$0xD0];
	_ =	sdelay $0x4  }
0x118: {  	v61 =	vshrl.u32 v3, $0x3  }
0x119: {  	v4 =	vmul.u32 $0x30, v61  }
0x11a: {  	v3 =	vand.u32 $0x7, v3  }
0x11b: {  	v3 =	vor.u32 v3, v4  }
0x11c: {  	v4 =	vperm.xlane v3, v0;
	_ =	sdelay $0x1  }
0x11d: {  	v4 =	vadd.s32 v1, v4;
	_ =	sdelay $0x3  }
0x11e: {  	s9 =	simm.s32 $0xF100;
	v3 =	vperm.xlane v3, v2  }
0x11f: {  	[tilespmem:s9], [sflag:$0x1] =	stream.indirect_vreg.gather [hbm4b:s2+s3], $0x80, v4, vm0, $0xb8;
	[tilespmem:$0x18100] =	vst v63  }
0x120: {  	v3 =	vadd.s32 v1, v3;
	s9 =	simm.s32 $0xF900  }
0x121: {  	[tilespmem:s9], [sflag:$0x1] =	stream.indirect_vreg.gather [hbm4b:s4+s3], $0x80, v4, vm0, $0xb8;
	[tilespmem:$0x18100] =	vst v63  }
0x122: {  	s9 =	simm.s32 $0x10100  }
0x123: {  	[tilespmem:s9], [sflag:$0x1] =	stream.indirect_vreg.gather [hbm4b:s5+s3], $0x80, v4, vm0, $0xb8;
	[tilespmem:$0x18100] =	vst v63  }
0x124: {  	s9 =	simm.s32 $0x10900  }
0x125: {  	[tilespmem:s9], [sflag:$0x1] =	stream.indirect_vreg.gather [hbm4b:s2+s3], $0x80, v3, vm0, $0xb8;
	[tilespmem:$0x18100] =	vst v63  }
0x126: {  	s9 =	simm.s32 $0x11100  }
0x127: {  	[tilespmem:s9], [sflag:$0x1] =	stream.indirect_vreg.gather [hbm4b:s4+s3], $0x80, v3, vm0, $0xb8;
	[tilespmem:$0x18100] =	vst v63  }
0x128: {  	s9 =	simm.s32 $0x11900  }
0x129: {  	[tilespmem:s9], [sflag:$0x1] =	stream.indirect_vreg.gather [hbm4b:s5+s3], $0x80, v3, vm0, $0xb8;
	[tilespmem:$0x18100] =	vst v63  }
0x12a: {  	v3 =	vld [tilespmem:$0xE0];
	_ =	sdelay $0x4  }
0x12b: {  	v62 =	vshrl.u32 v3, $0x3  }
0x12c: {  	v4 =	vmul.u32 $0x30, v62  }
0x12d: {  	v3 =	vand.u32 $0x7, v3  }
0x12e: {  	v3 =	vor.u32 v3, v4  }
0x12f: {  	v4 =	vperm.xlane v3, v0;
	_ =	sdelay $0x1  }
0x130: {  	v4 =	vadd.s32 v1, v4;
	_ =	sdelay $0x3  }
0x131: {  	s9 =	simm.s32 $0x12100;
	v3 =	vperm.xlane v3, v2  }
0x132: {  	[tilespmem:s9], [sflag:$0x1] =	stream.indirect_vreg.gather [hbm4b:s2+s3], $0x80, v4, vm0, $0xb8;
	[tilespmem:$0x18100] =	vst v63  }
0x133: {  	v3 =	vadd.s32 v1, v3;
	s9 =	simm.s32 $0x12900  }
0x134: {  	[tilespmem:s9], [sflag:$0x1] =	stream.indirect_vreg.gather [hbm4b:s4+s3], $0x80, v4, vm0, $0xb8;
	[tilespmem:$0x18100] =	vst v63  }
0x135: {  	s9 =	simm.s32 $0x13100  }
0x136: {  	[tilespmem:s9], [sflag:$0x1] =	stream.indirect_vreg.gather [hbm4b:s5+s3], $0x80, v4, vm0, $0xb8;
	[tilespmem:$0x18100] =	vst v63  }
0x137: {  	s9 =	simm.s32 $0x13900  }
0x138: {  	[tilespmem:s9], [sflag:$0x1] =	stream.indirect_vreg.gather [hbm4b:s2+s3], $0x80, v3, vm0, $0xb8;
	[tilespmem:$0x18100] =	vst v63  }
0x139: {  	s9 =	simm.s32 $0x14100  }
0x13a: {  	[tilespmem:s9], [sflag:$0x1] =	stream.indirect_vreg.gather [hbm4b:s4+s3], $0x80, v3, vm0, $0xb8;
	[tilespmem:$0x18100] =	vst v63  }
0x13b: {  	s9 =	simm.s32 $0x14900  }
0x13c: {  	[tilespmem:s9], [sflag:$0x1] =	stream.indirect_vreg.gather [hbm4b:s5+s3], $0x80, v3, vm0, $0xb8;
	[tilespmem:$0x18100] =	vst v63  }
0x13d: {  	v3 =	vld [tilespmem:$0xF0];
	_ =	sdelay $0x4  }
0x13e: {  	v63 =	vshrl.u32 v3, $0x3  }
0x13f: {  	v4 =	vmul.u32 $0x30, v63  }
0x140: {  	v3 =	vand.u32 $0x7, v3  }
0x141: {  	v3 =	vor.u32 v3, v4  }
0x142: {  	v4 =	vperm.xlane v3, v0;
	_ =	sdelay $0x1  }
0x143: {  	v4 =	vadd.s32 v1, v4;
	_ =	sdelay $0x3  }
0x144: {  	s9 =	simm.s32 $0x15100;
	v3 =	vperm.xlane v3, v2  }
0x145: {  	[tilespmem:s9], [sflag:$0x1] =	stream.indirect_vreg.gather [hbm4b:s2+s3], $0x80, v4, vm0, $0xb8;
	[tilespmem:$0x18100] =	vst v63  }
0x146: {  	v3 =	vadd.s32 v1, v3;
	s9 =	simm.s32 $0x15900  }
0x147: {  	[tilespmem:s9], [sflag:$0x1] =	stream.indirect_vreg.gather [hbm4b:s4+s3], $0x80, v4, vm0, $0xb8;
	[tilespmem:$0x18100] =	vst v63  }
0x148: {  	s9 =	simm.s32 $0x16100  }
0x149: {  	[tilespmem:s9], [sflag:$0x1] =	stream.indirect_vreg.gather [hbm4b:s5+s3], $0x80, v4, vm0, $0xb8;
	[tilespmem:$0x18100] =	vst v63  }
0x14a: {  	s9 =	simm.s32 $0x16900  }
0x14b: {  	[tilespmem:s9], [sflag:$0x1] =	stream.indirect_vreg.gather [hbm4b:s2+s3], $0x80, v3, vm0, $0xb8;
	[tilespmem:$0x18100] =	vst v63  }
0x14c: {  	s9 =	simm.s32 $0x17100  }
0x14d: {  	[tilespmem:s9], [sflag:$0x1] =	stream.indirect_vreg.gather [hbm4b:s4+s3], $0x80, v3, vm0, $0xb8;
	[tilespmem:$0x18100] =	vst v63  }
0x14e: {  	s9 =	simm.s32 $0x17900  }
0x14f: {  	[tilespmem:s9], [sflag:$0x1] =	stream.indirect_vreg.gather [hbm4b:s5+s3], $0x80, v3, vm0, $0xb8;
	[tilespmem:$0x18100] =	vst v63  }
0x150: {  	_ =	swait.ge [sflag:s1], $0x18000  }
0x151: {  	p0 =	sne.s32 s6, $0x1;
	s0 =	simm.s32 $0x100;
	[sflag:s1] =	ssyncset.done $0x0  }
.Ltmp0:
0x152: {  	s9 =	rddreg [dreg:$0x5];
	[sflag:s1] =	ssyncadd.s32 $0xFFFE8000;
	(pc) =	sbr.rel @p0 .LBB2_1-.Ltmp0, $4  }
0x153: {  	[hbm4b:s9+s3] =	stream.linear.scatter [tilespmem:s0], [sflag:$0x2], $0x18000, $0x38;
	[tilespmem:$0x18100] =	vst v63  }
0x154: {  	_ =	swait.ge [sflag:s7], $0x18000  }
0x155: {  	[sflag:s7] =	ssyncset.done $0x0  }
0x156: {  	s6 =	sadd.s32 $0xFFFFFFFF, s6;
	[sflag:s7] =	ssyncadd.s32 $0xFFFE8000  }
0x157: {  	_ =	sfence.sel $0x180000  }
0x158: {  	[bflag:$0x0] =	sbarrier.arrive $0xFFFF  }
0x159: {  	_ =	strace $0x90000050  }
0x15a: {  	s0 =	stileid.u32;
	[bflag:$0x2] =	sbarrier.arrive $0xFFFF  }
0x15b: {  	p0 =	sne.s32 s0, $0x0;
	s0 =	rddreg [dreg:$0x2]  }
0x15c: {  	s0 =	sadd.s32 @!p0 $0x100000, s0  }
0x15d: {  	[sflag:s0] =	ssyncadd.tile.s32 @!p0 $0x1;
	_ =	shalt  }
.Lfunc_end2:
_tile_overlayer_lowered:
.L_overlay_start_2:
0x15e: {  	(tag) =	ssettag $0x2  }
0x15f: {  	s0 =	rddreg [dreg:$0x0];
	s2 =	stileid.u32  }
0x160: {  	s1 =	rddreg [dreg:$0x1];
	p0 =	sne.s32 s2, $0x0  }
0x161: {  	s3 =	rddreg [dreg:$0x2];
	[bflag:$0x3] =	sbarrier.arrive $0xFFFF;
	s2 =	simm.s32 @!p0 $0x1C02  }
0x162: {  	[timem:s3], [sflag:s2] =	dma.local @!p0 [hbm:s0], s1  }
0x163: {  	s0 =	simm.s32 @!p0 $0x2  }
0x164: {  	_ =	swait.ge @!p0 [sflag:s0], s1  }
0x165: {  	s1 =	ssub.s32 @!p0 $0x0, s1;
	[sflag:s0] =	ssyncset.done @!p0 $0x0  }
0x166: {  	[sflag:s0] =	ssyncadd.s32 @!p0 s1  }
0x167: {  	[bflag:$0x3] =	sbarrier.arrive $0xFFFF  }
0x168: {  	_ =	shalt  }

// kernel: kernel.25.cloned.1.call-start
scs
__scs_entry_jumppad:
0x0: {  	(pc) =	sbr.rel $0x88, $3  }
0x1: {  	(tag) =	ssettag $0x0;
	lr =	simm.s32 $0x1  }
0x2: {  	[smem:$0x3F92] =	sst lr;
	_ =	strace $0xD0000000  }
0x3: {  	_ = 	snop  }
0x4: {  	_ = 	snop  }
0x5: {  	_ = 	snop  }
0x6: {  	_ = 	snop  }
0x7: {  	_ = 	snop  }
__scs_overlays_trampoline_lowered:
0x8: {  	[smem:$0x3FA1] =	sst s0  }
0x9: {  	[smem:$0x3FA2] =	sst s1  }
0xa: {  	[smem:$0x3FA3] =	sst s2  }
0xb: {  	[smem:$0x3FA4] =	sst s3  }
0xc: {  	[smem:$0x3FA5] =	sst s4  }
0xd: {  	[smem:$0x3FA6] =	sst s5  }
0xe: {  	[smem:$0x3FA7] =	sst s6  }
0xf: {  	[smem:$0x3FA8] =	sst s7  }
0x10: {  	[smem:$0x3FA9] =	sst s8  }
0x11: {  	[smem:$0x3FAA] =	sst s9;
	s0 =	simm.s32 @!p0 $0x0  }
0x12: {  	s1 =	sld [smem:$0x3F90];
	s0 =	simm.s32 @p0 $0x1  }
0x13: {  	[smem:$0x3FAB] =	sst s0;
	s0 =	simm.s32 @!p1 $0x0  }
0x14: {  	s2 =	sld [smem:$0x3F8F];
	s0 =	simm.s32 @p1 $0x1  }
0x15: {  	[smem:$0x3FAC] =	sst s0;
	s0 =	simm.s32 @!p2 $0x0  }
0x16: {  	s3 =	sld [smem:$0x3FDB];
	s0 =	simm.s32 @p2 $0x1  }
0x17: {  	s4 =	simm.s32 $0x1BF5;
	[smem:$0x3FAE] =	sst s0  }
0x18: {  	s0 =	sld [smem:$0x3F91];
	_ =	swait.ge [sflag:s4], $0x0  }
0x19: {  	s7 =	sld [smem:$0x3F92]  }
0x1a: {  	s8 =	sadd.s32 $0xFFFFE003, lr  }
0x1b: {  	s9 =	sadd.s32 $0xFFFFFEF7, lr;
	s5 =	simm.s32 $0xFFFFFFFF;
	p2 =	slt.u32 s8, $0xFFFFF086  }
0x1c: {  	p1 =	slt.u32 s9, $0xF7A;
	s5 =	simm.s32 @!p2 $0x0  }
0x1d: {  	s5 =	simm.s32 @p1 $0x1;
	p0 =	seq.s32 s7, s2  }
0x1e: {  	s7 =	smul.u32 @!p0 $0xF7A, s2;
	p2 =	seq.s32 @!p0 s5, $0x0  }
0x1f: {  	s9 =	smul.u32 $0xF7A, s1;
	s8 =	simm.s32 @!p0 $0x1BF5;
	p2 =	por !p2, p0  }
0x20: {  	[sflag:s8] =	ssyncset.s32 @!p0 $0xFFFFF086;
	s6 =	sadd.s32 @!p0 s3, s7;
	s7 =	simm.s32 @!p0 $0x108  }
0x21: {  	s3 =	sadd.s32 s3, s9;
	s6 =	sadd.s32 @!p0 $0x88, s6;
	s7 =	simm.s32 @p2 $0x1082  }
0x22: {  	[simem:s7], [sflag:s8] =	dma.local @!p0 [hbm:s6], $0xF7A  }
0x23: {  	s9 =	sor.u32 $0xD0000000, s2;
	s6 =	simm.s32 $0x108;
	_ =	swait.ge @!p0 [sflag:s8], $0x0  }
0x24: {  	s3 =	sadd.s32 $0x88, s3;
	s6 =	simm.s32 @!p1 $0x1082;
	[sflag:s4] =	ssyncset.s32 $0xFFFFF086  }
0x25: {  	[simem:s6], [sflag:s4] =	dma.local [hbm:s3], $0xF7A  }
0x26: {  	[smem:$0x3F92] =	sst s1;
	(tag) =	ssettag s2;
	_ =	strace s9  }
0x27: {  	s1 =	sld [smem:$0x3FA2]  }
0x28: {  	s2 =	sld [smem:$0x3FA3]  }
0x29: {  	s4 =	sld [smem:$0x3FA5]  }
0x2a: {  	p0 =	seq.s32 s5, $0x0;
	s5 =	sld [smem:$0x3FA6]  }
0x2b: {  	s6 =	sld [smem:$0x3FA7]  }
0x2c: {  	s7 =	sld [smem:$0x3FA8]  }
0x2d: {  	s3 =	simm.s32 $0x108;
	s8 =	sld [smem:$0x3FA9]  }
0x2e: {  	s3 =	simm.s32 @!p0 $0x1082;
	s9 =	sld [smem:$0x3FAA]  }
0x2f: {  	lr =	sadd.s32 s0, s3;
	s0 =	sld [smem:$0x3FA1]  }
0x30: {  	s3 =	sld [smem:$0x3FA4]  }
0x31: {  	[smem:$0x3FAD] =	sst s10  }
0x32: {  	s10 =	sld [smem:$0x3FAB];
	_ =	sdelay $0x3  }
0x33: {  	p0 =	seq.s32 s10, $0x1;
	s10 =	sld [smem:$0x3FAD];
	_ =	sdelay $0x3  }
0x34: {  	[smem:$0x3FAD] =	sst s10  }
0x35: {  	s10 =	sld [smem:$0x3FAC];
	_ =	sdelay $0x3  }
0x36: {  	p1 =	seq.s32 s10, $0x1;
	s10 =	sld [smem:$0x3FAD];
	_ =	sdelay $0x3  }
0x37: {  	[smem:$0x3FAD] =	sst s10  }
0x38: {  	s10 =	sld [smem:$0x3FAE]  }
0x39: {  	_ = 	snop;
	(pc) =	sbr.ind lr, $3  }
0x3a: {  	_ = 	snop  }
0x3b: {  	_ = 	snop  }
0x3c: {  	p2 =	seq.s32 s10, $0x1;
	s10 =	sld [smem:$0x3FAD]  }
0x3d: {  	_ =	shalt  }
0x3e: {  	_ =	shalt  }
0x3f: {  	_ =	shalt  }
0x40: {  	_ =	shalt  }
0x41: {  	_ =	shalt  }
0x42: {  	_ =	shalt  }
0x43: {  	_ =	shalt  }
0x44: {  	_ =	shalt  }
0x45: {  	_ =	shalt  }
0x46: {  	_ =	shalt  }
0x47: {  	_ =	shalt  }
0x48: {  	_ =	shalt  }
0x49: {  	_ =	shalt  }
0x4a: {  	_ =	shalt  }
0x4b: {  	_ =	shalt  }
0x4c: {  	_ =	shalt  }
0x4d: {  	_ =	shalt  }
0x4e: {  	_ =	shalt  }
0x4f: {  	_ =	shalt  }
0x50: {  	_ =	shalt  }
0x51: {  	_ =	shalt  }
0x52: {  	_ =	shalt  }
0x53: {  	_ =	shalt  }
0x54: {  	_ =	shalt  }
0x55: {  	_ =	shalt  }
0x56: {  	_ =	shalt  }
0x57: {  	_ =	shalt  }
0x58: {  	_ =	shalt  }
0x59: {  	_ =	shalt  }
0x5a: {  	_ =	shalt  }
0x5b: {  	_ =	shalt  }
0x5c: {  	_ =	shalt  }
0x5d: {  	_ =	shalt  }
0x5e: {  	_ =	shalt  }
0x5f: {  	_ =	shalt  }
0x60: {  	_ =	shalt  }
0x61: {  	_ =	shalt  }
0x62: {  	_ =	shalt  }
0x63: {  	_ =	shalt  }
0x64: {  	_ =	shalt  }
0x65: {  	_ =	shalt  }
0x66: {  	_ =	shalt  }
0x67: {  	_ =	shalt  }
0x68: {  	_ =	shalt  }
0x69: {  	_ =	shalt  }
0x6a: {  	_ =	shalt  }
0x6b: {  	_ =	shalt  }
0x6c: {  	_ =	shalt  }
0x6d: {  	_ =	shalt  }
0x6e: {  	_ =	shalt  }
0x6f: {  	_ =	shalt  }
0x70: {  	_ =	shalt  }
0x71: {  	_ =	shalt  }
0x72: {  	_ =	shalt  }
0x73: {  	_ =	shalt  }
0x74: {  	_ =	shalt  }
0x75: {  	_ =	shalt  }
0x76: {  	_ =	shalt  }
0x77: {  	_ =	shalt  }
0x78: {  	_ =	shalt  }
0x79: {  	_ =	shalt  }
0x7a: {  	_ =	shalt  }
0x7b: {  	_ =	shalt  }
0x7c: {  	_ =	shalt  }
0x7d: {  	_ =	shalt  }
0x7e: {  	_ =	shalt  }
0x7f: {  	_ =	shalt  }
0x80: {  	_ =	shalt  }
0x81: {  	_ =	shalt  }
0x82: {  	_ =	shalt  }
0x83: {  	_ =	shalt  }
0x84: {  	_ =	shalt  }
0x85: {  	_ =	shalt  }
0x86: {  	_ =	shalt  }
0x87: {  	_ =	shalt  }
.Lfunc_end0:
.L_simem_size_0:
called_computation.4_lowered:
.L_overlay_start_0:
0x88: {  	s2 =	sld [smem:$0x3FD9]  }
0x89: {  	s3 =	sld [smem:$0x3FFE];
	_ =	sdelay $0x1  }
0x8a: {  	s1 =	srdreg.scid  }
0x8b: {  	s0 =	sand.u32 $0x1, s1  }
0x8c: {  	s17 =	sshll.u32 s0, $0xA;
	s2 =	sadd.s32 s3, s2  }
0x8d: {  	s2 =	sadd.s32 s2, s17  }
0x8e: {  	[smem:$0x3FB9] =	sst s2  }
0x8f: {  	_ = 	snop  }
0x90: {  	s18 =	sld [smem:$0x3FC6];
	(tm) =	ssettm $0x1  }
0x91: {  	s19 =	sld [smem:$0x3FFB];
	_ =	sdelay $0x3  }
0x92: {  	_ =	strace s19  }
0x93: {  	s2 =	sld [smem:$0x3FFC];
	_ =	sdelay $0x3  }
0x94: {  	_ =	strace s2  }
0x95: {  	s2 =	sld [smem:$0x3FFD];
	_ =	sdelay $0x3  }
0x96: {  	_ =	strace s2  }
0x97: {  	_ =	strace $0x8FFFFFFF  }
0x98: {  	s20 =	sld [smem:$0x3FDB];
	_ =	sdelay $0x1  }
0x99: {  	s4 =	simm.s32 $_scs_section_size  }
0x9a: {  	s5 =	simm.s32 $_size__tile_overlayer_lowered;
	s6 =	simm.s32 $_tile_overlayer_lowered  }
0x9b: {  	s7 =	simm.s32 $0x1BFF;
	s21 =	sshll.u32 s6, $0x1;
	s4 =	sadd.s32 s4, s20  }
0x9c: {  	s22 =	simm.s32 $0x0;
	s5 =	sshll.u32 s5, $0x1;
	s6 =	sadd.s32 s21, s4  }
0x9d: {  	[timem:s22], [sflag:s7] =	dma.local [hbm:s6], s5  }
0x9e: {  	_ =	swait.ge [sflag:s7], s5  }
0x9f: {  	s5 =	ssub.s32 $0x0, s5;
	[sflag:s7] =	ssyncset.done $0x0  }
0xa0: {  	[sflag:s7] =	ssyncadd.s32 s5;
	_ =	sdelay $0x1  }
0xa1: {  	s23 =	simm.s32 $0x1B8B  }
0xa2: {  	_ =	swait.ge [sflag:s23], $0x1  }
0xa3: {  	[sflag:s23] =	ssyncset.done $0x0  }
0xa4: {  	[sflag:s23] =	ssyncadd.s32 $0xFFFFFFFF  }
0xa5: {  	s5 =	sld [smem:$0x0]  }
0xa6: {  	s6 =	sand.u32 $0xFFFFFFFE, s1  }
0xa7: {  	p0 =	sne.s32 s1, s6  }
0xa8: {  	s6 =	sshll.u32 @p0 s6, $0xE  }
0xa9: {  	s6 =	sadd.s32 @p0 $0x11B8D, s6;
	s7 =	sshll.u32 @p0 s5, $0x11  }
0xaa: {  	s6 =	sor.u32 @p0 s7, s6  }
0xab: {  	[sflag:s6] =	ssyncadd.remote.s32 @p0 $0x1;
	_ =	sdelay $0x1  }
0xac: {  	s6 =	simm.s32 @p0 $0x1B8D  }
0xad: {  	_ =	swait.eq @p0 [sflag:s6], $0x1  }
0xae: {  	[sflag:s6] =	ssyncadd.s32 @p0 $0xFFFFFFFF  }
0xaf: {  	s7 =	sshll.u32 @!p0 s1, $0xE  }
0xb0: {  	s7 =	sor.u32 @!p0 $0x4000, s7;
	s6 =	simm.s32 @!p0 $0x1B8D  }
0xb1: {  	s5 =	sshll.u32 @!p0 s5, $0x11;
	s7 =	sadd.s32 @!p0 $0x11B8D, s7;
	_ =	swait.eq @!p0 [sflag:s6], $0x1  }
0xb2: {  	s5 =	sor.u32 @!p0 s5, s7;
	[sflag:s6] =	ssyncadd.s32 @!p0 $0xFFFFFFFF  }
0xb3: {  	s25 =	simm.s32 $0x1B8E;
	s24 =	sld [smem:$0x3FFE];
	[sflag:s5] =	ssyncadd.remote.s32 @!p0 $0x1  }
0xb4: {  	s26 =	simm.s32 $execute0_lowered;
	[smem:$0x3FD2] =	sst s25  }
0xb5: {  	s6 =	sshll.u32 s26, $0x1;
	_ =	strace $0x80000052;
	[dreg:$0x1] =	wrdreg $0xFFFFFFFF  }
0xb6: {  	s28 =	simm.s32 $_size_execute0_lowered;
	s4 =	sadd.s32 s4, s6;
	[dreg:$0x0] =	wrdreg $0x0  }
0xb7: {  	s6 =	sshll.u32 s28, $0x1;
	[dreg:$0x2] =	wrdreg s4  }
0xb8: {  	[dreg:$0x3] =	wrdreg s6  }
0xb9: {  	[dreg:$0x4] =	wrdreg $0xC0  }
0xba: {  	_ =	task [dreg:s22], $0x5FFFF  }
0xbb: {  	[dreg:$0x1] =	wrdreg $0xFFFFFFFF  }
0xbc: {  	[dreg:$0x0] =	wrdreg $0x60  }
0xbd: {  	[dreg:$0x2] =	wrdreg s18  }
0xbe: {  	[dreg:$0x3] =	wrdreg s24  }
0xbf: {  	[dreg:$0x4] =	wrdreg $0xD  }
0xc0: {  	_ =	task.clear_ibuf [dreg:s22], $0x5FFFF;
	_ =	strace $0x90000052  }
0xc1: {  	s29 =	simm.s32 $0xD;
	_ =	strace $0x80000054  }
0xc2: {  	_ =	swait.ge [sflag:s29], $0x1  }
0xc3: {  	[sflag:s29] =	ssyncadd.s32 $0xFFFFFFFF  }
0xc4: {  	_ =	strace $0x90000054  }
0xc5: {  	_ =	sfence  }
0xc6: {  	s30 =	sld [smem:$0x0];
	_ =	sdelay $0x2  }
0xc7: {  	s31 =	sshll.u32 s1, $0xD;
	s1 =	sshrl.u32 s1, $0x2  }
0xc8: {  	s4 =	sand.u32 $0x4000, s31;
	s1 =	sadd.s32 s1, s30  }
0xc9: {  	s0 =	sor.u32 s4, s0;
	s1 =	sshll.u32 s1, $0x11  }
0xca: {  	s0 =	sor.u32 s1, s0  }
0xcb: {  	s0 =	sadd.s32 $0x8F2B, s0  }
0xcc: {  	[sflag:s0] =	ssyncadd.remote.s32 $0x1  }
0xcd: {  	_ =	sfence.sel $0xFFFF  }
0xce: {  	[dreg:$0x0] =	wrdreg $0xFFFFFFFF;
	(pc) =	sbr.abs _section_cstart, $3  }
0xcf: {  	[dreg:$0x1] =	wrdreg $0xFFFFFFFF  }
0xd0: {  	_ =	task.clear_ibuf [dreg:s22], $0x2FFFF;
	_ =	strace $0x9FFFFFFF  }
0xd1: {  	(tm) =	ssettm $0x7FFFFFFF  }
tec
execute0_lowered:
.L_overlay_start_1:
0x0: {  	(tag) =	ssettag $0x1  }
0x1: {  	s1 =	srdreg.scid  }
0x2: {  	s0 =	stileid.u32;
	s1 =	sand.u32 $0x1, s1  }
0x3: {  	s2 =	rddreg [dreg:$0x0];
	s3 =	sshll.u32 s0, $0x5;
	s4 =	sshll.u32 s1, $0x4  }
0x4: {  	s5 =	rddreg [dreg:$0x1];
	s4 =	sor.u32 s4, s3;
	s3 =	simm.s32 $0x0  }
0x5: {  	s25 =	simm.s32 $0x880;
	[smem:$0x7FF] =	sst s3  }
0x6: {  	s26 =	simm.s32 $0x1080;
	_ =	strace $0x80000053;
	[dreg:$0x5] =	wrdreg s25  }
0x7: {  	s0 =	simm.s32 $0x1880;
	[dreg:$0x6] =	wrdreg s26  }
0x8: {  	s7 =	simm.s32 $0x3080;
	[dreg:$0x7] =	wrdreg s0  }
0x9: {  	s8 =	simm.s32 $0x3880;
	[dreg:$0xa] =	wrdreg s7  }
0xa: {  	s9 =	simm.s32 $0x4080;
	[dreg:$0xb] =	wrdreg s8  }
0xb: {  	s10 =	simm.s32 $0x4880;
	[dreg:$0xc] =	wrdreg s9  }
0xc: {  	s11 =	simm.s32 $0x5080;
	[dreg:$0xd] =	wrdreg s10  }
0xd: {  	s12 =	simm.s32 $0x5880;
	s13 =	simm.s32 $0x6080;
	[dreg:$0xe] =	wrdreg s11  }
0xe: {  	s14 =	simm.s32 $0x6880;
	s15 =	simm.s32 $0x7080;
	[dreg:$0xf] =	wrdreg s12  }
0xf: {  	s16 =	simm.s32 $0x7880;
	s17 =	simm.s32 $0x8080;
	[dreg:$0x10] =	wrdreg s13  }
0x10: {  	s18 =	simm.s32 $0x8880;
	s19 =	simm.s32 $0x9080;
	[dreg:$0x11] =	wrdreg s14  }
0x11: {  	s21 =	simm.s32 $0x9880;
	s22 =	simm.s32 $0xA080;
	[dreg:$0x12] =	wrdreg s15  }
0x12: {  	s23 =	simm.s32 $0xA880;
	s28 =	simm.s32 $0x16080;
	[dreg:$0x13] =	wrdreg s16  }
0x13: {  	s29 =	simm.s32 $0x16880;
	s30 =	simm.s32 $0x17080;
	[dreg:$0x14] =	wrdreg s17  }
0x14: {  	s31 =	simm.s32 $0x17880;
	s1 =	ssub.s32 $0x2, s1;
	[dreg:$0x15] =	wrdreg s18  }
0x15: {  	s20 =	sshrl.u32 s1, $0x1;
	s6 =	smul.u32 $0x300, s4;
	[dreg:$0x16] =	wrdreg s19  }
0x16: {  	s4 =	sadd.s32 s4, s5;
	s1 =	ssub.s32 s1, s20;
	[dreg:$0x17] =	wrdreg s21  }
0x17: {  	s20 =	simm.s32 $0x12880;
	s4 =	sadd.s32 $0x245600, s4;
	[dreg:$0x18] =	wrdreg s22  }
0x18: {  	[dreg:$0x19] =	wrdreg s23;
	s7 =	simm.s32 $0xB080;
	s25 =	simm.s32 $0xC080  }
0x19: {  	s8 =	simm.s32 $0x80;
	s26 =	simm.s32 $0xC880;
	s10 =	simm.s32 $0xD880  }
0x1a: {  	s11 =	simm.s32 $0xE080;
	s12 =	simm.s32 $0xE880;
	s13 =	simm.s32 $0xF080  }
0x1b: {  	s14 =	simm.s32 $0xF880;
	s15 =	simm.s32 $0x10080;
	s16 =	simm.s32 $0x10880  }
0x1c: {  	s17 =	simm.s32 $0x11080;
	s18 =	simm.s32 $0x11880;
	s19 =	simm.s32 $0x12080  }
0x1d: {  	s21 =	simm.s32 $0x13080;
	s22 =	simm.s32 $0x13880;
	[dreg:$0x3] =	wrdreg s4  }
0x1e: {  	s23 =	simm.s32 $0x14080;
	s5 =	sadd.s32 s6, s5;
	[dreg:$0x1a] =	wrdreg s7  }
0x1f: {  	s6 =	simm.s32 $0x2880;
	s4 =	sadd.s32 $0x100, s2;
	[dreg:$0x1c] =	wrdreg s25  }
0x20: {  	s7 =	simm.s32 $0x2;
	[dreg:$0x1d] =	wrdreg s26;
	s25 =	simm.s32 $0x15080  }
0x21: {  	s26 =	simm.s32 $0x15880;
	s24 =	sadd.s32 $0x245800, s5;
	[dreg:$0x9] =	wrdreg s6  }
0x22: {  	v2 =	vlaneseq.u32;
	s5 =	simm.s32 $0x2080;
	s6 =	smax.u32 s1, $0x1;
	[dreg:$0x4] =	wrdreg s24  }
0x23: {  	vm0 =	vmmov $0xffff;
	v1 =	vshrl.u32 v2, $0x3;
	s1 =	simm.s32 $0x1;
	[dreg:$0x8] =	wrdreg s5;
	s24 =	simm.s32 $0xB880  }
0x24: {  	v0 =	vand.u32 $0x7, v2;
	v2 =	vor.u32 $0x8, v2;
	v1 =	vmul.u32 $0x8, v1;
	s5 =	sadd.s32 $0x200, s2;
	[dreg:$0x1b] =	wrdreg s24;
	s24 =	simm.s32 $0x14880  }
.LBB2_1:
0x25: {  	s0 =	rddreg [dreg:$0x3]  }
0x26: {  	[tilespmem:s3], [sflag:$0x2] =	stream.linear.gather [hbm4b:s0+s3], $0x80, $0x38;
	[tilespmem:$0x18080] =	vst v63  }
0x27: {  	_ =	swait.ge [sflag:s7], $0x80  }
0x28: {  	[sflag:s7] =	ssyncset.done $0x0  }
0x29: {  	[sflag:s7] =	ssyncadd.s32 $0xFFFFFF80  }
0x2a: {  	v3 =	vld [tilespmem:$0x0];
	_ =	sdelay $0x4  }
0x2b: {  	v4 =	vshrl.u32 v3, $0x3  }
0x2c: {  	v4 =	vmul.u32 $0x30, v4  }
0x2d: {  	v3 =	vand.u32 $0x7, v3  }
0x2e: {  	v3 =	vor.u32 v3, v4  }
0x2f: {  	v4 =	vperm.xlane v3, v0;
	_ =	sdelay $0x1  }
0x30: {  	v4 =	vadd.s32 v1, v4;
	_ =	sdelay $0x3  }
0x31: {  	v3 =	vperm.xlane v3, v2  }
0x32: {  	[tilespmem:s8], [sflag:$0x1] =	stream.indirect_vreg.gather [hbm4b:s2+s3], $0x80, v4, vm0, $0xb8;
	[tilespmem:$0x18080] =	vst v63  }
0x33: {  	s0 =	rddreg [dreg:$0x5];
	v3 =	vadd.s32 v1, v3  }
0x34: {  	[tilespmem:s0], [sflag:$0x1] =	stream.indirect_vreg.gather [hbm4b:s4+s3], $0x80, v4, vm0, $0xb8;
	[tilespmem:$0x18080] =	vst v63  }
0x35: {  	s9 =	rddreg [dreg:$0x6]  }
0x36: {  	[tilespmem:s9], [sflag:$0x1] =	stream.indirect_vreg.gather [hbm4b:s5+s3], $0x80, v4, vm0, $0xb8;
	[tilespmem:$0x18080] =	vst v63  }
0x37: {  	s0 =	rddreg [dreg:$0x7]  }
0x38: {  	[tilespmem:s0], [sflag:$0x1] =	stream.indirect_vreg.gather [hbm4b:s2+s3], $0x80, v3, vm0, $0xb8;
	[tilespmem:$0x18080] =	vst v63  }
0x39: {  	s9 =	rddreg [dreg:$0x8]  }
0x3a: {  	[tilespmem:s9], [sflag:$0x1] =	stream.indirect_vreg.gather [hbm4b:s4+s3], $0x80, v3, vm0, $0xb8;
	[tilespmem:$0x18080] =	vst v63  }
0x3b: {  	s0 =	rddreg [dreg:$0x9]  }
0x3c: {  	[tilespmem:s0], [sflag:$0x1] =	stream.indirect_vreg.gather [hbm4b:s5+s3], $0x80, v3, vm0, $0xb8;
	[tilespmem:$0x18080] =	vst v63  }
0x3d: {  	v3 =	vld [tilespmem:$0x10];
	_ =	sdelay $0x4  }
0x3e: {  	v57 =	vshrl.u32 v3, $0x3  }
0x3f: {  	v4 =	vmul.u32 $0x30, v57  }
0x40: {  	v3 =	vand.u32 $0x7, v3  }
0x41: {  	v3 =	vor.u32 v3, v4  }
0x42: {  	v4 =	vperm.xlane v3, v0;
	_ =	sdelay $0x1  }
0x43: {  	v4 =	vadd.s32 v1, v4;
	_ =	sdelay $0x3  }
0x44: {  	s0 =	rddreg [dreg:$0xa];
	v3 =	vperm.xlane v3, v2  }
0x45: {  	[tilespmem:s0], [sflag:$0x1] =	stream.indirect_vreg.gather [hbm4b:s2+s3], $0x80, v4, vm0, $0xb8;
	[tilespmem:$0x18080] =	vst v63  }
0x46: {  	s9 =	rddreg [dreg:$0xb];
	v3 =	vadd.s32 v1, v3  }
0x47: {  	[tilespmem:s9], [sflag:$0x1] =	stream.indirect_vreg.gather [hbm4b:s4+s3], $0x80, v4, vm0, $0xb8;
	[tilespmem:$0x18080] =	vst v63  }
0x48: {  	s0 =	rddreg [dreg:$0xc]  }
0x49: {  	[tilespmem:s0], [sflag:$0x1] =	stream.indirect_vreg.gather [hbm4b:s5+s3], $0x80, v4, vm0, $0xb8;
	[tilespmem:$0x18080] =	vst v63  }
0x4a: {  	s9 =	rddreg [dreg:$0xd]  }
0x4b: {  	[tilespmem:s9], [sflag:$0x1] =	stream.indirect_vreg.gather [hbm4b:s2+s3], $0x80, v3, vm0, $0xb8;
	[tilespmem:$0x18080] =	vst v63  }
0x4c: {  	s0 =	rddreg [dreg:$0xe]  }
0x4d: {  	[tilespmem:s0], [sflag:$0x1] =	stream.indirect_vreg.gather [hbm4b:s4+s3], $0x80, v3, vm0, $0xb8;
	[tilespmem:$0x18080] =	vst v63  }
0x4e: {  	s9 =	rddreg [dreg:$0xf]  }
0x4f: {  	[tilespmem:s9], [sflag:$0x1] =	stream.indirect_vreg.gather [hbm4b:s5+s3], $0x80, v3, vm0, $0xb8;
	[tilespmem:$0x18080] =	vst v63  }
0x50: {  	v3 =	vld [tilespmem:$0x20];
	_ =	sdelay $0x4  }
0x51: {  	v58 =	vshrl.u32 v3, $0x3  }
0x52: {  	v4 =	vmul.u32 $0x30, v58  }
0x53: {  	v3 =	vand.u32 $0x7, v3  }
0x54: {  	v3 =	vor.u32 v3, v4  }
0x55: {  	v4 =	vperm.xlane v3, v0;
	_ =	sdelay $0x1  }
0x56: {  	v4 =	vadd.s32 v1, v4;
	_ =	sdelay $0x3  }
0x57: {  	s0 =	rddreg [dreg:$0x10];
	v3 =	vperm.xlane v3, v2  }
0x58: {  	[tilespmem:s0], [sflag:$0x1] =	stream.indirect_vreg.gather [hbm4b:s2+s3], $0x80, v4, vm0, $0xb8;
	[tilespmem:$0x18080] =	vst v63  }
0x59: {  	s9 =	rddreg [dreg:$0x11];
	v3 =	vadd.s32 v1, v3  }
0x5a: {  	[tilespmem:s9], [sflag:$0x1] =	stream.indirect_vreg.gather [hbm4b:s4+s3], $0x80, v4, vm0, $0xb8;
	[tilespmem:$0x18080] =	vst v63  }
0x5b: {  	s0 =	rddreg [dreg:$0x12]  }
0x5c: {  	[tilespmem:s0], [sflag:$0x1] =	stream.indirect_vreg.gather [hbm4b:s5+s3], $0x80, v4, vm0, $0xb8;
	[tilespmem:$0x18080] =	vst v63  }
0x5d: {  	s9 =	rddreg [dreg:$0x13]  }
0x5e: {  	[tilespmem:s9], [sflag:$0x1] =	stream.indirect_vreg.gather [hbm4b:s2+s3], $0x80, v3, vm0, $0xb8;
	[tilespmem:$0x18080] =	vst v63  }
0x5f: {  	s0 =	rddreg [dreg:$0x14]  }
0x60: {  	[tilespmem:s0], [sflag:$0x1] =	stream.indirect_vreg.gather [hbm4b:s4+s3], $0x80, v3, vm0, $0xb8;
	[tilespmem:$0x18080] =	vst v63  }
0x61: {  	s9 =	rddreg [dreg:$0x15]  }
0x62: {  	[tilespmem:s9], [sflag:$0x1] =	stream.indirect_vreg.gather [hbm4b:s5+s3], $0x80, v3, vm0, $0xb8;
	[tilespmem:$0x18080] =	vst v63  }
0x63: {  	v3 =	vld [tilespmem:$0x30];
	_ =	sdelay $0x4  }
0x64: {  	v59 =	vshrl.u32 v3, $0x3  }
0x65: {  	v4 =	vmul.u32 $0x30, v59  }
0x66: {  	v3 =	vand.u32 $0x7, v3  }
0x67: {  	v3 =	vor.u32 v3, v4  }
0x68: {  	v4 =	vperm.xlane v3, v0;
	_ =	sdelay $0x1  }
0x69: {  	v4 =	vadd.s32 v1, v4;
	_ =	sdelay $0x3  }
0x6a: {  	s0 =	rddreg [dreg:$0x16];
	v3 =	vperm.xlane v3, v2  }
0x6b: {  	[tilespmem:s0], [sflag:$0x1] =	stream.indirect_vreg.gather [hbm4b:s2+s3], $0x80, v4, vm0, $0xb8;
	[tilespmem:$0x18080] =	vst v63  }
0x6c: {  	s9 =	rddreg [dreg:$0x17];
	v3 =	vadd.s32 v1, v3  }
0x6d: {  	[tilespmem:s9], [sflag:$0x1] =	stream.indirect_vreg.gather [hbm4b:s4+s3], $0x80, v4, vm0, $0xb8;
	[tilespmem:$0x18080] =	vst v63  }
0x6e: {  	s0 =	rddreg [dreg:$0x18]  }
0x6f: {  	[tilespmem:s0], [sflag:$0x1] =	stream.indirect_vreg.gather [hbm4b:s5+s3], $0x80, v4, vm0, $0xb8;
	[tilespmem:$0x18080] =	vst v63  }
0x70: {  	s9 =	rddreg [dreg:$0x19]  }
0x71: {  	[tilespmem:s9], [sflag:$0x1] =	stream.indirect_vreg.gather [hbm4b:s2+s3], $0x80, v3, vm0, $0xb8;
	[tilespmem:$0x18080] =	vst v63  }
0x72: {  	s0 =	rddreg [dreg:$0x1a]  }
0x73: {  	[tilespmem:s0], [sflag:$0x1] =	stream.indirect_vreg.gather [hbm4b:s4+s3], $0x80, v3, vm0, $0xb8;
	[tilespmem:$0x18080] =	vst v63  }
0x74: {  	s9 =	rddreg [dreg:$0x1b]  }
0x75: {  	[tilespmem:s9], [sflag:$0x1] =	stream.indirect_vreg.gather [hbm4b:s5+s3], $0x80, v3, vm0, $0xb8;
	[tilespmem:$0x18080] =	vst v63  }
0x76: {  	v3 =	vld [tilespmem:$0x40];
	_ =	sdelay $0x4  }
0x77: {  	v60 =	vshrl.u32 v3, $0x3  }
0x78: {  	v4 =	vmul.u32 $0x30, v60  }
0x79: {  	v3 =	vand.u32 $0x7, v3  }
0x7a: {  	v3 =	vor.u32 v3, v4  }
0x7b: {  	v4 =	vperm.xlane v3, v0;
	_ =	sdelay $0x1  }
0x7c: {  	v4 =	vadd.s32 v1, v4;
	_ =	sdelay $0x3  }
0x7d: {  	s0 =	rddreg [dreg:$0x1c];
	v3 =	vperm.xlane v3, v2  }
0x7e: {  	[tilespmem:s0], [sflag:$0x1] =	stream.indirect_vreg.gather [hbm4b:s2+s3], $0x80, v4, vm0, $0xb8;
	[tilespmem:$0x18080] =	vst v63  }
0x7f: {  	s9 =	rddreg [dreg:$0x1d];
	v3 =	vadd.s32 v1, v3  }
0x80: {  	[tilespmem:s9], [sflag:$0x1] =	stream.indirect_vreg.gather [hbm4b:s4+s3], $0x80, v4, vm0, $0xb8;
	[tilespmem:$0x18080] =	vst v63  }
0x81: {  	s9 =	simm.s32 $0xD080  }
0x82: {  	[tilespmem:s9], [sflag:$0x1] =	stream.indirect_vreg.gather [hbm4b:s5+s3], $0x80, v4, vm0, $0xb8;
	[tilespmem:$0x18080] =	vst v63  }
0x83: {  	_ = 	snop  }
0x84: {  	[tilespmem:s10], [sflag:$0x1] =	stream.indirect_vreg.gather [hbm4b:s2+s3], $0x80, v3, vm0, $0xb8;
	[tilespmem:$0x18080] =	vst v63  }
0x85: {  	_ = 	snop  }
0x86: {  	[tilespmem:s11], [sflag:$0x1] =	stream.indirect_vreg.gather [hbm4b:s4+s3], $0x80, v3, vm0, $0xb8;
	[tilespmem:$0x18080] =	vst v63  }
0x87: {  	_ = 	snop  }
0x88: {  	[tilespmem:s12], [sflag:$0x1] =	stream.indirect_vreg.gather [hbm4b:s5+s3], $0x80, v3, vm0, $0xb8;
	[tilespmem:$0x18080] =	vst v63  }
0x89: {  	v3 =	vld [tilespmem:$0x50];
	_ =	sdelay $0x4  }
0x8a: {  	v61 =	vshrl.u32 v3, $0x3  }
0x8b: {  	v4 =	vmul.u32 $0x30, v61  }
0x8c: {  	v3 =	vand.u32 $0x7, v3  }
0x8d: {  	v3 =	vor.u32 v3, v4  }
0x8e: {  	v4 =	vperm.xlane v3, v0;
	_ =	sdelay $0x1  }
0x8f: {  	v4 =	vadd.s32 v1, v4;
	_ =	sdelay $0x3  }
0x90: {  	v3 =	vperm.xlane v3, v2  }
0x91: {  	[tilespmem:s13], [sflag:$0x1] =	stream.indirect_vreg.gather [hbm4b:s2+s3], $0x80, v4, vm0, $0xb8;
	[tilespmem:$0x18080] =	vst v63  }
0x92: {  	v3 =	vadd.s32 v1, v3  }
0x93: {  	[tilespmem:s14], [sflag:$0x1] =	stream.indirect_vreg.gather [hbm4b:s4+s3], $0x80, v4, vm0, $0xb8;
	[tilespmem:$0x18080] =	vst v63  }
0x94: {  	_ = 	snop  }
0x95: {  	[tilespmem:s15], [sflag:$0x1] =	stream.indirect_vreg.gather [hbm4b:s5+s3], $0x80, v4, vm0, $0xb8;
	[tilespmem:$0x18080] =	vst v63  }
0x96: {  	_ = 	snop  }
0x97: {  	[tilespmem:s16], [sflag:$0x1] =	stream.indirect_vreg.gather [hbm4b:s2+s3], $0x80, v3, vm0, $0xb8;
	[tilespmem:$0x18080] =	vst v63  }
0x98: {  	_ = 	snop  }
0x99: {  	[tilespmem:s17], [sflag:$0x1] =	stream.indirect_vreg.gather [hbm4b:s4+s3], $0x80, v3, vm0, $0xb8;
	[tilespmem:$0x18080] =	vst v63  }
0x9a: {  	_ = 	snop  }
0x9b: {  	[tilespmem:s18], [sflag:$0x1] =	stream.indirect_vreg.gather [hbm4b:s5+s3], $0x80, v3, vm0, $0xb8;
	[tilespmem:$0x18080] =	vst v63  }
0x9c: {  	v3 =	vld [tilespmem:$0x60];
	_ =	sdelay $0x4  }
0x9d: {  	v62 =	vshrl.u32 v3, $0x3  }
0x9e: {  	v4 =	vmul.u32 $0x30, v62  }
0x9f: {  	v3 =	vand.u32 $0x7, v3  }
0xa0: {  	v3 =	vor.u32 v3, v4  }
0xa1: {  	v4 =	vperm.xlane v3, v0;
	_ =	sdelay $0x1  }
0xa2: {  	v4 =	vadd.s32 v1, v4;
	_ =	sdelay $0x3  }
0xa3: {  	v3 =	vperm.xlane v3, v2  }
0xa4: {  	[tilespmem:s19], [sflag:$0x1] =	stream.indirect_vreg.gather [hbm4b:s2+s3], $0x80, v4, vm0, $0xb8;
	[tilespmem:$0x18080] =	vst v63  }
0xa5: {  	v3 =	vadd.s32 v1, v3  }
0xa6: {  	[tilespmem:s20], [sflag:$0x1] =	stream.indirect_vreg.gather [hbm4b:s4+s3], $0x80, v4, vm0, $0xb8;
	[tilespmem:$0x18080] =	vst v63  }
0xa7: {  	_ = 	snop  }
0xa8: {  	[tilespmem:s21], [sflag:$0x1] =	stream.indirect_vreg.gather [hbm4b:s5+s3], $0x80, v4, vm0, $0xb8;
	[tilespmem:$0x18080] =	vst v63  }
0xa9: {  	_ = 	snop  }
0xaa: {  	[tilespmem:s22], [sflag:$0x1] =	stream.indirect_vreg.gather [hbm4b:s2+s3], $0x80, v3, vm0, $0xb8;
	[tilespmem:$0x18080] =	vst v63  }
0xab: {  	_ = 	snop  }
0xac: {  	[tilespmem:s23], [sflag:$0x1] =	stream.indirect_vreg.gather [hbm4b:s4+s3], $0x80, v3, vm0, $0xb8;
	[tilespmem:$0x18080] =	vst v63  }
0xad: {  	_ = 	snop  }
0xae: {  	[tilespmem:s24], [sflag:$0x1] =	stream.indirect_vreg.gather [hbm4b:s5+s3], $0x80, v3, vm0, $0xb8;
	[tilespmem:$0x18080] =	vst v63  }
0xaf: {  	v3 =	vld [tilespmem:$0x70];
	_ =	sdelay $0x4  }
0xb0: {  	v63 =	vshrl.u32 v3, $0x3  }
0xb1: {  	v4 =	vmul.u32 $0x30, v63  }
0xb2: {  	v3 =	vand.u32 $0x7, v3  }
0xb3: {  	v3 =	vor.u32 v3, v4  }
0xb4: {  	v4 =	vperm.xlane v3, v0;
	_ =	sdelay $0x1  }
0xb5: {  	v4 =	vadd.s32 v1, v4;
	_ =	sdelay $0x3  }
0xb6: {  	v3 =	vperm.xlane v3, v2  }
0xb7: {  	[tilespmem:s25], [sflag:$0x1] =	stream.indirect_vreg.gather [hbm4b:s2+s3], $0x80, v4, vm0, $0xb8;
	[tilespmem:$0x18080] =	vst v63  }
0xb8: {  	v3 =	vadd.s32 v1, v3  }
0xb9: {  	[tilespmem:s26], [sflag:$0x1] =	stream.indirect_vreg.gather [hbm4b:s4+s3], $0x80, v4, vm0, $0xb8;
	[tilespmem:$0x18080] =	vst v63  }
0xba: {  	_ = 	snop  }
0xbb: {  	[tilespmem:s28], [sflag:$0x1] =	stream.indirect_vreg.gather [hbm4b:s5+s3], $0x80, v4, vm0, $0xb8;
	[tilespmem:$0x18080] =	vst v63  }
0xbc: {  	_ = 	snop  }
0xbd: {  	[tilespmem:s29], [sflag:$0x1] =	stream.indirect_vreg.gather [hbm4b:s2+s3], $0x80, v3, vm0, $0xb8;
	[tilespmem:$0x18080] =	vst v63  }
0xbe: {  	_ = 	snop  }
0xbf: {  	[tilespmem:s30], [sflag:$0x1] =	stream.indirect_vreg.gather [hbm4b:s4+s3], $0x80, v3, vm0, $0xb8;
	[tilespmem:$0x18080] =	vst v63  }
0xc0: {  	_ = 	snop  }
0xc1: {  	[tilespmem:s31], [sflag:$0x1] =	stream.indirect_vreg.gather [hbm4b:s5+s3], $0x80, v3, vm0, $0xb8;
	[tilespmem:$0x18080] =	vst v63  }
0xc2: {  	_ =	swait.ge [sflag:s1], $0x18000  }
0xc3: {  	p0 =	sne.s32 s6, $0x1;
	[sflag:s1] =	ssyncset.done $0x0  }
.Ltmp0:
0xc4: {  	s9 =	rddreg [dreg:$0x4];
	[sflag:s1] =	ssyncadd.s32 $0xFFFE8000;
	(pc) =	sbr.rel @p0 .LBB2_1-.Ltmp0, $4  }
0xc5: {  	[hbm4b:s9+s3] =	stream.linear.scatter [tilespmem:s8], [sflag:$0x2], $0x18000, $0x38;
	[tilespmem:$0x18080] =	vst v63  }
0xc6: {  	_ =	swait.ge [sflag:s7], $0x18000  }
0xc7: {  	[sflag:s7] =	ssyncset.done $0x0  }
0xc8: {  	s6 =	sadd.s32 $0xFFFFFFFF, s6;
	[sflag:s7] =	ssyncadd.s32 $0xFFFE8000  }
0xc9: {  	_ =	sfence.sel $0x180000  }
0xca: {  	[bflag:$0x0] =	sbarrier.arrive $0xFFFF  }
0xcb: {  	_ =	strace $0x90000053  }
0xcc: {  	s0 =	stileid.u32;
	[bflag:$0x2] =	sbarrier.arrive $0xFFFF  }
0xcd: {  	p0 =	sne.s32 s0, $0x0;
	s0 =	rddreg [dreg:$0x2]  }
0xce: {  	s0 =	sadd.s32 @!p0 $0x100000, s0  }
0xcf: {  	[sflag:s0] =	ssyncadd.tile.s32 @!p0 $0x1;
	_ =	shalt  }
.Lfunc_end2:
_tile_overlayer_lowered:
.L_overlay_start_2:
0xd0: {  	(tag) =	ssettag $0x2  }
0xd1: {  	s0 =	rddreg [dreg:$0x0];
	s2 =	stileid.u32  }
0xd2: {  	s1 =	rddreg [dreg:$0x1];
	p0 =	sne.s32 s2, $0x0  }
0xd3: {  	s3 =	rddreg [dreg:$0x2];
	[bflag:$0x3] =	sbarrier.arrive $0xFFFF;
	s2 =	simm.s32 @!p0 $0x1C02  }
0xd4: {  	[timem:s3], [sflag:s2] =	dma.local @!p0 [hbm:s0], s1  }
0xd5: {  	s0 =	simm.s32 @!p0 $0x2  }
0xd6: {  	_ =	swait.ge @!p0 [sflag:s0], s1  }
0xd7: {  	s1 =	ssub.s32 @!p0 $0x0, s1;
	[sflag:s0] =	ssyncset.done @!p0 $0x0  }
0xd8: {  	[sflag:s0] =	ssyncadd.s32 @!p0 s1  }
0xd9: {  	[bflag:$0x3] =	sbarrier.arrive $0xFFFF  }
0xda: {  	_ =	shalt  }

</sc_bundles>
